<compile_context>
chip_gen: v7x
topology: tpu7x:2x2x1
jax: 0.10.2.dev20260603
libtpu: 0.0.44.dev20260713+nightly
codegen_flags: <defaults>
</compile_context>

<pallas_src>
import functools

import jax
import jax.numpy as jnp
from jax import lax
from jax.experimental import pallas as pl
from jax.experimental.pallas import tpu as pltpu
from jax.experimental.pallas import tpu_sc as plsc

_N_IN = 100000
_N6 = 40000
_N7 = 10000
_NT = _N6 + _N7
_D = 128

_NW = 32
_B = 40
_NB6 = _N6 // _B
_NB7 = _N7 // _B
_NBA = _NB6 + _NB7
_ITA = (_NBA + _NW - 1) // _NW

_BT = 200
_NBT = _NT // _BT
_ITB = (_NBT + _NW - 1) // _NW

_mesh = plsc.VectorSubcoreMesh(core_axis_name="c", subcore_axis_name="s")


def _wid():
    return lax.axis_index("s") * 2 + lax.axis_index("c")


@functools.partial(
    pl.kernel,
    out_type=jax.ShapeDtypeStruct((_NT, _D), jnp.float32),
    mesh=_mesh,
    scratch_types=[
        pltpu.VMEM((_B * 7,), jnp.int32),
        pltpu.VMEM((_B * 7,), jnp.int32),
        pltpu.VMEM((_B * 7, _D), jnp.float32),
        pltpu.VMEM((_B * 7, _D), jnp.float32),
        pltpu.VMEM((_B * 16,), jnp.float32),
        pltpu.VMEM((_B * 16,), jnp.float32),
        pltpu.VMEM((_B, _D), jnp.float32),
        pltpu.VMEM((_B, _D), jnp.float32),
        pltpu.SemaphoreType.DMA,
        pltpu.SemaphoreType.DMA,
        pltpu.SemaphoreType.DMA,
        pltpu.SemaphoreType.DMA,
    ],
)
def _pool(x_hbm, w6_hbm, w7_hbm, i6_hbm, i7_hbm, pooled_hbm,
          idx0, idx1, rows0, rows1, w0, w1, outv0, outv1, g0, g1, o0, o1):
    wid = _wid()
    idx = (idx0, idx1)
    rows = (rows0, rows1)
    wv = (w0, w1)
    outv = (outv0, outv1)
    gsem = (g0, g1)
    osem = (o0, o1)

    def stage(it, s):
        bid = wid + it * _NW

        @pl.when(bid < _NB6)
        def _():
            t0 = bid * _B
            pltpu.sync_copy(i6_hbm.at[pl.ds(t0 * 6, _B * 6)],
                            idx[s].at[pl.ds(0, _B * 6)])
            pltpu.sync_copy(w6_hbm.at[pl.ds(t0 * 16, _B * 16)], wv[s])
            pltpu.async_copy(x_hbm.at[idx[s].at[pl.ds(0, _B * 6)]],
                             rows[s].at[pl.ds(0, _B * 6)], gsem[s])

        @pl.when(jnp.logical_and(bid >= _NB6, bid < _NBA))
        def _():
            t0 = (bid - _NB6) * _B
            pltpu.sync_copy(i7_hbm.at[pl.ds(t0 * 7, _B * 7)], idx[s])
            pltpu.sync_copy(w7_hbm.at[pl.ds(t0 * 16, _B * 16)], wv[s])
            pltpu.async_copy(x_hbm.at[idx[s]], rows[s], gsem[s])

    def compute(it, s):
        bid = wid + it * _NW

        def body(deg, out0, t0):
            pltpu.make_async_copy(
                x_hbm.at[pl.ds(0, _B * deg)],
                rows[s].at[pl.ds(0, _B * deg)], gsem[s]).wait()

            @pl.loop(0, _B)
            def _(r):
                base = r * deg
                wrow = wv[s][pl.ds(pl.multiple_of(r * 16, 16), 16)]
                for c in range(_D // 16):
                    sl = pl.ds(c * 16, 16)
                    acc = wrow[0] * rows[s][base, sl]
                    for k in range(1, deg):
                        acc = acc + wrow[k] * rows[s][base + k, sl]
                    outv[s][r, sl] = acc

            pltpu.async_copy(outv[s], pooled_hbm.at[pl.ds(out0 + t0, _B)],
                             osem[s])

        @pl.when(bid < _NB6)
        def _():
            body(6, 0, bid * _B)

        @pl.when(jnp.logical_and(bid >= _NB6, bid < _NBA))
        def _():
            body(7, _N6, (bid - _NB6) * _B)

    def drain_store(s):
        pltpu.make_async_copy(outv[s], pooled_hbm.at[pl.ds(0, _B)],
                              osem[s]).wait()

    stage(0, 0)

    @pl.loop(0, _ITA, step=2)
    def _(it0):
        for b in range(2):
            it = it0 + b
            ns = 1 - b

            @pl.when(it + 1 < _ITA)
            def _():
                pl.when(it >= 1)(lambda: drain_store(ns))
                stage(it + 1, ns)

            compute(it, b)

    drain_store(0)
    pl.when(wid + (_ITA - 1) * _NW < _NBA)(lambda: drain_store(1))


@functools.partial(
    pl.kernel,
    out_type=jax.ShapeDtypeStruct((_NT, _D), jnp.float32),
    mesh=_mesh,
    scratch_types=[
        pltpu.VMEM((_BT,), jnp.int32),
        pltpu.VMEM((_BT,), jnp.int32),
        pltpu.VMEM((_BT, _D), jnp.float32),
        pltpu.VMEM((_BT, _D), jnp.float32),
        pltpu.SemaphoreType.DMA,
        pltpu.SemaphoreType.DMA,
        pltpu.SemaphoreType.DMA,
        pltpu.SemaphoreType.DMA,
    ],
)
def _reorder(pooled_hbm, tgt_hbm, out_hbm,
             tidx0, tidx1, rows0, rows1, g0, g1, o0, o1):
    wid = _wid()
    tidx = (tidx0, tidx1)
    rows = (rows0, rows1)
    gsem = (g0, g1)
    osem = (o0, o1)

    def stage(it, s):
        bid = wid + it * _NW

        @pl.when(bid < _NBT)
        def _():
            pltpu.sync_copy(tgt_hbm.at[pl.ds(bid * _BT, _BT)], tidx[s])
            pltpu.async_copy(pooled_hbm.at[tidx[s]], rows[s], gsem[s])

    def flush(it, s):
        bid = wid + it * _NW

        @pl.when(bid < _NBT)
        def _():
            pltpu.make_async_copy(pooled_hbm.at[pl.ds(0, _BT)], rows[s],
                                  gsem[s]).wait()
            pltpu.async_copy(rows[s], out_hbm.at[pl.ds(bid * _BT, _BT)],
                             osem[s])

    def drain_store(s):
        pltpu.make_async_copy(rows[s], out_hbm.at[pl.ds(0, _BT)],
                              osem[s]).wait()

    stage(0, 0)

    @pl.loop(0, _ITB, step=2)
    def _(it0):
        for b in range(2):
            it = it0 + b
            ns = 1 - b

            @pl.when(it + 1 < _ITB)
            def _():
                pl.when(it >= 1)(lambda: drain_store(ns))
                stage(it + 1, ns)

            flush(it, b)

    pl.when(wid + (_ITB - 2) * _NW < _NBT)(lambda: drain_store(0))
    pl.when(wid + (_ITB - 1) * _NW < _NBT)(lambda: drain_store(1))


def kernel(x_in, weights_6, weights_7, indices_6, indices_7, indices_target):
    w6p = jnp.zeros((_N6, 16), jnp.float32).at[:, :6].set(weights_6)
    w7p = jnp.zeros((_N7, 16), jnp.float32).at[:, :7].set(weights_7)
    pooled = _pool(x_in, w6p.reshape(-1), w7p.reshape(-1),
                   indices_6, indices_7)
    return _reorder(pooled, indices_target)

# --- scband reference (transcript-rebuilt; emitter-appended) ---
"""Pipeline reference for scband-parametrised-pooling-67070209294882 (READ-ONLY COPY).

The authoritative reference and input builder live on the scoring server;
editing this copy changes nothing except your own understanding.
"""

import jax, jax.numpy as jnp
import numpy as np

N_IN = 100000
N6 = 40000
N7 = 10000
D = 128


def setup_inputs(seed: int = 0) -> dict:
    key = jax.random.key(seed)
    k1, k2, k3, k4, k5, k6 = jax.random.split(key, 6)
    x_in = jax.random.normal(k1, (N_IN, D), dtype=jnp.float32)
    # Buffers built in __init__ from the graph: flattened source indices per
    # connectivity class, plus the permutation mapping back to output order.
    indices_6 = jax.random.randint(k2, (N6 * 6,), 0, N_IN, dtype=jnp.int32)
    indices_7 = jax.random.randint(k3, (N7 * 7,), 0, N_IN, dtype=jnp.int32)
    indices_target = jax.random.permutation(k4, N6 + N7).astype(jnp.int32)
    # Learned parameters (initialised to ones in the torch module)
    weights_6 = jnp.ones((N6, 6), dtype=jnp.float32)
    weights_7 = jnp.ones((N7, 7), dtype=jnp.float32)
    return {
        "x_in": x_in,
        "weights_6": weights_6,
        "weights_7": weights_7,
        "indices_6": indices_6,
        "indices_7": indices_7,
        "indices_target": indices_target,
    }


def reference(x_in, weights_6, weights_7, indices_6, indices_7, indices_target):
    x_6 = jnp.take(x_in, indices_6, axis=0).reshape(N6, 6, -1)
    x_6 = jnp.einsum('...ij,...i->...j', x_6, weights_6)
    x_7 = jnp.take(x_in, indices_7, axis=0).reshape(N7, 7, -1)
    x_7 = jnp.einsum('...ij,...i->...j', x_7, weights_7)
    x = jnp.concatenate((x_6, x_7), axis=0)
    x = jnp.take(x, indices_target, axis=0)
    return x

if __name__ == "__main__":
    import jax
    _d = setup_inputs()
    print(jax.jit(kernel)(*tuple(_d.values())))

</pallas_src>

<mosaic_0001>
#map = affine_map<(d0, d1) -> (0, 0)>
#map1 = affine_map<(d0, d1) -> (0)>
module attributes {stable_mosaic.version = 14 : i64} {
  func.func @_reorder(%arg0: i32, %arg1: i32, %arg2: memref<50000x128xf32, #tpu.memory_space<hbm>>, %arg3: memref<50000xi32, #tpu.memory_space<hbm>>, %arg4: memref<50000x128xf32, #tpu.memory_space<hbm>>, %arg5: memref<200xi32, #tpu.memory_space<vmem>>, %arg6: memref<200xi32, #tpu.memory_space<vmem>>, %arg7: memref<200x128xf32, #tpu.memory_space<vmem>>, %arg8: memref<200x128xf32, #tpu.memory_space<vmem>>, %arg9: memref<!tpu.dma_semaphore, #tpu.memory_space<semaphore_mem>>, %arg10: memref<!tpu.dma_semaphore, #tpu.memory_space<semaphore_mem>>, %arg11: memref<!tpu.dma_semaphore, #tpu.memory_space<semaphore_mem>>, %arg12: memref<!tpu.dma_semaphore, #tpu.memory_space<semaphore_mem>>) attributes {dimension_semantics = [#tpu.dimension_semantics<core_parallel>, #tpu.dimension_semantics<subcore_parallel>], iteration_bounds = array<i64: 2, 16>, scalar_prefetch = 0 : i64, scratch_operands = 8 : i64, tpu.core_type = #tpu.core_type<sc_vector_subcore>, window_params = [{transform_indices = #map}, {transform_indices = #map1}, {transform_indices = #map}]} {
    %mul3A = arith.constant 2 : i32
    %mul3A_0 = arith.muli %arg1, %mul3A : i32
    %add3A = arith.addi %mul3A_0, %arg0 : i32
    %add3A_1 = arith.constant 0 : i32
    %add3A_2 = arith.addi %add3A, %add3A_1 : i32
    %lt3A = arith.constant 250 : i32
    %lt3A_3 = arith.cmpi slt, %add3A_2, %lt3A : i32
    %convert_element_type3A = arith.extui %lt3A_3 : i1 to i32
    %cond3A = arith.constant 0 : i32
    %cond3A_4 = arith.cmpi ne, %convert_element_type3A, %cond3A : i32
    scf.if %cond3A_4 {
      %mul3A_23 = arith.constant 200 : i32
      %mul3A_24 = arith.muli %add3A_2, %mul3A_23 : i32
      "tpu.region"() ({
        %run_scoped3A = tpu.sem_alloc : memref<!tpu.dma_semaphore, #tpu.memory_space<semaphore_mem>>
        %dma_start3A_27 = tpu.memref_slice %arg3[%mul3A_24] : memref<50000xi32, #tpu.memory_space<hbm>> -> memref<200xi32, #tpu.memory_space<hbm>>
        %dma_start3A_28 = tpu.memref_slice %arg3[%mul3A_24] : memref<50000xi32, #tpu.memory_space<hbm>> -> memref<200xi32, #tpu.memory_space<hbm>>
        tpu.enqueue_dma source(%dma_start3A_28 : memref<200xi32, #tpu.memory_space<hbm>>) target(%arg5 : memref<200xi32, #tpu.memory_space<vmem>>) target_semaphore(%run_scoped3A : memref<!tpu.dma_semaphore, #tpu.memory_space<semaphore_mem>>)
        %dma_wait3A = tpu.memref_slice %arg3[%mul3A_24] : memref<50000xi32, #tpu.memory_space<hbm>> -> memref<200xi32, #tpu.memory_space<hbm>>
        %dma_wait3A_29 = tpu.memref_slice %arg3[%mul3A_24] : memref<50000xi32, #tpu.memory_space<hbm>> -> memref<200xi32, #tpu.memory_space<hbm>>
        tpu.wait_dma2 semaphore(%run_scoped3A : memref<!tpu.dma_semaphore, #tpu.memory_space<semaphore_mem>>) src(%dma_wait3A_29 : memref<200xi32, #tpu.memory_space<hbm>>) dst(%arg5 : memref<200xi32, #tpu.memory_space<vmem>>)
        tpu.yield
      }) : () -> ()
      %dma_start3A = arith.constant 0 : i32
      %dma_start3A_25 = arith.constant 0 : i32
      %dma_start3A_26 = tpu.memref_slice %arg2[%dma_start3A, %dma_start3A_25] : memref<50000x128xf32, #tpu.memory_space<hbm>> -> memref<50000x128xf32, #tpu.memory_space<hbm>>
      tpu.enqueue_indirect_dma source(%dma_start3A_26 : memref<50000x128xf32, #tpu.memory_space<hbm>>) target(%arg7 : memref<200x128xf32, #tpu.memory_space<vmem>>) offsets(%arg5 : memref<200xi32, #tpu.memory_space<vmem>>) semaphore(%arg9 : memref<!tpu.dma_semaphore, #tpu.memory_space<semaphore_mem>>)
    } else {
    }
    %scan3A = arith.constant 0 : i32
    %scan3A_5 = arith.constant 4 : i32
    %scan3A_6 = arith.addi %scan3A, %scan3A_5 : i32
    %scan3A_7 = arith.constant 1 : i32
    scf.for %scan3A_23 = %scan3A to %scan3A_6 step %scan3A_7  : i32 {
      %mul3A_24 = arith.constant 2 : i32
      %mul3A_25 = arith.muli %scan3A_23, %mul3A_24 : i32
      %add3A_26 = arith.constant 0 : i32
      %add3A_27 = arith.addi %add3A_26, %mul3A_25 : i32
      %add3A_28 = arith.constant 0 : i32
      %add3A_29 = arith.addi %add3A_27, %add3A_28 : i32
      %add3A_30 = arith.constant 1 : i32
      %add3A_31 = arith.addi %add3A_29, %add3A_30 : i32
      %lt3A_32 = arith.constant 8 : i32
      %lt3A_33 = arith.cmpi slt, %add3A_31, %lt3A_32 : i32
      %convert_element_type3A_34 = arith.extui %lt3A_33 : i1 to i32
      %cond3A_35 = arith.constant 0 : i32
      %cond3A_36 = arith.cmpi ne, %convert_element_type3A_34, %cond3A_35 : i32
      scf.if %cond3A_36 {
        %ge3A = arith.constant 1 : i32
        %ge3A_62 = arith.cmpi sge, %add3A_29, %ge3A : i32
        %convert_element_type3A_63 = arith.extui %ge3A_62 : i1 to i32
        %cond3A_64 = arith.constant 0 : i32
        %cond3A_65 = arith.cmpi ne, %convert_element_type3A_63, %cond3A_64 : i32
        scf.if %cond3A_65 {
          %dma_wait3A = arith.constant 0 : i32
          %dma_wait3A_76 = arith.constant 0 : i32
          %dma_wait3A_77 = tpu.memref_slice %arg4[%dma_wait3A, %dma_wait3A_76] : memref<50000x128xf32, #tpu.memory_space<hbm>> -> memref<200x128xf32, #tpu.memory_space<hbm>>
          %dma_wait3A_78 = arith.constant 0 : i32
          %dma_wait3A_79 = arith.constant 0 : i32
          %dma_wait3A_80 = tpu.memref_slice %arg4[%dma_wait3A_78, %dma_wait3A_79] : memref<50000x128xf32, #tpu.memory_space<hbm>> -> memref<200x128xf32, #tpu.memory_space<hbm>>
          tpu.wait_dma2 semaphore(%arg12 : memref<!tpu.dma_semaphore, #tpu.memory_space<semaphore_mem>>) src(%arg8 : memref<200x128xf32, #tpu.memory_space<vmem>>) dst(%dma_wait3A_80 : memref<200x128xf32, #tpu.memory_space<hbm>>)
        } else {
        }
        %add3A_66 = arith.constant 1 : i32
        %add3A_67 = arith.addi %add3A_29, %add3A_66 : i32
        %mul3A_68 = arith.constant 32 : i32
        %mul3A_69 = arith.muli %add3A_67, %mul3A_68 : i32
        %add3A_70 = arith.addi %add3A, %mul3A_69 : i32
        %lt3A_71 = arith.constant 250 : i32
        %lt3A_72 = arith.cmpi slt, %add3A_70, %lt3A_71 : i32
        %convert_element_type3A_73 = arith.extui %lt3A_72 : i1 to i32
        %cond3A_74 = arith.constant 0 : i32
        %cond3A_75 = arith.cmpi ne, %convert_element_type3A_73, %cond3A_74 : i32
        scf.if %cond3A_75 {
          %mul3A_76 = arith.constant 200 : i32
          %mul3A_77 = arith.muli %add3A_70, %mul3A_76 : i32
          "tpu.region"() ({
            %run_scoped3A = tpu.sem_alloc : memref<!tpu.dma_semaphore, #tpu.memory_space<semaphore_mem>>
            %dma_start3A_80 = tpu.memref_slice %arg3[%mul3A_77] : memref<50000xi32, #tpu.memory_space<hbm>> -> memref<200xi32, #tpu.memory_space<hbm>>
            %dma_start3A_81 = tpu.memref_slice %arg3[%mul3A_77] : memref<50000xi32, #tpu.memory_space<hbm>> -> memref<200xi32, #tpu.memory_space<hbm>>
            tpu.enqueue_dma source(%dma_start3A_81 : memref<200xi32, #tpu.memory_space<hbm>>) target(%arg6 : memref<200xi32, #tpu.memory_space<vmem>>) target_semaphore(%run_scoped3A : memref<!tpu.dma_semaphore, #tpu.memory_space<semaphore_mem>>)
            %dma_wait3A = tpu.memref_slice %arg3[%mul3A_77] : memref<50000xi32, #tpu.memory_space<hbm>> -> memref<200xi32, #tpu.memory_space<hbm>>
            %dma_wait3A_82 = tpu.memref_slice %arg3[%mul3A_77] : memref<50000xi32, #tpu.memory_space<hbm>> -> memref<200xi32, #tpu.memory_space<hbm>>
            tpu.wait_dma2 semaphore(%run_scoped3A : memref<!tpu.dma_semaphore, #tpu.memory_space<semaphore_mem>>) src(%dma_wait3A_82 : memref<200xi32, #tpu.memory_space<hbm>>) dst(%arg6 : memref<200xi32, #tpu.memory_space<vmem>>)
            tpu.yield
          }) : () -> ()
          %dma_start3A = arith.constant 0 : i32
          %dma_start3A_78 = arith.constant 0 : i32
          %dma_start3A_79 = tpu.memref_slice %arg2[%dma_start3A, %dma_start3A_78] : memref<50000x128xf32, #tpu.memory_space<hbm>> -> memref<50000x128xf32, #tpu.memory_space<hbm>>
          tpu.enqueue_indirect_dma source(%dma_start3A_79 : memref<50000x128xf32, #tpu.memory_space<hbm>>) target(%arg8 : memref<200x128xf32, #tpu.memory_space<vmem>>) offsets(%arg6 : memref<200xi32, #tpu.memory_space<vmem>>) semaphore(%arg10 : memref<!tpu.dma_semaphore, #tpu.memory_space<semaphore_mem>>)
        } else {
        }
      } else {
      }
      %mul3A_37 = arith.constant 32 : i32
      %mul3A_38 = arith.muli %add3A_29, %mul3A_37 : i32
      %add3A_39 = arith.addi %add3A, %mul3A_38 : i32
      %lt3A_40 = arith.constant 250 : i32
      %lt3A_41 = arith.cmpi slt, %add3A_39, %lt3A_40 : i32
      %convert_element_type3A_42 = arith.extui %lt3A_41 : i1 to i32
      %cond3A_43 = arith.constant 0 : i32
      %cond3A_44 = arith.cmpi ne, %convert_element_type3A_42, %cond3A_43 : i32
      scf.if %cond3A_44 {
        %dma_wait3A = arith.constant 0 : i32
        %dma_wait3A_62 = arith.constant 0 : i32
        %dma_wait3A_63 = tpu.memref_slice %arg2[%dma_wait3A, %dma_wait3A_62] : memref<50000x128xf32, #tpu.memory_space<hbm>> -> memref<200x128xf32, #tpu.memory_space<hbm>>
        %dma_wait3A_64 = arith.constant 0 : i32
        %dma_wait3A_65 = arith.constant 0 : i32
        %dma_wait3A_66 = tpu.memref_slice %arg2[%dma_wait3A_64, %dma_wait3A_65] : memref<50000x128xf32, #tpu.memory_space<hbm>> -> memref<200x128xf32, #tpu.memory_space<hbm>>
        tpu.wait_dma2 semaphore(%arg9 : memref<!tpu.dma_semaphore, #tpu.memory_space<semaphore_mem>>) src(%dma_wait3A_66 : memref<200x128xf32, #tpu.memory_space<hbm>>) dst(%arg7 : memref<200x128xf32, #tpu.memory_space<vmem>>)
        %mul3A_67 = arith.constant 200 : i32
        %mul3A_68 = arith.muli %add3A_39, %mul3A_67 : i32
        %dma_start3A = arith.constant 0 : i32
        %dma_start3A_69 = tpu.memref_slice %arg4[%mul3A_68, %dma_start3A] : memref<50000x128xf32, #tpu.memory_space<hbm>> -> memref<200x128xf32, #tpu.memory_space<hbm>>
        %dma_start3A_70 = arith.constant 0 : i32
        %dma_start3A_71 = tpu.memref_slice %arg4[%mul3A_68, %dma_start3A_70] : memref<50000x128xf32, #tpu.memory_space<hbm>> -> memref<200x128xf32, #tpu.memory_space<hbm>>
        tpu.enqueue_dma source(%arg7 : memref<200x128xf32, #tpu.memory_space<vmem>>) target(%dma_start3A_71 : memref<200x128xf32, #tpu.memory_space<hbm>>) target_semaphore(%arg11 : memref<!tpu.dma_semaphore, #tpu.memory_space<semaphore_mem>>)
      } else {
      }
      %add3A_45 = arith.constant 1 : i32
      %add3A_46 = arith.addi %add3A_27, %add3A_45 : i32
      %add3A_47 = arith.constant 1 : i32
      %add3A_48 = arith.addi %add3A_46, %add3A_47 : i32
      %lt3A_49 = arith.constant 8 : i32
      %lt3A_50 = arith.cmpi slt, %add3A_48, %lt3A_49 : i32
      %convert_element_type3A_51 = arith.extui %lt3A_50 : i1 to i32
      %cond3A_52 = arith.constant 0 : i32
      %cond3A_53 = arith.cmpi ne, %convert_element_type3A_51, %cond3A_52 : i32
      scf.if %cond3A_53 {
        %ge3A = arith.constant 1 : i32
        %ge3A_62 = arith.cmpi sge, %add3A_46, %ge3A : i32
        %convert_element_type3A_63 = arith.extui %ge3A_62 : i1 to i32
        %cond3A_64 = arith.constant 0 : i32
        %cond3A_65 = arith.cmpi ne, %convert_element_type3A_63, %cond3A_64 : i32
        scf.if %cond3A_65 {
          %dma_wait3A = arith.constant 0 : i32
          %dma_wait3A_76 = arith.constant 0 : i32
          %dma_wait3A_77 = tpu.memref_slice %arg4[%dma_wait3A, %dma_wait3A_76] : memref<50000x128xf32, #tpu.memory_space<hbm>> -> memref<200x128xf32, #tpu.memory_space<hbm>>
          %dma_wait3A_78 = arith.constant 0 : i32
          %dma_wait3A_79 = arith.constant 0 : i32
          %dma_wait3A_80 = tpu.memref_slice %arg4[%dma_wait3A_78, %dma_wait3A_79] : memref<50000x128xf32, #tpu.memory_space<hbm>> -> memref<200x128xf32, #tpu.memory_space<hbm>>
          tpu.wait_dma2 semaphore(%arg11 : memref<!tpu.dma_semaphore, #tpu.memory_space<semaphore_mem>>) src(%arg7 : memref<200x128xf32, #tpu.memory_space<vmem>>) dst(%dma_wait3A_80 : memref<200x128xf32, #tpu.memory_space<hbm>>)
        } else {
        }
        %add3A_66 = arith.constant 1 : i32
        %add3A_67 = arith.addi %add3A_46, %add3A_66 : i32
        %mul3A_68 = arith.constant 32 : i32
        %mul3A_69 = arith.muli %add3A_67, %mul3A_68 : i32
        %add3A_70 = arith.addi %add3A, %mul3A_69 : i32
        %lt3A_71 = arith.constant 250 : i32
        %lt3A_72 = arith.cmpi slt, %add3A_70, %lt3A_71 : i32
        %convert_element_type3A_73 = arith.extui %lt3A_72 : i1 to i32
        %cond3A_74 = arith.constant 0 : i32
        %cond3A_75 = arith.cmpi ne, %convert_element_type3A_73, %cond3A_74 : i32
        scf.if %cond3A_75 {
          %mul3A_76 = arith.constant 200 : i32
          %mul3A_77 = arith.muli %add3A_70, %mul3A_76 : i32
          "tpu.region"() ({
            %run_scoped3A = tpu.sem_alloc : memref<!tpu.dma_semaphore, #tpu.memory_space<semaphore_mem>>
            %dma_start3A_80 = tpu.memref_slice %arg3[%mul3A_77] : memref<50000xi32, #tpu.memory_space<hbm>> -> memref<200xi32, #tpu.memory_space<hbm>>
            %dma_start3A_81 = tpu.memref_slice %arg3[%mul3A_77] : memref<50000xi32, #tpu.memory_space<hbm>> -> memref<200xi32, #tpu.memory_space<hbm>>
            tpu.enqueue_dma source(%dma_start3A_81 : memref<200xi32, #tpu.memory_space<hbm>>) target(%arg5 : memref<200xi32, #tpu.memory_space<vmem>>) target_semaphore(%run_scoped3A : memref<!tpu.dma_semaphore, #tpu.memory_space<semaphore_mem>>)
            %dma_wait3A = tpu.memref_slice %arg3[%mul3A_77] : memref<50000xi32, #tpu.memory_space<hbm>> -> memref<200xi32, #tpu.memory_space<hbm>>
            %dma_wait3A_82 = tpu.memref_slice %arg3[%mul3A_77] : memref<50000xi32, #tpu.memory_space<hbm>> -> memref<200xi32, #tpu.memory_space<hbm>>
            tpu.wait_dma2 semaphore(%run_scoped3A : memref<!tpu.dma_semaphore, #tpu.memory_space<semaphore_mem>>) src(%dma_wait3A_82 : memref<200xi32, #tpu.memory_space<hbm>>) dst(%arg5 : memref<200xi32, #tpu.memory_space<vmem>>)
            tpu.yield
          }) : () -> ()
          %dma_start3A = arith.constant 0 : i32
          %dma_start3A_78 = arith.constant 0 : i32
          %dma_start3A_79 = tpu.memref_slice %arg2[%dma_start3A, %dma_start3A_78] : memref<50000x128xf32, #tpu.memory_space<hbm>> -> memref<50000x128xf32, #tpu.memory_space<hbm>>
          tpu.enqueue_indirect_dma source(%dma_start3A_79 : memref<50000x128xf32, #tpu.memory_space<hbm>>) target(%arg7 : memref<200x128xf32, #tpu.memory_space<vmem>>) offsets(%arg5 : memref<200xi32, #tpu.memory_space<vmem>>) semaphore(%arg9 : memref<!tpu.dma_semaphore, #tpu.memory_space<semaphore_mem>>)
        } else {
        }
      } else {
      }
      %mul3A_54 = arith.constant 32 : i32
      %mul3A_55 = arith.muli %add3A_46, %mul3A_54 : i32
      %add3A_56 = arith.addi %add3A, %mul3A_55 : i32
      %lt3A_57 = arith.constant 250 : i32
      %lt3A_58 = arith.cmpi slt, %add3A_56, %lt3A_57 : i32
      %convert_element_type3A_59 = arith.extui %lt3A_58 : i1 to i32
      %cond3A_60 = arith.constant 0 : i32
      %cond3A_61 = arith.cmpi ne, %convert_element_type3A_59, %cond3A_60 : i32
      scf.if %cond3A_61 {
        %dma_wait3A = arith.constant 0 : i32
        %dma_wait3A_62 = arith.constant 0 : i32
        %dma_wait3A_63 = tpu.memref_slice %arg2[%dma_wait3A, %dma_wait3A_62] : memref<50000x128xf32, #tpu.memory_space<hbm>> -> memref<200x128xf32, #tpu.memory_space<hbm>>
        %dma_wait3A_64 = arith.constant 0 : i32
        %dma_wait3A_65 = arith.constant 0 : i32
        %dma_wait3A_66 = tpu.memref_slice %arg2[%dma_wait3A_64, %dma_wait3A_65] : memref<50000x128xf32, #tpu.memory_space<hbm>> -> memref<200x128xf32, #tpu.memory_space<hbm>>
        tpu.wait_dma2 semaphore(%arg10 : memref<!tpu.dma_semaphore, #tpu.memory_space<semaphore_mem>>) src(%dma_wait3A_66 : memref<200x128xf32, #tpu.memory_space<hbm>>) dst(%arg8 : memref<200x128xf32, #tpu.memory_space<vmem>>)
        %mul3A_67 = arith.constant 200 : i32
        %mul3A_68 = arith.muli %add3A_56, %mul3A_67 : i32
        %dma_start3A = arith.constant 0 : i32
        %dma_start3A_69 = tpu.memref_slice %arg4[%mul3A_68, %dma_start3A] : memref<50000x128xf32, #tpu.memory_space<hbm>> -> memref<200x128xf32, #tpu.memory_space<hbm>>
        %dma_start3A_70 = arith.constant 0 : i32
        %dma_start3A_71 = tpu.memref_slice %arg4[%mul3A_68, %dma_start3A_70] : memref<50000x128xf32, #tpu.memory_space<hbm>> -> memref<200x128xf32, #tpu.memory_space<hbm>>
        tpu.enqueue_dma source(%arg8 : memref<200x128xf32, #tpu.memory_space<vmem>>) target(%dma_start3A_71 : memref<200x128xf32, #tpu.memory_space<hbm>>) target_semaphore(%arg12 : memref<!tpu.dma_semaphore, #tpu.memory_space<semaphore_mem>>)
      } else {
      }
    }
    %scan3A_8 = arith.constant 4 : i32
    %add3A_9 = arith.constant 192 : i32
    %add3A_10 = arith.addi %add3A, %add3A_9 : i32
    %lt3A_11 = arith.constant 250 : i32
    %lt3A_12 = arith.cmpi slt, %add3A_10, %lt3A_11 : i32
    %convert_element_type3A_13 = arith.extui %lt3A_12 : i1 to i32
    %cond3A_14 = arith.constant 0 : i32
    %cond3A_15 = arith.cmpi ne, %convert_element_type3A_13, %cond3A_14 : i32
    scf.if %cond3A_15 {
      %dma_wait3A = arith.constant 0 : i32
      %dma_wait3A_23 = arith.constant 0 : i32
      %dma_wait3A_24 = tpu.memref_slice %arg4[%dma_wait3A, %dma_wait3A_23] : memref<50000x128xf32, #tpu.memory_space<hbm>> -> memref<200x128xf32, #tpu.memory_space<hbm>>
      %dma_wait3A_25 = arith.constant 0 : i32
      %dma_wait3A_26 = arith.constant 0 : i32
      %dma_wait3A_27 = tpu.memref_slice %arg4[%dma_wait3A_25, %dma_wait3A_26] : memref<50000x128xf32, #tpu.memory_space<hbm>> -> memref<200x128xf32, #tpu.memory_space<hbm>>
      tpu.wait_dma2 semaphore(%arg11 : memref<!tpu.dma_semaphore, #tpu.memory_space<semaphore_mem>>) src(%arg7 : memref<200x128xf32, #tpu.memory_space<vmem>>) dst(%dma_wait3A_27 : memref<200x128xf32, #tpu.memory_space<hbm>>)
    } else {
    }
    %add3A_16 = arith.constant 224 : i32
    %add3A_17 = arith.addi %add3A, %add3A_16 : i32
    %lt3A_18 = arith.constant 250 : i32
    %lt3A_19 = arith.cmpi slt, %add3A_17, %lt3A_18 : i32
    %convert_element_type3A_20 = arith.extui %lt3A_19 : i1 to i32
    %cond3A_21 = arith.constant 0 : i32
    %cond3A_22 = arith.cmpi ne, %convert_element_type3A_20, %cond3A_21 : i32
    scf.if %cond3A_22 {
      %dma_wait3A = arith.constant 0 : i32
      %dma_wait3A_23 = arith.constant 0 : i32
      %dma_wait3A_24 = tpu.memref_slice %arg4[%dma_wait3A, %dma_wait3A_23] : memref<50000x128xf32, #tpu.memory_space<hbm>> -> memref<200x128xf32, #tpu.memory_space<hbm>>
      %dma_wait3A_25 = arith.constant 0 : i32
      %dma_wait3A_26 = arith.constant 0 : i32
      %dma_wait3A_27 = tpu.memref_slice %arg4[%dma_wait3A_25, %dma_wait3A_26] : memref<50000x128xf32, #tpu.memory_space<hbm>> -> memref<200x128xf32, #tpu.memory_space<hbm>>
      tpu.wait_dma2 semaphore(%arg12 : memref<!tpu.dma_semaphore, #tpu.memory_space<semaphore_mem>>) src(%arg8 : memref<200x128xf32, #tpu.memory_space<vmem>>) dst(%dma_wait3A_27 : memref<200x128xf32, #tpu.memory_space<hbm>>)
    } else {
    }
    return
  }
}

#map = affine_map<(d0, d1) -> (0, 0)>
#map1 = affine_map<(d0, d1) -> (0)>
module attributes {stable_mosaic.version = 14 : i64} {
  func.func @_pool(%arg0: i32, %arg1: i32, %arg2: memref<100000x128xf32, #tpu.memory_space<hbm>>, %arg3: memref<640000xf32, #tpu.memory_space<hbm>>, %arg4: memref<160000xf32, #tpu.memory_space<hbm>>, %arg5: memref<240000xi32, #tpu.memory_space<hbm>>, %arg6: memref<70000xi32, #tpu.memory_space<hbm>>, %arg7: memref<50000x128xf32, #tpu.memory_space<hbm>>, %arg8: memref<280xi32, #tpu.memory_space<vmem>>, %arg9: memref<280xi32, #tpu.memory_space<vmem>>, %arg10: memref<280x128xf32, #tpu.memory_space<vmem>>, %arg11: memref<280x128xf32, #tpu.memory_space<vmem>>, %arg12: memref<640xf32, #tpu.memory_space<vmem>>, %arg13: memref<640xf32, #tpu.memory_space<vmem>>, %arg14: memref<40x128xf32, #tpu.memory_space<vmem>>, %arg15: memref<40x128xf32, #tpu.memory_space<vmem>>, %arg16: memref<!tpu.dma_semaphore, #tpu.memory_space<semaphore_mem>>, %arg17: memref<!tpu.dma_semaphore, #tpu.memory_space<semaphore_mem>>, %arg18: memref<!tpu.dma_semaphore, #tpu.memory_space<semaphore_mem>>, %arg19: memref<!tpu.dma_semaphore, #tpu.memory_space<semaphore_mem>>) attributes {dimension_semantics = [#tpu.dimension_semantics<core_parallel>, #tpu.dimension_semantics<subcore_parallel>], iteration_bounds = array<i64: 2, 16>, scalar_prefetch = 0 : i64, scratch_operands = 12 : i64, tpu.core_type = #tpu.core_type<sc_vector_subcore>, window_params = [{transform_indices = #map}, {transform_indices = #map1}, {transform_indices = #map1}, {transform_indices = #map1}, {transform_indices = #map1}, {transform_indices = #map}]} {
    %mul3A = arith.constant 2 : i32
    %mul3A_0 = arith.muli %arg1, %mul3A : i32
    %add3A = arith.addi %mul3A_0, %arg0 : i32
    %add3A_1 = arith.constant 0 : i32
    %add3A_2 = arith.addi %add3A, %add3A_1 : i32
    %lt3A = arith.constant 1000 : i32
    %lt3A_3 = arith.cmpi slt, %add3A_2, %lt3A : i32
    %convert_element_type3A = arith.extui %lt3A_3 : i1 to i32
    %cond3A = arith.constant 0 : i32
    %cond3A_4 = arith.cmpi ne, %convert_element_type3A, %cond3A : i32
    scf.if %cond3A_4 {
      %mul3A_27 = arith.constant 40 : i32
      %mul3A_28 = arith.muli %add3A_2, %mul3A_27 : i32
      %mul3A_29 = arith.constant 6 : i32
      %mul3A_30 = arith.muli %mul3A_28, %mul3A_29 : i32
      "tpu.region"() ({
        %run_scoped3A = tpu.sem_alloc : memref<!tpu.dma_semaphore, #tpu.memory_space<semaphore_mem>>
        %dma_start3A_40 = arith.constant 0 : i32
        %dma_start3A_41 = tpu.memref_slice %arg8[%dma_start3A_40] : memref<280xi32, #tpu.memory_space<vmem>> -> memref<240xi32, #tpu.memory_space<vmem>>
        %dma_start3A_42 = tpu.memref_slice %arg5[%mul3A_30] : memref<240000xi32, #tpu.memory_space<hbm>> -> memref<240xi32, #tpu.memory_space<hbm>>
        %dma_start3A_43 = arith.constant 0 : i32
        %dma_start3A_44 = tpu.memref_slice %arg8[%dma_start3A_43] : memref<280xi32, #tpu.memory_space<vmem>> -> memref<240xi32, #tpu.memory_space<vmem>>
        %dma_start3A_45 = tpu.memref_slice %arg5[%mul3A_30] : memref<240000xi32, #tpu.memory_space<hbm>> -> memref<240xi32, #tpu.memory_space<hbm>>
        tpu.enqueue_dma source(%dma_start3A_45 : memref<240xi32, #tpu.memory_space<hbm>>) target(%dma_start3A_44 : memref<240xi32, #tpu.memory_space<vmem>>) target_semaphore(%run_scoped3A : memref<!tpu.dma_semaphore, #tpu.memory_space<semaphore_mem>>)
        %dma_wait3A_46 = arith.constant 0 : i32
        %dma_wait3A_47 = tpu.memref_slice %arg8[%dma_wait3A_46] : memref<280xi32, #tpu.memory_space<vmem>> -> memref<240xi32, #tpu.memory_space<vmem>>
        %dma_wait3A_48 = tpu.memref_slice %arg5[%mul3A_30] : memref<240000xi32, #tpu.memory_space<hbm>> -> memref<240xi32, #tpu.memory_space<hbm>>
        %dma_wait3A_49 = arith.constant 0 : i32
        %dma_wait3A_50 = tpu.memref_slice %arg8[%dma_wait3A_49] : memref<280xi32, #tpu.memory_space<vmem>> -> memref<240xi32, #tpu.memory_space<vmem>>
        %dma_wait3A_51 = tpu.memref_slice %arg5[%mul3A_30] : memref<240000xi32, #tpu.memory_space<hbm>> -> memref<240xi32, #tpu.memory_space<hbm>>
        tpu.wait_dma2 semaphore(%run_scoped3A : memref<!tpu.dma_semaphore, #tpu.memory_space<semaphore_mem>>) src(%dma_wait3A_51 : memref<240xi32, #tpu.memory_space<hbm>>) dst(%dma_wait3A_50 : memref<240xi32, #tpu.memory_space<vmem>>)
        tpu.yield
      }) : () -> ()
      %mul3A_31 = arith.constant 16 : i32
      %mul3A_32 = arith.muli %mul3A_28, %mul3A_31 : i32
      "tpu.region"() ({
        %run_scoped3A = tpu.sem_alloc : memref<!tpu.dma_semaphore, #tpu.memory_space<semaphore_mem>>
        %dma_start3A_40 = tpu.memref_slice %arg3[%mul3A_32] : memref<640000xf32, #tpu.memory_space<hbm>> -> memref<640xf32, #tpu.memory_space<hbm>>
        %dma_start3A_41 = tpu.memref_slice %arg3[%mul3A_32] : memref<640000xf32, #tpu.memory_space<hbm>> -> memref<640xf32, #tpu.memory_space<hbm>>
        tpu.enqueue_dma source(%dma_start3A_41 : memref<640xf32, #tpu.memory_space<hbm>>) target(%arg12 : memref<640xf32, #tpu.memory_space<vmem>>) target_semaphore(%run_scoped3A : memref<!tpu.dma_semaphore, #tpu.memory_space<semaphore_mem>>)
        %dma_wait3A_42 = tpu.memref_slice %arg3[%mul3A_32] : memref<640000xf32, #tpu.memory_space<hbm>> -> memref<640xf32, #tpu.memory_space<hbm>>
        %dma_wait3A_43 = tpu.memref_slice %arg3[%mul3A_32] : memref<640000xf32, #tpu.memory_space<hbm>> -> memref<640xf32, #tpu.memory_space<hbm>>
        tpu.wait_dma2 semaphore(%run_scoped3A : memref<!tpu.dma_semaphore, #tpu.memory_space<semaphore_mem>>) src(%dma_wait3A_43 : memref<640xf32, #tpu.memory_space<hbm>>) dst(%arg12 : memref<640xf32, #tpu.memory_space<vmem>>)
        tpu.yield
      }) : () -> ()
      %dma_start3A = arith.constant 0 : i32
      %dma_start3A_33 = arith.constant 0 : i32
      %dma_start3A_34 = tpu.memref_slice %arg10[%dma_start3A, %dma_start3A_33] : memref<280x128xf32, #tpu.memory_space<vmem>> -> memref<240x128xf32, #tpu.memory_space<vmem>>
      %dma_start3A_35 = arith.constant 0 : i32
      %dma_start3A_36 = tpu.memref_slice %arg8[%dma_start3A_35] : memref<280xi32, #tpu.memory_space<vmem>> -> memref<240xi32, #tpu.memory_space<vmem>>
      %dma_start3A_37 = arith.constant 0 : i32
      %dma_start3A_38 = arith.constant 0 : i32
      %dma_start3A_39 = tpu.memref_slice %arg2[%dma_start3A_37, %dma_start3A_38] : memref<100000x128xf32, #tpu.memory_space<hbm>> -> memref<100000x128xf32, #tpu.memory_space<hbm>>
      tpu.enqueue_indirect_dma source(%dma_start3A_39 : memref<100000x128xf32, #tpu.memory_space<hbm>>) target(%dma_start3A_34 : memref<240x128xf32, #tpu.memory_space<vmem>>) offsets(%dma_start3A_36 : memref<240xi32, #tpu.memory_space<vmem>>) semaphore(%arg16 : memref<!tpu.dma_semaphore, #tpu.memory_space<semaphore_mem>>)
    } else {
    }
    %ge3A = arith.constant 1000 : i32
    %ge3A_5 = arith.cmpi sge, %add3A_2, %ge3A : i32
    %lt3A_6 = arith.constant 1250 : i32
    %lt3A_7 = arith.cmpi slt, %add3A_2, %lt3A_6 : i32
    %and3A = arith.andi %ge3A_5, %lt3A_7 : i1
    %convert_element_type3A_8 = arith.extui %and3A : i1 to i32
    %cond3A_9 = arith.constant 0 : i32
    %cond3A_10 = arith.cmpi ne, %convert_element_type3A_8, %cond3A_9 : i32
    scf.if %cond3A_10 {
      %sub3A = arith.constant 1000 : i32
      %sub3A_27 = arith.subi %add3A_2, %sub3A : i32
      %mul3A_28 = arith.constant 40 : i32
      %mul3A_29 = arith.muli %sub3A_27, %mul3A_28 : i32
      %mul3A_30 = arith.constant 7 : i32
      %mul3A_31 = arith.muli %mul3A_29, %mul3A_30 : i32
      "tpu.region"() ({
        %run_scoped3A = tpu.sem_alloc : memref<!tpu.dma_semaphore, #tpu.memory_space<semaphore_mem>>
        %dma_start3A_36 = tpu.memref_slice %arg6[%mul3A_31] : memref<70000xi32, #tpu.memory_space<hbm>> -> memref<280xi32, #tpu.memory_space<hbm>>
        %dma_start3A_37 = tpu.memref_slice %arg6[%mul3A_31] : memref<70000xi32, #tpu.memory_space<hbm>> -> memref<280xi32, #tpu.memory_space<hbm>>
        tpu.enqueue_dma source(%dma_start3A_37 : memref<280xi32, #tpu.memory_space<hbm>>) target(%arg8 : memref<280xi32, #tpu.memory_space<vmem>>) target_semaphore(%run_scoped3A : memref<!tpu.dma_semaphore, #tpu.memory_space<semaphore_mem>>)
        %dma_wait3A_38 = tpu.memref_slice %arg6[%mul3A_31] : memref<70000xi32, #tpu.memory_space<hbm>> -> memref<280xi32, #tpu.memory_space<hbm>>
        %dma_wait3A_39 = tpu.memref_slice %arg6[%mul3A_31] : memref<70000xi32, #tpu.memory_space<hbm>> -> memref<280xi32, #tpu.memory_space<hbm>>
        tpu.wait_dma2 semaphore(%run_scoped3A : memref<!tpu.dma_semaphore, #tpu.memory_space<semaphore_mem>>) src(%dma_wait3A_39 : memref<280xi32, #tpu.memory_space<hbm>>) dst(%arg8 : memref<280xi32, #tpu.memory_space<vmem>>)
        tpu.yield
      }) : () -> ()
      %mul3A_32 = arith.constant 16 : i32
      %mul3A_33 = arith.muli %mul3A_29, %mul3A_32 : i32
      "tpu.region"() ({
        %run_scoped3A = tpu.sem_alloc : memref<!tpu.dma_semaphore, #tpu.memory_space<semaphore_mem>>
        %dma_start3A_36 = tpu.memref_slice %arg4[%mul3A_33] : memref<160000xf32, #tpu.memory_space<hbm>> -> memref<640xf32, #tpu.memory_space<hbm>>
        %dma_start3A_37 = tpu.memref_slice %arg4[%mul3A_33] : memref<160000xf32, #tpu.memory_space<hbm>> -> memref<640xf32, #tpu.memory_space<hbm>>
        tpu.enqueue_dma source(%dma_start3A_37 : memref<640xf32, #tpu.memory_space<hbm>>) target(%arg12 : memref<640xf32, #tpu.memory_space<vmem>>) target_semaphore(%run_scoped3A : memref<!tpu.dma_semaphore, #tpu.memory_space<semaphore_mem>>)
        %dma_wait3A_38 = tpu.memref_slice %arg4[%mul3A_33] : memref<160000xf32, #tpu.memory_space<hbm>> -> memref<640xf32, #tpu.memory_space<hbm>>
        %dma_wait3A_39 = tpu.memref_slice %arg4[%mul3A_33] : memref<160000xf32, #tpu.memory_space<hbm>> -> memref<640xf32, #tpu.memory_space<hbm>>
        tpu.wait_dma2 semaphore(%run_scoped3A : memref<!tpu.dma_semaphore, #tpu.memory_space<semaphore_mem>>) src(%dma_wait3A_39 : memref<640xf32, #tpu.memory_space<hbm>>) dst(%arg12 : memref<640xf32, #tpu.memory_space<vmem>>)
        tpu.yield
      }) : () -> ()
      %dma_start3A = arith.constant 0 : i32
      %dma_start3A_34 = arith.constant 0 : i32
      %dma_start3A_35 = tpu.memref_slice %arg2[%dma_start3A, %dma_start3A_34] : memref<100000x128xf32, #tpu.memory_space<hbm>> -> memref<100000x128xf32, #tpu.memory_space<hbm>>
      tpu.enqueue_indirect_dma source(%dma_start3A_35 : memref<100000x128xf32, #tpu.memory_space<hbm>>) target(%arg10 : memref<280x128xf32, #tpu.memory_space<vmem>>) offsets(%arg8 : memref<280xi32, #tpu.memory_space<vmem>>) semaphore(%arg16 : memref<!tpu.dma_semaphore, #tpu.memory_space<semaphore_mem>>)
    } else {
    }
    %scan3A = arith.constant 0 : i32
    %scan3A_11 = arith.constant 20 : i32
    %scan3A_12 = arith.addi %scan3A, %scan3A_11 : i32
    %scan3A_13 = arith.constant 1 : i32
    scf.for %scan3A_27 = %scan3A to %scan3A_12 step %scan3A_13  : i32 {
      %mul3A_28 = arith.constant 2 : i32
      %mul3A_29 = arith.muli %scan3A_27, %mul3A_28 : i32
      %add3A_30 = arith.constant 0 : i32
      %add3A_31 = arith.addi %add3A_30, %mul3A_29 : i32
      %add3A_32 = arith.constant 0 : i32
      %add3A_33 = arith.addi %add3A_31, %add3A_32 : i32
      %add3A_34 = arith.constant 1 : i32
      %add3A_35 = arith.addi %add3A_33, %add3A_34 : i32
      %lt3A_36 = arith.constant 40 : i32
      %lt3A_37 = arith.cmpi slt, %add3A_35, %lt3A_36 : i32
      %convert_element_type3A_38 = arith.extui %lt3A_37 : i1 to i32
      %cond3A_39 = arith.constant 0 : i32
      %cond3A_40 = arith.cmpi ne, %convert_element_type3A_38, %cond3A_39 : i32
      scf.if %cond3A_40 {
        %ge3A_82 = arith.constant 1 : i32
        %ge3A_83 = arith.cmpi sge, %add3A_33, %ge3A_82 : i32
        %convert_element_type3A_84 = arith.extui %ge3A_83 : i1 to i32
        %cond3A_85 = arith.constant 0 : i32
        %cond3A_86 = arith.cmpi ne, %convert_element_type3A_84, %cond3A_85 : i32
        scf.if %cond3A_86 {
          %dma_wait3A_105 = arith.constant 0 : i32
          %dma_wait3A_106 = arith.constant 0 : i32
          %dma_wait3A_107 = tpu.memref_slice %arg7[%dma_wait3A_105, %dma_wait3A_106] : memref<50000x128xf32, #tpu.memory_space<hbm>> -> memref<40x128xf32, #tpu.memory_space<hbm>>
          %dma_wait3A_108 = arith.constant 0 : i32
          %dma_wait3A_109 = arith.constant 0 : i32
          %dma_wait3A_110 = tpu.memref_slice %arg7[%dma_wait3A_108, %dma_wait3A_109] : memref<50000x128xf32, #tpu.memory_space<hbm>> -> memref<40x128xf32, #tpu.memory_space<hbm>>
          tpu.wait_dma2 semaphore(%arg19 : memref<!tpu.dma_semaphore, #tpu.memory_space<semaphore_mem>>) src(%arg15 : memref<40x128xf32, #tpu.memory_space<vmem>>) dst(%dma_wait3A_110 : memref<40x128xf32, #tpu.memory_space<hbm>>)
        } else {
        }
        %add3A_87 = arith.constant 1 : i32
        %add3A_88 = arith.addi %add3A_33, %add3A_87 : i32
        %mul3A_89 = arith.constant 32 : i32
        %mul3A_90 = arith.muli %add3A_88, %mul3A_89 : i32
        %add3A_91 = arith.addi %add3A, %mul3A_90 : i32
        %lt3A_92 = arith.constant 1000 : i32
        %lt3A_93 = arith.cmpi slt, %add3A_91, %lt3A_92 : i32
        %convert_element_type3A_94 = arith.extui %lt3A_93 : i1 to i32
        %cond3A_95 = arith.constant 0 : i32
        %cond3A_96 = arith.cmpi ne, %convert_element_type3A_94, %cond3A_95 : i32
        scf.if %cond3A_96 {
          %mul3A_105 = arith.constant 40 : i32
          %mul3A_106 = arith.muli %add3A_91, %mul3A_105 : i32
          %mul3A_107 = arith.constant 6 : i32
          %mul3A_108 = arith.muli %mul3A_106, %mul3A_107 : i32
          "tpu.region"() ({
            %run_scoped3A = tpu.sem_alloc : memref<!tpu.dma_semaphore, #tpu.memory_space<semaphore_mem>>
            %dma_start3A_118 = arith.constant 0 : i32
            %dma_start3A_119 = tpu.memref_slice %arg9[%dma_start3A_118] : memref<280xi32, #tpu.memory_space<vmem>> -> memref<240xi32, #tpu.memory_space<vmem>>
            %dma_start3A_120 = tpu.memref_slice %arg5[%mul3A_108] : memref<240000xi32, #tpu.memory_space<hbm>> -> memref<240xi32, #tpu.memory_space<hbm>>
            %dma_start3A_121 = arith.constant 0 : i32
            %dma_start3A_122 = tpu.memref_slice %arg9[%dma_start3A_121] : memref<280xi32, #tpu.memory_space<vmem>> -> memref<240xi32, #tpu.memory_space<vmem>>
            %dma_start3A_123 = tpu.memref_slice %arg5[%mul3A_108] : memref<240000xi32, #tpu.memory_space<hbm>> -> memref<240xi32, #tpu.memory_space<hbm>>
            tpu.enqueue_dma source(%dma_start3A_123 : memref<240xi32, #tpu.memory_space<hbm>>) target(%dma_start3A_122 : memref<240xi32, #tpu.memory_space<vmem>>) target_semaphore(%run_scoped3A : memref<!tpu.dma_semaphore, #tpu.memory_space<semaphore_mem>>)
            %dma_wait3A_124 = arith.constant 0 : i32
            %dma_wait3A_125 = tpu.memref_slice %arg9[%dma_wait3A_124] : memref<280xi32, #tpu.memory_space<vmem>> -> memref<240xi32, #tpu.memory_space<vmem>>
            %dma_wait3A_126 = tpu.memref_slice %arg5[%mul3A_108] : memref<240000xi32, #tpu.memory_space<hbm>> -> memref<240xi32, #tpu.memory_space<hbm>>
            %dma_wait3A_127 = arith.constant 0 : i32
            %dma_wait3A_128 = tpu.memref_slice %arg9[%dma_wait3A_127] : memref<280xi32, #tpu.memory_space<vmem>> -> memref<240xi32, #tpu.memory_space<vmem>>
            %dma_wait3A_129 = tpu.memref_slice %arg5[%mul3A_108] : memref<240000xi32, #tpu.memory_space<hbm>> -> memref<240xi32, #tpu.memory_space<hbm>>
            tpu.wait_dma2 semaphore(%run_scoped3A : memref<!tpu.dma_semaphore, #tpu.memory_space<semaphore_mem>>) src(%dma_wait3A_129 : memref<240xi32, #tpu.memory_space<hbm>>) dst(%dma_wait3A_128 : memref<240xi32, #tpu.memory_space<vmem>>)
            tpu.yield
          }) : () -> ()
          %mul3A_109 = arith.constant 16 : i32
          %mul3A_110 = arith.muli %mul3A_106, %mul3A_109 : i32
          "tpu.region"() ({
            %run_scoped3A = tpu.sem_alloc : memref<!tpu.dma_semaphore, #tpu.memory_space<semaphore_mem>>
            %dma_start3A_118 = tpu.memref_slice %arg3[%mul3A_110] : memref<640000xf32, #tpu.memory_space<hbm>> -> memref<640xf32, #tpu.memory_space<hbm>>
            %dma_start3A_119 = tpu.memref_slice %arg3[%mul3A_110] : memref<640000xf32, #tpu.memory_space<hbm>> -> memref<640xf32, #tpu.memory_space<hbm>>
            tpu.enqueue_dma source(%dma_start3A_119 : memref<640xf32, #tpu.memory_space<hbm>>) target(%arg13 : memref<640xf32, #tpu.memory_space<vmem>>) target_semaphore(%run_scoped3A : memref<!tpu.dma_semaphore, #tpu.memory_space<semaphore_mem>>)
            %dma_wait3A_120 = tpu.memref_slice %arg3[%mul3A_110] : memref<640000xf32, #tpu.memory_space<hbm>> -> memref<640xf32, #tpu.memory_space<hbm>>
            %dma_wait3A_121 = tpu.memref_slice %arg3[%mul3A_110] : memref<640000xf32, #tpu.memory_space<hbm>> -> memref<640xf32, #tpu.memory_space<hbm>>
            tpu.wait_dma2 semaphore(%run_scoped3A : memref<!tpu.dma_semaphore, #tpu.memory_space<semaphore_mem>>) src(%dma_wait3A_121 : memref<640xf32, #tpu.memory_space<hbm>>) dst(%arg13 : memref<640xf32, #tpu.memory_space<vmem>>)
            tpu.yield
          }) : () -> ()
          %dma_start3A = arith.constant 0 : i32
          %dma_start3A_111 = arith.constant 0 : i32
          %dma_start3A_112 = tpu.memref_slice %arg11[%dma_start3A, %dma_start3A_111] : memref<280x128xf32, #tpu.memory_space<vmem>> -> memref<240x128xf32, #tpu.memory_space<vmem>>
          %dma_start3A_113 = arith.constant 0 : i32
          %dma_start3A_114 = tpu.memref_slice %arg9[%dma_start3A_113] : memref<280xi32, #tpu.memory_space<vmem>> -> memref<240xi32, #tpu.memory_space<vmem>>
          %dma_start3A_115 = arith.constant 0 : i32
          %dma_start3A_116 = arith.constant 0 : i32
          %dma_start3A_117 = tpu.memref_slice %arg2[%dma_start3A_115, %dma_start3A_116] : memref<100000x128xf32, #tpu.memory_space<hbm>> -> memref<100000x128xf32, #tpu.memory_space<hbm>>
          tpu.enqueue_indirect_dma source(%dma_start3A_117 : memref<100000x128xf32, #tpu.memory_space<hbm>>) target(%dma_start3A_112 : memref<240x128xf32, #tpu.memory_space<vmem>>) offsets(%dma_start3A_114 : memref<240xi32, #tpu.memory_space<vmem>>) semaphore(%arg17 : memref<!tpu.dma_semaphore, #tpu.memory_space<semaphore_mem>>)
        } else {
        }
        %ge3A_97 = arith.constant 1000 : i32
        %ge3A_98 = arith.cmpi sge, %add3A_91, %ge3A_97 : i32
        %lt3A_99 = arith.constant 1250 : i32
        %lt3A_100 = arith.cmpi slt, %add3A_91, %lt3A_99 : i32
        %and3A_101 = arith.andi %ge3A_98, %lt3A_100 : i1
        %convert_element_type3A_102 = arith.extui %and3A_101 : i1 to i32
        %cond3A_103 = arith.constant 0 : i32
        %cond3A_104 = arith.cmpi ne, %convert_element_type3A_102, %cond3A_103 : i32
        scf.if %cond3A_104 {
          %sub3A = arith.constant 1000 : i32
          %sub3A_105 = arith.subi %add3A_91, %sub3A : i32
          %mul3A_106 = arith.constant 40 : i32
          %mul3A_107 = arith.muli %sub3A_105, %mul3A_106 : i32
          %mul3A_108 = arith.constant 7 : i32
          %mul3A_109 = arith.muli %mul3A_107, %mul3A_108 : i32
          "tpu.region"() ({
            %run_scoped3A = tpu.sem_alloc : memref<!tpu.dma_semaphore, #tpu.memory_space<semaphore_mem>>
            %dma_start3A_114 = tpu.memref_slice %arg6[%mul3A_109] : memref<70000xi32, #tpu.memory_space<hbm>> -> memref<280xi32, #tpu.memory_space<hbm>>
            %dma_start3A_115 = tpu.memref_slice %arg6[%mul3A_109] : memref<70000xi32, #tpu.memory_space<hbm>> -> memref<280xi32, #tpu.memory_space<hbm>>
            tpu.enqueue_dma source(%dma_start3A_115 : memref<280xi32, #tpu.memory_space<hbm>>) target(%arg9 : memref<280xi32, #tpu.memory_space<vmem>>) target_semaphore(%run_scoped3A : memref<!tpu.dma_semaphore, #tpu.memory_space<semaphore_mem>>)
            %dma_wait3A_116 = tpu.memref_slice %arg6[%mul3A_109] : memref<70000xi32, #tpu.memory_space<hbm>> -> memref<280xi32, #tpu.memory_space<hbm>>
            %dma_wait3A_117 = tpu.memref_slice %arg6[%mul3A_109] : memref<70000xi32, #tpu.memory_space<hbm>> -> memref<280xi32, #tpu.memory_space<hbm>>
            tpu.wait_dma2 semaphore(%run_scoped3A : memref<!tpu.dma_semaphore, #tpu.memory_space<semaphore_mem>>) src(%dma_wait3A_117 : memref<280xi32, #tpu.memory_space<hbm>>) dst(%arg9 : memref<280xi32, #tpu.memory_space<vmem>>)
            tpu.yield
          }) : () -> ()
          %mul3A_110 = arith.constant 16 : i32
          %mul3A_111 = arith.muli %mul3A_107, %mul3A_110 : i32
          "tpu.region"() ({
            %run_scoped3A = tpu.sem_alloc : memref<!tpu.dma_semaphore, #tpu.memory_space<semaphore_mem>>
            %dma_start3A_114 = tpu.memref_slice %arg4[%mul3A_111] : memref<160000xf32, #tpu.memory_space<hbm>> -> memref<640xf32, #tpu.memory_space<hbm>>
            %dma_start3A_115 = tpu.memref_slice %arg4[%mul3A_111] : memref<160000xf32, #tpu.memory_space<hbm>> -> memref<640xf32, #tpu.memory_space<hbm>>
            tpu.enqueue_dma source(%dma_start3A_115 : memref<640xf32, #tpu.memory_space<hbm>>) target(%arg13 : memref<640xf32, #tpu.memory_space<vmem>>) target_semaphore(%run_scoped3A : memref<!tpu.dma_semaphore, #tpu.memory_space<semaphore_mem>>)
            %dma_wait3A_116 = tpu.memref_slice %arg4[%mul3A_111] : memref<160000xf32, #tpu.memory_space<hbm>> -> memref<640xf32, #tpu.memory_space<hbm>>
            %dma_wait3A_117 = tpu.memref_slice %arg4[%mul3A_111] : memref<160000xf32, #tpu.memory_space<hbm>> -> memref<640xf32, #tpu.memory_space<hbm>>
            tpu.wait_dma2 semaphore(%run_scoped3A : memref<!tpu.dma_semaphore, #tpu.memory_space<semaphore_mem>>) src(%dma_wait3A_117 : memref<640xf32, #tpu.memory_space<hbm>>) dst(%arg13 : memref<640xf32, #tpu.memory_space<vmem>>)
            tpu.yield
          }) : () -> ()
          %dma_start3A = arith.constant 0 : i32
          %dma_start3A_112 = arith.constant 0 : i32
          %dma_start3A_113 = tpu.memref_slice %arg2[%dma_start3A, %dma_start3A_112] : memref<100000x128xf32, #tpu.memory_space<hbm>> -> memref<100000x128xf32, #tpu.memory_space<hbm>>
          tpu.enqueue_indirect_dma source(%dma_start3A_113 : memref<100000x128xf32, #tpu.memory_space<hbm>>) target(%arg11 : memref<280x128xf32, #tpu.memory_space<vmem>>) offsets(%arg9 : memref<280xi32, #tpu.memory_space<vmem>>) semaphore(%arg17 : memref<!tpu.dma_semaphore, #tpu.memory_space<semaphore_mem>>)
        } else {
        }
      } else {
      }
      %mul3A_41 = arith.constant 32 : i32
      %mul3A_42 = arith.muli %add3A_33, %mul3A_41 : i32
      %add3A_43 = arith.addi %add3A, %mul3A_42 : i32
      %lt3A_44 = arith.constant 1000 : i32
      %lt3A_45 = arith.cmpi slt, %add3A_43, %lt3A_44 : i32
      %convert_element_type3A_46 = arith.extui %lt3A_45 : i1 to i32
      %cond3A_47 = arith.constant 0 : i32
      %cond3A_48 = arith.cmpi ne, %convert_element_type3A_46, %cond3A_47 : i32
      scf.if %cond3A_48 {
        %mul3A_82 = arith.constant 40 : i32
        %mul3A_83 = arith.muli %add3A_43, %mul3A_82 : i32
        %dma_wait3A_84 = arith.constant 0 : i32
        %dma_wait3A_85 = arith.constant 0 : i32
        %dma_wait3A_86 = tpu.memref_slice %arg10[%dma_wait3A_84, %dma_wait3A_85] : memref<280x128xf32, #tpu.memory_space<vmem>> -> memref<240x128xf32, #tpu.memory_space<vmem>>
        %dma_wait3A_87 = arith.constant 0 : i32
        %dma_wait3A_88 = arith.constant 0 : i32
        %dma_wait3A_89 = tpu.memref_slice %arg2[%dma_wait3A_87, %dma_wait3A_88] : memref<100000x128xf32, #tpu.memory_space<hbm>> -> memref<240x128xf32, #tpu.memory_space<hbm>>
        %dma_wait3A_90 = arith.constant 0 : i32
        %dma_wait3A_91 = arith.constant 0 : i32
        %dma_wait3A_92 = tpu.memref_slice %arg10[%dma_wait3A_90, %dma_wait3A_91] : memref<280x128xf32, #tpu.memory_space<vmem>> -> memref<240x128xf32, #tpu.memory_space<vmem>>
        %dma_wait3A_93 = arith.constant 0 : i32
        %dma_wait3A_94 = arith.constant 0 : i32
        %dma_wait3A_95 = tpu.memref_slice %arg2[%dma_wait3A_93, %dma_wait3A_94] : memref<100000x128xf32, #tpu.memory_space<hbm>> -> memref<240x128xf32, #tpu.memory_space<hbm>>
        tpu.wait_dma2 semaphore(%arg16 : memref<!tpu.dma_semaphore, #tpu.memory_space<semaphore_mem>>) src(%dma_wait3A_95 : memref<240x128xf32, #tpu.memory_space<hbm>>) dst(%dma_wait3A_92 : memref<240x128xf32, #tpu.memory_space<vmem>>)
        %scan3A_96 = arith.constant 0 : i32
        %scan3A_97 = arith.constant 40 : i32
        %scan3A_98 = arith.addi %scan3A_96, %scan3A_97 : i32
        %scan3A_99 = arith.constant 1 : i32
        scf.for %scan3A_106 = %scan3A_96 to %scan3A_98 step %scan3A_99  : i32 {
          %mul3A_107 = arith.constant 1 : i32
          %mul3A_108 = arith.muli %scan3A_106, %mul3A_107 : i32
          %add3A_109 = arith.constant 0 : i32
          %add3A_110 = arith.addi %add3A_109, %mul3A_108 : i32
          %mul3A_111 = arith.constant 6 : i32
          %mul3A_112 = arith.muli %add3A_110, %mul3A_111 : i32
          %mul3A_113 = arith.constant 16 : i32
          %mul3A_114 = arith.muli %add3A_110, %mul3A_113 : i32
          %multiple_of3A = tpu.assume_multiple %mul3A_114, 16 : i32
          %get3A = arith.index_cast %multiple_of3A : i32 to index
          %get3A_115 = tpu.vector_load %arg12[%get3A] {strides = array<i32>} : memref<640xf32, #tpu.memory_space<vmem>>, vector<16xf32>,
          %get3A_116 = vector.shape_cast %get3A_115 : vector<16xf32> to vector<16xf32>
          %slice3A = vector.extract_strided_slice %get3A_116 {offsets = [0], sizes = [1], strides = [1]} : vector<16xf32> to vector<1xf32>
          %squeeze3A = vector.extract %slice3A[0] : f32 from vector<1xf32>
          %get3A_117 = arith.index_cast %mul3A_112 : i32 to index
          %get3A_118 = arith.constant 0 : index
          %get3A_119 = tpu.vector_load %arg10[%get3A_117, %get3A_118] {strides = array<i32>} : memref<280x128xf32, #tpu.memory_space<vmem>>, vector<1x16xf32>,
          %get3A_120 = vector.shape_cast %get3A_119 : vector<1x16xf32> to vector<16xf32>
          %mul3A_121 = vector.broadcast %squeeze3A : f32 to vector<16xf32>
          %mul3A_122 = arith.mulf %mul3A_121, %get3A_120 : vector<16xf32>
          %slice3A_123 = vector.extract_strided_slice %get3A_116 {offsets = [1], sizes = [1], strides = [1]} : vector<16xf32> to vector<1xf32>
          %squeeze3A_124 = vector.extract %slice3A_123[0] : f32 from vector<1xf32>
          %add3A_125 = arith.constant 1 : i32
          %add3A_126 = arith.addi %mul3A_112, %add3A_125 : i32
          %get3A_127 = arith.index_cast %add3A_126 : i32 to index
          %get3A_128 = arith.constant 0 : index
          %get3A_129 = tpu.vector_load %arg10[%get3A_127, %get3A_128] {strides = array<i32>} : memref<280x128xf32, #tpu.memory_space<vmem>>, vector<1x16xf32>,
          %get3A_130 = vector.shape_cast %get3A_129 : vector<1x16xf32> to vector<16xf32>
          %mul3A_131 = vector.broadcast %squeeze3A_124 : f32 to vector<16xf32>
          %mul3A_132 = arith.mulf %mul3A_131, %get3A_130 : vector<16xf32>
          %add3A_133 = arith.addf %mul3A_122, %mul3A_132 : vector<16xf32>
          %slice3A_134 = vector.extract_strided_slice %get3A_116 {offsets = [2], sizes = [1], strides = [1]} : vector<16xf32> to vector<1xf32>
          %squeeze3A_135 = vector.extract %slice3A_134[0] : f32 from vector<1xf32>
          %add3A_136 = arith.constant 2 : i32
          %add3A_137 = arith.addi %mul3A_112, %add3A_136 : i32
          %get3A_138 = arith.index_cast %add3A_137 : i32 to index
          %get3A_139 = arith.constant 0 : index
          %get3A_140 = tpu.vector_load %arg10[%get3A_138, %get3A_139] {strides = array<i32>} : memref<280x128xf32, #tpu.memory_space<vmem>>, vector<1x16xf32>,
          %get3A_141 = vector.shape_cast %get3A_140 : vector<1x16xf32> to vector<16xf32>
          %mul3A_142 = vector.broadcast %squeeze3A_135 : f32 to vector<16xf32>
          %mul3A_143 = arith.mulf %mul3A_142, %get3A_141 : vector<16xf32>
          %add3A_144 = arith.addf %add3A_133, %mul3A_143 : vector<16xf32>
          %slice3A_145 = vector.extract_strided_slice %get3A_116 {offsets = [3], sizes = [1], strides = [1]} : vector<16xf32> to vector<1xf32>
          %squeeze3A_146 = vector.extract %slice3A_145[0] : f32 from vector<1xf32>
          %add3A_147 = arith.constant 3 : i32
          %add3A_148 = arith.addi %mul3A_112, %add3A_147 : i32
          %get3A_149 = arith.index_cast %add3A_148 : i32 to index
          %get3A_150 = arith.constant 0 : index
          %get3A_151 = tpu.vector_load %arg10[%get3A_149, %get3A_150] {strides = array<i32>} : memref<280x128xf32, #tpu.memory_space<vmem>>, vector<1x16xf32>,
          %get3A_152 = vector.shape_cast %get3A_151 : vector<1x16xf32> to vector<16xf32>
          %mul3A_153 = vector.broadcast %squeeze3A_146 : f32 to vector<16xf32>
          %mul3A_154 = arith.mulf %mul3A_153, %get3A_152 : vector<16xf32>
          %add3A_155 = arith.addf %add3A_144, %mul3A_154 : vector<16xf32>
          %slice3A_156 = vector.extract_strided_slice %get3A_116 {offsets = [4], sizes = [1], strides = [1]} : vector<16xf32> to vector<1xf32>
          %squeeze3A_157 = vector.extract %slice3A_156[0] : f32 from vector<1xf32>
          %add3A_158 = arith.constant 4 : i32
          %add3A_159 = arith.addi %mul3A_112, %add3A_158 : i32
          %get3A_160 = arith.index_cast %add3A_159 : i32 to index
          %get3A_161 = arith.constant 0 : index
          %get3A_162 = tpu.vector_load %arg10[%get3A_160, %get3A_161] {strides = array<i32>} : memref<280x128xf32, #tpu.memory_space<vmem>>, vector<1x16xf32>,
          %get3A_163 = vector.shape_cast %get3A_162 : vector<1x16xf32> to vector<16xf32>
          %mul3A_164 = vector.broadcast %squeeze3A_157 : f32 to vector<16xf32>
          %mul3A_165 = arith.mulf %mul3A_164, %get3A_163 : vector<16xf32>
          %add3A_166 = arith.addf %add3A_155, %mul3A_165 : vector<16xf32>
          %slice3A_167 = vector.extract_strided_slice %get3A_116 {offsets = [5], sizes = [1], strides = [1]} : vector<16xf32> to vector<1xf32>
          %squeeze3A_168 = vector.extract %slice3A_167[0] : f32 from vector<1xf32>
          %add3A_169 = arith.constant 5 : i32
          %add3A_170 = arith.addi %mul3A_112, %add3A_169 : i32
          %get3A_171 = arith.index_cast %add3A_170 : i32 to index
          %get3A_172 = arith.constant 0 : index
          %get3A_173 = tpu.vector_load %arg10[%get3A_171, %get3A_172] {strides = array<i32>} : memref<280x128xf32, #tpu.memory_space<vmem>>, vector<1x16xf32>,
          %get3A_174 = vector.shape_cast %get3A_173 : vector<1x16xf32> to vector<16xf32>
          %mul3A_175 = vector.broadcast %squeeze3A_168 : f32 to vector<16xf32>
          %mul3A_176 = arith.mulf %mul3A_175, %get3A_174 : vector<16xf32>
          %add3A_177 = arith.addf %add3A_166, %mul3A_176 : vector<16xf32>
          %swap3A = arith.index_cast %add3A_110 : i32 to index
          %swap3A_178 = arith.constant 0 : index
          %swap3A_179 = tpu.vector_load %arg14[%swap3A, %swap3A_178] {strides = array<i32>} : memref<40x128xf32, #tpu.memory_space<vmem>>, vector<1x16xf32>,
          %swap3A_180 = vector.shape_cast %swap3A_179 : vector<1x16xf32> to vector<16xf32>
          %swap3A_181 = vector.shape_cast %add3A_177 : vector<16xf32> to vector<1x16xf32>
          tpu.vector_store %arg14[%swap3A, %swap3A_178], %swap3A_181 {strides = array<i32>} : memref<40x128xf32, #tpu.memory_space<vmem>>, vector<1x16xf32>,
          %slice3A_182 = vector.extract_strided_slice %get3A_116 {offsets = [0], sizes = [1], strides = [1]} : vector<16xf32> to vector<1xf32>
          %squeeze3A_183 = vector.extract %slice3A_182[0] : f32 from vector<1xf32>
          %get3A_184 = arith.index_cast %mul3A_112 : i32 to index
          %get3A_185 = arith.constant 16 : index
          %get3A_186 = tpu.vector_load %arg10[%get3A_184, %get3A_185] {strides = array<i32>} : memref<280x128xf32, #tpu.memory_space<vmem>>, vector<1x16xf32>,
          %get3A_187 = vector.shape_cast %get3A_186 : vector<1x16xf32> to vector<16xf32>
          %mul3A_188 = vector.broadcast %squeeze3A_183 : f32 to vector<16xf32>
          %mul3A_189 = arith.mulf %mul3A_188, %get3A_187 : vector<16xf32>
          %slice3A_190 = vector.extract_strided_slice %get3A_116 {offsets = [1], sizes = [1], strides = [1]} : vector<16xf32> to vector<1xf32>
          %squeeze3A_191 = vector.extract %slice3A_190[0] : f32 from vector<1xf32>
          %add3A_192 = arith.constant 1 : i32
          %add3A_193 = arith.addi %mul3A_112, %add3A_192 : i32
          %get3A_194 = arith.index_cast %add3A_193 : i32 to index
          %get3A_195 = arith.constant 16 : index
          %get3A_196 = tpu.vector_load %arg10[%get3A_194, %get3A_195] {strides = array<i32>} : memref<280x128xf32, #tpu.memory_space<vmem>>, vector<1x16xf32>,
          %get3A_197 = vector.shape_cast %get3A_196 : vector<1x16xf32> to vector<16xf32>
          %mul3A_198 = vector.broadcast %squeeze3A_191 : f32 to vector<16xf32>
          %mul3A_199 = arith.mulf %mul3A_198, %get3A_197 : vector<16xf32>
          %add3A_200 = arith.addf %mul3A_189, %mul3A_199 : vector<16xf32>
          %slice3A_201 = vector.extract_strided_slice %get3A_116 {offsets = [2], sizes = [1], strides = [1]} : vector<16xf32> to vector<1xf32>
          %squeeze3A_202 = vector.extract %slice3A_201[0] : f32 from vector<1xf32>
          %add3A_203 = arith.constant 2 : i32
          %add3A_204 = arith.addi %mul3A_112, %add3A_203 : i32
          %get3A_205 = arith.index_cast %add3A_204 : i32 to index
          %get3A_206 = arith.constant 16 : index
          %get3A_207 = tpu.vector_load %arg10[%get3A_205, %get3A_206] {strides = array<i32>} : memref<280x128xf32, #tpu.memory_space<vmem>>, vector<1x16xf32>,
          %get3A_208 = vector.shape_cast %get3A_207 : vector<1x16xf32> to vector<16xf32>
          %mul3A_209 = vector.broadcast %squeeze3A_202 : f32 to vector<16xf32>
          %mul3A_210 = arith.mulf %mul3A_209, %get3A_208 : vector<16xf32>
          %add3A_211 = arith.addf %add3A_200, %mul3A_210 : vector<16xf32>
          %slice3A_212 = vector.extract_strided_slice %get3A_116 {offsets = [3], sizes = [1], strides = [1]} : vector<16xf32> to vector<1xf32>
          %squeeze3A_213 = vector.extract %slice3A_212[0] : f32 from vector<1xf32>
          %add3A_214 = arith.constant 3 : i32
          %add3A_215 = arith.addi %mul3A_112, %add3A_214 : i32
          %get3A_216 = arith.index_cast %add3A_215 : i32 to index
          %get3A_217 = arith.constant 16 : index
          %get3A_218 = tpu.vector_load %arg10[%get3A_216, %get3A_217] {strides = array<i32>} : memref<280x128xf32, #tpu.memory_space<vmem>>, vector<1x16xf32>,
          %get3A_219 = vector.shape_cast %get3A_218 : vector<1x16xf32> to vector<16xf32>
          %mul3A_220 = vector.broadcast %squeeze3A_213 : f32 to vector<16xf32>
          %mul3A_221 = arith.mulf %mul3A_220, %get3A_219 : vector<16xf32>
          %add3A_222 = arith.addf %add3A_211, %mul3A_221 : vector<16xf32>
          %slice3A_223 = vector.extract_strided_slice %get3A_116 {offsets = [4], sizes = [1], strides = [1]} : vector<16xf32> to vector<1xf32>
          %squeeze3A_224 = vector.extract %slice3A_223[0] : f32 from vector<1xf32>
          %add3A_225 = arith.constant 4 : i32
          %add3A_226 = arith.addi %mul3A_112, %add3A_225 : i32
          %get3A_227 = arith.index_cast %add3A_226 : i32 to index
          %get3A_228 = arith.constant 16 : index
          %get3A_229 = tpu.vector_load %arg10[%get3A_227, %get3A_228] {strides = array<i32>} : memref<280x128xf32, #tpu.memory_space<vmem>>, vector<1x16xf32>,
          %get3A_230 = vector.shape_cast %get3A_229 : vector<1x16xf32> to vector<16xf32>
          %mul3A_231 = vector.broadcast %squeeze3A_224 : f32 to vector<16xf32>
          %mul3A_232 = arith.mulf %mul3A_231, %get3A_230 : vector<16xf32>
          %add3A_233 = arith.addf %add3A_222, %mul3A_232 : vector<16xf32>
          %slice3A_234 = vector.extract_strided_slice %get3A_116 {offsets = [5], sizes = [1], strides = [1]} : vector<16xf32> to vector<1xf32>
          %squeeze3A_235 = vector.extract %slice3A_234[0] : f32 from vector<1xf32>
          %add3A_236 = arith.constant 5 : i32
          %add3A_237 = arith.addi %mul3A_112, %add3A_236 : i32
          %get3A_238 = arith.index_cast %add3A_237 : i32 to index
          %get3A_239 = arith.constant 16 : index
          %get3A_240 = tpu.vector_load %arg10[%get3A_238, %get3A_239] {strides = array<i32>} : memref<280x128xf32, #tpu.memory_space<vmem>>, vector<1x16xf32>,
          %get3A_241 = vector.shape_cast %get3A_240 : vector<1x16xf32> to vector<16xf32>
          %mul3A_242 = vector.broadcast %squeeze3A_235 : f32 to vector<16xf32>
          %mul3A_243 = arith.mulf %mul3A_242, %get3A_241 : vector<16xf32>
          %add3A_244 = arith.addf %add3A_233, %mul3A_243 : vector<16xf32>
          %swap3A_245 = arith.index_cast %add3A_110 : i32 to index
          %swap3A_246 = arith.constant 16 : index
          %swap3A_247 = tpu.vector_load %arg14[%swap3A_245, %swap3A_246] {strides = array<i32>} : memref<40x128xf32, #tpu.memory_space<vmem>>, vector<1x16xf32>,
          %swap3A_248 = vector.shape_cast %swap3A_247 : vector<1x16xf32> to vector<16xf32>
          %swap3A_249 = vector.shape_cast %add3A_244 : vector<16xf32> to vector<1x16xf32>
          tpu.vector_store %arg14[%swap3A_245, %swap3A_246], %swap3A_249 {strides = array<i32>} : memref<40x128xf32, #tpu.memory_space<vmem>>, vector<1x16xf32>,
          %slice3A_250 = vector.extract_strided_slice %get3A_116 {offsets = [0], sizes = [1], strides = [1]} : vector<16xf32> to vector<1xf32>
          %squeeze3A_251 = vector.extract %slice3A_250[0] : f32 from vector<1xf32>
          %get3A_252 = arith.index_cast %mul3A_112 : i32 to index
          %get3A_253 = arith.constant 32 : index
          %get3A_254 = tpu.vector_load %arg10[%get3A_252, %get3A_253] {strides = array<i32>} : memref<280x128xf32, #tpu.memory_space<vmem>>, vector<1x16xf32>,
          %get3A_255 = vector.shape_cast %get3A_254 : vector<1x16xf32> to vector<16xf32>
          %mul3A_256 = vector.broadcast %squeeze3A_251 : f32 to vector<16xf32>
          %mul3A_257 = arith.mulf %mul3A_256, %get3A_255 : vector<16xf32>
          %slice3A_258 = vector.extract_strided_slice %get3A_116 {offsets = [1], sizes = [1], strides = [1]} : vector<16xf32> to vector<1xf32>
          %squeeze3A_259 = vector.extract %slice3A_258[0] : f32 from vector<1xf32>
          %add3A_260 = arith.constant 1 : i32
          %add3A_261 = arith.addi %mul3A_112, %add3A_260 : i32
          %get3A_262 = arith.index_cast %add3A_261 : i32 to index
          %get3A_263 = arith.constant 32 : index
          %get3A_264 = tpu.vector_load %arg10[%get3A_262, %get3A_263] {strides = array<i32>} : memref<280x128xf32, #tpu.memory_space<vmem>>, vector<1x16xf32>,
          %get3A_265 = vector.shape_cast %get3A_264 : vector<1x16xf32> to vector<16xf32>
          %mul3A_266 = vector.broadcast %squeeze3A_259 : f32 to vector<16xf32>
          %mul3A_267 = arith.mulf %mul3A_266, %get3A_265 : vector<16xf32>
          %add3A_268 = arith.addf %mul3A_257, %mul3A_267 : vector<16xf32>
          %slice3A_269 = vector.extract_strided_slice %get3A_116 {offsets = [2], sizes = [1], strides = [1]} : vector<16xf32> to vector<1xf32>
          %squeeze3A_270 = vector.extract %slice3A_269[0] : f32 from vector<1xf32>
          %add3A_271 = arith.constant 2 : i32
          %add3A_272 = arith.addi %mul3A_112, %add3A_271 : i32
          %get3A_273 = arith.index_cast %add3A_272 : i32 to index
          %get3A_274 = arith.constant 32 : index
          %get3A_275 = tpu.vector_load %arg10[%get3A_273, %get3A_274] {strides = array<i32>} : memref<280x128xf32, #tpu.memory_space<vmem>>, vector<1x16xf32>,
          %get3A_276 = vector.shape_cast %get3A_275 : vector<1x16xf32> to vector<16xf32>
          %mul3A_277 = vector.broadcast %squeeze3A_270 : f32 to vector<16xf32>
          %mul3A_278 = arith.mulf %mul3A_277, %get3A_276 : vector<16xf32>
          %add3A_279 = arith.addf %add3A_268, %mul3A_278 : vector<16xf32>
          %slice3A_280 = vector.extract_strided_slice %get3A_116 {offsets = [3], sizes = [1], strides = [1]} : vector<16xf32> to vector<1xf32>
          %squeeze3A_281 = vector.extract %slice3A_280[0] : f32 from vector<1xf32>
          %add3A_282 = arith.constant 3 : i32
          %add3A_283 = arith.addi %mul3A_112, %add3A_282 : i32
          %get3A_284 = arith.index_cast %add3A_283 : i32 to index
          %get3A_285 = arith.constant 32 : index
          %get3A_286 = tpu.vector_load %arg10[%get3A_284, %get3A_285] {strides = array<i32>} : memref<280x128xf32, #tpu.memory_space<vmem>>, vector<1x16xf32>,
          %get3A_287 = vector.shape_cast %get3A_286 : vector<1x16xf32> to vector<16xf32>
          %mul3A_288 = vector.broadcast %squeeze3A_281 : f32 to vector<16xf32>
          %mul3A_289 = arith.mulf %mul3A_288, %get3A_287 : vector<16xf32>
          %add3A_290 = arith.addf %add3A_279, %mul3A_289 : vector<16xf32>
          %slice3A_291 = vector.extract_strided_slice %get3A_116 {offsets = [4], sizes = [1], strides = [1]} : vector<16xf32> to vector<1xf32>
          %squeeze3A_292 = vector.extract %slice3A_291[0] : f32 from vector<1xf32>
          %add3A_293 = arith.constant 4 : i32
          %add3A_294 = arith.addi %mul3A_112, %add3A_293 : i32
          %get3A_295 = arith.index_cast %add3A_294 : i32 to index
          %get3A_296 = arith.constant 32 : index
          %get3A_297 = tpu.vector_load %arg10[%get3A_295, %get3A_296] {strides = array<i32>} : memref<280x128xf32, #tpu.memory_space<vmem>>, vector<1x16xf32>,
          %get3A_298 = vector.shape_cast %get3A_297 : vector<1x16xf32> to vector<16xf32>
          %mul3A_299 = vector.broadcast %squeeze3A_292 : f32 to vector<16xf32>
          %mul3A_300 = arith.mulf %mul3A_299, %get3A_298 : vector<16xf32>
          %add3A_301 = arith.addf %add3A_290, %mul3A_300 : vector<16xf32>
          %slice3A_302 = vector.extract_strided_slice %get3A_116 {offsets = [5], sizes = [1], strides = [1]} : vector<16xf32> to vector<1xf32>
          %squeeze3A_303 = vector.extract %slice3A_302[0] : f32 from vector<1xf32>
          %add3A_304 = arith.constant 5 : i32
          %add3A_305 = arith.addi %mul3A_112, %add3A_304 : i32
          %get3A_306 = arith.index_cast %add3A_305 : i32 to index
          %get3A_307 = arith.constant 32 : index
          %get3A_308 = tpu.vector_load %arg10[%get3A_306, %get3A_307] {strides = array<i32>} : memref<280x128xf32, #tpu.memory_space<vmem>>, vector<1x16xf32>,
          %get3A_309 = vector.shape_cast %get3A_308 : vector<1x16xf32> to vector<16xf32>
          %mul3A_310 = vector.broadcast %squeeze3A_303 : f32 to vector<16xf32>
          %mul3A_311 = arith.mulf %mul3A_310, %get3A_309 : vector<16xf32>
          %add3A_312 = arith.addf %add3A_301, %mul3A_311 : vector<16xf32>
          %swap3A_313 = arith.index_cast %add3A_110 : i32 to index
          %swap3A_314 = arith.constant 32 : index
          %swap3A_315 = tpu.vector_load %arg14[%swap3A_313, %swap3A_314] {strides = array<i32>} : memref<40x128xf32, #tpu.memory_space<vmem>>, vector<1x16xf32>,
          %swap3A_316 = vector.shape_cast %swap3A_315 : vector<1x16xf32> to vector<16xf32>
          %swap3A_317 = vector.shape_cast %add3A_312 : vector<16xf32> to vector<1x16xf32>
          tpu.vector_store %arg14[%swap3A_313, %swap3A_314], %swap3A_317 {strides = array<i32>} : memref<40x128xf32, #tpu.memory_space<vmem>>, vector<1x16xf32>,
          %slice3A_318 = vector.extract_strided_slice %get3A_116 {offsets = [0], sizes = [1], strides = [1]} : vector<16xf32> to vector<1xf32>
          %squeeze3A_319 = vector.extract %slice3A_318[0] : f32 from vector<1xf32>
          %get3A_320 = arith.index_cast %mul3A_112 : i32 to index
          %get3A_321 = arith.constant 48 : index
          %get3A_322 = tpu.vector_load %arg10[%get3A_320, %get3A_321] {strides = array<i32>} : memref<280x128xf32, #tpu.memory_space<vmem>>, vector<1x16xf32>,
          %get3A_323 = vector.shape_cast %get3A_322 : vector<1x16xf32> to vector<16xf32>
          %mul3A_324 = vector.broadcast %squeeze3A_319 : f32 to vector<16xf32>
          %mul3A_325 = arith.mulf %mul3A_324, %get3A_323 : vector<16xf32>
          %slice3A_326 = vector.extract_strided_slice %get3A_116 {offsets = [1], sizes = [1], strides = [1]} : vector<16xf32> to vector<1xf32>
          %squeeze3A_327 = vector.extract %slice3A_326[0] : f32 from vector<1xf32>
          %add3A_328 = arith.constant 1 : i32
          %add3A_329 = arith.addi %mul3A_112, %add3A_328 : i32
          %get3A_330 = arith.index_cast %add3A_329 : i32 to index
          %get3A_331 = arith.constant 48 : index
          %get3A_332 = tpu.vector_load %arg10[%get3A_330, %get3A_331] {strides = array<i32>} : memref<280x128xf32, #tpu.memory_space<vmem>>, vector<1x16xf32>,
          %get3A_333 = vector.shape_cast %get3A_332 : vector<1x16xf32> to vector<16xf32>
          %mul3A_334 = vector.broadcast %squeeze3A_327 : f32 to vector<16xf32>
          %mul3A_335 = arith.mulf %mul3A_334, %get3A_333 : vector<16xf32>
          %add3A_336 = arith.addf %mul3A_325, %mul3A_335 : vector<16xf32>
          %slice3A_337 = vector.extract_strided_slice %get3A_116 {offsets = [2], sizes = [1], strides = [1]} : vector<16xf32> to vector<1xf32>
          %squeeze3A_338 = vector.extract %slice3A_337[0] : f32 from vector<1xf32>
          %add3A_339 = arith.constant 2 : i32
          %add3A_340 = arith.addi %mul3A_112, %add3A_339 : i32
          %get3A_341 = arith.index_cast %add3A_340 : i32 to index
          %get3A_342 = arith.constant 48 : index
          %get3A_343 = tpu.vector_load %arg10[%get3A_341, %get3A_342] {strides = array<i32>} : memref<280x128xf32, #tpu.memory_space<vmem>>, vector<1x16xf32>,
          %get3A_344 = vector.shape_cast %get3A_343 : vector<1x16xf32> to vector<16xf32>
          %mul3A_345 = vector.broadcast %squeeze3A_338 : f32 to vector<16xf32>
          %mul3A_346 = arith.mulf %mul3A_345, %get3A_344 : vector<16xf32>
          %add3A_347 = arith.addf %add3A_336, %mul3A_346 : vector<16xf32>
          %slice3A_348 = vector.extract_strided_slice %get3A_116 {offsets = [3], sizes = [1], strides = [1]} : vector<16xf32> to vector<1xf32>
          %squeeze3A_349 = vector.extract %slice3A_348[0] : f32 from vector<1xf32>
          %add3A_350 = arith.constant 3 : i32
          %add3A_351 = arith.addi %mul3A_112, %add3A_350 : i32
          %get3A_352 = arith.index_cast %add3A_351 : i32 to index
          %get3A_353 = arith.constant 48 : index
          %get3A_354 = tpu.vector_load %arg10[%get3A_352, %get3A_353] {strides = array<i32>} : memref<280x128xf32, #tpu.memory_space<vmem>>, vector<1x16xf32>,
          %get3A_355 = vector.shape_cast %get3A_354 : vector<1x16xf32> to vector<16xf32>
          %mul3A_356 = vector.broadcast %squeeze3A_349 : f32 to vector<16xf32>
          %mul3A_357 = arith.mulf %mul3A_356, %get3A_355 : vector<16xf32>
          %add3A_358 = arith.addf %add3A_347, %mul3A_357 : vector<16xf32>
          %slice3A_359 = vector.extract_strided_slice %get3A_116 {offsets = [4], sizes = [1], strides = [1]} : vector<16xf32> to vector<1xf32>
          %squeeze3A_360 = vector.extract %slice3A_359[0] : f32 from vector<1xf32>
          %add3A_361 = arith.constant 4 : i32
          %add3A_362 = arith.addi %mul3A_112, %add3A_361 : i32
          %get3A_363 = arith.index_cast %add3A_362 : i32 to index
          %get3A_364 = arith.constant 48 : index
          %get3A_365 = tpu.vector_load %arg10[%get3A_363, %get3A_364] {strides = array<i32>} : memref<280x128xf32, #tpu.memory_space<vmem>>, vector<1x16xf32>,
          %get3A_366 = vector.shape_cast %get3A_365 : vector<1x16xf32> to vector<16xf32>
          %mul3A_367 = vector.broadcast %squeeze3A_360 : f32 to vector<16xf32>
          %mul3A_368 = arith.mulf %mul3A_367, %get3A_366 : vector<16xf32>
          %add3A_369 = arith.addf %add3A_358, %mul3A_368 : vector<16xf32>
          %slice3A_370 = vector.extract_strided_slice %get3A_116 {offsets = [5], sizes = [1], strides = [1]} : vector<16xf32> to vector<1xf32>
          %squeeze3A_371 = vector.extract %slice3A_370[0] : f32 from vector<1xf32>
          %add3A_372 = arith.constant 5 : i32
          %add3A_373 = arith.addi %mul3A_112, %add3A_372 : i32
          %get3A_374 = arith.index_cast %add3A_373 : i32 to index
          %get3A_375 = arith.constant 48 : index
          %get3A_376 = tpu.vector_load %arg10[%get3A_374, %get3A_375] {strides = array<i32>} : memref<280x128xf32, #tpu.memory_space<vmem>>, vector<1x16xf32>,
          %get3A_377 = vector.shape_cast %get3A_376 : vector<1x16xf32> to vector<16xf32>
          %mul3A_378 = vector.broadcast %squeeze3A_371 : f32 to vector<16xf32>
          %mul3A_379 = arith.mulf %mul3A_378, %get3A_377 : vector<16xf32>
          %add3A_380 = arith.addf %add3A_369, %mul3A_379 : vector<16xf32>
          %swap3A_381 = arith.index_cast %add3A_110 : i32 to index
          %swap3A_382 = arith.constant 48 : index
          %swap3A_383 = tpu.vector_load %arg14[%swap3A_381, %swap3A_382] {strides = array<i32>} : memref<40x128xf32, #tpu.memory_space<vmem>>, vector<1x16xf32>,
          %swap3A_384 = vector.shape_cast %swap3A_383 : vector<1x16xf32> to vector<16xf32>
          %swap3A_385 = vector.shape_cast %add3A_380 : vector<16xf32> to vector<1x16xf32>
          tpu.vector_store %arg14[%swap3A_381, %swap3A_382], %swap3A_385 {strides = array<i32>} : memref<40x128xf32, #tpu.memory_space<vmem>>, vector<1x16xf32>,
          %slice3A_386 = vector.extract_strided_slice %get3A_116 {offsets = [0], sizes = [1], strides = [1]} : vector<16xf32> to vector<1xf32>
          %squeeze3A_387 = vector.extract %slice3A_386[0] : f32 from vector<1xf32>
          %get3A_388 = arith.index_cast %mul3A_112 : i32 to index
          %get3A_389 = arith.constant 64 : index
          %get3A_390 = tpu.vector_load %arg10[%get3A_388, %get3A_389] {strides = array<i32>} : memref<280x128xf32, #tpu.memory_space<vmem>>, vector<1x16xf32>,
          %get3A_391 = vector.shape_cast %get3A_390 : vector<1x16xf32> to vector<16xf32>
          %mul3A_392 = vector.broadcast %squeeze3A_387 : f32 to vector<16xf32>
          %mul3A_393 = arith.mulf %mul3A_392, %get3A_391 : vector<16xf32>
          %slice3A_394 = vector.extract_strided_slice %get3A_116 {offsets = [1], sizes = [1], strides = [1]} : vector<16xf32> to vector<1xf32>
          %squeeze3A_395 = vector.extract %slice3A_394[0] : f32 from vector<1xf32>
          %add3A_396 = arith.constant 1 : i32
          %add3A_397 = arith.addi %mul3A_112, %add3A_396 : i32
          %get3A_398 = arith.index_cast %add3A_397 : i32 to index
          %get3A_399 = arith.constant 64 : index
          %get3A_400 = tpu.vector_load %arg10[%get3A_398, %get3A_399] {strides = array<i32>} : memref<280x128xf32, #tpu.memory_space<vmem>>, vector<1x16xf32>,
          %get3A_401 = vector.shape_cast %get3A_400 : vector<1x16xf32> to vector<16xf32>
          %mul3A_402 = vector.broadcast %squeeze3A_395 : f32 to vector<16xf32>
          %mul3A_403 = arith.mulf %mul3A_402, %get3A_401 : vector<16xf32>
          %add3A_404 = arith.addf %mul3A_393, %mul3A_403 : vector<16xf32>
          %slice3A_405 = vector.extract_strided_slice %get3A_116 {offsets = [2], sizes = [1], strides = [1]} : vector<16xf32> to vector<1xf32>
          %squeeze3A_406 = vector.extract %slice3A_405[0] : f32 from vector<1xf32>
          %add3A_407 = arith.constant 2 : i32
          %add3A_408 = arith.addi %mul3A_112, %add3A_407 : i32
          %get3A_409 = arith.index_cast %add3A_408 : i32 to index
          %get3A_410 = arith.constant 64 : index
          %get3A_411 = tpu.vector_load %arg10[%get3A_409, %get3A_410] {strides = array<i32>} : memref<280x128xf32, #tpu.memory_space<vmem>>, vector<1x16xf32>,
          %get3A_412 = vector.shape_cast %get3A_411 : vector<1x16xf32> to vector<16xf32>
          %mul3A_413 = vector.broadcast %squeeze3A_406 : f32 to vector<16xf32>
          %mul3A_414 = arith.mulf %mul3A_413, %get3A_412 : vector<16xf32>
          %add3A_415 = arith.addf %add3A_404, %mul3A_414 : vector<16xf32>
          %slice3A_416 = vector.extract_strided_slice %get3A_116 {offsets = [3], sizes = [1], strides = [1]} : vector<16xf32> to vector<1xf32>
          %squeeze3A_417 = vector.extract %slice3A_416[0] : f32 from vector<1xf32>
          %add3A_418 = arith.constant 3 : i32
          %add3A_419 = arith.addi %mul3A_112, %add3A_418 : i32
          %get3A_420 = arith.index_cast %add3A_419 : i32 to index
          %get3A_421 = arith.constant 64 : index
          %get3A_422 = tpu.vector_load %arg10[%get3A_420, %get3A_421] {strides = array<i32>} : memref<280x128xf32, #tpu.memory_space<vmem>>, vector<1x16xf32>,
          %get3A_423 = vector.shape_cast %get3A_422 : vector<1x16xf32> to vector<16xf32>
          %mul3A_424 = vector.broadcast %squeeze3A_417 : f32 to vector<16xf32>
          %mul3A_425 = arith.mulf %mul3A_424, %get3A_423 : vector<16xf32>
          %add3A_426 = arith.addf %add3A_415, %mul3A_425 : vector<16xf32>
          %slice3A_427 = vector.extract_strided_slice %get3A_116 {offsets = [4], sizes = [1], strides = [1]} : vector<16xf32> to vector<1xf32>
          %squeeze3A_428 = vector.extract %slice3A_427[0] : f32 from vector<1xf32>
          %add3A_429 = arith.constant 4 : i32
          %add3A_430 = arith.addi %mul3A_112, %add3A_429 : i32
          %get3A_431 = arith.index_cast %add3A_430 : i32 to index
          %get3A_432 = arith.constant 64 : index
          %get3A_433 = tpu.vector_load %arg10[%get3A_431, %get3A_432] {strides = array<i32>} : memref<280x128xf32, #tpu.memory_space<vmem>>, vector<1x16xf32>,
          %get3A_434 = vector.shape_cast %get3A_433 : vector<1x16xf32> to vector<16xf32>
          %mul3A_435 = vector.broadcast %squeeze3A_428 : f32 to vector<16xf32>
          %mul3A_436 = arith.mulf %mul3A_435, %get3A_434 : vector<16xf32>
          %add3A_437 = arith.addf %add3A_426, %mul3A_436 : vector<16xf32>
          %slice3A_438 = vector.extract_strided_slice %get3A_116 {offsets = [5], sizes = [1], strides = [1]} : vector<16xf32> to vector<1xf32>
          %squeeze3A_439 = vector.extract %slice3A_438[0] : f32 from vector<1xf32>
          %add3A_440 = arith.constant 5 : i32
          %add3A_441 = arith.addi %mul3A_112, %add3A_440 : i32
          %get3A_442 = arith.index_cast %add3A_441 : i32 to index
          %get3A_443 = arith.constant 64 : index
          %get3A_444 = tpu.vector_load %arg10[%get3A_442, %get3A_443] {strides = array<i32>} : memref<280x128xf32, #tpu.memory_space<vmem>>, vector<1x16xf32>,
          %get3A_445 = vector.shape_cast %get3A_444 : vector<1x16xf32> to vector<16xf32>
          %mul3A_446 = vector.broadcast %squeeze3A_439 : f32 to vector<16xf32>
          %mul3A_447 = arith.mulf %mul3A_446, %get3A_445 : vector<16xf32>
          %add3A_448 = arith.addf %add3A_437, %mul3A_447 : vector<16xf32>
          %swap3A_449 = arith.index_cast %add3A_110 : i32 to index
          %swap3A_450 = arith.constant 64 : index
          %swap3A_451 = tpu.vector_load %arg14[%swap3A_449, %swap3A_450] {strides = array<i32>} : memref<40x128xf32, #tpu.memory_space<vmem>>, vector<1x16xf32>,
          %swap3A_452 = vector.shape_cast %swap3A_451 : vector<1x16xf32> to vector<16xf32>
          %swap3A_453 = vector.shape_cast %add3A_448 : vector<16xf32> to vector<1x16xf32>
          tpu.vector_store %arg14[%swap3A_449, %swap3A_450], %swap3A_453 {strides = array<i32>} : memref<40x128xf32, #tpu.memory_space<vmem>>, vector<1x16xf32>,
          %slice3A_454 = vector.extract_strided_slice %get3A_116 {offsets = [0], sizes = [1], strides = [1]} : vector<16xf32> to vector<1xf32>
          %squeeze3A_455 = vector.extract %slice3A_454[0] : f32 from vector<1xf32>
          %get3A_456 = arith.index_cast %mul3A_112 : i32 to index
          %get3A_457 = arith.constant 80 : index
          %get3A_458 = tpu.vector_load %arg10[%get3A_456, %get3A_457] {strides = array<i32>} : memref<280x128xf32, #tpu.memory_space<vmem>>, vector<1x16xf32>,
          %get3A_459 = vector.shape_cast %get3A_458 : vector<1x16xf32> to vector<16xf32>
          %mul3A_460 = vector.broadcast %squeeze3A_455 : f32 to vector<16xf32>
          %mul3A_461 = arith.mulf %mul3A_460, %get3A_459 : vector<16xf32>
          %slice3A_462 = vector.extract_strided_slice %get3A_116 {offsets = [1], sizes = [1], strides = [1]} : vector<16xf32> to vector<1xf32>
          %squeeze3A_463 = vector.extract %slice3A_462[0] : f32 from vector<1xf32>
          %add3A_464 = arith.constant 1 : i32
          %add3A_465 = arith.addi %mul3A_112, %add3A_464 : i32
          %get3A_466 = arith.index_cast %add3A_465 : i32 to index
          %get3A_467 = arith.constant 80 : index
          %get3A_468 = tpu.vector_load %arg10[%get3A_466, %get3A_467] {strides = array<i32>} : memref<280x128xf32, #tpu.memory_space<vmem>>, vector<1x16xf32>,
          %get3A_469 = vector.shape_cast %get3A_468 : vector<1x16xf32> to vector<16xf32>
          %mul3A_470 = vector.broadcast %squeeze3A_463 : f32 to vector<16xf32>
          %mul3A_471 = arith.mulf %mul3A_470, %get3A_469 : vector<16xf32>
          %add3A_472 = arith.addf %mul3A_461, %mul3A_471 : vector<16xf32>
          %slice3A_473 = vector.extract_strided_slice %get3A_116 {offsets = [2], sizes = [1], strides = [1]} : vector<16xf32> to vector<1xf32>
          %squeeze3A_474 = vector.extract %slice3A_473[0] : f32 from vector<1xf32>
          %add3A_475 = arith.constant 2 : i32
          %add3A_476 = arith.addi %mul3A_112, %add3A_475 : i32
          %get3A_477 = arith.index_cast %add3A_476 : i32 to index
          %get3A_478 = arith.constant 80 : index
          %get3A_479 = tpu.vector_load %arg10[%get3A_477, %get3A_478] {strides = array<i32>} : memref<280x128xf32, #tpu.memory_space<vmem>>, vector<1x16xf32>,
          %get3A_480 = vector.shape_cast %get3A_479 : vector<1x16xf32> to vector<16xf32>
          %mul3A_481 = vector.broadcast %squeeze3A_474 : f32 to vector<16xf32>
          %mul3A_482 = arith.mulf %mul3A_481, %get3A_480 : vector<16xf32>
          %add3A_483 = arith.addf %add3A_472, %mul3A_482 : vector<16xf32>
          %slice3A_484 = vector.extract_strided_slice %get3A_116 {offsets = [3], sizes = [1], strides = [1]} : vector<16xf32> to vector<1xf32>
          %squeeze3A_485 = vector.extract %slice3A_484[0] : f32 from vector<1xf32>
          %add3A_486 = arith.constant 3 : i32
          %add3A_487 = arith.addi %mul3A_112, %add3A_486 : i32
          %get3A_488 = arith.index_cast %add3A_487 : i32 to index
          %get3A_489 = arith.constant 80 : index
          %get3A_490 = tpu.vector_load %arg10[%get3A_488, %get3A_489] {strides = array<i32>} : memref<280x128xf32, #tpu.memory_space<vmem>>, vector<1x16xf32>,
          %get3A_491 = vector.shape_cast %get3A_490 : vector<1x16xf32> to vector<16xf32>
          %mul3A_492 = vector.broadcast %squeeze3A_485 : f32 to vector<16xf32>
          %mul3A_493 = arith.mulf %mul3A_492, %get3A_491 : vector<16xf32>
          %add3A_494 = arith.addf %add3A_483, %mul3A_493 : vector<16xf32>
          %slice3A_495 = vector.extract_strided_slice %get3A_116 {offsets = [4], sizes = [1], strides = [1]} : vector<16xf32> to vector<1xf32>
          %squeeze3A_496 = vector.extract %slice3A_495[0] : f32 from vector<1xf32>
          %add3A_497 = arith.constant 4 : i32
          %add3A_498 = arith.addi %mul3A_112, %add3A_497 : i32
          %get3A_499 = arith.index_cast %add3A_498 : i32 to index
          %get3A_500 = arith.constant 80 : index
          %get3A_501 = tpu.vector_load %arg10[%get3A_499, %get3A_500] {strides = array<i32>} : memref<280x128xf32, #tpu.memory_space<vmem>>, vector<1x16xf32>,
          %get3A_502 = vector.shape_cast %get3A_501 : vector<1x16xf32> to vector<16xf32>
          %mul3A_503 = vector.broadcast %squeeze3A_496 : f32 to vector<16xf32>
          %mul3A_504 = arith.mulf %mul3A_503, %get3A_502 : vector<16xf32>
          %add3A_505 = arith.addf %add3A_494, %mul3A_504 : vector<16xf32>
          %slice3A_506 = vector.extract_strided_slice %get3A_116 {offsets = [5], sizes = [1], strides = [1]} : vector<16xf32> to vector<1xf32>
          %squeeze3A_507 = vector.extract %slice3A_506[0] : f32 from vector<1xf32>
          %add3A_508 = arith.constant 5 : i32
          %add3A_509 = arith.addi %mul3A_112, %add3A_508 : i32
          %get3A_510 = arith.index_cast %add3A_509 : i32 to index
          %get3A_511 = arith.constant 80 : index
          %get3A_512 = tpu.vector_load %arg10[%get3A_510, %get3A_511] {strides = array<i32>} : memref<280x128xf32, #tpu.memory_space<vmem>>, vector<1x16xf32>,
          %get3A_513 = vector.shape_cast %get3A_512 : vector<1x16xf32> to vector<16xf32>
          %mul3A_514 = vector.broadcast %squeeze3A_507 : f32 to vector<16xf32>
          %mul3A_515 = arith.mulf %mul3A_514, %get3A_513 : vector<16xf32>
          %add3A_516 = arith.addf %add3A_505, %mul3A_515 : vector<16xf32>
          %swap3A_517 = arith.index_cast %add3A_110 : i32 to index
          %swap3A_518 = arith.constant 80 : index
          %swap3A_519 = tpu.vector_load %arg14[%swap3A_517, %swap3A_518] {strides = array<i32>} : memref<40x128xf32, #tpu.memory_space<vmem>>, vector<1x16xf32>,
          %swap3A_520 = vector.shape_cast %swap3A_519 : vector<1x16xf32> to vector<16xf32>
          %swap3A_521 = vector.shape_cast %add3A_516 : vector<16xf32> to vector<1x16xf32>
          tpu.vector_store %arg14[%swap3A_517, %swap3A_518], %swap3A_521 {strides = array<i32>} : memref<40x128xf32, #tpu.memory_space<vmem>>, vector<1x16xf32>,
          %slice3A_522 = vector.extract_strided_slice %get3A_116 {offsets = [0], sizes = [1], strides = [1]} : vector<16xf32> to vector<1xf32>
          %squeeze3A_523 = vector.extract %slice3A_522[0] : f32 from vector<1xf32>
          %get3A_524 = arith.index_cast %mul3A_112 : i32 to index
          %get3A_525 = arith.constant 96 : index
          %get3A_526 = tpu.vector_load %arg10[%get3A_524, %get3A_525] {strides = array<i32>} : memref<280x128xf32, #tpu.memory_space<vmem>>, vector<1x16xf32>,
          %get3A_527 = vector.shape_cast %get3A_526 : vector<1x16xf32> to vector<16xf32>
          %mul3A_528 = vector.broadcast %squeeze3A_523 : f32 to vector<16xf32>
          %mul3A_529 = arith.mulf %mul3A_528, %get3A_527 : vector<16xf32>
          %slice3A_530 = vector.extract_strided_slice %get3A_116 {offsets = [1], sizes = [1], strides = [1]} : vector<16xf32> to vector<1xf32>
          %squeeze3A_531 = vector.extract %slice3A_530[0] : f32 from vector<1xf32>
          %add3A_532 = arith.constant 1 : i32
          %add3A_533 = arith.addi %mul3A_112, %add3A_532 : i32
          %get3A_534 = arith.index_cast %add3A_533 : i32 to index
          %get3A_535 = arith.constant 96 : index
          %get3A_536 = tpu.vector_load %arg10[%get3A_534, %get3A_535] {strides = array<i32>} : memref<280x128xf32, #tpu.memory_space<vmem>>, vector<1x16xf32>,
          %get3A_537 = vector.shape_cast %get3A_536 : vector<1x16xf32> to vector<16xf32>
          %mul3A_538 = vector.broadcast %squeeze3A_531 : f32 to vector<16xf32>
          %mul3A_539 = arith.mulf %mul3A_538, %get3A_537 : vector<16xf32>
          %add3A_540 = arith.addf %mul3A_529, %mul3A_539 : vector<16xf32>
          %slice3A_541 = vector.extract_strided_slice %get3A_116 {offsets = [2], sizes = [1], strides = [1]} : vector<16xf32> to vector<1xf32>
          %squeeze3A_542 = vector.extract %slice3A_541[0] : f32 from vector<1xf32>
          %add3A_543 = arith.constant 2 : i32
          %add3A_544 = arith.addi %mul3A_112, %add3A_543 : i32
          %get3A_545 = arith.index_cast %add3A_544 : i32 to index
          %get3A_546 = arith.constant 96 : index
          %get3A_547 = tpu.vector_load %arg10[%get3A_545, %get3A_546] {strides = array<i32>} : memref<280x128xf32, #tpu.memory_space<vmem>>, vector<1x16xf32>,
          %get3A_548 = vector.shape_cast %get3A_547 : vector<1x16xf32> to vector<16xf32>
          %mul3A_549 = vector.broadcast %squeeze3A_542 : f32 to vector<16xf32>
          %mul3A_550 = arith.mulf %mul3A_549, %get3A_548 : vector<16xf32>
          %add3A_551 = arith.addf %add3A_540, %mul3A_550 : vector<16xf32>
          %slice3A_552 = vector.extract_strided_slice %get3A_116 {offsets = [3], sizes = [1], strides = [1]} : vector<16xf32> to vector<1xf32>
          %squeeze3A_553 = vector.extract %slice3A_552[0] : f32 from vector<1xf32>
          %add3A_554 = arith.constant 3 : i32
          %add3A_555 = arith.addi %mul3A_112, %add3A_554 : i32
          %get3A_556 = arith.index_cast %add3A_555 : i32 to index
          %get3A_557 = arith.constant 96 : index
          %get3A_558 = tpu.vector_load %arg10[%get3A_556, %get3A_557] {strides = array<i32>} : memref<280x128xf32, #tpu.memory_space<vmem>>, vector<1x16xf32>,
          %get3A_559 = vector.shape_cast %get3A_558 : vector<1x16xf32> to vector<16xf32>
          %mul3A_560 = vector.broadcast %squeeze3A_553 : f32 to vector<16xf32>
          %mul3A_561 = arith.mulf %mul3A_560, %get3A_559 : vector<16xf32>
          %add3A_562 = arith.addf %add3A_551, %mul3A_561 : vector<16xf32>
          %slice3A_563 = vector.extract_strided_slice %get3A_116 {offsets = [4], sizes = [1], strides = [1]} : vector<16xf32> to vector<1xf32>
          %squeeze3A_564 = vector.extract %slice3A_563[0] : f32 from vector<1xf32>
          %add3A_565 = arith.constant 4 : i32
          %add3A_566 = arith.addi %mul3A_112, %add3A_565 : i32
          %get3A_567 = arith.index_cast %add3A_566 : i32 to index
          %get3A_568 = arith.constant 96 : index
          %get3A_569 = tpu.vector_load %arg10[%get3A_567, %get3A_568] {strides = array<i32>} : memref<280x128xf32, #tpu.memory_space<vmem>>, vector<1x16xf32>,
          %get3A_570 = vector.shape_cast %get3A_569 : vector<1x16xf32> to vector<16xf32>
          %mul3A_571 = vector.broadcast %squeeze3A_564 : f32 to vector<16xf32>
          %mul3A_572 = arith.mulf %mul3A_571, %get3A_570 : vector<16xf32>
          %add3A_573 = arith.addf %add3A_562, %mul3A_572 : vector<16xf32>
          %slice3A_574 = vector.extract_strided_slice %get3A_116 {offsets = [5], sizes = [1], strides = [1]} : vector<16xf32> to vector<1xf32>
          %squeeze3A_575 = vector.extract %slice3A_574[0] : f32 from vector<1xf32>
          %add3A_576 = arith.constant 5 : i32
          %add3A_577 = arith.addi %mul3A_112, %add3A_576 : i32
          %get3A_578 = arith.index_cast %add3A_577 : i32 to index
          %get3A_579 = arith.constant 96 : index
          %get3A_580 = tpu.vector_load %arg10[%get3A_578, %get3A_579] {strides = array<i32>} : memref<280x128xf32, #tpu.memory_space<vmem>>, vector<1x16xf32>,
          %get3A_581 = vector.shape_cast %get3A_580 : vector<1x16xf32> to vector<16xf32>
          %mul3A_582 = vector.broadcast %squeeze3A_575 : f32 to vector<16xf32>
          %mul3A_583 = arith.mulf %mul3A_582, %get3A_581 : vector<16xf32>
          %add3A_584 = arith.addf %add3A_573, %mul3A_583 : vector<16xf32>
          %swap3A_585 = arith.index_cast %add3A_110 : i32 to index
          %swap3A_586 = arith.constant 96 : index
          %swap3A_587 = tpu.vector_load %arg14[%swap3A_585, %swap3A_586] {strides = array<i32>} : memref<40x128xf32, #tpu.memory_space<vmem>>, vector<1x16xf32>,
          %swap3A_588 = vector.shape_cast %swap3A_587 : vector<1x16xf32> to vector<16xf32>
          %swap3A_589 = vector.shape_cast %add3A_584 : vector<16xf32> to vector<1x16xf32>
          tpu.vector_store %arg14[%swap3A_585, %swap3A_586], %swap3A_589 {strides = array<i32>} : memref<40x128xf32, #tpu.memory_space<vmem>>, vector<1x16xf32>,
          %slice3A_590 = vector.extract_strided_slice %get3A_116 {offsets = [0], sizes = [1], strides = [1]} : vector<16xf32> to vector<1xf32>
          %squeeze3A_591 = vector.extract %slice3A_590[0] : f32 from vector<1xf32>
          %get3A_592 = arith.index_cast %mul3A_112 : i32 to index
          %get3A_593 = arith.constant 112 : index
          %get3A_594 = tpu.vector_load %arg10[%get3A_592, %get3A_593] {strides = array<i32>} : memref<280x128xf32, #tpu.memory_space<vmem>>, vector<1x16xf32>,
          %get3A_595 = vector.shape_cast %get3A_594 : vector<1x16xf32> to vector<16xf32>
          %mul3A_596 = vector.broadcast %squeeze3A_591 : f32 to vector<16xf32>
          %mul3A_597 = arith.mulf %mul3A_596, %get3A_595 : vector<16xf32>
          %slice3A_598 = vector.extract_strided_slice %get3A_116 {offsets = [1], sizes = [1], strides = [1]} : vector<16xf32> to vector<1xf32>
          %squeeze3A_599 = vector.extract %slice3A_598[0] : f32 from vector<1xf32>
          %add3A_600 = arith.constant 1 : i32
          %add3A_601 = arith.addi %mul3A_112, %add3A_600 : i32
          %get3A_602 = arith.index_cast %add3A_601 : i32 to index
          %get3A_603 = arith.constant 112 : index
          %get3A_604 = tpu.vector_load %arg10[%get3A_602, %get3A_603] {strides = array<i32>} : memref<280x128xf32, #tpu.memory_space<vmem>>, vector<1x16xf32>,
          %get3A_605 = vector.shape_cast %get3A_604 : vector<1x16xf32> to vector<16xf32>
          %mul3A_606 = vector.broadcast %squeeze3A_599 : f32 to vector<16xf32>
          %mul3A_607 = arith.mulf %mul3A_606, %get3A_605 : vector<16xf32>
          %add3A_608 = arith.addf %mul3A_597, %mul3A_607 : vector<16xf32>
          %slice3A_609 = vector.extract_strided_slice %get3A_116 {offsets = [2], sizes = [1], strides = [1]} : vector<16xf32> to vector<1xf32>
          %squeeze3A_610 = vector.extract %slice3A_609[0] : f32 from vector<1xf32>
          %add3A_611 = arith.constant 2 : i32
          %add3A_612 = arith.addi %mul3A_112, %add3A_611 : i32
          %get3A_613 = arith.index_cast %add3A_612 : i32 to index
          %get3A_614 = arith.constant 112 : index
          %get3A_615 = tpu.vector_load %arg10[%get3A_613, %get3A_614] {strides = array<i32>} : memref<280x128xf32, #tpu.memory_space<vmem>>, vector<1x16xf32>,
          %get3A_616 = vector.shape_cast %get3A_615 : vector<1x16xf32> to vector<16xf32>
          %mul3A_617 = vector.broadcast %squeeze3A_610 : f32 to vector<16xf32>
          %mul3A_618 = arith.mulf %mul3A_617, %get3A_616 : vector<16xf32>
          %add3A_619 = arith.addf %add3A_608, %mul3A_618 : vector<16xf32>
          %slice3A_620 = vector.extract_strided_slice %get3A_116 {offsets = [3], sizes = [1], strides = [1]} : vector<16xf32> to vector<1xf32>
          %squeeze3A_621 = vector.extract %slice3A_620[0] : f32 from vector<1xf32>
          %add3A_622 = arith.constant 3 : i32
          %add3A_623 = arith.addi %mul3A_112, %add3A_622 : i32
          %get3A_624 = arith.index_cast %add3A_623 : i32 to index
          %get3A_625 = arith.constant 112 : index
          %get3A_626 = tpu.vector_load %arg10[%get3A_624, %get3A_625] {strides = array<i32>} : memref<280x128xf32, #tpu.memory_space<vmem>>, vector<1x16xf32>,
          %get3A_627 = vector.shape_cast %get3A_626 : vector<1x16xf32> to vector<16xf32>
          %mul3A_628 = vector.broadcast %squeeze3A_621 : f32 to vector<16xf32>
          %mul3A_629 = arith.mulf %mul3A_628, %get3A_627 : vector<16xf32>
          %add3A_630 = arith.addf %add3A_619, %mul3A_629 : vector<16xf32>
          %slice3A_631 = vector.extract_strided_slice %get3A_116 {offsets = [4], sizes = [1], strides = [1]} : vector<16xf32> to vector<1xf32>
          %squeeze3A_632 = vector.extract %slice3A_631[0] : f32 from vector<1xf32>
          %add3A_633 = arith.constant 4 : i32
          %add3A_634 = arith.addi %mul3A_112, %add3A_633 : i32
          %get3A_635 = arith.index_cast %add3A_634 : i32 to index
          %get3A_636 = arith.constant 112 : index
          %get3A_637 = tpu.vector_load %arg10[%get3A_635, %get3A_636] {strides = array<i32>} : memref<280x128xf32, #tpu.memory_space<vmem>>, vector<1x16xf32>,
          %get3A_638 = vector.shape_cast %get3A_637 : vector<1x16xf32> to vector<16xf32>
          %mul3A_639 = vector.broadcast %squeeze3A_632 : f32 to vector<16xf32>
          %mul3A_640 = arith.mulf %mul3A_639, %get3A_638 : vector<16xf32>
          %add3A_641 = arith.addf %add3A_630, %mul3A_640 : vector<16xf32>
          %slice3A_642 = vector.extract_strided_slice %get3A_116 {offsets = [5], sizes = [1], strides = [1]} : vector<16xf32> to vector<1xf32>
          %squeeze3A_643 = vector.extract %slice3A_642[0] : f32 from vector<1xf32>
          %add3A_644 = arith.constant 5 : i32
          %add3A_645 = arith.addi %mul3A_112, %add3A_644 : i32
          %get3A_646 = arith.index_cast %add3A_645 : i32 to index
          %get3A_647 = arith.constant 112 : index
          %get3A_648 = tpu.vector_load %arg10[%get3A_646, %get3A_647] {strides = array<i32>} : memref<280x128xf32, #tpu.memory_space<vmem>>, vector<1x16xf32>,
          %get3A_649 = vector.shape_cast %get3A_648 : vector<1x16xf32> to vector<16xf32>
          %mul3A_650 = vector.broadcast %squeeze3A_643 : f32 to vector<16xf32>
          %mul3A_651 = arith.mulf %mul3A_650, %get3A_649 : vector<16xf32>
          %add3A_652 = arith.addf %add3A_641, %mul3A_651 : vector<16xf32>
          %swap3A_653 = arith.index_cast %add3A_110 : i32 to index
          %swap3A_654 = arith.constant 112 : index
          %swap3A_655 = tpu.vector_load %arg14[%swap3A_653, %swap3A_654] {strides = array<i32>} : memref<40x128xf32, #tpu.memory_space<vmem>>, vector<1x16xf32>,
          %swap3A_656 = vector.shape_cast %swap3A_655 : vector<1x16xf32> to vector<16xf32>
          %swap3A_657 = vector.shape_cast %add3A_652 : vector<16xf32> to vector<1x16xf32>
          tpu.vector_store %arg14[%swap3A_653, %swap3A_654], %swap3A_657 {strides = array<i32>} : memref<40x128xf32, #tpu.memory_space<vmem>>, vector<1x16xf32>,
        }
        %scan3A_100 = arith.constant 40 : i32
        %add3A_101 = arith.constant 0 : i32
        %add3A_102 = arith.addi %add3A_101, %mul3A_83 : i32
        %dma_start3A = arith.constant 0 : i32
        %dma_start3A_103 = tpu.memref_slice %arg7[%add3A_102, %dma_start3A] : memref<50000x128xf32, #tpu.memory_space<hbm>> -> memref<40x128xf32, #tpu.memory_space<hbm>>
        %dma_start3A_104 = arith.constant 0 : i32
        %dma_start3A_105 = tpu.memref_slice %arg7[%add3A_102, %dma_start3A_104] : memref<50000x128xf32, #tpu.memory_space<hbm>> -> memref<40x128xf32, #tpu.memory_space<hbm>>
        tpu.enqueue_dma source(%arg14 : memref<40x128xf32, #tpu.memory_space<vmem>>) target(%dma_start3A_105 : memref<40x128xf32, #tpu.memory_space<hbm>>) target_semaphore(%arg18 : memref<!tpu.dma_semaphore, #tpu.memory_space<semaphore_mem>>)
      } else {
      }
      %ge3A_49 = arith.constant 1000 : i32
      %ge3A_50 = arith.cmpi sge, %add3A_43, %ge3A_49 : i32
      %lt3A_51 = arith.constant 1250 : i32
      %lt3A_52 = arith.cmpi slt, %add3A_43, %lt3A_51 : i32
      %and3A_53 = arith.andi %ge3A_50, %lt3A_52 : i1
      %convert_element_type3A_54 = arith.extui %and3A_53 : i1 to i32
      %cond3A_55 = arith.constant 0 : i32
      %cond3A_56 = arith.cmpi ne, %convert_element_type3A_54, %cond3A_55 : i32
      scf.if %cond3A_56 {
        %sub3A = arith.constant 1000 : i32
        %sub3A_82 = arith.subi %add3A_43, %sub3A : i32
        %mul3A_83 = arith.constant 40 : i32
        %mul3A_84 = arith.muli %sub3A_82, %mul3A_83 : i32
        %dma_wait3A_85 = arith.constant 0 : i32
        %dma_wait3A_86 = arith.constant 0 : i32
        %dma_wait3A_87 = tpu.memref_slice %arg10[%dma_wait3A_85, %dma_wait3A_86] : memref<280x128xf32, #tpu.memory_space<vmem>> -> memref<280x128xf32, #tpu.memory_space<vmem>>
        %dma_wait3A_88 = arith.constant 0 : i32
        %dma_wait3A_89 = arith.constant 0 : i32
        %dma_wait3A_90 = tpu.memref_slice %arg2[%dma_wait3A_88, %dma_wait3A_89] : memref<100000x128xf32, #tpu.memory_space<hbm>> -> memref<280x128xf32, #tpu.memory_space<hbm>>
        %dma_wait3A_91 = arith.constant 0 : i32
        %dma_wait3A_92 = arith.constant 0 : i32
        %dma_wait3A_93 = tpu.memref_slice %arg10[%dma_wait3A_91, %dma_wait3A_92] : memref<280x128xf32, #tpu.memory_space<vmem>> -> memref<280x128xf32, #tpu.memory_space<vmem>>
        %dma_wait3A_94 = arith.constant 0 : i32
        %dma_wait3A_95 = arith.constant 0 : i32
        %dma_wait3A_96 = tpu.memref_slice %arg2[%dma_wait3A_94, %dma_wait3A_95] : memref<100000x128xf32, #tpu.memory_space<hbm>> -> memref<280x128xf32, #tpu.memory_space<hbm>>
        tpu.wait_dma2 semaphore(%arg16 : memref<!tpu.dma_semaphore, #tpu.memory_space<semaphore_mem>>) src(%dma_wait3A_96 : memref<280x128xf32, #tpu.memory_space<hbm>>) dst(%dma_wait3A_93 : memref<280x128xf32, #tpu.memory_space<vmem>>)
        %scan3A_97 = arith.constant 0 : i32
        %scan3A_98 = arith.constant 40 : i32
        %scan3A_99 = arith.addi %scan3A_97, %scan3A_98 : i32
        %scan3A_100 = arith.constant 1 : i32
        scf.for %scan3A_107 = %scan3A_97 to %scan3A_99 step %scan3A_100  : i32 {
          %mul3A_108 = arith.constant 1 : i32
          %mul3A_109 = arith.muli %scan3A_107, %mul3A_108 : i32
          %add3A_110 = arith.constant 0 : i32
          %add3A_111 = arith.addi %add3A_110, %mul3A_109 : i32
          %mul3A_112 = arith.constant 7 : i32
          %mul3A_113 = arith.muli %add3A_111, %mul3A_112 : i32
          %mul3A_114 = arith.constant 16 : i32
          %mul3A_115 = arith.muli %add3A_111, %mul3A_114 : i32
          %multiple_of3A = tpu.assume_multiple %mul3A_115, 16 : i32
          %get3A = arith.index_cast %multiple_of3A : i32 to index
          %get3A_116 = tpu.vector_load %arg12[%get3A] {strides = array<i32>} : memref<640xf32, #tpu.memory_space<vmem>>, vector<16xf32>,
          %get3A_117 = vector.shape_cast %get3A_116 : vector<16xf32> to vector<16xf32>
          %slice3A = vector.extract_strided_slice %get3A_117 {offsets = [0], sizes = [1], strides = [1]} : vector<16xf32> to vector<1xf32>
          %squeeze3A = vector.extract %slice3A[0] : f32 from vector<1xf32>
          %get3A_118 = arith.index_cast %mul3A_113 : i32 to index
          %get3A_119 = arith.constant 0 : index
          %get3A_120 = tpu.vector_load %arg10[%get3A_118, %get3A_119] {strides = array<i32>} : memref<280x128xf32, #tpu.memory_space<vmem>>, vector<1x16xf32>,
          %get3A_121 = vector.shape_cast %get3A_120 : vector<1x16xf32> to vector<16xf32>
          %mul3A_122 = vector.broadcast %squeeze3A : f32 to vector<16xf32>
          %mul3A_123 = arith.mulf %mul3A_122, %get3A_121 : vector<16xf32>
          %slice3A_124 = vector.extract_strided_slice %get3A_117 {offsets = [1], sizes = [1], strides = [1]} : vector<16xf32> to vector<1xf32>
          %squeeze3A_125 = vector.extract %slice3A_124[0] : f32 from vector<1xf32>
          %add3A_126 = arith.constant 1 : i32
          %add3A_127 = arith.addi %mul3A_113, %add3A_126 : i32
          %get3A_128 = arith.index_cast %add3A_127 : i32 to index
          %get3A_129 = arith.constant 0 : index
          %get3A_130 = tpu.vector_load %arg10[%get3A_128, %get3A_129] {strides = array<i32>} : memref<280x128xf32, #tpu.memory_space<vmem>>, vector<1x16xf32>,
          %get3A_131 = vector.shape_cast %get3A_130 : vector<1x16xf32> to vector<16xf32>
          %mul3A_132 = vector.broadcast %squeeze3A_125 : f32 to vector<16xf32>
          %mul3A_133 = arith.mulf %mul3A_132, %get3A_131 : vector<16xf32>
          %add3A_134 = arith.addf %mul3A_123, %mul3A_133 : vector<16xf32>
          %slice3A_135 = vector.extract_strided_slice %get3A_117 {offsets = [2], sizes = [1], strides = [1]} : vector<16xf32> to vector<1xf32>
          %squeeze3A_136 = vector.extract %slice3A_135[0] : f32 from vector<1xf32>
          %add3A_137 = arith.constant 2 : i32
          %add3A_138 = arith.addi %mul3A_113, %add3A_137 : i32
          %get3A_139 = arith.index_cast %add3A_138 : i32 to index
          %get3A_140 = arith.constant 0 : index
          %get3A_141 = tpu.vector_load %arg10[%get3A_139, %get3A_140] {strides = array<i32>} : memref<280x128xf32, #tpu.memory_space<vmem>>, vector<1x16xf32>,
          %get3A_142 = vector.shape_cast %get3A_141 : vector<1x16xf32> to vector<16xf32>
          %mul3A_143 = vector.broadcast %squeeze3A_136 : f32 to vector<16xf32>
          %mul3A_144 = arith.mulf %mul3A_143, %get3A_142 : vector<16xf32>
          %add3A_145 = arith.addf %add3A_134, %mul3A_144 : vector<16xf32>
          %slice3A_146 = vector.extract_strided_slice %get3A_117 {offsets = [3], sizes = [1], strides = [1]} : vector<16xf32> to vector<1xf32>
          %squeeze3A_147 = vector.extract %slice3A_146[0] : f32 from vector<1xf32>
          %add3A_148 = arith.constant 3 : i32
          %add3A_149 = arith.addi %mul3A_113, %add3A_148 : i32
          %get3A_150 = arith.index_cast %add3A_149 : i32 to index
          %get3A_151 = arith.constant 0 : index
          %get3A_152 = tpu.vector_load %arg10[%get3A_150, %get3A_151] {strides = array<i32>} : memref<280x128xf32, #tpu.memory_space<vmem>>, vector<1x16xf32>,
          %get3A_153 = vector.shape_cast %get3A_152 : vector<1x16xf32> to vector<16xf32>
          %mul3A_154 = vector.broadcast %squeeze3A_147 : f32 to vector<16xf32>
          %mul3A_155 = arith.mulf %mul3A_154, %get3A_153 : vector<16xf32>
          %add3A_156 = arith.addf %add3A_145, %mul3A_155 : vector<16xf32>
          %slice3A_157 = vector.extract_strided_slice %get3A_117 {offsets = [4], sizes = [1], strides = [1]} : vector<16xf32> to vector<1xf32>
          %squeeze3A_158 = vector.extract %slice3A_157[0] : f32 from vector<1xf32>
          %add3A_159 = arith.constant 4 : i32
          %add3A_160 = arith.addi %mul3A_113, %add3A_159 : i32
          %get3A_161 = arith.index_cast %add3A_160 : i32 to index
          %get3A_162 = arith.constant 0 : index
          %get3A_163 = tpu.vector_load %arg10[%get3A_161, %get3A_162] {strides = array<i32>} : memref<280x128xf32, #tpu.memory_space<vmem>>, vector<1x16xf32>,
          %get3A_164 = vector.shape_cast %get3A_163 : vector<1x16xf32> to vector<16xf32>
          %mul3A_165 = vector.broadcast %squeeze3A_158 : f32 to vector<16xf32>
          %mul3A_166 = arith.mulf %mul3A_165, %get3A_164 : vector<16xf32>
          %add3A_167 = arith.addf %add3A_156, %mul3A_166 : vector<16xf32>
          %slice3A_168 = vector.extract_strided_slice %get3A_117 {offsets = [5], sizes = [1], strides = [1]} : vector<16xf32> to vector<1xf32>
          %squeeze3A_169 = vector.extract %slice3A_168[0] : f32 from vector<1xf32>
          %add3A_170 = arith.constant 5 : i32
          %add3A_171 = arith.addi %mul3A_113, %add3A_170 : i32
          %get3A_172 = arith.index_cast %add3A_171 : i32 to index
          %get3A_173 = arith.constant 0 : index
          %get3A_174 = tpu.vector_load %arg10[%get3A_172, %get3A_173] {strides = array<i32>} : memref<280x128xf32, #tpu.memory_space<vmem>>, vector<1x16xf32>,
          %get3A_175 = vector.shape_cast %get3A_174 : vector<1x16xf32> to vector<16xf32>
          %mul3A_176 = vector.broadcast %squeeze3A_169 : f32 to vector<16xf32>
          %mul3A_177 = arith.mulf %mul3A_176, %get3A_175 : vector<16xf32>
          %add3A_178 = arith.addf %add3A_167, %mul3A_177 : vector<16xf32>
          %slice3A_179 = vector.extract_strided_slice %get3A_117 {offsets = [6], sizes = [1], strides = [1]} : vector<16xf32> to vector<1xf32>
          %squeeze3A_180 = vector.extract %slice3A_179[0] : f32 from vector<1xf32>
          %add3A_181 = arith.constant 6 : i32
          %add3A_182 = arith.addi %mul3A_113, %add3A_181 : i32
          %get3A_183 = arith.index_cast %add3A_182 : i32 to index
          %get3A_184 = arith.constant 0 : index
          %get3A_185 = tpu.vector_load %arg10[%get3A_183, %get3A_184] {strides = array<i32>} : memref<280x128xf32, #tpu.memory_space<vmem>>, vector<1x16xf32>,
          %get3A_186 = vector.shape_cast %get3A_185 : vector<1x16xf32> to vector<16xf32>
          %mul3A_187 = vector.broadcast %squeeze3A_180 : f32 to vector<16xf32>
          %mul3A_188 = arith.mulf %mul3A_187, %get3A_186 : vector<16xf32>
          %add3A_189 = arith.addf %add3A_178, %mul3A_188 : vector<16xf32>
          %swap3A = arith.index_cast %add3A_111 : i32 to index
          %swap3A_190 = arith.constant 0 : index
          %swap3A_191 = tpu.vector_load %arg14[%swap3A, %swap3A_190] {strides = array<i32>} : memref<40x128xf32, #tpu.memory_space<vmem>>, vector<1x16xf32>,
          %swap3A_192 = vector.shape_cast %swap3A_191 : vector<1x16xf32> to vector<16xf32>
          %swap3A_193 = vector.shape_cast %add3A_189 : vector<16xf32> to vector<1x16xf32>
          tpu.vector_store %arg14[%swap3A, %swap3A_190], %swap3A_193 {strides = array<i32>} : memref<40x128xf32, #tpu.memory_space<vmem>>, vector<1x16xf32>,
          %slice3A_194 = vector.extract_strided_slice %get3A_117 {offsets = [0], sizes = [1], strides = [1]} : vector<16xf32> to vector<1xf32>
          %squeeze3A_195 = vector.extract %slice3A_194[0] : f32 from vector<1xf32>
          %get3A_196 = arith.index_cast %mul3A_113 : i32 to index
          %get3A_197 = arith.constant 16 : index
          %get3A_198 = tpu.vector_load %arg10[%get3A_196, %get3A_197] {strides = array<i32>} : memref<280x128xf32, #tpu.memory_space<vmem>>, vector<1x16xf32>,
          %get3A_199 = vector.shape_cast %get3A_198 : vector<1x16xf32> to vector<16xf32>
          %mul3A_200 = vector.broadcast %squeeze3A_195 : f32 to vector<16xf32>
          %mul3A_201 = arith.mulf %mul3A_200, %get3A_199 : vector<16xf32>
          %slice3A_202 = vector.extract_strided_slice %get3A_117 {offsets = [1], sizes = [1], strides = [1]} : vector<16xf32> to vector<1xf32>
          %squeeze3A_203 = vector.extract %slice3A_202[0] : f32 from vector<1xf32>
          %add3A_204 = arith.constant 1 : i32
          %add3A_205 = arith.addi %mul3A_113, %add3A_204 : i32
          %get3A_206 = arith.index_cast %add3A_205 : i32 to index
          %get3A_207 = arith.constant 16 : index
          %get3A_208 = tpu.vector_load %arg10[%get3A_206, %get3A_207] {strides = array<i32>} : memref<280x128xf32, #tpu.memory_space<vmem>>, vector<1x16xf32>,
          %get3A_209 = vector.shape_cast %get3A_208 : vector<1x16xf32> to vector<16xf32>
          %mul3A_210 = vector.broadcast %squeeze3A_203 : f32 to vector<16xf32>
          %mul3A_211 = arith.mulf %mul3A_210, %get3A_209 : vector<16xf32>
          %add3A_212 = arith.addf %mul3A_201, %mul3A_211 : vector<16xf32>
          %slice3A_213 = vector.extract_strided_slice %get3A_117 {offsets = [2], sizes = [1], strides = [1]} : vector<16xf32> to vector<1xf32>
          %squeeze3A_214 = vector.extract %slice3A_213[0] : f32 from vector<1xf32>
          %add3A_215 = arith.constant 2 : i32
          %add3A_216 = arith.addi %mul3A_113, %add3A_215 : i32
          %get3A_217 = arith.index_cast %add3A_216 : i32 to index
          %get3A_218 = arith.constant 16 : index
          %get3A_219 = tpu.vector_load %arg10[%get3A_217, %get3A_218] {strides = array<i32>} : memref<280x128xf32, #tpu.memory_space<vmem>>, vector<1x16xf32>,
          %get3A_220 = vector.shape_cast %get3A_219 : vector<1x16xf32> to vector<16xf32>
          %mul3A_221 = vector.broadcast %squeeze3A_214 : f32 to vector<16xf32>
          %mul3A_222 = arith.mulf %mul3A_221, %get3A_220 : vector<16xf32>
          %add3A_223 = arith.addf %add3A_212, %mul3A_222 : vector<16xf32>
          %slice3A_224 = vector.extract_strided_slice %get3A_117 {offsets = [3], sizes = [1], strides = [1]} : vector<16xf32> to vector<1xf32>
          %squeeze3A_225 = vector.extract %slice3A_224[0] : f32 from vector<1xf32>
          %add3A_226 = arith.constant 3 : i32
          %add3A_227 = arith.addi %mul3A_113, %add3A_226 : i32
          %get3A_228 = arith.index_cast %add3A_227 : i32 to index
          %get3A_229 = arith.constant 16 : index
          %get3A_230 = tpu.vector_load %arg10[%get3A_228, %get3A_229] {strides = array<i32>} : memref<280x128xf32, #tpu.memory_space<vmem>>, vector<1x16xf32>,
          %get3A_231 = vector.shape_cast %get3A_230 : vector<1x16xf32> to vector<16xf32>
          %mul3A_232 = vector.broadcast %squeeze3A_225 : f32 to vector<16xf32>
          %mul3A_233 = arith.mulf %mul3A_232, %get3A_231 : vector<16xf32>
          %add3A_234 = arith.addf %add3A_223, %mul3A_233 : vector<16xf32>
          %slice3A_235 = vector.extract_strided_slice %get3A_117 {offsets = [4], sizes = [1], strides = [1]} : vector<16xf32> to vector<1xf32>
          %squeeze3A_236 = vector.extract %slice3A_235[0] : f32 from vector<1xf32>
          %add3A_237 = arith.constant 4 : i32
          %add3A_238 = arith.addi %mul3A_113, %add3A_237 : i32
          %get3A_239 = arith.index_cast %add3A_238 : i32 to index
          %get3A_240 = arith.constant 16 : index
          %get3A_241 = tpu.vector_load %arg10[%get3A_239, %get3A_240] {strides = array<i32>} : memref<280x128xf32, #tpu.memory_space<vmem>>, vector<1x16xf32>,
          %get3A_242 = vector.shape_cast %get3A_241 : vector<1x16xf32> to vector<16xf32>
          %mul3A_243 = vector.broadcast %squeeze3A_236 : f32 to vector<16xf32>
          %mul3A_244 = arith.mulf %mul3A_243, %get3A_242 : vector<16xf32>
          %add3A_245 = arith.addf %add3A_234, %mul3A_244 : vector<16xf32>
          %slice3A_246 = vector.extract_strided_slice %get3A_117 {offsets = [5], sizes = [1], strides = [1]} : vector<16xf32> to vector<1xf32>
          %squeeze3A_247 = vector.extract %slice3A_246[0] : f32 from vector<1xf32>
          %add3A_248 = arith.constant 5 : i32
          %add3A_249 = arith.addi %mul3A_113, %add3A_248 : i32
          %get3A_250 = arith.index_cast %add3A_249 : i32 to index
          %get3A_251 = arith.constant 16 : index
          %get3A_252 = tpu.vector_load %arg10[%get3A_250, %get3A_251] {strides = array<i32>} : memref<280x128xf32, #tpu.memory_space<vmem>>, vector<1x16xf32>,
          %get3A_253 = vector.shape_cast %get3A_252 : vector<1x16xf32> to vector<16xf32>
          %mul3A_254 = vector.broadcast %squeeze3A_247 : f32 to vector<16xf32>
          %mul3A_255 = arith.mulf %mul3A_254, %get3A_253 : vector<16xf32>
          %add3A_256 = arith.addf %add3A_245, %mul3A_255 : vector<16xf32>
          %slice3A_257 = vector.extract_strided_slice %get3A_117 {offsets = [6], sizes = [1], strides = [1]} : vector<16xf32> to vector<1xf32>
          %squeeze3A_258 = vector.extract %slice3A_257[0] : f32 from vector<1xf32>
          %add3A_259 = arith.constant 6 : i32
          %add3A_260 = arith.addi %mul3A_113, %add3A_259 : i32
          %get3A_261 = arith.index_cast %add3A_260 : i32 to index
          %get3A_262 = arith.constant 16 : index
          %get3A_263 = tpu.vector_load %arg10[%get3A_261, %get3A_262] {strides = array<i32>} : memref<280x128xf32, #tpu.memory_space<vmem>>, vector<1x16xf32>,
          %get3A_264 = vector.shape_cast %get3A_263 : vector<1x16xf32> to vector<16xf32>
          %mul3A_265 = vector.broadcast %squeeze3A_258 : f32 to vector<16xf32>
          %mul3A_266 = arith.mulf %mul3A_265, %get3A_264 : vector<16xf32>
          %add3A_267 = arith.addf %add3A_256, %mul3A_266 : vector<16xf32>
          %swap3A_268 = arith.index_cast %add3A_111 : i32 to index
          %swap3A_269 = arith.constant 16 : index
          %swap3A_270 = tpu.vector_load %arg14[%swap3A_268, %swap3A_269] {strides = array<i32>} : memref<40x128xf32, #tpu.memory_space<vmem>>, vector<1x16xf32>,
          %swap3A_271 = vector.shape_cast %swap3A_270 : vector<1x16xf32> to vector<16xf32>
          %swap3A_272 = vector.shape_cast %add3A_267 : vector<16xf32> to vector<1x16xf32>
          tpu.vector_store %arg14[%swap3A_268, %swap3A_269], %swap3A_272 {strides = array<i32>} : memref<40x128xf32, #tpu.memory_space<vmem>>, vector<1x16xf32>,
          %slice3A_273 = vector.extract_strided_slice %get3A_117 {offsets = [0], sizes = [1], strides = [1]} : vector<16xf32> to vector<1xf32>
          %squeeze3A_274 = vector.extract %slice3A_273[0] : f32 from vector<1xf32>
          %get3A_275 = arith.index_cast %mul3A_113 : i32 to index
          %get3A_276 = arith.constant 32 : index
          %get3A_277 = tpu.vector_load %arg10[%get3A_275, %get3A_276] {strides = array<i32>} : memref<280x128xf32, #tpu.memory_space<vmem>>, vector<1x16xf32>,
          %get3A_278 = vector.shape_cast %get3A_277 : vector<1x16xf32> to vector<16xf32>
          %mul3A_279 = vector.broadcast %squeeze3A_274 : f32 to vector<16xf32>
          %mul3A_280 = arith.mulf %mul3A_279, %get3A_278 : vector<16xf32>
          %slice3A_281 = vector.extract_strided_slice %get3A_117 {offsets = [1], sizes = [1], strides = [1]} : vector<16xf32> to vector<1xf32>
          %squeeze3A_282 = vector.extract %slice3A_281[0] : f32 from vector<1xf32>
          %add3A_283 = arith.constant 1 : i32
          %add3A_284 = arith.addi %mul3A_113, %add3A_283 : i32
          %get3A_285 = arith.index_cast %add3A_284 : i32 to index
          %get3A_286 = arith.constant 32 : index
          %get3A_287 = tpu.vector_load %arg10[%get3A_285, %get3A_286] {strides = array<i32>} : memref<280x128xf32, #tpu.memory_space<vmem>>, vector<1x16xf32>,
          %get3A_288 = vector.shape_cast %get3A_287 : vector<1x16xf32> to vector<16xf32>
          %mul3A_289 = vector.broadcast %squeeze3A_282 : f32 to vector<16xf32>
          %mul3A_290 = arith.mulf %mul3A_289, %get3A_288 : vector<16xf32>
          %add3A_291 = arith.addf %mul3A_280, %mul3A_290 : vector<16xf32>
          %slice3A_292 = vector.extract_strided_slice %get3A_117 {offsets = [2], sizes = [1], strides = [1]} : vector<16xf32> to vector<1xf32>
          %squeeze3A_293 = vector.extract %slice3A_292[0] : f32 from vector<1xf32>
          %add3A_294 = arith.constant 2 : i32
          %add3A_295 = arith.addi %mul3A_113, %add3A_294 : i32
          %get3A_296 = arith.index_cast %add3A_295 : i32 to index
          %get3A_297 = arith.constant 32 : index
          %get3A_298 = tpu.vector_load %arg10[%get3A_296, %get3A_297] {strides = array<i32>} : memref<280x128xf32, #tpu.memory_space<vmem>>, vector<1x16xf32>,
          %get3A_299 = vector.shape_cast %get3A_298 : vector<1x16xf32> to vector<16xf32>
          %mul3A_300 = vector.broadcast %squeeze3A_293 : f32 to vector<16xf32>
          %mul3A_301 = arith.mulf %mul3A_300, %get3A_299 : vector<16xf32>
          %add3A_302 = arith.addf %add3A_291, %mul3A_301 : vector<16xf32>
          %slice3A_303 = vector.extract_strided_slice %get3A_117 {offsets = [3], sizes = [1], strides = [1]} : vector<16xf32> to vector<1xf32>
          %squeeze3A_304 = vector.extract %slice3A_303[0] : f32 from vector<1xf32>
          %add3A_305 = arith.constant 3 : i32
          %add3A_306 = arith.addi %mul3A_113, %add3A_305 : i32
          %get3A_307 = arith.index_cast %add3A_306 : i32 to index
          %get3A_308 = arith.constant 32 : index
          %get3A_309 = tpu.vector_load %arg10[%get3A_307, %get3A_308] {strides = array<i32>} : memref<280x128xf32, #tpu.memory_space<vmem>>, vector<1x16xf32>,
          %get3A_310 = vector.shape_cast %get3A_309 : vector<1x16xf32> to vector<16xf32>
          %mul3A_311 = vector.broadcast %squeeze3A_304 : f32 to vector<16xf32>
          %mul3A_312 = arith.mulf %mul3A_311, %get3A_310 : vector<16xf32>
          %add3A_313 = arith.addf %add3A_302, %mul3A_312 : vector<16xf32>
          %slice3A_314 = vector.extract_strided_slice %get3A_117 {offsets = [4], sizes = [1], strides = [1]} : vector<16xf32> to vector<1xf32>
          %squeeze3A_315 = vector.extract %slice3A_314[0] : f32 from vector<1xf32>
          %add3A_316 = arith.constant 4 : i32
          %add3A_317 = arith.addi %mul3A_113, %add3A_316 : i32
          %get3A_318 = arith.index_cast %add3A_317 : i32 to index
          %get3A_319 = arith.constant 32 : index
          %get3A_320 = tpu.vector_load %arg10[%get3A_318, %get3A_319] {strides = array<i32>} : memref<280x128xf32, #tpu.memory_space<vmem>>, vector<1x16xf32>,
          %get3A_321 = vector.shape_cast %get3A_320 : vector<1x16xf32> to vector<16xf32>
          %mul3A_322 = vector.broadcast %squeeze3A_315 : f32 to vector<16xf32>
          %mul3A_323 = arith.mulf %mul3A_322, %get3A_321 : vector<16xf32>
          %add3A_324 = arith.addf %add3A_313, %mul3A_323 : vector<16xf32>
          %slice3A_325 = vector.extract_strided_slice %get3A_117 {offsets = [5], sizes = [1], strides = [1]} : vector<16xf32> to vector<1xf32>
          %squeeze3A_326 = vector.extract %slice3A_325[0] : f32 from vector<1xf32>
          %add3A_327 = arith.constant 5 : i32
          %add3A_328 = arith.addi %mul3A_113, %add3A_327 : i32
          %get3A_329 = arith.index_cast %add3A_328 : i32 to index
          %get3A_330 = arith.constant 32 : index
          %get3A_331 = tpu.vector_load %arg10[%get3A_329, %get3A_330] {strides = array<i32>} : memref<280x128xf32, #tpu.memory_space<vmem>>, vector<1x16xf32>,
          %get3A_332 = vector.shape_cast %get3A_331 : vector<1x16xf32> to vector<16xf32>
          %mul3A_333 = vector.broadcast %squeeze3A_326 : f32 to vector<16xf32>
          %mul3A_334 = arith.mulf %mul3A_333, %get3A_332 : vector<16xf32>
          %add3A_335 = arith.addf %add3A_324, %mul3A_334 : vector<16xf32>
          %slice3A_336 = vector.extract_strided_slice %get3A_117 {offsets = [6], sizes = [1], strides = [1]} : vector<16xf32> to vector<1xf32>
          %squeeze3A_337 = vector.extract %slice3A_336[0] : f32 from vector<1xf32>
          %add3A_338 = arith.constant 6 : i32
          %add3A_339 = arith.addi %mul3A_113, %add3A_338 : i32
          %get3A_340 = arith.index_cast %add3A_339 : i32 to index
          %get3A_341 = arith.constant 32 : index
          %get3A_342 = tpu.vector_load %arg10[%get3A_340, %get3A_341] {strides = array<i32>} : memref<280x128xf32, #tpu.memory_space<vmem>>, vector<1x16xf32>,
          %get3A_343 = vector.shape_cast %get3A_342 : vector<1x16xf32> to vector<16xf32>
          %mul3A_344 = vector.broadcast %squeeze3A_337 : f32 to vector<16xf32>
          %mul3A_345 = arith.mulf %mul3A_344, %get3A_343 : vector<16xf32>
          %add3A_346 = arith.addf %add3A_335, %mul3A_345 : vector<16xf32>
          %swap3A_347 = arith.index_cast %add3A_111 : i32 to index
          %swap3A_348 = arith.constant 32 : index
          %swap3A_349 = tpu.vector_load %arg14[%swap3A_347, %swap3A_348] {strides = array<i32>} : memref<40x128xf32, #tpu.memory_space<vmem>>, vector<1x16xf32>,
          %swap3A_350 = vector.shape_cast %swap3A_349 : vector<1x16xf32> to vector<16xf32>
          %swap3A_351 = vector.shape_cast %add3A_346 : vector<16xf32> to vector<1x16xf32>
          tpu.vector_store %arg14[%swap3A_347, %swap3A_348], %swap3A_351 {strides = array<i32>} : memref<40x128xf32, #tpu.memory_space<vmem>>, vector<1x16xf32>,
          %slice3A_352 = vector.extract_strided_slice %get3A_117 {offsets = [0], sizes = [1], strides = [1]} : vector<16xf32> to vector<1xf32>
          %squeeze3A_353 = vector.extract %slice3A_352[0] : f32 from vector<1xf32>
          %get3A_354 = arith.index_cast %mul3A_113 : i32 to index
          %get3A_355 = arith.constant 48 : index
          %get3A_356 = tpu.vector_load %arg10[%get3A_354, %get3A_355] {strides = array<i32>} : memref<280x128xf32, #tpu.memory_space<vmem>>, vector<1x16xf32>,
          %get3A_357 = vector.shape_cast %get3A_356 : vector<1x16xf32> to vector<16xf32>
          %mul3A_358 = vector.broadcast %squeeze3A_353 : f32 to vector<16xf32>
          %mul3A_359 = arith.mulf %mul3A_358, %get3A_357 : vector<16xf32>
          %slice3A_360 = vector.extract_strided_slice %get3A_117 {offsets = [1], sizes = [1], strides = [1]} : vector<16xf32> to vector<1xf32>
          %squeeze3A_361 = vector.extract %slice3A_360[0] : f32 from vector<1xf32>
          %add3A_362 = arith.constant 1 : i32
          %add3A_363 = arith.addi %mul3A_113, %add3A_362 : i32
          %get3A_364 = arith.index_cast %add3A_363 : i32 to index
          %get3A_365 = arith.constant 48 : index
          %get3A_366 = tpu.vector_load %arg10[%get3A_364, %get3A_365] {strides = array<i32>} : memref<280x128xf32, #tpu.memory_space<vmem>>, vector<1x16xf32>,
          %get3A_367 = vector.shape_cast %get3A_366 : vector<1x16xf32> to vector<16xf32>
          %mul3A_368 = vector.broadcast %squeeze3A_361 : f32 to vector<16xf32>
          %mul3A_369 = arith.mulf %mul3A_368, %get3A_367 : vector<16xf32>
          %add3A_370 = arith.addf %mul3A_359, %mul3A_369 : vector<16xf32>
          %slice3A_371 = vector.extract_strided_slice %get3A_117 {offsets = [2], sizes = [1], strides = [1]} : vector<16xf32> to vector<1xf32>
          %squeeze3A_372 = vector.extract %slice3A_371[0] : f32 from vector<1xf32>
          %add3A_373 = arith.constant 2 : i32
          %add3A_374 = arith.addi %mul3A_113, %add3A_373 : i32
          %get3A_375 = arith.index_cast %add3A_374 : i32 to index
          %get3A_376 = arith.constant 48 : index
          %get3A_377 = tpu.vector_load %arg10[%get3A_375, %get3A_376] {strides = array<i32>} : memref<280x128xf32, #tpu.memory_space<vmem>>, vector<1x16xf32>,
          %get3A_378 = vector.shape_cast %get3A_377 : vector<1x16xf32> to vector<16xf32>
          %mul3A_379 = vector.broadcast %squeeze3A_372 : f32 to vector<16xf32>
          %mul3A_380 = arith.mulf %mul3A_379, %get3A_378 : vector<16xf32>
          %add3A_381 = arith.addf %add3A_370, %mul3A_380 : vector<16xf32>
          %slice3A_382 = vector.extract_strided_slice %get3A_117 {offsets = [3], sizes = [1], strides = [1]} : vector<16xf32> to vector<1xf32>
          %squeeze3A_383 = vector.extract %slice3A_382[0] : f32 from vector<1xf32>
          %add3A_384 = arith.constant 3 : i32
          %add3A_385 = arith.addi %mul3A_113, %add3A_384 : i32
          %get3A_386 = arith.index_cast %add3A_385 : i32 to index
          %get3A_387 = arith.constant 48 : index
          %get3A_388 = tpu.vector_load %arg10[%get3A_386, %get3A_387] {strides = array<i32>} : memref<280x128xf32, #tpu.memory_space<vmem>>, vector<1x16xf32>,
          %get3A_389 = vector.shape_cast %get3A_388 : vector<1x16xf32> to vector<16xf32>
          %mul3A_390 = vector.broadcast %squeeze3A_383 : f32 to vector<16xf32>
          %mul3A_391 = arith.mulf %mul3A_390, %get3A_389 : vector<16xf32>
          %add3A_392 = arith.addf %add3A_381, %mul3A_391 : vector<16xf32>
          %slice3A_393 = vector.extract_strided_slice %get3A_117 {offsets = [4], sizes = [1], strides = [1]} : vector<16xf32> to vector<1xf32>
          %squeeze3A_394 = vector.extract %slice3A_393[0] : f32 from vector<1xf32>
          %add3A_395 = arith.constant 4 : i32
          %add3A_396 = arith.addi %mul3A_113, %add3A_395 : i32
          %get3A_397 = arith.index_cast %add3A_396 : i32 to index
          %get3A_398 = arith.constant 48 : index
          %get3A_399 = tpu.vector_load %arg10[%get3A_397, %get3A_398] {strides = array<i32>} : memref<280x128xf32, #tpu.memory_space<vmem>>, vector<1x16xf32>,
          %get3A_400 = vector.shape_cast %get3A_399 : vector<1x16xf32> to vector<16xf32>
          %mul3A_401 = vector.broadcast %squeeze3A_394 : f32 to vector<16xf32>
          %mul3A_402 = arith.mulf %mul3A_401, %get3A_400 : vector<16xf32>
          %add3A_403 = arith.addf %add3A_392, %mul3A_402 : vector<16xf32>
          %slice3A_404 = vector.extract_strided_slice %get3A_117 {offsets = [5], sizes = [1], strides = [1]} : vector<16xf32> to vector<1xf32>
          %squeeze3A_405 = vector.extract %slice3A_404[0] : f32 from vector<1xf32>
          %add3A_406 = arith.constant 5 : i32
          %add3A_407 = arith.addi %mul3A_113, %add3A_406 : i32
          %get3A_408 = arith.index_cast %add3A_407 : i32 to index
          %get3A_409 = arith.constant 48 : index
          %get3A_410 = tpu.vector_load %arg10[%get3A_408, %get3A_409] {strides = array<i32>} : memref<280x128xf32, #tpu.memory_space<vmem>>, vector<1x16xf32>,
          %get3A_411 = vector.shape_cast %get3A_410 : vector<1x16xf32> to vector<16xf32>
          %mul3A_412 = vector.broadcast %squeeze3A_405 : f32 to vector<16xf32>
          %mul3A_413 = arith.mulf %mul3A_412, %get3A_411 : vector<16xf32>
          %add3A_414 = arith.addf %add3A_403, %mul3A_413 : vector<16xf32>
          %slice3A_415 = vector.extract_strided_slice %get3A_117 {offsets = [6], sizes = [1], strides = [1]} : vector<16xf32> to vector<1xf32>
          %squeeze3A_416 = vector.extract %slice3A_415[0] : f32 from vector<1xf32>
          %add3A_417 = arith.constant 6 : i32
          %add3A_418 = arith.addi %mul3A_113, %add3A_417 : i32
          %get3A_419 = arith.index_cast %add3A_418 : i32 to index
          %get3A_420 = arith.constant 48 : index
          %get3A_421 = tpu.vector_load %arg10[%get3A_419, %get3A_420] {strides = array<i32>} : memref<280x128xf32, #tpu.memory_space<vmem>>, vector<1x16xf32>,
          %get3A_422 = vector.shape_cast %get3A_421 : vector<1x16xf32> to vector<16xf32>
          %mul3A_423 = vector.broadcast %squeeze3A_416 : f32 to vector<16xf32>
          %mul3A_424 = arith.mulf %mul3A_423, %get3A_422 : vector<16xf32>
          %add3A_425 = arith.addf %add3A_414, %mul3A_424 : vector<16xf32>
          %swap3A_426 = arith.index_cast %add3A_111 : i32 to index
          %swap3A_427 = arith.constant 48 : index
          %swap3A_428 = tpu.vector_load %arg14[%swap3A_426, %swap3A_427] {strides = array<i32>} : memref<40x128xf32, #tpu.memory_space<vmem>>, vector<1x16xf32>,
          %swap3A_429 = vector.shape_cast %swap3A_428 : vector<1x16xf32> to vector<16xf32>
          %swap3A_430 = vector.shape_cast %add3A_425 : vector<16xf32> to vector<1x16xf32>
          tpu.vector_store %arg14[%swap3A_426, %swap3A_427], %swap3A_430 {strides = array<i32>} : memref<40x128xf32, #tpu.memory_space<vmem>>, vector<1x16xf32>,
          %slice3A_431 = vector.extract_strided_slice %get3A_117 {offsets = [0], sizes = [1], strides = [1]} : vector<16xf32> to vector<1xf32>
          %squeeze3A_432 = vector.extract %slice3A_431[0] : f32 from vector<1xf32>
          %get3A_433 = arith.index_cast %mul3A_113 : i32 to index
          %get3A_434 = arith.constant 64 : index
          %get3A_435 = tpu.vector_load %arg10[%get3A_433, %get3A_434] {strides = array<i32>} : memref<280x128xf32, #tpu.memory_space<vmem>>, vector<1x16xf32>,
          %get3A_436 = vector.shape_cast %get3A_435 : vector<1x16xf32> to vector<16xf32>
          %mul3A_437 = vector.broadcast %squeeze3A_432 : f32 to vector<16xf32>
          %mul3A_438 = arith.mulf %mul3A_437, %get3A_436 : vector<16xf32>
          %slice3A_439 = vector.extract_strided_slice %get3A_117 {offsets = [1], sizes = [1], strides = [1]} : vector<16xf32> to vector<1xf32>
          %squeeze3A_440 = vector.extract %slice3A_439[0] : f32 from vector<1xf32>
          %add3A_441 = arith.constant 1 : i32
          %add3A_442 = arith.addi %mul3A_113, %add3A_441 : i32
          %get3A_443 = arith.index_cast %add3A_442 : i32 to index
          %get3A_444 = arith.constant 64 : index
          %get3A_445 = tpu.vector_load %arg10[%get3A_443, %get3A_444] {strides = array<i32>} : memref<280x128xf32, #tpu.memory_space<vmem>>, vector<1x16xf32>,
          %get3A_446 = vector.shape_cast %get3A_445 : vector<1x16xf32> to vector<16xf32>
          %mul3A_447 = vector.broadcast %squeeze3A_440 : f32 to vector<16xf32>
          %mul3A_448 = arith.mulf %mul3A_447, %get3A_446 : vector<16xf32>
          %add3A_449 = arith.addf %mul3A_438, %mul3A_448 : vector<16xf32>
          %slice3A_450 = vector.extract_strided_slice %get3A_117 {offsets = [2], sizes = [1], strides = [1]} : vector<16xf32> to vector<1xf32>
          %squeeze3A_451 = vector.extract %slice3A_450[0] : f32 from vector<1xf32>
          %add3A_452 = arith.constant 2 : i32
          %add3A_453 = arith.addi %mul3A_113, %add3A_452 : i32
          %get3A_454 = arith.index_cast %add3A_453 : i32 to index
          %get3A_455 = arith.constant 64 : index
          %get3A_456 = tpu.vector_load %arg10[%get3A_454, %get3A_455] {strides = array<i32>} : memref<280x128xf32, #tpu.memory_space<vmem>>, vector<1x16xf32>,
          %get3A_457 = vector.shape_cast %get3A_456 : vector<1x16xf32> to vector<16xf32>
          %mul3A_458 = vector.broadcast %squeeze3A_451 : f32 to vector<16xf32>
          %mul3A_459 = arith.mulf %mul3A_458, %get3A_457 : vector<16xf32>
          %add3A_460 = arith.addf %add3A_449, %mul3A_459 : vector<16xf32>
          %slice3A_461 = vector.extract_strided_slice %get3A_117 {offsets = [3], sizes = [1], strides = [1]} : vector<16xf32> to vector<1xf32>
          %squeeze3A_462 = vector.extract %slice3A_461[0] : f32 from vector<1xf32>
          %add3A_463 = arith.constant 3 : i32
          %add3A_464 = arith.addi %mul3A_113, %add3A_463 : i32
          %get3A_465 = arith.index_cast %add3A_464 : i32 to index
          %get3A_466 = arith.constant 64 : index
          %get3A_467 = tpu.vector_load %arg10[%get3A_465, %get3A_466] {strides = array<i32>} : memref<280x128xf32, #tpu.memory_space<vmem>>, vector<1x16xf32>,
          %get3A_468 = vector.shape_cast %get3A_467 : vector<1x16xf32> to vector<16xf32>
          %mul3A_469 = vector.broadcast %squeeze3A_462 : f32 to vector<16xf32>
          %mul3A_470 = arith.mulf %mul3A_469, %get3A_468 : vector<16xf32>
          %add3A_471 = arith.addf %add3A_460, %mul3A_470 : vector<16xf32>
          %slice3A_472 = vector.extract_strided_slice %get3A_117 {offsets = [4], sizes = [1], strides = [1]} : vector<16xf32> to vector<1xf32>
          %squeeze3A_473 = vector.extract %slice3A_472[0] : f32 from vector<1xf32>
          %add3A_474 = arith.constant 4 : i32
          %add3A_475 = arith.addi %mul3A_113, %add3A_474 : i32
          %get3A_476 = arith.index_cast %add3A_475 : i32 to index
          %get3A_477 = arith.constant 64 : index
          %get3A_478 = tpu.vector_load %arg10[%get3A_476, %get3A_477] {strides = array<i32>} : memref<280x128xf32, #tpu.memory_space<vmem>>, vector<1x16xf32>,
          %get3A_479 = vector.shape_cast %get3A_478 : vector<1x16xf32> to vector<16xf32>
          %mul3A_480 = vector.broadcast %squeeze3A_473 : f32 to vector<16xf32>
          %mul3A_481 = arith.mulf %mul3A_480, %get3A_479 : vector<16xf32>
          %add3A_482 = arith.addf %add3A_471, %mul3A_481 : vector<16xf32>
          %slice3A_483 = vector.extract_strided_slice %get3A_117 {offsets = [5], sizes = [1], strides = [1]} : vector<16xf32> to vector<1xf32>
          %squeeze3A_484 = vector.extract %slice3A_483[0] : f32 from vector<1xf32>
          %add3A_485 = arith.constant 5 : i32
          %add3A_486 = arith.addi %mul3A_113, %add3A_485 : i32
          %get3A_487 = arith.index_cast %add3A_486 : i32 to index
          %get3A_488 = arith.constant 64 : index
          %get3A_489 = tpu.vector_load %arg10[%get3A_487, %get3A_488] {strides = array<i32>} : memref<280x128xf32, #tpu.memory_space<vmem>>, vector<1x16xf32>,
          %get3A_490 = vector.shape_cast %get3A_489 : vector<1x16xf32> to vector<16xf32>
          %mul3A_491 = vector.broadcast %squeeze3A_484 : f32 to vector<16xf32>
          %mul3A_492 = arith.mulf %mul3A_491, %get3A_490 : vector<16xf32>
          %add3A_493 = arith.addf %add3A_482, %mul3A_492 : vector<16xf32>
          %slice3A_494 = vector.extract_strided_slice %get3A_117 {offsets = [6], sizes = [1], strides = [1]} : vector<16xf32> to vector<1xf32>
          %squeeze3A_495 = vector.extract %slice3A_494[0] : f32 from vector<1xf32>
          %add3A_496 = arith.constant 6 : i32
          %add3A_497 = arith.addi %mul3A_113, %add3A_496 : i32
          %get3A_498 = arith.index_cast %add3A_497 : i32 to index
          %get3A_499 = arith.constant 64 : index
          %get3A_500 = tpu.vector_load %arg10[%get3A_498, %get3A_499] {strides = array<i32>} : memref<280x128xf32, #tpu.memory_space<vmem>>, vector<1x16xf32>,
          %get3A_501 = vector.shape_cast %get3A_500 : vector<1x16xf32> to vector<16xf32>
          %mul3A_502 = vector.broadcast %squeeze3A_495 : f32 to vector<16xf32>
          %mul3A_503 = arith.mulf %mul3A_502, %get3A_501 : vector<16xf32>
          %add3A_504 = arith.addf %add3A_493, %mul3A_503 : vector<16xf32>
          %swap3A_505 = arith.index_cast %add3A_111 : i32 to index
          %swap3A_506 = arith.constant 64 : index
          %swap3A_507 = tpu.vector_load %arg14[%swap3A_505, %swap3A_506] {strides = array<i32>} : memref<40x128xf32, #tpu.memory_space<vmem>>, vector<1x16xf32>,
          %swap3A_508 = vector.shape_cast %swap3A_507 : vector<1x16xf32> to vector<16xf32>
          %swap3A_509 = vector.shape_cast %add3A_504 : vector<16xf32> to vector<1x16xf32>
          tpu.vector_store %arg14[%swap3A_505, %swap3A_506], %swap3A_509 {strides = array<i32>} : memref<40x128xf32, #tpu.memory_space<vmem>>, vector<1x16xf32>,
          %slice3A_510 = vector.extract_strided_slice %get3A_117 {offsets = [0], sizes = [1], strides = [1]} : vector<16xf32> to vector<1xf32>
          %squeeze3A_511 = vector.extract %slice3A_510[0] : f32 from vector<1xf32>
          %get3A_512 = arith.index_cast %mul3A_113 : i32 to index
          %get3A_513 = arith.constant 80 : index
          %get3A_514 = tpu.vector_load %arg10[%get3A_512, %get3A_513] {strides = array<i32>} : memref<280x128xf32, #tpu.memory_space<vmem>>, vector<1x16xf32>,
          %get3A_515 = vector.shape_cast %get3A_514 : vector<1x16xf32> to vector<16xf32>
          %mul3A_516 = vector.broadcast %squeeze3A_511 : f32 to vector<16xf32>
          %mul3A_517 = arith.mulf %mul3A_516, %get3A_515 : vector<16xf32>
          %slice3A_518 = vector.extract_strided_slice %get3A_117 {offsets = [1], sizes = [1], strides = [1]} : vector<16xf32> to vector<1xf32>
          %squeeze3A_519 = vector.extract %slice3A_518[0] : f32 from vector<1xf32>
          %add3A_520 = arith.constant 1 : i32
          %add3A_521 = arith.addi %mul3A_113, %add3A_520 : i32
          %get3A_522 = arith.index_cast %add3A_521 : i32 to index
          %get3A_523 = arith.constant 80 : index
          %get3A_524 = tpu.vector_load %arg10[%get3A_522, %get3A_523] {strides = array<i32>} : memref<280x128xf32, #tpu.memory_space<vmem>>, vector<1x16xf32>,
          %get3A_525 = vector.shape_cast %get3A_524 : vector<1x16xf32> to vector<16xf32>
          %mul3A_526 = vector.broadcast %squeeze3A_519 : f32 to vector<16xf32>
          %mul3A_527 = arith.mulf %mul3A_526, %get3A_525 : vector<16xf32>
          %add3A_528 = arith.addf %mul3A_517, %mul3A_527 : vector<16xf32>
          %slice3A_529 = vector.extract_strided_slice %get3A_117 {offsets = [2], sizes = [1], strides = [1]} : vector<16xf32> to vector<1xf32>
          %squeeze3A_530 = vector.extract %slice3A_529[0] : f32 from vector<1xf32>
          %add3A_531 = arith.constant 2 : i32
          %add3A_532 = arith.addi %mul3A_113, %add3A_531 : i32
          %get3A_533 = arith.index_cast %add3A_532 : i32 to index
          %get3A_534 = arith.constant 80 : index
          %get3A_535 = tpu.vector_load %arg10[%get3A_533, %get3A_534] {strides = array<i32>} : memref<280x128xf32, #tpu.memory_space<vmem>>, vector<1x16xf32>,
          %get3A_536 = vector.shape_cast %get3A_535 : vector<1x16xf32> to vector<16xf32>
          %mul3A_537 = vector.broadcast %squeeze3A_530 : f32 to vector<16xf32>
          %mul3A_538 = arith.mulf %mul3A_537, %get3A_536 : vector<16xf32>
          %add3A_539 = arith.addf %add3A_528, %mul3A_538 : vector<16xf32>
          %slice3A_540 = vector.extract_strided_slice %get3A_117 {offsets = [3], sizes = [1], strides = [1]} : vector<16xf32> to vector<1xf32>
          %squeeze3A_541 = vector.extract %slice3A_540[0] : f32 from vector<1xf32>
          %add3A_542 = arith.constant 3 : i32
          %add3A_543 = arith.addi %mul3A_113, %add3A_542 : i32
          %get3A_544 = arith.index_cast %add3A_543 : i32 to index
          %get3A_545 = arith.constant 80 : index
          %get3A_546 = tpu.vector_load %arg10[%get3A_544, %get3A_545] {strides = array<i32>} : memref<280x128xf32, #tpu.memory_space<vmem>>, vector<1x16xf32>,
          %get3A_547 = vector.shape_cast %get3A_546 : vector<1x16xf32> to vector<16xf32>
          %mul3A_548 = vector.broadcast %squeeze3A_541 : f32 to vector<16xf32>
          %mul3A_549 = arith.mulf %mul3A_548, %get3A_547 : vector<16xf32>
          %add3A_550 = arith.addf %add3A_539, %mul3A_549 : vector<16xf32>
          %slice3A_551 = vector.extract_strided_slice %get3A_117 {offsets = [4], sizes = [1], strides = [1]} : vector<16xf32> to vector<1xf32>
          %squeeze3A_552 = vector.extract %slice3A_551[0] : f32 from vector<1xf32>
          %add3A_553 = arith.constant 4 : i32
          %add3A_554 = arith.addi %mul3A_113, %add3A_553 : i32
          %get3A_555 = arith.index_cast %add3A_554 : i32 to index
          %get3A_556 = arith.constant 80 : index
          %get3A_557 = tpu.vector_load %arg10[%get3A_555, %get3A_556] {strides = array<i32>} : memref<280x128xf32, #tpu.memory_space<vmem>>, vector<1x16xf32>,
          %get3A_558 = vector.shape_cast %get3A_557 : vector<1x16xf32> to vector<16xf32>
          %mul3A_559 = vector.broadcast %squeeze3A_552 : f32 to vector<16xf32>
          %mul3A_560 = arith.mulf %mul3A_559, %get3A_558 : vector<16xf32>
          %add3A_561 = arith.addf %add3A_550, %mul3A_560 : vector<16xf32>
          %slice3A_562 = vector.extract_strided_slice %get3A_117 {offsets = [5], sizes = [1], strides = [1]} : vector<16xf32> to vector<1xf32>
          %squeeze3A_563 = vector.extract %slice3A_562[0] : f32 from vector<1xf32>
          %add3A_564 = arith.constant 5 : i32
          %add3A_565 = arith.addi %mul3A_113, %add3A_564 : i32
          %get3A_566 = arith.index_cast %add3A_565 : i32 to index
          %get3A_567 = arith.constant 80 : index
          %get3A_568 = tpu.vector_load %arg10[%get3A_566, %get3A_567] {strides = array<i32>} : memref<280x128xf32, #tpu.memory_space<vmem>>, vector<1x16xf32>,
          %get3A_569 = vector.shape_cast %get3A_568 : vector<1x16xf32> to vector<16xf32>
          %mul3A_570 = vector.broadcast %squeeze3A_563 : f32 to vector<16xf32>
          %mul3A_571 = arith.mulf %mul3A_570, %get3A_569 : vector<16xf32>
          %add3A_572 = arith.addf %add3A_561, %mul3A_571 : vector<16xf32>
          %slice3A_573 = vector.extract_strided_slice %get3A_117 {offsets = [6], sizes = [1], strides = [1]} : vector<16xf32> to vector<1xf32>
          %squeeze3A_574 = vector.extract %slice3A_573[0] : f32 from vector<1xf32>
          %add3A_575 = arith.constant 6 : i32
          %add3A_576 = arith.addi %mul3A_113, %add3A_575 : i32
          %get3A_577 = arith.index_cast %add3A_576 : i32 to index
          %get3A_578 = arith.constant 80 : index
          %get3A_579 = tpu.vector_load %arg10[%get3A_577, %get3A_578] {strides = array<i32>} : memref<280x128xf32, #tpu.memory_space<vmem>>, vector<1x16xf32>,
          %get3A_580 = vector.shape_cast %get3A_579 : vector<1x16xf32> to vector<16xf32>
          %mul3A_581 = vector.broadcast %squeeze3A_574 : f32 to vector<16xf32>
          %mul3A_582 = arith.mulf %mul3A_581, %get3A_580 : vector<16xf32>
          %add3A_583 = arith.addf %add3A_572, %mul3A_582 : vector<16xf32>
          %swap3A_584 = arith.index_cast %add3A_111 : i32 to index
          %swap3A_585 = arith.constant 80 : index
          %swap3A_586 = tpu.vector_load %arg14[%swap3A_584, %swap3A_585] {strides = array<i32>} : memref<40x128xf32, #tpu.memory_space<vmem>>, vector<1x16xf32>,
          %swap3A_587 = vector.shape_cast %swap3A_586 : vector<1x16xf32> to vector<16xf32>
          %swap3A_588 = vector.shape_cast %add3A_583 : vector<16xf32> to vector<1x16xf32>
          tpu.vector_store %arg14[%swap3A_584, %swap3A_585], %swap3A_588 {strides = array<i32>} : memref<40x128xf32, #tpu.memory_space<vmem>>, vector<1x16xf32>,
          %slice3A_589 = vector.extract_strided_slice %get3A_117 {offsets = [0], sizes = [1], strides = [1]} : vector<16xf32> to vector<1xf32>
          %squeeze3A_590 = vector.extract %slice3A_589[0] : f32 from vector<1xf32>
          %get3A_591 = arith.index_cast %mul3A_113 : i32 to index
          %get3A_592 = arith.constant 96 : index
          %get3A_593 = tpu.vector_load %arg10[%get3A_591, %get3A_592] {strides = array<i32>} : memref<280x128xf32, #tpu.memory_space<vmem>>, vector<1x16xf32>,
          %get3A_594 = vector.shape_cast %get3A_593 : vector<1x16xf32> to vector<16xf32>
          %mul3A_595 = vector.broadcast %squeeze3A_590 : f32 to vector<16xf32>
          %mul3A_596 = arith.mulf %mul3A_595, %get3A_594 : vector<16xf32>
          %slice3A_597 = vector.extract_strided_slice %get3A_117 {offsets = [1], sizes = [1], strides = [1]} : vector<16xf32> to vector<1xf32>
          %squeeze3A_598 = vector.extract %slice3A_597[0] : f32 from vector<1xf32>
          %add3A_599 = arith.constant 1 : i32
          %add3A_600 = arith.addi %mul3A_113, %add3A_599 : i32
          %get3A_601 = arith.index_cast %add3A_600 : i32 to index
          %get3A_602 = arith.constant 96 : index
          %get3A_603 = tpu.vector_load %arg10[%get3A_601, %get3A_602] {strides = array<i32>} : memref<280x128xf32, #tpu.memory_space<vmem>>, vector<1x16xf32>,
          %get3A_604 = vector.shape_cast %get3A_603 : vector<1x16xf32> to vector<16xf32>
          %mul3A_605 = vector.broadcast %squeeze3A_598 : f32 to vector<16xf32>
          %mul3A_606 = arith.mulf %mul3A_605, %get3A_604 : vector<16xf32>
          %add3A_607 = arith.addf %mul3A_596, %mul3A_606 : vector<16xf32>
          %slice3A_608 = vector.extract_strided_slice %get3A_117 {offsets = [2], sizes = [1], strides = [1]} : vector<16xf32> to vector<1xf32>
          %squeeze3A_609 = vector.extract %slice3A_608[0] : f32 from vector<1xf32>
          %add3A_610 = arith.constant 2 : i32
          %add3A_611 = arith.addi %mul3A_113, %add3A_610 : i32
          %get3A_612 = arith.index_cast %add3A_611 : i32 to index
          %get3A_613 = arith.constant 96 : index
          %get3A_614 = tpu.vector_load %arg10[%get3A_612, %get3A_613] {strides = array<i32>} : memref<280x128xf32, #tpu.memory_space<vmem>>, vector<1x16xf32>,
          %get3A_615 = vector.shape_cast %get3A_614 : vector<1x16xf32> to vector<16xf32>
          %mul3A_616 = vector.broadcast %squeeze3A_609 : f32 to vector<16xf32>
          %mul3A_617 = arith.mulf %mul3A_616, %get3A_615 : vector<16xf32>
          %add3A_618 = arith.addf %add3A_607, %mul3A_617 : vector<16xf32>
          %slice3A_619 = vector.extract_strided_slice %get3A_117 {offsets = [3], sizes = [1], strides = [1]} : vector<16xf32> to vector<1xf32>
          %squeeze3A_620 = vector.extract %slice3A_619[0] : f32 from vector<1xf32>
          %add3A_621 = arith.constant 3 : i32
          %add3A_622 = arith.addi %mul3A_113, %add3A_621 : i32
          %get3A_623 = arith.index_cast %add3A_622 : i32 to index
          %get3A_624 = arith.constant 96 : index
          %get3A_625 = tpu.vector_load %arg10[%get3A_623, %get3A_624] {strides = array<i32>} : memref<280x128xf32, #tpu.memory_space<vmem>>, vector<1x16xf32>,
          %get3A_626 = vector.shape_cast %get3A_625 : vector<1x16xf32> to vector<16xf32>
          %mul3A_627 = vector.broadcast %squeeze3A_620 : f32 to vector<16xf32>
          %mul3A_628 = arith.mulf %mul3A_627, %get3A_626 : vector<16xf32>
          %add3A_629 = arith.addf %add3A_618, %mul3A_628 : vector<16xf32>
          %slice3A_630 = vector.extract_strided_slice %get3A_117 {offsets = [4], sizes = [1], strides = [1]} : vector<16xf32> to vector<1xf32>
          %squeeze3A_631 = vector.extract %slice3A_630[0] : f32 from vector<1xf32>
          %add3A_632 = arith.constant 4 : i32
          %add3A_633 = arith.addi %mul3A_113, %add3A_632 : i32
          %get3A_634 = arith.index_cast %add3A_633 : i32 to index
          %get3A_635 = arith.constant 96 : index
          %get3A_636 = tpu.vector_load %arg10[%get3A_634, %get3A_635] {strides = array<i32>} : memref<280x128xf32, #tpu.memory_space<vmem>>, vector<1x16xf32>,
          %get3A_637 = vector.shape_cast %get3A_636 : vector<1x16xf32> to vector<16xf32>
          %mul3A_638 = vector.broadcast %squeeze3A_631 : f32 to vector<16xf32>
          %mul3A_639 = arith.mulf %mul3A_638, %get3A_637 : vector<16xf32>
          %add3A_640 = arith.addf %add3A_629, %mul3A_639 : vector<16xf32>
          %slice3A_641 = vector.extract_strided_slice %get3A_117 {offsets = [5], sizes = [1], strides = [1]} : vector<16xf32> to vector<1xf32>
          %squeeze3A_642 = vector.extract %slice3A_641[0] : f32 from vector<1xf32>
          %add3A_643 = arith.constant 5 : i32
          %add3A_644 = arith.addi %mul3A_113, %add3A_643 : i32
          %get3A_645 = arith.index_cast %add3A_644 : i32 to index
          %get3A_646 = arith.constant 96 : index
          %get3A_647 = tpu.vector_load %arg10[%get3A_645, %get3A_646] {strides = array<i32>} : memref<280x128xf32, #tpu.memory_space<vmem>>, vector<1x16xf32>,
          %get3A_648 = vector.shape_cast %get3A_647 : vector<1x16xf32> to vector<16xf32>
          %mul3A_649 = vector.broadcast %squeeze3A_642 : f32 to vector<16xf32>
          %mul3A_650 = arith.mulf %mul3A_649, %get3A_648 : vector<16xf32>
          %add3A_651 = arith.addf %add3A_640, %mul3A_650 : vector<16xf32>
          %slice3A_652 = vector.extract_strided_slice %get3A_117 {offsets = [6], sizes = [1], strides = [1]} : vector<16xf32> to vector<1xf32>
          %squeeze3A_653 = vector.extract %slice3A_652[0] : f32 from vector<1xf32>
          %add3A_654 = arith.constant 6 : i32
          %add3A_655 = arith.addi %mul3A_113, %add3A_654 : i32
          %get3A_656 = arith.index_cast %add3A_655 : i32 to index
          %get3A_657 = arith.constant 96 : index
          %get3A_658 = tpu.vector_load %arg10[%get3A_656, %get3A_657] {strides = array<i32>} : memref<280x128xf32, #tpu.memory_space<vmem>>, vector<1x16xf32>,
          %get3A_659 = vector.shape_cast %get3A_658 : vector<1x16xf32> to vector<16xf32>
          %mul3A_660 = vector.broadcast %squeeze3A_653 : f32 to vector<16xf32>
          %mul3A_661 = arith.mulf %mul3A_660, %get3A_659 : vector<16xf32>
          %add3A_662 = arith.addf %add3A_651, %mul3A_661 : vector<16xf32>
          %swap3A_663 = arith.index_cast %add3A_111 : i32 to index
          %swap3A_664 = arith.constant 96 : index
          %swap3A_665 = tpu.vector_load %arg14[%swap3A_663, %swap3A_664] {strides = array<i32>} : memref<40x128xf32, #tpu.memory_space<vmem>>, vector<1x16xf32>,
          %swap3A_666 = vector.shape_cast %swap3A_665 : vector<1x16xf32> to vector<16xf32>
          %swap3A_667 = vector.shape_cast %add3A_662 : vector<16xf32> to vector<1x16xf32>
          tpu.vector_store %arg14[%swap3A_663, %swap3A_664], %swap3A_667 {strides = array<i32>} : memref<40x128xf32, #tpu.memory_space<vmem>>, vector<1x16xf32>,
          %slice3A_668 = vector.extract_strided_slice %get3A_117 {offsets = [0], sizes = [1], strides = [1]} : vector<16xf32> to vector<1xf32>
          %squeeze3A_669 = vector.extract %slice3A_668[0] : f32 from vector<1xf32>
          %get3A_670 = arith.index_cast %mul3A_113 : i32 to index
          %get3A_671 = arith.constant 112 : index
          %get3A_672 = tpu.vector_load %arg10[%get3A_670, %get3A_671] {strides = array<i32>} : memref<280x128xf32, #tpu.memory_space<vmem>>, vector<1x16xf32>,
          %get3A_673 = vector.shape_cast %get3A_672 : vector<1x16xf32> to vector<16xf32>
          %mul3A_674 = vector.broadcast %squeeze3A_669 : f32 to vector<16xf32>
          %mul3A_675 = arith.mulf %mul3A_674, %get3A_673 : vector<16xf32>
          %slice3A_676 = vector.extract_strided_slice %get3A_117 {offsets = [1], sizes = [1], strides = [1]} : vector<16xf32> to vector<1xf32>
          %squeeze3A_677 = vector.extract %slice3A_676[0] : f32 from vector<1xf32>
          %add3A_678 = arith.constant 1 : i32
          %add3A_679 = arith.addi %mul3A_113, %add3A_678 : i32
          %get3A_680 = arith.index_cast %add3A_679 : i32 to index
          %get3A_681 = arith.constant 112 : index
          %get3A_682 = tpu.vector_load %arg10[%get3A_680, %get3A_681] {strides = array<i32>} : memref<280x128xf32, #tpu.memory_space<vmem>>, vector<1x16xf32>,
          %get3A_683 = vector.shape_cast %get3A_682 : vector<1x16xf32> to vector<16xf32>
          %mul3A_684 = vector.broadcast %squeeze3A_677 : f32 to vector<16xf32>
          %mul3A_685 = arith.mulf %mul3A_684, %get3A_683 : vector<16xf32>
          %add3A_686 = arith.addf %mul3A_675, %mul3A_685 : vector<16xf32>
          %slice3A_687 = vector.extract_strided_slice %get3A_117 {offsets = [2], sizes = [1], strides = [1]} : vector<16xf32> to vector<1xf32>
          %squeeze3A_688 = vector.extract %slice3A_687[0] : f32 from vector<1xf32>
          %add3A_689 = arith.constant 2 : i32
          %add3A_690 = arith.addi %mul3A_113, %add3A_689 : i32
          %get3A_691 = arith.index_cast %add3A_690 : i32 to index
          %get3A_692 = arith.constant 112 : index
          %get3A_693 = tpu.vector_load %arg10[%get3A_691, %get3A_692] {strides = array<i32>} : memref<280x128xf32, #tpu.memory_space<vmem>>, vector<1x16xf32>,
          %get3A_694 = vector.shape_cast %get3A_693 : vector<1x16xf32> to vector<16xf32>
          %mul3A_695 = vector.broadcast %squeeze3A_688 : f32 to vector<16xf32>
          %mul3A_696 = arith.mulf %mul3A_695, %get3A_694 : vector<16xf32>
          %add3A_697 = arith.addf %add3A_686, %mul3A_696 : vector<16xf32>
          %slice3A_698 = vector.extract_strided_slice %get3A_117 {offsets = [3], sizes = [1], strides = [1]} : vector<16xf32> to vector<1xf32>
          %squeeze3A_699 = vector.extract %slice3A_698[0] : f32 from vector<1xf32>
          %add3A_700 = arith.constant 3 : i32
          %add3A_701 = arith.addi %mul3A_113, %add3A_700 : i32
          %get3A_702 = arith.index_cast %add3A_701 : i32 to index
          %get3A_703 = arith.constant 112 : index
          %get3A_704 = tpu.vector_load %arg10[%get3A_702, %get3A_703] {strides = array<i32>} : memref<280x128xf32, #tpu.memory_space<vmem>>, vector<1x16xf32>,
          %get3A_705 = vector.shape_cast %get3A_704 : vector<1x16xf32> to vector<16xf32>
          %mul3A_706 = vector.broadcast %squeeze3A_699 : f32 to vector<16xf32>
          %mul3A_707 = arith.mulf %mul3A_706, %get3A_705 : vector<16xf32>
          %add3A_708 = arith.addf %add3A_697, %mul3A_707 : vector<16xf32>
          %slice3A_709 = vector.extract_strided_slice %get3A_117 {offsets = [4], sizes = [1], strides = [1]} : vector<16xf32> to vector<1xf32>
          %squeeze3A_710 = vector.extract %slice3A_709[0] : f32 from vector<1xf32>
          %add3A_711 = arith.constant 4 : i32
          %add3A_712 = arith.addi %mul3A_113, %add3A_711 : i32
          %get3A_713 = arith.index_cast %add3A_712 : i32 to index
          %get3A_714 = arith.constant 112 : index
          %get3A_715 = tpu.vector_load %arg10[%get3A_713, %get3A_714] {strides = array<i32>} : memref<280x128xf32, #tpu.memory_space<vmem>>, vector<1x16xf32>,
          %get3A_716 = vector.shape_cast %get3A_715 : vector<1x16xf32> to vector<16xf32>
          %mul3A_717 = vector.broadcast %squeeze3A_710 : f32 to vector<16xf32>
          %mul3A_718 = arith.mulf %mul3A_717, %get3A_716 : vector<16xf32>
          %add3A_719 = arith.addf %add3A_708, %mul3A_718 : vector<16xf32>
          %slice3A_720 = vector.extract_strided_slice %get3A_117 {offsets = [5], sizes = [1], strides = [1]} : vector<16xf32> to vector<1xf32>
          %squeeze3A_721 = vector.extract %slice3A_720[0] : f32 from vector<1xf32>
          %add3A_722 = arith.constant 5 : i32
          %add3A_723 = arith.addi %mul3A_113, %add3A_722 : i32
          %get3A_724 = arith.index_cast %add3A_723 : i32 to index
          %get3A_725 = arith.constant 112 : index
          %get3A_726 = tpu.vector_load %arg10[%get3A_724, %get3A_725] {strides = array<i32>} : memref<280x128xf32, #tpu.memory_space<vmem>>, vector<1x16xf32>,
          %get3A_727 = vector.shape_cast %get3A_726 : vector<1x16xf32> to vector<16xf32>
          %mul3A_728 = vector.broadcast %squeeze3A_721 : f32 to vector<16xf32>
          %mul3A_729 = arith.mulf %mul3A_728, %get3A_727 : vector<16xf32>
          %add3A_730 = arith.addf %add3A_719, %mul3A_729 : vector<16xf32>
          %slice3A_731 = vector.extract_strided_slice %get3A_117 {offsets = [6], sizes = [1], strides = [1]} : vector<16xf32> to vector<1xf32>
          %squeeze3A_732 = vector.extract %slice3A_731[0] : f32 from vector<1xf32>
          %add3A_733 = arith.constant 6 : i32
          %add3A_734 = arith.addi %mul3A_113, %add3A_733 : i32
          %get3A_735 = arith.index_cast %add3A_734 : i32 to index
          %get3A_736 = arith.constant 112 : index
          %get3A_737 = tpu.vector_load %arg10[%get3A_735, %get3A_736] {strides = array<i32>} : memref<280x128xf32, #tpu.memory_space<vmem>>, vector<1x16xf32>,
          %get3A_738 = vector.shape_cast %get3A_737 : vector<1x16xf32> to vector<16xf32>
          %mul3A_739 = vector.broadcast %squeeze3A_732 : f32 to vector<16xf32>
          %mul3A_740 = arith.mulf %mul3A_739, %get3A_738 : vector<16xf32>
          %add3A_741 = arith.addf %add3A_730, %mul3A_740 : vector<16xf32>
          %swap3A_742 = arith.index_cast %add3A_111 : i32 to index
          %swap3A_743 = arith.constant 112 : index
          %swap3A_744 = tpu.vector_load %arg14[%swap3A_742, %swap3A_743] {strides = array<i32>} : memref<40x128xf32, #tpu.memory_space<vmem>>, vector<1x16xf32>,
          %swap3A_745 = vector.shape_cast %swap3A_744 : vector<1x16xf32> to vector<16xf32>
          %swap3A_746 = vector.shape_cast %add3A_741 : vector<16xf32> to vector<1x16xf32>
          tpu.vector_store %arg14[%swap3A_742, %swap3A_743], %swap3A_746 {strides = array<i32>} : memref<40x128xf32, #tpu.memory_space<vmem>>, vector<1x16xf32>,
        }
        %scan3A_101 = arith.constant 40 : i32
        %add3A_102 = arith.constant 40000 : i32
        %add3A_103 = arith.addi %add3A_102, %mul3A_84 : i32
        %dma_start3A = arith.constant 0 : i32
        %dma_start3A_104 = tpu.memref_slice %arg7[%add3A_103, %dma_start3A] : memref<50000x128xf32, #tpu.memory_space<hbm>> -> memref<40x128xf32, #tpu.memory_space<hbm>>
        %dma_start3A_105 = arith.constant 0 : i32
        %dma_start3A_106 = tpu.memref_slice %arg7[%add3A_103, %dma_start3A_105] : memref<50000x128xf32, #tpu.memory_space<hbm>> -> memref<40x128xf32, #tpu.memory_space<hbm>>
        tpu.enqueue_dma source(%arg14 : memref<40x128xf32, #tpu.memory_space<vmem>>) target(%dma_start3A_106 : memref<40x128xf32, #tpu.memory_space<hbm>>) target_semaphore(%arg18 : memref<!tpu.dma_semaphore, #tpu.memory_space<semaphore_mem>>)
      } else {
      }
      %add3A_57 = arith.constant 1 : i32
      %add3A_58 = arith.addi %add3A_31, %add3A_57 : i32
      %add3A_59 = arith.constant 1 : i32
      %add3A_60 = arith.addi %add3A_58, %add3A_59 : i32
      %lt3A_61 = arith.constant 40 : i32
      %lt3A_62 = arith.cmpi slt, %add3A_60, %lt3A_61 : i32
      %convert_element_type3A_63 = arith.extui %lt3A_62 : i1 to i32
      %cond3A_64 = arith.constant 0 : i32
      %cond3A_65 = arith.cmpi ne, %convert_element_type3A_63, %cond3A_64 : i32
      scf.if %cond3A_65 {
        %ge3A_82 = arith.constant 1 : i32
        %ge3A_83 = arith.cmpi sge, %add3A_58, %ge3A_82 : i32
        %convert_element_type3A_84 = arith.extui %ge3A_83 : i1 to i32
        %cond3A_85 = arith.constant 0 : i32
        %cond3A_86 = arith.cmpi ne, %convert_element_type3A_84, %cond3A_85 : i32
        scf.if %cond3A_86 {
          %dma_wait3A_105 = arith.constant 0 : i32
          %dma_wait3A_106 = arith.constant 0 : i32
          %dma_wait3A_107 = tpu.memref_slice %arg7[%dma_wait3A_105, %dma_wait3A_106] : memref<50000x128xf32, #tpu.memory_space<hbm>> -> memref<40x128xf32, #tpu.memory_space<hbm>>
          %dma_wait3A_108 = arith.constant 0 : i32
          %dma_wait3A_109 = arith.constant 0 : i32
          %dma_wait3A_110 = tpu.memref_slice %arg7[%dma_wait3A_108, %dma_wait3A_109] : memref<50000x128xf32, #tpu.memory_space<hbm>> -> memref<40x128xf32, #tpu.memory_space<hbm>>
          tpu.wait_dma2 semaphore(%arg18 : memref<!tpu.dma_semaphore, #tpu.memory_space<semaphore_mem>>) src(%arg14 : memref<40x128xf32, #tpu.memory_space<vmem>>) dst(%dma_wait3A_110 : memref<40x128xf32, #tpu.memory_space<hbm>>)
        } else {
        }
        %add3A_87 = arith.constant 1 : i32
        %add3A_88 = arith.addi %add3A_58, %add3A_87 : i32
        %mul3A_89 = arith.constant 32 : i32
        %mul3A_90 = arith.muli %add3A_88, %mul3A_89 : i32
        %add3A_91 = arith.addi %add3A, %mul3A_90 : i32
        %lt3A_92 = arith.constant 1000 : i32
        %lt3A_93 = arith.cmpi slt, %add3A_91, %lt3A_92 : i32
        %convert_element_type3A_94 = arith.extui %lt3A_93 : i1 to i32
        %cond3A_95 = arith.constant 0 : i32
        %cond3A_96 = arith.cmpi ne, %convert_element_type3A_94, %cond3A_95 : i32
        scf.if %cond3A_96 {
          %mul3A_105 = arith.constant 40 : i32
          %mul3A_106 = arith.muli %add3A_91, %mul3A_105 : i32
          %mul3A_107 = arith.constant 6 : i32
          %mul3A_108 = arith.muli %mul3A_106, %mul3A_107 : i32
          "tpu.region"() ({
            %run_scoped3A = tpu.sem_alloc : memref<!tpu.dma_semaphore, #tpu.memory_space<semaphore_mem>>
            %dma_start3A_118 = arith.constant 0 : i32
            %dma_start3A_119 = tpu.memref_slice %arg8[%dma_start3A_118] : memref<280xi32, #tpu.memory_space<vmem>> -> memref<240xi32, #tpu.memory_space<vmem>>
            %dma_start3A_120 = tpu.memref_slice %arg5[%mul3A_108] : memref<240000xi32, #tpu.memory_space<hbm>> -> memref<240xi32, #tpu.memory_space<hbm>>
            %dma_start3A_121 = arith.constant 0 : i32
            %dma_start3A_122 = tpu.memref_slice %arg8[%dma_start3A_121] : memref<280xi32, #tpu.memory_space<vmem>> -> memref<240xi32, #tpu.memory_space<vmem>>
            %dma_start3A_123 = tpu.memref_slice %arg5[%mul3A_108] : memref<240000xi32, #tpu.memory_space<hbm>> -> memref<240xi32, #tpu.memory_space<hbm>>
            tpu.enqueue_dma source(%dma_start3A_123 : memref<240xi32, #tpu.memory_space<hbm>>) target(%dma_start3A_122 : memref<240xi32, #tpu.memory_space<vmem>>) target_semaphore(%run_scoped3A : memref<!tpu.dma_semaphore, #tpu.memory_space<semaphore_mem>>)
            %dma_wait3A_124 = arith.constant 0 : i32
            %dma_wait3A_125 = tpu.memref_slice %arg8[%dma_wait3A_124] : memref<280xi32, #tpu.memory_space<vmem>> -> memref<240xi32, #tpu.memory_space<vmem>>
            %dma_wait3A_126 = tpu.memref_slice %arg5[%mul3A_108] : memref<240000xi32, #tpu.memory_space<hbm>> -> memref<240xi32, #tpu.memory_space<hbm>>
            %dma_wait3A_127 = arith.constant 0 : i32
            %dma_wait3A_128 = tpu.memref_slice %arg8[%dma_wait3A_127] : memref<280xi32, #tpu.memory_space<vmem>> -> memref<240xi32, #tpu.memory_space<vmem>>
            %dma_wait3A_129 = tpu.memref_slice %arg5[%mul3A_108] : memref<240000xi32, #tpu.memory_space<hbm>> -> memref<240xi32, #tpu.memory_space<hbm>>
            tpu.wait_dma2 semaphore(%run_scoped3A : memref<!tpu.dma_semaphore, #tpu.memory_space<semaphore_mem>>) src(%dma_wait3A_129 : memref<240xi32, #tpu.memory_space<hbm>>) dst(%dma_wait3A_128 : memref<240xi32, #tpu.memory_space<vmem>>)
            tpu.yield
          }) : () -> ()
          %mul3A_109 = arith.constant 16 : i32
          %mul3A_110 = arith.muli %mul3A_106, %mul3A_109 : i32
          "tpu.region"() ({
            %run_scoped3A = tpu.sem_alloc : memref<!tpu.dma_semaphore, #tpu.memory_space<semaphore_mem>>
            %dma_start3A_118 = tpu.memref_slice %arg3[%mul3A_110] : memref<640000xf32, #tpu.memory_space<hbm>> -> memref<640xf32, #tpu.memory_space<hbm>>
            %dma_start3A_119 = tpu.memref_slice %arg3[%mul3A_110] : memref<640000xf32, #tpu.memory_space<hbm>> -> memref<640xf32, #tpu.memory_space<hbm>>
            tpu.enqueue_dma source(%dma_start3A_119 : memref<640xf32, #tpu.memory_space<hbm>>) target(%arg12 : memref<640xf32, #tpu.memory_space<vmem>>) target_semaphore(%run_scoped3A : memref<!tpu.dma_semaphore, #tpu.memory_space<semaphore_mem>>)
            %dma_wait3A_120 = tpu.memref_slice %arg3[%mul3A_110] : memref<640000xf32, #tpu.memory_space<hbm>> -> memref<640xf32, #tpu.memory_space<hbm>>
            %dma_wait3A_121 = tpu.memref_slice %arg3[%mul3A_110] : memref<640000xf32, #tpu.memory_space<hbm>> -> memref<640xf32, #tpu.memory_space<hbm>>
            tpu.wait_dma2 semaphore(%run_scoped3A : memref<!tpu.dma_semaphore, #tpu.memory_space<semaphore_mem>>) src(%dma_wait3A_121 : memref<640xf32, #tpu.memory_space<hbm>>) dst(%arg12 : memref<640xf32, #tpu.memory_space<vmem>>)
            tpu.yield
          }) : () -> ()
          %dma_start3A = arith.constant 0 : i32
          %dma_start3A_111 = arith.constant 0 : i32
          %dma_start3A_112 = tpu.memref_slice %arg10[%dma_start3A, %dma_start3A_111] : memref<280x128xf32, #tpu.memory_space<vmem>> -> memref<240x128xf32, #tpu.memory_space<vmem>>
          %dma_start3A_113 = arith.constant 0 : i32
          %dma_start3A_114 = tpu.memref_slice %arg8[%dma_start3A_113] : memref<280xi32, #tpu.memory_space<vmem>> -> memref<240xi32, #tpu.memory_space<vmem>>
          %dma_start3A_115 = arith.constant 0 : i32
          %dma_start3A_116 = arith.constant 0 : i32
          %dma_start3A_117 = tpu.memref_slice %arg2[%dma_start3A_115, %dma_start3A_116] : memref<100000x128xf32, #tpu.memory_space<hbm>> -> memref<100000x128xf32, #tpu.memory_space<hbm>>
          tpu.enqueue_indirect_dma source(%dma_start3A_117 : memref<100000x128xf32, #tpu.memory_space<hbm>>) target(%dma_start3A_112 : memref<240x128xf32, #tpu.memory_space<vmem>>) offsets(%dma_start3A_114 : memref<240xi32, #tpu.memory_space<vmem>>) semaphore(%arg16 : memref<!tpu.dma_semaphore, #tpu.memory_space<semaphore_mem>>)
        } else {
        }
        %ge3A_97 = arith.constant 1000 : i32
        %ge3A_98 = arith.cmpi sge, %add3A_91, %ge3A_97 : i32
        %lt3A_99 = arith.constant 1250 : i32
        %lt3A_100 = arith.cmpi slt, %add3A_91, %lt3A_99 : i32
        %and3A_101 = arith.andi %ge3A_98, %lt3A_100 : i1
        %convert_element_type3A_102 = arith.extui %and3A_101 : i1 to i32
        %cond3A_103 = arith.constant 0 : i32
        %cond3A_104 = arith.cmpi ne, %convert_element_type3A_102, %cond3A_103 : i32
        scf.if %cond3A_104 {
          %sub3A = arith.constant 1000 : i32
          %sub3A_105 = arith.subi %add3A_91, %sub3A : i32
          %mul3A_106 = arith.constant 40 : i32
          %mul3A_107 = arith.muli %sub3A_105, %mul3A_106 : i32
          %mul3A_108 = arith.constant 7 : i32
          %mul3A_109 = arith.muli %mul3A_107, %mul3A_108 : i32
          "tpu.region"() ({
            %run_scoped3A = tpu.sem_alloc : memref<!tpu.dma_semaphore, #tpu.memory_space<semaphore_mem>>
            %dma_start3A_114 = tpu.memref_slice %arg6[%mul3A_109] : memref<70000xi32, #tpu.memory_space<hbm>> -> memref<280xi32, #tpu.memory_space<hbm>>
            %dma_start3A_115 = tpu.memref_slice %arg6[%mul3A_109] : memref<70000xi32, #tpu.memory_space<hbm>> -> memref<280xi32, #tpu.memory_space<hbm>>
            tpu.enqueue_dma source(%dma_start3A_115 : memref<280xi32, #tpu.memory_space<hbm>>) target(%arg8 : memref<280xi32, #tpu.memory_space<vmem>>) target_semaphore(%run_scoped3A : memref<!tpu.dma_semaphore, #tpu.memory_space<semaphore_mem>>)
            %dma_wait3A_116 = tpu.memref_slice %arg6[%mul3A_109] : memref<70000xi32, #tpu.memory_space<hbm>> -> memref<280xi32, #tpu.memory_space<hbm>>
            %dma_wait3A_117 = tpu.memref_slice %arg6[%mul3A_109] : memref<70000xi32, #tpu.memory_space<hbm>> -> memref<280xi32, #tpu.memory_space<hbm>>
            tpu.wait_dma2 semaphore(%run_scoped3A : memref<!tpu.dma_semaphore, #tpu.memory_space<semaphore_mem>>) src(%dma_wait3A_117 : memref<280xi32, #tpu.memory_space<hbm>>) dst(%arg8 : memref<280xi32, #tpu.memory_space<vmem>>)
            tpu.yield
          }) : () -> ()
          %mul3A_110 = arith.constant 16 : i32
          %mul3A_111 = arith.muli %mul3A_107, %mul3A_110 : i32
          "tpu.region"() ({
            %run_scoped3A = tpu.sem_alloc : memref<!tpu.dma_semaphore, #tpu.memory_space<semaphore_mem>>
            %dma_start3A_114 = tpu.memref_slice %arg4[%mul3A_111] : memref<160000xf32, #tpu.memory_space<hbm>> -> memref<640xf32, #tpu.memory_space<hbm>>
            %dma_start3A_115 = tpu.memref_slice %arg4[%mul3A_111] : memref<160000xf32, #tpu.memory_space<hbm>> -> memref<640xf32, #tpu.memory_space<hbm>>
            tpu.enqueue_dma source(%dma_start3A_115 : memref<640xf32, #tpu.memory_space<hbm>>) target(%arg12 : memref<640xf32, #tpu.memory_space<vmem>>) target_semaphore(%run_scoped3A : memref<!tpu.dma_semaphore, #tpu.memory_space<semaphore_mem>>)
            %dma_wait3A_116 = tpu.memref_slice %arg4[%mul3A_111] : memref<160000xf32, #tpu.memory_space<hbm>> -> memref<640xf32, #tpu.memory_space<hbm>>
            %dma_wait3A_117 = tpu.memref_slice %arg4[%mul3A_111] : memref<160000xf32, #tpu.memory_space<hbm>> -> memref<640xf32, #tpu.memory_space<hbm>>
            tpu.wait_dma2 semaphore(%run_scoped3A : memref<!tpu.dma_semaphore, #tpu.memory_space<semaphore_mem>>) src(%dma_wait3A_117 : memref<640xf32, #tpu.memory_space<hbm>>) dst(%arg12 : memref<640xf32, #tpu.memory_space<vmem>>)
            tpu.yield
          }) : () -> ()
          %dma_start3A = arith.constant 0 : i32
          %dma_start3A_112 = arith.constant 0 : i32
          %dma_start3A_113 = tpu.memref_slice %arg2[%dma_start3A, %dma_start3A_112] : memref<100000x128xf32, #tpu.memory_space<hbm>> -> memref<100000x128xf32, #tpu.memory_space<hbm>>
          tpu.enqueue_indirect_dma source(%dma_start3A_113 : memref<100000x128xf32, #tpu.memory_space<hbm>>) target(%arg10 : memref<280x128xf32, #tpu.memory_space<vmem>>) offsets(%arg8 : memref<280xi32, #tpu.memory_space<vmem>>) semaphore(%arg16 : memref<!tpu.dma_semaphore, #tpu.memory_space<semaphore_mem>>)
        } else {
        }
      } else {
      }
      %mul3A_66 = arith.constant 32 : i32
      %mul3A_67 = arith.muli %add3A_58, %mul3A_66 : i32
      %add3A_68 = arith.addi %add3A, %mul3A_67 : i32
      %lt3A_69 = arith.constant 1000 : i32
      %lt3A_70 = arith.cmpi slt, %add3A_68, %lt3A_69 : i32
      %convert_element_type3A_71 = arith.extui %lt3A_70 : i1 to i32
      %cond3A_72 = arith.constant 0 : i32
      %cond3A_73 = arith.cmpi ne, %convert_element_type3A_71, %cond3A_72 : i32
      scf.if %cond3A_73 {
        %mul3A_82 = arith.constant 40 : i32
        %mul3A_83 = arith.muli %add3A_68, %mul3A_82 : i32
        %dma_wait3A_84 = arith.constant 0 : i32
        %dma_wait3A_85 = arith.constant 0 : i32
        %dma_wait3A_86 = tpu.memref_slice %arg11[%dma_wait3A_84, %dma_wait3A_85] : memref<280x128xf32, #tpu.memory_space<vmem>> -> memref<240x128xf32, #tpu.memory_space<vmem>>
        %dma_wait3A_87 = arith.constant 0 : i32
        %dma_wait3A_88 = arith.constant 0 : i32
        %dma_wait3A_89 = tpu.memref_slice %arg2[%dma_wait3A_87, %dma_wait3A_88] : memref<100000x128xf32, #tpu.memory_space<hbm>> -> memref<240x128xf32, #tpu.memory_space<hbm>>
        %dma_wait3A_90 = arith.constant 0 : i32
        %dma_wait3A_91 = arith.constant 0 : i32
        %dma_wait3A_92 = tpu.memref_slice %arg11[%dma_wait3A_90, %dma_wait3A_91] : memref<280x128xf32, #tpu.memory_space<vmem>> -> memref<240x128xf32, #tpu.memory_space<vmem>>
        %dma_wait3A_93 = arith.constant 0 : i32
        %dma_wait3A_94 = arith.constant 0 : i32
        %dma_wait3A_95 = tpu.memref_slice %arg2[%dma_wait3A_93, %dma_wait3A_94] : memref<100000x128xf32, #tpu.memory_space<hbm>> -> memref<240x128xf32, #tpu.memory_space<hbm>>
        tpu.wait_dma2 semaphore(%arg17 : memref<!tpu.dma_semaphore, #tpu.memory_space<semaphore_mem>>) src(%dma_wait3A_95 : memref<240x128xf32, #tpu.memory_space<hbm>>) dst(%dma_wait3A_92 : memref<240x128xf32, #tpu.memory_space<vmem>>)
        %scan3A_96 = arith.constant 0 : i32
        %scan3A_97 = arith.constant 40 : i32
        %scan3A_98 = arith.addi %scan3A_96, %scan3A_97 : i32
        %scan3A_99 = arith.constant 1 : i32
        scf.for %scan3A_106 = %scan3A_96 to %scan3A_98 step %scan3A_99  : i32 {
          %mul3A_107 = arith.constant 1 : i32
          %mul3A_108 = arith.muli %scan3A_106, %mul3A_107 : i32
          %add3A_109 = arith.constant 0 : i32
          %add3A_110 = arith.addi %add3A_109, %mul3A_108 : i32
          %mul3A_111 = arith.constant 6 : i32
          %mul3A_112 = arith.muli %add3A_110, %mul3A_111 : i32
          %mul3A_113 = arith.constant 16 : i32
          %mul3A_114 = arith.muli %add3A_110, %mul3A_113 : i32
          %multiple_of3A = tpu.assume_multiple %mul3A_114, 16 : i32
          %get3A = arith.index_cast %multiple_of3A : i32 to index
          %get3A_115 = tpu.vector_load %arg13[%get3A] {strides = array<i32>} : memref<640xf32, #tpu.memory_space<vmem>>, vector<16xf32>,
          %get3A_116 = vector.shape_cast %get3A_115 : vector<16xf32> to vector<16xf32>
          %slice3A = vector.extract_strided_slice %get3A_116 {offsets = [0], sizes = [1], strides = [1]} : vector<16xf32> to vector<1xf32>
          %squeeze3A = vector.extract %slice3A[0] : f32 from vector<1xf32>
          %get3A_117 = arith.index_cast %mul3A_112 : i32 to index
          %get3A_118 = arith.constant 0 : index
          %get3A_119 = tpu.vector_load %arg11[%get3A_117, %get3A_118] {strides = array<i32>} : memref<280x128xf32, #tpu.memory_space<vmem>>, vector<1x16xf32>,
          %get3A_120 = vector.shape_cast %get3A_119 : vector<1x16xf32> to vector<16xf32>
          %mul3A_121 = vector.broadcast %squeeze3A : f32 to vector<16xf32>
          %mul3A_122 = arith.mulf %mul3A_121, %get3A_120 : vector<16xf32>
          %slice3A_123 = vector.extract_strided_slice %get3A_116 {offsets = [1], sizes = [1], strides = [1]} : vector<16xf32> to vector<1xf32>
          %squeeze3A_124 = vector.extract %slice3A_123[0] : f32 from vector<1xf32>
          %add3A_125 = arith.constant 1 : i32
          %add3A_126 = arith.addi %mul3A_112, %add3A_125 : i32
          %get3A_127 = arith.index_cast %add3A_126 : i32 to index
          %get3A_128 = arith.constant 0 : index
          %get3A_129 = tpu.vector_load %arg11[%get3A_127, %get3A_128] {strides = array<i32>} : memref<280x128xf32, #tpu.memory_space<vmem>>, vector<1x16xf32>,
          %get3A_130 = vector.shape_cast %get3A_129 : vector<1x16xf32> to vector<16xf32>
          %mul3A_131 = vector.broadcast %squeeze3A_124 : f32 to vector<16xf32>
          %mul3A_132 = arith.mulf %mul3A_131, %get3A_130 : vector<16xf32>
          %add3A_133 = arith.addf %mul3A_122, %mul3A_132 : vector<16xf32>
          %slice3A_134 = vector.extract_strided_slice %get3A_116 {offsets = [2], sizes = [1], strides = [1]} : vector<16xf32> to vector<1xf32>
          %squeeze3A_135 = vector.extract %slice3A_134[0] : f32 from vector<1xf32>
          %add3A_136 = arith.constant 2 : i32
          %add3A_137 = arith.addi %mul3A_112, %add3A_136 : i32
          %get3A_138 = arith.index_cast %add3A_137 : i32 to index
          %get3A_139 = arith.constant 0 : index
          %get3A_140 = tpu.vector_load %arg11[%get3A_138, %get3A_139] {strides = array<i32>} : memref<280x128xf32, #tpu.memory_space<vmem>>, vector<1x16xf32>,
          %get3A_141 = vector.shape_cast %get3A_140 : vector<1x16xf32> to vector<16xf32>
          %mul3A_142 = vector.broadcast %squeeze3A_135 : f32 to vector<16xf32>
          %mul3A_143 = arith.mulf %mul3A_142, %get3A_141 : vector<16xf32>
          %add3A_144 = arith.addf %add3A_133, %mul3A_143 : vector<16xf32>
          %slice3A_145 = vector.extract_strided_slice %get3A_116 {offsets = [3], sizes = [1], strides = [1]} : vector<16xf32> to vector<1xf32>
          %squeeze3A_146 = vector.extract %slice3A_145[0] : f32 from vector<1xf32>
          %add3A_147 = arith.constant 3 : i32
          %add3A_148 = arith.addi %mul3A_112, %add3A_147 : i32
          %get3A_149 = arith.index_cast %add3A_148 : i32 to index
          %get3A_150 = arith.constant 0 : index
          %get3A_151 = tpu.vector_load %arg11[%get3A_149, %get3A_150] {strides = array<i32>} : memref<280x128xf32, #tpu.memory_space<vmem>>, vector<1x16xf32>,
          %get3A_152 = vector.shape_cast %get3A_151 : vector<1x16xf32> to vector<16xf32>
          %mul3A_153 = vector.broadcast %squeeze3A_146 : f32 to vector<16xf32>
          %mul3A_154 = arith.mulf %mul3A_153, %get3A_152 : vector<16xf32>
          %add3A_155 = arith.addf %add3A_144, %mul3A_154 : vector<16xf32>
          %slice3A_156 = vector.extract_strided_slice %get3A_116 {offsets = [4], sizes = [1], strides = [1]} : vector<16xf32> to vector<1xf32>
          %squeeze3A_157 = vector.extract %slice3A_156[0] : f32 from vector<1xf32>
          %add3A_158 = arith.constant 4 : i32
          %add3A_159 = arith.addi %mul3A_112, %add3A_158 : i32
          %get3A_160 = arith.index_cast %add3A_159 : i32 to index
          %get3A_161 = arith.constant 0 : index
          %get3A_162 = tpu.vector_load %arg11[%get3A_160, %get3A_161] {strides = array<i32>} : memref<280x128xf32, #tpu.memory_space<vmem>>, vector<1x16xf32>,
          %get3A_163 = vector.shape_cast %get3A_162 : vector<1x16xf32> to vector<16xf32>
          %mul3A_164 = vector.broadcast %squeeze3A_157 : f32 to vector<16xf32>
          %mul3A_165 = arith.mulf %mul3A_164, %get3A_163 : vector<16xf32>
          %add3A_166 = arith.addf %add3A_155, %mul3A_165 : vector<16xf32>
          %slice3A_167 = vector.extract_strided_slice %get3A_116 {offsets = [5], sizes = [1], strides = [1]} : vector<16xf32> to vector<1xf32>
          %squeeze3A_168 = vector.extract %slice3A_167[0] : f32 from vector<1xf32>
          %add3A_169 = arith.constant 5 : i32
          %add3A_170 = arith.addi %mul3A_112, %add3A_169 : i32
          %get3A_171 = arith.index_cast %add3A_170 : i32 to index
          %get3A_172 = arith.constant 0 : index
          %get3A_173 = tpu.vector_load %arg11[%get3A_171, %get3A_172] {strides = array<i32>} : memref<280x128xf32, #tpu.memory_space<vmem>>, vector<1x16xf32>,
          %get3A_174 = vector.shape_cast %get3A_173 : vector<1x16xf32> to vector<16xf32>
          %mul3A_175 = vector.broadcast %squeeze3A_168 : f32 to vector<16xf32>
          %mul3A_176 = arith.mulf %mul3A_175, %get3A_174 : vector<16xf32>
          %add3A_177 = arith.addf %add3A_166, %mul3A_176 : vector<16xf32>
          %swap3A = arith.index_cast %add3A_110 : i32 to index
          %swap3A_178 = arith.constant 0 : index
          %swap3A_179 = tpu.vector_load %arg15[%swap3A, %swap3A_178] {strides = array<i32>} : memref<40x128xf32, #tpu.memory_space<vmem>>, vector<1x16xf32>,
          %swap3A_180 = vector.shape_cast %swap3A_179 : vector<1x16xf32> to vector<16xf32>
          %swap3A_181 = vector.shape_cast %add3A_177 : vector<16xf32> to vector<1x16xf32>
          tpu.vector_store %arg15[%swap3A, %swap3A_178], %swap3A_181 {strides = array<i32>} : memref<40x128xf32, #tpu.memory_space<vmem>>, vector<1x16xf32>,
          %slice3A_182 = vector.extract_strided_slice %get3A_116 {offsets = [0], sizes = [1], strides = [1]} : vector<16xf32> to vector<1xf32>
          %squeeze3A_183 = vector.extract %slice3A_182[0] : f32 from vector<1xf32>
          %get3A_184 = arith.index_cast %mul3A_112 : i32 to index
          %get3A_185 = arith.constant 16 : index
          %get3A_186 = tpu.vector_load %arg11[%get3A_184, %get3A_185] {strides = array<i32>} : memref<280x128xf32, #tpu.memory_space<vmem>>, vector<1x16xf32>,
          %get3A_187 = vector.shape_cast %get3A_186 : vector<1x16xf32> to vector<16xf32>
          %mul3A_188 = vector.broadcast %squeeze3A_183 : f32 to vector<16xf32>
          %mul3A_189 = arith.mulf %mul3A_188, %get3A_187 : vector<16xf32>
          %slice3A_190 = vector.extract_strided_slice %get3A_116 {offsets = [1], sizes = [1], strides = [1]} : vector<16xf32> to vector<1xf32>
          %squeeze3A_191 = vector.extract %slice3A_190[0] : f32 from vector<1xf32>
          %add3A_192 = arith.constant 1 : i32
          %add3A_193 = arith.addi %mul3A_112, %add3A_192 : i32
          %get3A_194 = arith.index_cast %add3A_193 : i32 to index
          %get3A_195 = arith.constant 16 : index
          %get3A_196 = tpu.vector_load %arg11[%get3A_194, %get3A_195] {strides = array<i32>} : memref<280x128xf32, #tpu.memory_space<vmem>>, vector<1x16xf32>,
          %get3A_197 = vector.shape_cast %get3A_196 : vector<1x16xf32> to vector<16xf32>
          %mul3A_198 = vector.broadcast %squeeze3A_191 : f32 to vector<16xf32>
          %mul3A_199 = arith.mulf %mul3A_198, %get3A_197 : vector<16xf32>
          %add3A_200 = arith.addf %mul3A_189, %mul3A_199 : vector<16xf32>
          %slice3A_201 = vector.extract_strided_slice %get3A_116 {offsets = [2], sizes = [1], strides = [1]} : vector<16xf32> to vector<1xf32>
          %squeeze3A_202 = vector.extract %slice3A_201[0] : f32 from vector<1xf32>
          %add3A_203 = arith.constant 2 : i32
          %add3A_204 = arith.addi %mul3A_112, %add3A_203 : i32
          %get3A_205 = arith.index_cast %add3A_204 : i32 to index
          %get3A_206 = arith.constant 16 : index
          %get3A_207 = tpu.vector_load %arg11[%get3A_205, %get3A_206] {strides = array<i32>} : memref<280x128xf32, #tpu.memory_space<vmem>>, vector<1x16xf32>,
          %get3A_208 = vector.shape_cast %get3A_207 : vector<1x16xf32> to vector<16xf32>
          %mul3A_209 = vector.broadcast %squeeze3A_202 : f32 to vector<16xf32>
          %mul3A_210 = arith.mulf %mul3A_209, %get3A_208 : vector<16xf32>
          %add3A_211 = arith.addf %add3A_200, %mul3A_210 : vector<16xf32>
          %slice3A_212 = vector.extract_strided_slice %get3A_116 {offsets = [3], sizes = [1], strides = [1]} : vector<16xf32> to vector<1xf32>
          %squeeze3A_213 = vector.extract %slice3A_212[0] : f32 from vector<1xf32>
          %add3A_214 = arith.constant 3 : i32
          %add3A_215 = arith.addi %mul3A_112, %add3A_214 : i32
          %get3A_216 = arith.index_cast %add3A_215 : i32 to index
          %get3A_217 = arith.constant 16 : index
          %get3A_218 = tpu.vector_load %arg11[%get3A_216, %get3A_217] {strides = array<i32>} : memref<280x128xf32, #tpu.memory_space<vmem>>, vector<1x16xf32>,
          %get3A_219 = vector.shape_cast %get3A_218 : vector<1x16xf32> to vector<16xf32>
          %mul3A_220 = vector.broadcast %squeeze3A_213 : f32 to vector<16xf32>
          %mul3A_221 = arith.mulf %mul3A_220, %get3A_219 : vector<16xf32>
          %add3A_222 = arith.addf %add3A_211, %mul3A_221 : vector<16xf32>
          %slice3A_223 = vector.extract_strided_slice %get3A_116 {offsets = [4], sizes = [1], strides = [1]} : vector<16xf32> to vector<1xf32>
          %squeeze3A_224 = vector.extract %slice3A_223[0] : f32 from vector<1xf32>
          %add3A_225 = arith.constant 4 : i32
          %add3A_226 = arith.addi %mul3A_112, %add3A_225 : i32
          %get3A_227 = arith.index_cast %add3A_226 : i32 to index
          %get3A_228 = arith.constant 16 : index
          %get3A_229 = tpu.vector_load %arg11[%get3A_227, %get3A_228] {strides = array<i32>} : memref<280x128xf32, #tpu.memory_space<vmem>>, vector<1x16xf32>,
          %get3A_230 = vector.shape_cast %get3A_229 : vector<1x16xf32> to vector<16xf32>
          %mul3A_231 = vector.broadcast %squeeze3A_224 : f32 to vector<16xf32>
          %mul3A_232 = arith.mulf %mul3A_231, %get3A_230 : vector<16xf32>
          %add3A_233 = arith.addf %add3A_222, %mul3A_232 : vector<16xf32>
          %slice3A_234 = vector.extract_strided_slice %get3A_116 {offsets = [5], sizes = [1], strides = [1]} : vector<16xf32> to vector<1xf32>
          %squeeze3A_235 = vector.extract %slice3A_234[0] : f32 from vector<1xf32>
          %add3A_236 = arith.constant 5 : i32
          %add3A_237 = arith.addi %mul3A_112, %add3A_236 : i32
          %get3A_238 = arith.index_cast %add3A_237 : i32 to index
          %get3A_239 = arith.constant 16 : index
          %get3A_240 = tpu.vector_load %arg11[%get3A_238, %get3A_239] {strides = array<i32>} : memref<280x128xf32, #tpu.memory_space<vmem>>, vector<1x16xf32>,
          %get3A_241 = vector.shape_cast %get3A_240 : vector<1x16xf32> to vector<16xf32>
          %mul3A_242 = vector.broadcast %squeeze3A_235 : f32 to vector<16xf32>
          %mul3A_243 = arith.mulf %mul3A_242, %get3A_241 : vector<16xf32>
          %add3A_244 = arith.addf %add3A_233, %mul3A_243 : vector<16xf32>
          %swap3A_245 = arith.index_cast %add3A_110 : i32 to index
          %swap3A_246 = arith.constant 16 : index
          %swap3A_247 = tpu.vector_load %arg15[%swap3A_245, %swap3A_246] {strides = array<i32>} : memref<40x128xf32, #tpu.memory_space<vmem>>, vector<1x16xf32>,
          %swap3A_248 = vector.shape_cast %swap3A_247 : vector<1x16xf32> to vector<16xf32>
          %swap3A_249 = vector.shape_cast %add3A_244 : vector<16xf32> to vector<1x16xf32>
          tpu.vector_store %arg15[%swap3A_245, %swap3A_246], %swap3A_249 {strides = array<i32>} : memref<40x128xf32, #tpu.memory_space<vmem>>, vector<1x16xf32>,
          %slice3A_250 = vector.extract_strided_slice %get3A_116 {offsets = [0], sizes = [1], strides = [1]} : vector<16xf32> to vector<1xf32>
          %squeeze3A_251 = vector.extract %slice3A_250[0] : f32 from vector<1xf32>
          %get3A_252 = arith.index_cast %mul3A_112 : i32 to index
          %get3A_253 = arith.constant 32 : index
          %get3A_254 = tpu.vector_load %arg11[%get3A_252, %get3A_253] {strides = array<i32>} : memref<280x128xf32, #tpu.memory_space<vmem>>, vector<1x16xf32>,
          %get3A_255 = vector.shape_cast %get3A_254 : vector<1x16xf32> to vector<16xf32>
          %mul3A_256 = vector.broadcast %squeeze3A_251 : f32 to vector<16xf32>
          %mul3A_257 = arith.mulf %mul3A_256, %get3A_255 : vector<16xf32>
          %slice3A_258 = vector.extract_strided_slice %get3A_116 {offsets = [1], sizes = [1], strides = [1]} : vector<16xf32> to vector<1xf32>
          %squeeze3A_259 = vector.extract %slice3A_258[0] : f32 from vector<1xf32>
          %add3A_260 = arith.constant 1 : i32
          %add3A_261 = arith.addi %mul3A_112, %add3A_260 : i32
          %get3A_262 = arith.index_cast %add3A_261 : i32 to index
          %get3A_263 = arith.constant 32 : index
          %get3A_264 = tpu.vector_load %arg11[%get3A_262, %get3A_263] {strides = array<i32>} : memref<280x128xf32, #tpu.memory_space<vmem>>, vector<1x16xf32>,
          %get3A_265 = vector.shape_cast %get3A_264 : vector<1x16xf32> to vector<16xf32>
          %mul3A_266 = vector.broadcast %squeeze3A_259 : f32 to vector<16xf32>
          %mul3A_267 = arith.mulf %mul3A_266, %get3A_265 : vector<16xf32>
          %add3A_268 = arith.addf %mul3A_257, %mul3A_267 : vector<16xf32>
          %slice3A_269 = vector.extract_strided_slice %get3A_116 {offsets = [2], sizes = [1], strides = [1]} : vector<16xf32> to vector<1xf32>
          %squeeze3A_270 = vector.extract %slice3A_269[0] : f32 from vector<1xf32>
          %add3A_271 = arith.constant 2 : i32
          %add3A_272 = arith.addi %mul3A_112, %add3A_271 : i32
          %get3A_273 = arith.index_cast %add3A_272 : i32 to index
          %get3A_274 = arith.constant 32 : index
          %get3A_275 = tpu.vector_load %arg11[%get3A_273, %get3A_274] {strides = array<i32>} : memref<280x128xf32, #tpu.memory_space<vmem>>, vector<1x16xf32>,
          %get3A_276 = vector.shape_cast %get3A_275 : vector<1x16xf32> to vector<16xf32>
          %mul3A_277 = vector.broadcast %squeeze3A_270 : f32 to vector<16xf32>
          %mul3A_278 = arith.mulf %mul3A_277, %get3A_276 : vector<16xf32>
          %add3A_279 = arith.addf %add3A_268, %mul3A_278 : vector<16xf32>
          %slice3A_280 = vector.extract_strided_slice %get3A_116 {offsets = [3], sizes = [1], strides = [1]} : vector<16xf32> to vector<1xf32>
          %squeeze3A_281 = vector.extract %slice3A_280[0] : f32 from vector<1xf32>
          %add3A_282 = arith.constant 3 : i32
          %add3A_283 = arith.addi %mul3A_112, %add3A_282 : i32
          %get3A_284 = arith.index_cast %add3A_283 : i32 to index
          %get3A_285 = arith.constant 32 : index
          %get3A_286 = tpu.vector_load %arg11[%get3A_284, %get3A_285] {strides = array<i32>} : memref<280x128xf32, #tpu.memory_space<vmem>>, vector<1x16xf32>,
          %get3A_287 = vector.shape_cast %get3A_286 : vector<1x16xf32> to vector<16xf32>
          %mul3A_288 = vector.broadcast %squeeze3A_281 : f32 to vector<16xf32>
          %mul3A_289 = arith.mulf %mul3A_288, %get3A_287 : vector<16xf32>
          %add3A_290 = arith.addf %add3A_279, %mul3A_289 : vector<16xf32>
          %slice3A_291 = vector.extract_strided_slice %get3A_116 {offsets = [4], sizes = [1], strides = [1]} : vector<16xf32> to vector<1xf32>
          %squeeze3A_292 = vector.extract %slice3A_291[0] : f32 from vector<1xf32>
          %add3A_293 = arith.constant 4 : i32
          %add3A_294 = arith.addi %mul3A_112, %add3A_293 : i32
          %get3A_295 = arith.index_cast %add3A_294 : i32 to index
          %get3A_296 = arith.constant 32 : index
          %get3A_297 = tpu.vector_load %arg11[%get3A_295, %get3A_296] {strides = array<i32>} : memref<280x128xf32, #tpu.memory_space<vmem>>, vector<1x16xf32>,
          %get3A_298 = vector.shape_cast %get3A_297 : vector<1x16xf32> to vector<16xf32>
          %mul3A_299 = vector.broadcast %squeeze3A_292 : f32 to vector<16xf32>
          %mul3A_300 = arith.mulf %mul3A_299, %get3A_298 : vector<16xf32>
          %add3A_301 = arith.addf %add3A_290, %mul3A_300 : vector<16xf32>
          %slice3A_302 = vector.extract_strided_slice %get3A_116 {offsets = [5], sizes = [1], strides = [1]} : vector<16xf32> to vector<1xf32>
          %squeeze3A_303 = vector.extract %slice3A_302[0] : f32 from vector<1xf32>
          %add3A_304 = arith.constant 5 : i32
          %add3A_305 = arith.addi %mul3A_112, %add3A_304 : i32
          %get3A_306 = arith.index_cast %add3A_305 : i32 to index
          %get3A_307 = arith.constant 32 : index
          %get3A_308 = tpu.vector_load %arg11[%get3A_306, %get3A_307] {strides = array<i32>} : memref<280x128xf32, #tpu.memory_space<vmem>>, vector<1x16xf32>,
          %get3A_309 = vector.shape_cast %get3A_308 : vector<1x16xf32> to vector<16xf32>
          %mul3A_310 = vector.broadcast %squeeze3A_303 : f32 to vector<16xf32>
          %mul3A_311 = arith.mulf %mul3A_310, %get3A_309 : vector<16xf32>
          %add3A_312 = arith.addf %add3A_301, %mul3A_311 : vector<16xf32>
          %swap3A_313 = arith.index_cast %add3A_110 : i32 to index
          %swap3A_314 = arith.constant 32 : index
          %swap3A_315 = tpu.vector_load %arg15[%swap3A_313, %swap3A_314] {strides = array<i32>} : memref<40x128xf32, #tpu.memory_space<vmem>>, vector<1x16xf32>,
          %swap3A_316 = vector.shape_cast %swap3A_315 : vector<1x16xf32> to vector<16xf32>
          %swap3A_317 = vector.shape_cast %add3A_312 : vector<16xf32> to vector<1x16xf32>
          tpu.vector_store %arg15[%swap3A_313, %swap3A_314], %swap3A_317 {strides = array<i32>} : memref<40x128xf32, #tpu.memory_space<vmem>>, vector<1x16xf32>,
          %slice3A_318 = vector.extract_strided_slice %get3A_116 {offsets = [0], sizes = [1], strides = [1]} : vector<16xf32> to vector<1xf32>
          %squeeze3A_319 = vector.extract %slice3A_318[0] : f32 from vector<1xf32>
          %get3A_320 = arith.index_cast %mul3A_112 : i32 to index
          %get3A_321 = arith.constant 48 : index
          %get3A_322 = tpu.vector_load %arg11[%get3A_320, %get3A_321] {strides = array<i32>} : memref<280x128xf32, #tpu.memory_space<vmem>>, vector<1x16xf32>,
          %get3A_323 = vector.shape_cast %get3A_322 : vector<1x16xf32> to vector<16xf32>
          %mul3A_324 = vector.broadcast %squeeze3A_319 : f32 to vector<16xf32>
          %mul3A_325 = arith.mulf %mul3A_324, %get3A_323 : vector<16xf32>
          %slice3A_326 = vector.extract_strided_slice %get3A_116 {offsets = [1], sizes = [1], strides = [1]} : vector<16xf32> to vector<1xf32>
          %squeeze3A_327 = vector.extract %slice3A_326[0] : f32 from vector<1xf32>
          %add3A_328 = arith.constant 1 : i32
          %add3A_329 = arith.addi %mul3A_112, %add3A_328 : i32
          %get3A_330 = arith.index_cast %add3A_329 : i32 to index
          %get3A_331 = arith.constant 48 : index
          %get3A_332 = tpu.vector_load %arg11[%get3A_330, %get3A_331] {strides = array<i32>} : memref<280x128xf32, #tpu.memory_space<vmem>>, vector<1x16xf32>,
          %get3A_333 = vector.shape_cast %get3A_332 : vector<1x16xf32> to vector<16xf32>
          %mul3A_334 = vector.broadcast %squeeze3A_327 : f32 to vector<16xf32>
          %mul3A_335 = arith.mulf %mul3A_334, %get3A_333 : vector<16xf32>
          %add3A_336 = arith.addf %mul3A_325, %mul3A_335 : vector<16xf32>
          %slice3A_337 = vector.extract_strided_slice %get3A_116 {offsets = [2], sizes = [1], strides = [1]} : vector<16xf32> to vector<1xf32>
          %squeeze3A_338 = vector.extract %slice3A_337[0] : f32 from vector<1xf32>
          %add3A_339 = arith.constant 2 : i32
          %add3A_340 = arith.addi %mul3A_112, %add3A_339 : i32
          %get3A_341 = arith.index_cast %add3A_340 : i32 to index
          %get3A_342 = arith.constant 48 : index
          %get3A_343 = tpu.vector_load %arg11[%get3A_341, %get3A_342] {strides = array<i32>} : memref<280x128xf32, #tpu.memory_space<vmem>>, vector<1x16xf32>,
          %get3A_344 = vector.shape_cast %get3A_343 : vector<1x16xf32> to vector<16xf32>
          %mul3A_345 = vector.broadcast %squeeze3A_338 : f32 to vector<16xf32>
          %mul3A_346 = arith.mulf %mul3A_345, %get3A_344 : vector<16xf32>
          %add3A_347 = arith.addf %add3A_336, %mul3A_346 : vector<16xf32>
          %slice3A_348 = vector.extract_strided_slice %get3A_116 {offsets = [3], sizes = [1], strides = [1]} : vector<16xf32> to vector<1xf32>
          %squeeze3A_349 = vector.extract %slice3A_348[0] : f32 from vector<1xf32>
          %add3A_350 = arith.constant 3 : i32
          %add3A_351 = arith.addi %mul3A_112, %add3A_350 : i32
          %get3A_352 = arith.index_cast %add3A_351 : i32 to index
          %get3A_353 = arith.constant 48 : index
          %get3A_354 = tpu.vector_load %arg11[%get3A_352, %get3A_353] {strides = array<i32>} : memref<280x128xf32, #tpu.memory_space<vmem>>, vector<1x16xf32>,
          %get3A_355 = vector.shape_cast %get3A_354 : vector<1x16xf32> to vector<16xf32>
          %mul3A_356 = vector.broadcast %squeeze3A_349 : f32 to vector<16xf32>
          %mul3A_357 = arith.mulf %mul3A_356, %get3A_355 : vector<16xf32>
          %add3A_358 = arith.addf %add3A_347, %mul3A_357 : vector<16xf32>
          %slice3A_359 = vector.extract_strided_slice %get3A_116 {offsets = [4], sizes = [1], strides = [1]} : vector<16xf32> to vector<1xf32>
          %squeeze3A_360 = vector.extract %slice3A_359[0] : f32 from vector<1xf32>
          %add3A_361 = arith.constant 4 : i32
          %add3A_362 = arith.addi %mul3A_112, %add3A_361 : i32
          %get3A_363 = arith.index_cast %add3A_362 : i32 to index
          %get3A_364 = arith.constant 48 : index
          %get3A_365 = tpu.vector_load %arg11[%get3A_363, %get3A_364] {strides = array<i32>} : memref<280x128xf32, #tpu.memory_space<vmem>>, vector<1x16xf32>,
          %get3A_366 = vector.shape_cast %get3A_365 : vector<1x16xf32> to vector<16xf32>
          %mul3A_367 = vector.broadcast %squeeze3A_360 : f32 to vector<16xf32>
          %mul3A_368 = arith.mulf %mul3A_367, %get3A_366 : vector<16xf32>
          %add3A_369 = arith.addf %add3A_358, %mul3A_368 : vector<16xf32>
          %slice3A_370 = vector.extract_strided_slice %get3A_116 {offsets = [5], sizes = [1], strides = [1]} : vector<16xf32> to vector<1xf32>
          %squeeze3A_371 = vector.extract %slice3A_370[0] : f32 from vector<1xf32>
          %add3A_372 = arith.constant 5 : i32
          %add3A_373 = arith.addi %mul3A_112, %add3A_372 : i32
          %get3A_374 = arith.index_cast %add3A_373 : i32 to index
          %get3A_375 = arith.constant 48 : index
          %get3A_376 = tpu.vector_load %arg11[%get3A_374, %get3A_375] {strides = array<i32>} : memref<280x128xf32, #tpu.memory_space<vmem>>, vector<1x16xf32>,
          %get3A_377 = vector.shape_cast %get3A_376 : vector<1x16xf32> to vector<16xf32>
          %mul3A_378 = vector.broadcast %squeeze3A_371 : f32 to vector<16xf32>
          %mul3A_379 = arith.mulf %mul3A_378, %get3A_377 : vector<16xf32>
          %add3A_380 = arith.addf %add3A_369, %mul3A_379 : vector<16xf32>
          %swap3A_381 = arith.index_cast %add3A_110 : i32 to index
          %swap3A_382 = arith.constant 48 : index
          %swap3A_383 = tpu.vector_load %arg15[%swap3A_381, %swap3A_382] {strides = array<i32>} : memref<40x128xf32, #tpu.memory_space<vmem>>, vector<1x16xf32>,
          %swap3A_384 = vector.shape_cast %swap3A_383 : vector<1x16xf32> to vector<16xf32>
          %swap3A_385 = vector.shape_cast %add3A_380 : vector<16xf32> to vector<1x16xf32>
          tpu.vector_store %arg15[%swap3A_381, %swap3A_382], %swap3A_385 {strides = array<i32>} : memref<40x128xf32, #tpu.memory_space<vmem>>, vector<1x16xf32>,
          %slice3A_386 = vector.extract_strided_slice %get3A_116 {offsets = [0], sizes = [1], strides = [1]} : vector<16xf32> to vector<1xf32>
          %squeeze3A_387 = vector.extract %slice3A_386[0] : f32 from vector<1xf32>
          %get3A_388 = arith.index_cast %mul3A_112 : i32 to index
          %get3A_389 = arith.constant 64 : index
          %get3A_390 = tpu.vector_load %arg11[%get3A_388, %get3A_389] {strides = array<i32>} : memref<280x128xf32, #tpu.memory_space<vmem>>, vector<1x16xf32>,
          %get3A_391 = vector.shape_cast %get3A_390 : vector<1x16xf32> to vector<16xf32>
          %mul3A_392 = vector.broadcast %squeeze3A_387 : f32 to vector<16xf32>
          %mul3A_393 = arith.mulf %mul3A_392, %get3A_391 : vector<16xf32>
          %slice3A_394 = vector.extract_strided_slice %get3A_116 {offsets = [1], sizes = [1], strides = [1]} : vector<16xf32> to vector<1xf32>
          %squeeze3A_395 = vector.extract %slice3A_394[0] : f32 from vector<1xf32>
          %add3A_396 = arith.constant 1 : i32
          %add3A_397 = arith.addi %mul3A_112, %add3A_396 : i32
          %get3A_398 = arith.index_cast %add3A_397 : i32 to index
          %get3A_399 = arith.constant 64 : index
          %get3A_400 = tpu.vector_load %arg11[%get3A_398, %get3A_399] {strides = array<i32>} : memref<280x128xf32, #tpu.memory_space<vmem>>, vector<1x16xf32>,
          %get3A_401 = vector.shape_cast %get3A_400 : vector<1x16xf32> to vector<16xf32>
          %mul3A_402 = vector.broadcast %squeeze3A_395 : f32 to vector<16xf32>
          %mul3A_403 = arith.mulf %mul3A_402, %get3A_401 : vector<16xf32>
          %add3A_404 = arith.addf %mul3A_393, %mul3A_403 : vector<16xf32>
          %slice3A_405 = vector.extract_strided_slice %get3A_116 {offsets = [2], sizes = [1], strides = [1]} : vector<16xf32> to vector<1xf32>
          %squeeze3A_406 = vector.extract %slice3A_405[0] : f32 from vector<1xf32>
          %add3A_407 = arith.constant 2 : i32
          %add3A_408 = arith.addi %mul3A_112, %add3A_407 : i32
          %get3A_409 = arith.index_cast %add3A_408 : i32 to index
          %get3A_410 = arith.constant 64 : index
          %get3A_411 = tpu.vector_load %arg11[%get3A_409, %get3A_410] {strides = array<i32>} : memref<280x128xf32, #tpu.memory_space<vmem>>, vector<1x16xf32>,
          %get3A_412 = vector.shape_cast %get3A_411 : vector<1x16xf32> to vector<16xf32>
          %mul3A_413 = vector.broadcast %squeeze3A_406 : f32 to vector<16xf32>
          %mul3A_414 = arith.mulf %mul3A_413, %get3A_412 : vector<16xf32>
          %add3A_415 = arith.addf %add3A_404, %mul3A_414 : vector<16xf32>
          %slice3A_416 = vector.extract_strided_slice %get3A_116 {offsets = [3], sizes = [1], strides = [1]} : vector<16xf32> to vector<1xf32>
          %squeeze3A_417 = vector.extract %slice3A_416[0] : f32 from vector<1xf32>
          %add3A_418 = arith.constant 3 : i32
          %add3A_419 = arith.addi %mul3A_112, %add3A_418 : i32
          %get3A_420 = arith.index_cast %add3A_419 : i32 to index
          %get3A_421 = arith.constant 64 : index
          %get3A_422 = tpu.vector_load %arg11[%get3A_420, %get3A_421] {strides = array<i32>} : memref<280x128xf32, #tpu.memory_space<vmem>>, vector<1x16xf32>,
          %get3A_423 = vector.shape_cast %get3A_422 : vector<1x16xf32> to vector<16xf32>
          %mul3A_424 = vector.broadcast %squeeze3A_417 : f32 to vector<16xf32>
          %mul3A_425 = arith.mulf %mul3A_424, %get3A_423 : vector<16xf32>
          %add3A_426 = arith.addf %add3A_415, %mul3A_425 : vector<16xf32>
          %slice3A_427 = vector.extract_strided_slice %get3A_116 {offsets = [4], sizes = [1], strides = [1]} : vector<16xf32> to vector<1xf32>
          %squeeze3A_428 = vector.extract %slice3A_427[0] : f32 from vector<1xf32>
          %add3A_429 = arith.constant 4 : i32
          %add3A_430 = arith.addi %mul3A_112, %add3A_429 : i32
          %get3A_431 = arith.index_cast %add3A_430 : i32 to index
          %get3A_432 = arith.constant 64 : index
          %get3A_433 = tpu.vector_load %arg11[%get3A_431, %get3A_432] {strides = array<i32>} : memref<280x128xf32, #tpu.memory_space<vmem>>, vector<1x16xf32>,
          %get3A_434 = vector.shape_cast %get3A_433 : vector<1x16xf32> to vector<16xf32>
          %mul3A_435 = vector.broadcast %squeeze3A_428 : f32 to vector<16xf32>
          %mul3A_436 = arith.mulf %mul3A_435, %get3A_434 : vector<16xf32>
          %add3A_437 = arith.addf %add3A_426, %mul3A_436 : vector<16xf32>
          %slice3A_438 = vector.extract_strided_slice %get3A_116 {offsets = [5], sizes = [1], strides = [1]} : vector<16xf32> to vector<1xf32>
          %squeeze3A_439 = vector.extract %slice3A_438[0] : f32 from vector<1xf32>
          %add3A_440 = arith.constant 5 : i32
          %add3A_441 = arith.addi %mul3A_112, %add3A_440 : i32
          %get3A_442 = arith.index_cast %add3A_441 : i32 to index
          %get3A_443 = arith.constant 64 : index
          %get3A_444 = tpu.vector_load %arg11[%get3A_442, %get3A_443] {strides = array<i32>} : memref<280x128xf32, #tpu.memory_space<vmem>>, vector<1x16xf32>,
          %get3A_445 = vector.shape_cast %get3A_444 : vector<1x16xf32> to vector<16xf32>
          %mul3A_446 = vector.broadcast %squeeze3A_439 : f32 to vector<16xf32>
          %mul3A_447 = arith.mulf %mul3A_446, %get3A_445 : vector<16xf32>
          %add3A_448 = arith.addf %add3A_437, %mul3A_447 : vector<16xf32>
          %swap3A_449 = arith.index_cast %add3A_110 : i32 to index
          %swap3A_450 = arith.constant 64 : index
          %swap3A_451 = tpu.vector_load %arg15[%swap3A_449, %swap3A_450] {strides = array<i32>} : memref<40x128xf32, #tpu.memory_space<vmem>>, vector<1x16xf32>,
          %swap3A_452 = vector.shape_cast %swap3A_451 : vector<1x16xf32> to vector<16xf32>
          %swap3A_453 = vector.shape_cast %add3A_448 : vector<16xf32> to vector<1x16xf32>
          tpu.vector_store %arg15[%swap3A_449, %swap3A_450], %swap3A_453 {strides = array<i32>} : memref<40x128xf32, #tpu.memory_space<vmem>>, vector<1x16xf32>,
          %slice3A_454 = vector.extract_strided_slice %get3A_116 {offsets = [0], sizes = [1], strides = [1]} : vector<16xf32> to vector<1xf32>
          %squeeze3A_455 = vector.extract %slice3A_454[0] : f32 from vector<1xf32>
          %get3A_456 = arith.index_cast %mul3A_112 : i32 to index
          %get3A_457 = arith.constant 80 : index
          %get3A_458 = tpu.vector_load %arg11[%get3A_456, %get3A_457] {strides = array<i32>} : memref<280x128xf32, #tpu.memory_space<vmem>>, vector<1x16xf32>,
          %get3A_459 = vector.shape_cast %get3A_458 : vector<1x16xf32> to vector<16xf32>
          %mul3A_460 = vector.broadcast %squeeze3A_455 : f32 to vector<16xf32>
          %mul3A_461 = arith.mulf %mul3A_460, %get3A_459 : vector<16xf32>
          %slice3A_462 = vector.extract_strided_slice %get3A_116 {offsets = [1], sizes = [1], strides = [1]} : vector<16xf32> to vector<1xf32>
          %squeeze3A_463 = vector.extract %slice3A_462[0] : f32 from vector<1xf32>
          %add3A_464 = arith.constant 1 : i32
          %add3A_465 = arith.addi %mul3A_112, %add3A_464 : i32
          %get3A_466 = arith.index_cast %add3A_465 : i32 to index
          %get3A_467 = arith.constant 80 : index
          %get3A_468 = tpu.vector_load %arg11[%get3A_466, %get3A_467] {strides = array<i32>} : memref<280x128xf32, #tpu.memory_space<vmem>>, vector<1x16xf32>,
          %get3A_469 = vector.shape_cast %get3A_468 : vector<1x16xf32> to vector<16xf32>
          %mul3A_470 = vector.broadcast %squeeze3A_463 : f32 to vector<16xf32>
          %mul3A_471 = arith.mulf %mul3A_470, %get3A_469 : vector<16xf32>
          %add3A_472 = arith.addf %mul3A_461, %mul3A_471 : vector<16xf32>
          %slice3A_473 = vector.extract_strided_slice %get3A_116 {offsets = [2], sizes = [1], strides = [1]} : vector<16xf32> to vector<1xf32>
          %squeeze3A_474 = vector.extract %slice3A_473[0] : f32 from vector<1xf32>
          %add3A_475 = arith.constant 2 : i32
          %add3A_476 = arith.addi %mul3A_112, %add3A_475 : i32
          %get3A_477 = arith.index_cast %add3A_476 : i32 to index
          %get3A_478 = arith.constant 80 : index
          %get3A_479 = tpu.vector_load %arg11[%get3A_477, %get3A_478] {strides = array<i32>} : memref<280x128xf32, #tpu.memory_space<vmem>>, vector<1x16xf32>,
          %get3A_480 = vector.shape_cast %get3A_479 : vector<1x16xf32> to vector<16xf32>
          %mul3A_481 = vector.broadcast %squeeze3A_474 : f32 to vector<16xf32>
          %mul3A_482 = arith.mulf %mul3A_481, %get3A_480 : vector<16xf32>
          %add3A_483 = arith.addf %add3A_472, %mul3A_482 : vector<16xf32>
          %slice3A_484 = vector.extract_strided_slice %get3A_116 {offsets = [3], sizes = [1], strides = [1]} : vector<16xf32> to vector<1xf32>
          %squeeze3A_485 = vector.extract %slice3A_484[0] : f32 from vector<1xf32>
          %add3A_486 = arith.constant 3 : i32
          %add3A_487 = arith.addi %mul3A_112, %add3A_486 : i32
          %get3A_488 = arith.index_cast %add3A_487 : i32 to index
          %get3A_489 = arith.constant 80 : index
          %get3A_490 = tpu.vector_load %arg11[%get3A_488, %get3A_489] {strides = array<i32>} : memref<280x128xf32, #tpu.memory_space<vmem>>, vector<1x16xf32>,
          %get3A_491 = vector.shape_cast %get3A_490 : vector<1x16xf32> to vector<16xf32>
          %mul3A_492 = vector.broadcast %squeeze3A_485 : f32 to vector<16xf32>
          %mul3A_493 = arith.mulf %mul3A_492, %get3A_491 : vector<16xf32>
          %add3A_494 = arith.addf %add3A_483, %mul3A_493 : vector<16xf32>
          %slice3A_495 = vector.extract_strided_slice %get3A_116 {offsets = [4], sizes = [1], strides = [1]} : vector<16xf32> to vector<1xf32>
          %squeeze3A_496 = vector.extract %slice3A_495[0] : f32 from vector<1xf32>
          %add3A_497 = arith.constant 4 : i32
          %add3A_498 = arith.addi %mul3A_112, %add3A_497 : i32
          %get3A_499 = arith.index_cast %add3A_498 : i32 to index
          %get3A_500 = arith.constant 80 : index
          %get3A_501 = tpu.vector_load %arg11[%get3A_499, %get3A_500] {strides = array<i32>} : memref<280x128xf32, #tpu.memory_space<vmem>>, vector<1x16xf32>,
          %get3A_502 = vector.shape_cast %get3A_501 : vector<1x16xf32> to vector<16xf32>
          %mul3A_503 = vector.broadcast %squeeze3A_496 : f32 to vector<16xf32>
          %mul3A_504 = arith.mulf %mul3A_503, %get3A_502 : vector<16xf32>
          %add3A_505 = arith.addf %add3A_494, %mul3A_504 : vector<16xf32>
          %slice3A_506 = vector.extract_strided_slice %get3A_116 {offsets = [5], sizes = [1], strides = [1]} : vector<16xf32> to vector<1xf32>
          %squeeze3A_507 = vector.extract %slice3A_506[0] : f32 from vector<1xf32>
          %add3A_508 = arith.constant 5 : i32
          %add3A_509 = arith.addi %mul3A_112, %add3A_508 : i32
          %get3A_510 = arith.index_cast %add3A_509 : i32 to index
          %get3A_511 = arith.constant 80 : index
          %get3A_512 = tpu.vector_load %arg11[%get3A_510, %get3A_511] {strides = array<i32>} : memref<280x128xf32, #tpu.memory_space<vmem>>, vector<1x16xf32>,
          %get3A_513 = vector.shape_cast %get3A_512 : vector<1x16xf32> to vector<16xf32>
          %mul3A_514 = vector.broadcast %squeeze3A_507 : f32 to vector<16xf32>
          %mul3A_515 = arith.mulf %mul3A_514, %get3A_513 : vector<16xf32>
          %add3A_516 = arith.addf %add3A_505, %mul3A_515 : vector<16xf32>
          %swap3A_517 = arith.index_cast %add3A_110 : i32 to index
          %swap3A_518 = arith.constant 80 : index
          %swap3A_519 = tpu.vector_load %arg15[%swap3A_517, %swap3A_518] {strides = array<i32>} : memref<40x128xf32, #tpu.memory_space<vmem>>, vector<1x16xf32>,
          %swap3A_520 = vector.shape_cast %swap3A_519 : vector<1x16xf32> to vector<16xf32>
          %swap3A_521 = vector.shape_cast %add3A_516 : vector<16xf32> to vector<1x16xf32>
          tpu.vector_store %arg15[%swap3A_517, %swap3A_518], %swap3A_521 {strides = array<i32>} : memref<40x128xf32, #tpu.memory_space<vmem>>, vector<1x16xf32>,
          %slice3A_522 = vector.extract_strided_slice %get3A_116 {offsets = [0], sizes = [1], strides = [1]} : vector<16xf32> to vector<1xf32>
          %squeeze3A_523 = vector.extract %slice3A_522[0] : f32 from vector<1xf32>
          %get3A_524 = arith.index_cast %mul3A_112 : i32 to index
          %get3A_525 = arith.constant 96 : index
          %get3A_526 = tpu.vector_load %arg11[%get3A_524, %get3A_525] {strides = array<i32>} : memref<280x128xf32, #tpu.memory_space<vmem>>, vector<1x16xf32>,
          %get3A_527 = vector.shape_cast %get3A_526 : vector<1x16xf32> to vector<16xf32>
          %mul3A_528 = vector.broadcast %squeeze3A_523 : f32 to vector<16xf32>
          %mul3A_529 = arith.mulf %mul3A_528, %get3A_527 : vector<16xf32>
          %slice3A_530 = vector.extract_strided_slice %get3A_116 {offsets = [1], sizes = [1], strides = [1]} : vector<16xf32> to vector<1xf32>
          %squeeze3A_531 = vector.extract %slice3A_530[0] : f32 from vector<1xf32>
          %add3A_532 = arith.constant 1 : i32
          %add3A_533 = arith.addi %mul3A_112, %add3A_532 : i32
          %get3A_534 = arith.index_cast %add3A_533 : i32 to index
          %get3A_535 = arith.constant 96 : index
          %get3A_536 = tpu.vector_load %arg11[%get3A_534, %get3A_535] {strides = array<i32>} : memref<280x128xf32, #tpu.memory_space<vmem>>, vector<1x16xf32>,
          %get3A_537 = vector.shape_cast %get3A_536 : vector<1x16xf32> to vector<16xf32>
          %mul3A_538 = vector.broadcast %squeeze3A_531 : f32 to vector<16xf32>
          %mul3A_539 = arith.mulf %mul3A_538, %get3A_537 : vector<16xf32>
          %add3A_540 = arith.addf %mul3A_529, %mul3A_539 : vector<16xf32>
          %slice3A_541 = vector.extract_strided_slice %get3A_116 {offsets = [2], sizes = [1], strides = [1]} : vector<16xf32> to vector<1xf32>
          %squeeze3A_542 = vector.extract %slice3A_541[0] : f32 from vector<1xf32>
          %add3A_543 = arith.constant 2 : i32
          %add3A_544 = arith.addi %mul3A_112, %add3A_543 : i32
          %get3A_545 = arith.index_cast %add3A_544 : i32 to index
          %get3A_546 = arith.constant 96 : index
          %get3A_547 = tpu.vector_load %arg11[%get3A_545, %get3A_546] {strides = array<i32>} : memref<280x128xf32, #tpu.memory_space<vmem>>, vector<1x16xf32>,
          %get3A_548 = vector.shape_cast %get3A_547 : vector<1x16xf32> to vector<16xf32>
          %mul3A_549 = vector.broadcast %squeeze3A_542 : f32 to vector<16xf32>
          %mul3A_550 = arith.mulf %mul3A_549, %get3A_548 : vector<16xf32>
          %add3A_551 = arith.addf %add3A_540, %mul3A_550 : vector<16xf32>
          %slice3A_552 = vector.extract_strided_slice %get3A_116 {offsets = [3], sizes = [1], strides = [1]} : vector<16xf32> to vector<1xf32>
          %squeeze3A_553 = vector.extract %slice3A_552[0] : f32 from vector<1xf32>
          %add3A_554 = arith.constant 3 : i32
          %add3A_555 = arith.addi %mul3A_112, %add3A_554 : i32
          %get3A_556 = arith.index_cast %add3A_555 : i32 to index
          %get3A_557 = arith.constant 96 : index
          %get3A_558 = tpu.vector_load %arg11[%get3A_556, %get3A_557] {strides = array<i32>} : memref<280x128xf32, #tpu.memory_space<vmem>>, vector<1x16xf32>,
          %get3A_559 = vector.shape_cast %get3A_558 : vector<1x16xf32> to vector<16xf32>
          %mul3A_560 = vector.broadcast %squeeze3A_553 : f32 to vector<16xf32>
          %mul3A_561 = arith.mulf %mul3A_560, %get3A_559 : vector<16xf32>
          %add3A_562 = arith.addf %add3A_551, %mul3A_561 : vector<16xf32>
          %slice3A_563 = vector.extract_strided_slice %get3A_116 {offsets = [4], sizes = [1], strides = [1]} : vector<16xf32> to vector<1xf32>
          %squeeze3A_564 = vector.extract %slice3A_563[0] : f32 from vector<1xf32>
          %add3A_565 = arith.constant 4 : i32
          %add3A_566 = arith.addi %mul3A_112, %add3A_565 : i32
          %get3A_567 = arith.index_cast %add3A_566 : i32 to index
          %get3A_568 = arith.constant 96 : index
          %get3A_569 = tpu.vector_load %arg11[%get3A_567, %get3A_568] {strides = array<i32>} : memref<280x128xf32, #tpu.memory_space<vmem>>, vector<1x16xf32>,
          %get3A_570 = vector.shape_cast %get3A_569 : vector<1x16xf32> to vector<16xf32>
          %mul3A_571 = vector.broadcast %squeeze3A_564 : f32 to vector<16xf32>
          %mul3A_572 = arith.mulf %mul3A_571, %get3A_570 : vector<16xf32>
          %add3A_573 = arith.addf %add3A_562, %mul3A_572 : vector<16xf32>
          %slice3A_574 = vector.extract_strided_slice %get3A_116 {offsets = [5], sizes = [1], strides = [1]} : vector<16xf32> to vector<1xf32>
          %squeeze3A_575 = vector.extract %slice3A_574[0] : f32 from vector<1xf32>
          %add3A_576 = arith.constant 5 : i32
          %add3A_577 = arith.addi %mul3A_112, %add3A_576 : i32
          %get3A_578 = arith.index_cast %add3A_577 : i32 to index
          %get3A_579 = arith.constant 96 : index
          %get3A_580 = tpu.vector_load %arg11[%get3A_578, %get3A_579] {strides = array<i32>} : memref<280x128xf32, #tpu.memory_space<vmem>>, vector<1x16xf32>,
          %get3A_581 = vector.shape_cast %get3A_580 : vector<1x16xf32> to vector<16xf32>
          %mul3A_582 = vector.broadcast %squeeze3A_575 : f32 to vector<16xf32>
          %mul3A_583 = arith.mulf %mul3A_582, %get3A_581 : vector<16xf32>
          %add3A_584 = arith.addf %add3A_573, %mul3A_583 : vector<16xf32>
          %swap3A_585 = arith.index_cast %add3A_110 : i32 to index
          %swap3A_586 = arith.constant 96 : index
          %swap3A_587 = tpu.vector_load %arg15[%swap3A_585, %swap3A_586] {strides = array<i32>} : memref<40x128xf32, #tpu.memory_space<vmem>>, vector<1x16xf32>,
          %swap3A_588 = vector.shape_cast %swap3A_587 : vector<1x16xf32> to vector<16xf32>
          %swap3A_589 = vector.shape_cast %add3A_584 : vector<16xf32> to vector<1x16xf32>
          tpu.vector_store %arg15[%swap3A_585, %swap3A_586], %swap3A_589 {strides = array<i32>} : memref<40x128xf32, #tpu.memory_space<vmem>>, vector<1x16xf32>,
          %slice3A_590 = vector.extract_strided_slice %get3A_116 {offsets = [0], sizes = [1], strides = [1]} : vector<16xf32> to vector<1xf32>
          %squeeze3A_591 = vector.extract %slice3A_590[0] : f32 from vector<1xf32>
          %get3A_592 = arith.index_cast %mul3A_112 : i32 to index
          %get3A_593 = arith.constant 112 : index
          %get3A_594 = tpu.vector_load %arg11[%get3A_592, %get3A_593] {strides = array<i32>} : memref<280x128xf32, #tpu.memory_space<vmem>>, vector<1x16xf32>,
          %get3A_595 = vector.shape_cast %get3A_594 : vector<1x16xf32> to vector<16xf32>
          %mul3A_596 = vector.broadcast %squeeze3A_591 : f32 to vector<16xf32>
          %mul3A_597 = arith.mulf %mul3A_596, %get3A_595 : vector<16xf32>
          %slice3A_598 = vector.extract_strided_slice %get3A_116 {offsets = [1], sizes = [1], strides = [1]} : vector<16xf32> to vector<1xf32>
          %squeeze3A_599 = vector.extract %slice3A_598[0] : f32 from vector<1xf32>
          %add3A_600 = arith.constant 1 : i32
          %add3A_601 = arith.addi %mul3A_112, %add3A_600 : i32
          %get3A_602 = arith.index_cast %add3A_601 : i32 to index
          %get3A_603 = arith.constant 112 : index
          %get3A_604 = tpu.vector_load %arg11[%get3A_602, %get3A_603] {strides = array<i32>} : memref<280x128xf32, #tpu.memory_space<vmem>>, vector<1x16xf32>,
          %get3A_605 = vector.shape_cast %get3A_604 : vector<1x16xf32> to vector<16xf32>
          %mul3A_606 = vector.broadcast %squeeze3A_599 : f32 to vector<16xf32>
          %mul3A_607 = arith.mulf %mul3A_606, %get3A_605 : vector<16xf32>
          %add3A_608 = arith.addf %mul3A_597, %mul3A_607 : vector<16xf32>
          %slice3A_609 = vector.extract_strided_slice %get3A_116 {offsets = [2], sizes = [1], strides = [1]} : vector<16xf32> to vector<1xf32>
          %squeeze3A_610 = vector.extract %slice3A_609[0] : f32 from vector<1xf32>
          %add3A_611 = arith.constant 2 : i32
          %add3A_612 = arith.addi %mul3A_112, %add3A_611 : i32
          %get3A_613 = arith.index_cast %add3A_612 : i32 to index
          %get3A_614 = arith.constant 112 : index
          %get3A_615 = tpu.vector_load %arg11[%get3A_613, %get3A_614] {strides = array<i32>} : memref<280x128xf32, #tpu.memory_space<vmem>>, vector<1x16xf32>,
          %get3A_616 = vector.shape_cast %get3A_615 : vector<1x16xf32> to vector<16xf32>
          %mul3A_617 = vector.broadcast %squeeze3A_610 : f32 to vector<16xf32>
          %mul3A_618 = arith.mulf %mul3A_617, %get3A_616 : vector<16xf32>
          %add3A_619 = arith.addf %add3A_608, %mul3A_618 : vector<16xf32>
          %slice3A_620 = vector.extract_strided_slice %get3A_116 {offsets = [3], sizes = [1], strides = [1]} : vector<16xf32> to vector<1xf32>
          %squeeze3A_621 = vector.extract %slice3A_620[0] : f32 from vector<1xf32>
          %add3A_622 = arith.constant 3 : i32
          %add3A_623 = arith.addi %mul3A_112, %add3A_622 : i32
          %get3A_624 = arith.index_cast %add3A_623 : i32 to index
          %get3A_625 = arith.constant 112 : index
          %get3A_626 = tpu.vector_load %arg11[%get3A_624, %get3A_625] {strides = array<i32>} : memref<280x128xf32, #tpu.memory_space<vmem>>, vector<1x16xf32>,
          %get3A_627 = vector.shape_cast %get3A_626 : vector<1x16xf32> to vector<16xf32>
          %mul3A_628 = vector.broadcast %squeeze3A_621 : f32 to vector<16xf32>
          %mul3A_629 = arith.mulf %mul3A_628, %get3A_627 : vector<16xf32>
          %add3A_630 = arith.addf %add3A_619, %mul3A_629 : vector<16xf32>
          %slice3A_631 = vector.extract_strided_slice %get3A_116 {offsets = [4], sizes = [1], strides = [1]} : vector<16xf32> to vector<1xf32>
          %squeeze3A_632 = vector.extract %slice3A_631[0] : f32 from vector<1xf32>
          %add3A_633 = arith.constant 4 : i32
          %add3A_634 = arith.addi %mul3A_112, %add3A_633 : i32
          %get3A_635 = arith.index_cast %add3A_634 : i32 to index
          %get3A_636 = arith.constant 112 : index
          %get3A_637 = tpu.vector_load %arg11[%get3A_635, %get3A_636] {strides = array<i32>} : memref<280x128xf32, #tpu.memory_space<vmem>>, vector<1x16xf32>,
          %get3A_638 = vector.shape_cast %get3A_637 : vector<1x16xf32> to vector<16xf32>
          %mul3A_639 = vector.broadcast %squeeze3A_632 : f32 to vector<16xf32>
          %mul3A_640 = arith.mulf %mul3A_639, %get3A_638 : vector<16xf32>
          %add3A_641 = arith.addf %add3A_630, %mul3A_640 : vector<16xf32>
          %slice3A_642 = vector.extract_strided_slice %get3A_116 {offsets = [5], sizes = [1], strides = [1]} : vector<16xf32> to vector<1xf32>
          %squeeze3A_643 = vector.extract %slice3A_642[0] : f32 from vector<1xf32>
          %add3A_644 = arith.constant 5 : i32
          %add3A_645 = arith.addi %mul3A_112, %add3A_644 : i32
          %get3A_646 = arith.index_cast %add3A_645 : i32 to index
          %get3A_647 = arith.constant 112 : index
          %get3A_648 = tpu.vector_load %arg11[%get3A_646, %get3A_647] {strides = array<i32>} : memref<280x128xf32, #tpu.memory_space<vmem>>, vector<1x16xf32>,
          %get3A_649 = vector.shape_cast %get3A_648 : vector<1x16xf32> to vector<16xf32>
          %mul3A_650 = vector.broadcast %squeeze3A_643 : f32 to vector<16xf32>
          %mul3A_651 = arith.mulf %mul3A_650, %get3A_649 : vector<16xf32>
          %add3A_652 = arith.addf %add3A_641, %mul3A_651 : vector<16xf32>
          %swap3A_653 = arith.index_cast %add3A_110 : i32 to index
          %swap3A_654 = arith.constant 112 : index
          %swap3A_655 = tpu.vector_load %arg15[%swap3A_653, %swap3A_654] {strides = array<i32>} : memref<40x128xf32, #tpu.memory_space<vmem>>, vector<1x16xf32>,
          %swap3A_656 = vector.shape_cast %swap3A_655 : vector<1x16xf32> to vector<16xf32>
          %swap3A_657 = vector.shape_cast %add3A_652 : vector<16xf32> to vector<1x16xf32>
          tpu.vector_store %arg15[%swap3A_653, %swap3A_654], %swap3A_657 {strides = array<i32>} : memref<40x128xf32, #tpu.memory_space<vmem>>, vector<1x16xf32>,
        }
        %scan3A_100 = arith.constant 40 : i32
        %add3A_101 = arith.constant 0 : i32
        %add3A_102 = arith.addi %add3A_101, %mul3A_83 : i32
        %dma_start3A = arith.constant 0 : i32
        %dma_start3A_103 = tpu.memref_slice %arg7[%add3A_102, %dma_start3A] : memref<50000x128xf32, #tpu.memory_space<hbm>> -> memref<40x128xf32, #tpu.memory_space<hbm>>
        %dma_start3A_104 = arith.constant 0 : i32
        %dma_start3A_105 = tpu.memref_slice %arg7[%add3A_102, %dma_start3A_104] : memref<50000x128xf32, #tpu.memory_space<hbm>> -> memref<40x128xf32, #tpu.memory_space<hbm>>
        tpu.enqueue_dma source(%arg15 : memref<40x128xf32, #tpu.memory_space<vmem>>) target(%dma_start3A_105 : memref<40x128xf32, #tpu.memory_space<hbm>>) target_semaphore(%arg19 : memref<!tpu.dma_semaphore, #tpu.memory_space<semaphore_mem>>)
      } else {
      }
      %ge3A_74 = arith.constant 1000 : i32
      %ge3A_75 = arith.cmpi sge, %add3A_68, %ge3A_74 : i32
      %lt3A_76 = arith.constant 1250 : i32
      %lt3A_77 = arith.cmpi slt, %add3A_68, %lt3A_76 : i32
      %and3A_78 = arith.andi %ge3A_75, %lt3A_77 : i1
      %convert_element_type3A_79 = arith.extui %and3A_78 : i1 to i32
      %cond3A_80 = arith.constant 0 : i32
      %cond3A_81 = arith.cmpi ne, %convert_element_type3A_79, %cond3A_80 : i32
      scf.if %cond3A_81 {
        %sub3A = arith.constant 1000 : i32
        %sub3A_82 = arith.subi %add3A_68, %sub3A : i32
        %mul3A_83 = arith.constant 40 : i32
        %mul3A_84 = arith.muli %sub3A_82, %mul3A_83 : i32
        %dma_wait3A_85 = arith.constant 0 : i32
        %dma_wait3A_86 = arith.constant 0 : i32
        %dma_wait3A_87 = tpu.memref_slice %arg11[%dma_wait3A_85, %dma_wait3A_86] : memref<280x128xf32, #tpu.memory_space<vmem>> -> memref<280x128xf32, #tpu.memory_space<vmem>>
        %dma_wait3A_88 = arith.constant 0 : i32
        %dma_wait3A_89 = arith.constant 0 : i32
        %dma_wait3A_90 = tpu.memref_slice %arg2[%dma_wait3A_88, %dma_wait3A_89] : memref<100000x128xf32, #tpu.memory_space<hbm>> -> memref<280x128xf32, #tpu.memory_space<hbm>>
        %dma_wait3A_91 = arith.constant 0 : i32
        %dma_wait3A_92 = arith.constant 0 : i32
        %dma_wait3A_93 = tpu.memref_slice %arg11[%dma_wait3A_91, %dma_wait3A_92] : memref<280x128xf32, #tpu.memory_space<vmem>> -> memref<280x128xf32, #tpu.memory_space<vmem>>
        %dma_wait3A_94 = arith.constant 0 : i32
        %dma_wait3A_95 = arith.constant 0 : i32
        %dma_wait3A_96 = tpu.memref_slice %arg2[%dma_wait3A_94, %dma_wait3A_95] : memref<100000x128xf32, #tpu.memory_space<hbm>> -> memref<280x128xf32, #tpu.memory_space<hbm>>
        tpu.wait_dma2 semaphore(%arg17 : memref<!tpu.dma_semaphore, #tpu.memory_space<semaphore_mem>>) src(%dma_wait3A_96 : memref<280x128xf32, #tpu.memory_space<hbm>>) dst(%dma_wait3A_93 : memref<280x128xf32, #tpu.memory_space<vmem>>)
        %scan3A_97 = arith.constant 0 : i32
        %scan3A_98 = arith.constant 40 : i32
        %scan3A_99 = arith.addi %scan3A_97, %scan3A_98 : i32
        %scan3A_100 = arith.constant 1 : i32
        scf.for %scan3A_107 = %scan3A_97 to %scan3A_99 step %scan3A_100  : i32 {
          %mul3A_108 = arith.constant 1 : i32
          %mul3A_109 = arith.muli %scan3A_107, %mul3A_108 : i32
          %add3A_110 = arith.constant 0 : i32
          %add3A_111 = arith.addi %add3A_110, %mul3A_109 : i32
          %mul3A_112 = arith.constant 7 : i32
          %mul3A_113 = arith.muli %add3A_111, %mul3A_112 : i32
          %mul3A_114 = arith.constant 16 : i32
          %mul3A_115 = arith.muli %add3A_111, %mul3A_114 : i32
          %multiple_of3A = tpu.assume_multiple %mul3A_115, 16 : i32
          %get3A = arith.index_cast %multiple_of3A : i32 to index
          %get3A_116 = tpu.vector_load %arg13[%get3A] {strides = array<i32>} : memref<640xf32, #tpu.memory_space<vmem>>, vector<16xf32>,
          %get3A_117 = vector.shape_cast %get3A_116 : vector<16xf32> to vector<16xf32>
          %slice3A = vector.extract_strided_slice %get3A_117 {offsets = [0], sizes = [1], strides = [1]} : vector<16xf32> to vector<1xf32>
          %squeeze3A = vector.extract %slice3A[0] : f32 from vector<1xf32>
          %get3A_118 = arith.index_cast %mul3A_113 : i32 to index
          %get3A_119 = arith.constant 0 : index
          %get3A_120 = tpu.vector_load %arg11[%get3A_118, %get3A_119] {strides = array<i32>} : memref<280x128xf32, #tpu.memory_space<vmem>>, vector<1x16xf32>,
          %get3A_121 = vector.shape_cast %get3A_120 : vector<1x16xf32> to vector<16xf32>
          %mul3A_122 = vector.broadcast %squeeze3A : f32 to vector<16xf32>
          %mul3A_123 = arith.mulf %mul3A_122, %get3A_121 : vector<16xf32>
          %slice3A_124 = vector.extract_strided_slice %get3A_117 {offsets = [1], sizes = [1], strides = [1]} : vector<16xf32> to vector<1xf32>
          %squeeze3A_125 = vector.extract %slice3A_124[0] : f32 from vector<1xf32>
          %add3A_126 = arith.constant 1 : i32
          %add3A_127 = arith.addi %mul3A_113, %add3A_126 : i32
          %get3A_128 = arith.index_cast %add3A_127 : i32 to index
          %get3A_129 = arith.constant 0 : index
          %get3A_130 = tpu.vector_load %arg11[%get3A_128, %get3A_129] {strides = array<i32>} : memref<280x128xf32, #tpu.memory_space<vmem>>, vector<1x16xf32>,
          %get3A_131 = vector.shape_cast %get3A_130 : vector<1x16xf32> to vector<16xf32>
          %mul3A_132 = vector.broadcast %squeeze3A_125 : f32 to vector<16xf32>
          %mul3A_133 = arith.mulf %mul3A_132, %get3A_131 : vector<16xf32>
          %add3A_134 = arith.addf %mul3A_123, %mul3A_133 : vector<16xf32>
          %slice3A_135 = vector.extract_strided_slice %get3A_117 {offsets = [2], sizes = [1], strides = [1]} : vector<16xf32> to vector<1xf32>
          %squeeze3A_136 = vector.extract %slice3A_135[0] : f32 from vector<1xf32>
          %add3A_137 = arith.constant 2 : i32
          %add3A_138 = arith.addi %mul3A_113, %add3A_137 : i32
          %get3A_139 = arith.index_cast %add3A_138 : i32 to index
          %get3A_140 = arith.constant 0 : index
          %get3A_141 = tpu.vector_load %arg11[%get3A_139, %get3A_140] {strides = array<i32>} : memref<280x128xf32, #tpu.memory_space<vmem>>, vector<1x16xf32>,
          %get3A_142 = vector.shape_cast %get3A_141 : vector<1x16xf32> to vector<16xf32>
          %mul3A_143 = vector.broadcast %squeeze3A_136 : f32 to vector<16xf32>
          %mul3A_144 = arith.mulf %mul3A_143, %get3A_142 : vector<16xf32>
          %add3A_145 = arith.addf %add3A_134, %mul3A_144 : vector<16xf32>
          %slice3A_146 = vector.extract_strided_slice %get3A_117 {offsets = [3], sizes = [1], strides = [1]} : vector<16xf32> to vector<1xf32>
          %squeeze3A_147 = vector.extract %slice3A_146[0] : f32 from vector<1xf32>
          %add3A_148 = arith.constant 3 : i32
          %add3A_149 = arith.addi %mul3A_113, %add3A_148 : i32
          %get3A_150 = arith.index_cast %add3A_149 : i32 to index
          %get3A_151 = arith.constant 0 : index
          %get3A_152 = tpu.vector_load %arg11[%get3A_150, %get3A_151] {strides = array<i32>} : memref<280x128xf32, #tpu.memory_space<vmem>>, vector<1x16xf32>,
          %get3A_153 = vector.shape_cast %get3A_152 : vector<1x16xf32> to vector<16xf32>
          %mul3A_154 = vector.broadcast %squeeze3A_147 : f32 to vector<16xf32>
          %mul3A_155 = arith.mulf %mul3A_154, %get3A_153 : vector<16xf32>
          %add3A_156 = arith.addf %add3A_145, %mul3A_155 : vector<16xf32>
          %slice3A_157 = vector.extract_strided_slice %get3A_117 {offsets = [4], sizes = [1], strides = [1]} : vector<16xf32> to vector<1xf32>
          %squeeze3A_158 = vector.extract %slice3A_157[0] : f32 from vector<1xf32>
          %add3A_159 = arith.constant 4 : i32
          %add3A_160 = arith.addi %mul3A_113, %add3A_159 : i32
          %get3A_161 = arith.index_cast %add3A_160 : i32 to index
          %get3A_162 = arith.constant 0 : index
          %get3A_163 = tpu.vector_load %arg11[%get3A_161, %get3A_162] {strides = array<i32>} : memref<280x128xf32, #tpu.memory_space<vmem>>, vector<1x16xf32>,
          %get3A_164 = vector.shape_cast %get3A_163 : vector<1x16xf32> to vector<16xf32>
          %mul3A_165 = vector.broadcast %squeeze3A_158 : f32 to vector<16xf32>
          %mul3A_166 = arith.mulf %mul3A_165, %get3A_164 : vector<16xf32>
          %add3A_167 = arith.addf %add3A_156, %mul3A_166 : vector<16xf32>
          %slice3A_168 = vector.extract_strided_slice %get3A_117 {offsets = [5], sizes = [1], strides = [1]} : vector<16xf32> to vector<1xf32>
          %squeeze3A_169 = vector.extract %slice3A_168[0] : f32 from vector<1xf32>
          %add3A_170 = arith.constant 5 : i32
          %add3A_171 = arith.addi %mul3A_113, %add3A_170 : i32
          %get3A_172 = arith.index_cast %add3A_171 : i32 to index
          %get3A_173 = arith.constant 0 : index
          %get3A_174 = tpu.vector_load %arg11[%get3A_172, %get3A_173] {strides = array<i32>} : memref<280x128xf32, #tpu.memory_space<vmem>>, vector<1x16xf32>,
          %get3A_175 = vector.shape_cast %get3A_174 : vector<1x16xf32> to vector<16xf32>
          %mul3A_176 = vector.broadcast %squeeze3A_169 : f32 to vector<16xf32>
          %mul3A_177 = arith.mulf %mul3A_176, %get3A_175 : vector<16xf32>
          %add3A_178 = arith.addf %add3A_167, %mul3A_177 : vector<16xf32>
          %slice3A_179 = vector.extract_strided_slice %get3A_117 {offsets = [6], sizes = [1], strides = [1]} : vector<16xf32> to vector<1xf32>
          %squeeze3A_180 = vector.extract %slice3A_179[0] : f32 from vector<1xf32>
          %add3A_181 = arith.constant 6 : i32
          %add3A_182 = arith.addi %mul3A_113, %add3A_181 : i32
          %get3A_183 = arith.index_cast %add3A_182 : i32 to index
          %get3A_184 = arith.constant 0 : index
          %get3A_185 = tpu.vector_load %arg11[%get3A_183, %get3A_184] {strides = array<i32>} : memref<280x128xf32, #tpu.memory_space<vmem>>, vector<1x16xf32>,
          %get3A_186 = vector.shape_cast %get3A_185 : vector<1x16xf32> to vector<16xf32>
          %mul3A_187 = vector.broadcast %squeeze3A_180 : f32 to vector<16xf32>
          %mul3A_188 = arith.mulf %mul3A_187, %get3A_186 : vector<16xf32>
          %add3A_189 = arith.addf %add3A_178, %mul3A_188 : vector<16xf32>
          %swap3A = arith.index_cast %add3A_111 : i32 to index
          %swap3A_190 = arith.constant 0 : index
          %swap3A_191 = tpu.vector_load %arg15[%swap3A, %swap3A_190] {strides = array<i32>} : memref<40x128xf32, #tpu.memory_space<vmem>>, vector<1x16xf32>,
          %swap3A_192 = vector.shape_cast %swap3A_191 : vector<1x16xf32> to vector<16xf32>
          %swap3A_193 = vector.shape_cast %add3A_189 : vector<16xf32> to vector<1x16xf32>
          tpu.vector_store %arg15[%swap3A, %swap3A_190], %swap3A_193 {strides = array<i32>} : memref<40x128xf32, #tpu.memory_space<vmem>>, vector<1x16xf32>,
          %slice3A_194 = vector.extract_strided_slice %get3A_117 {offsets = [0], sizes = [1], strides = [1]} : vector<16xf32> to vector<1xf32>
          %squeeze3A_195 = vector.extract %slice3A_194[0] : f32 from vector<1xf32>
          %get3A_196 = arith.index_cast %mul3A_113 : i32 to index
          %get3A_197 = arith.constant 16 : index
          %get3A_198 = tpu.vector_load %arg11[%get3A_196, %get3A_197] {strides = array<i32>} : memref<280x128xf32, #tpu.memory_space<vmem>>, vector<1x16xf32>,
          %get3A_199 = vector.shape_cast %get3A_198 : vector<1x16xf32> to vector<16xf32>
          %mul3A_200 = vector.broadcast %squeeze3A_195 : f32 to vector<16xf32>
          %mul3A_201 = arith.mulf %mul3A_200, %get3A_199 : vector<16xf32>
          %slice3A_202 = vector.extract_strided_slice %get3A_117 {offsets = [1], sizes = [1], strides = [1]} : vector<16xf32> to vector<1xf32>
          %squeeze3A_203 = vector.extract %slice3A_202[0] : f32 from vector<1xf32>
          %add3A_204 = arith.constant 1 : i32
          %add3A_205 = arith.addi %mul3A_113, %add3A_204 : i32
          %get3A_206 = arith.index_cast %add3A_205 : i32 to index
          %get3A_207 = arith.constant 16 : index
          %get3A_208 = tpu.vector_load %arg11[%get3A_206, %get3A_207] {strides = array<i32>} : memref<280x128xf32, #tpu.memory_space<vmem>>, vector<1x16xf32>,
          %get3A_209 = vector.shape_cast %get3A_208 : vector<1x16xf32> to vector<16xf32>
          %mul3A_210 = vector.broadcast %squeeze3A_203 : f32 to vector<16xf32>
          %mul3A_211 = arith.mulf %mul3A_210, %get3A_209 : vector<16xf32>
          %add3A_212 = arith.addf %mul3A_201, %mul3A_211 : vector<16xf32>
          %slice3A_213 = vector.extract_strided_slice %get3A_117 {offsets = [2], sizes = [1], strides = [1]} : vector<16xf32> to vector<1xf32>
          %squeeze3A_214 = vector.extract %slice3A_213[0] : f32 from vector<1xf32>
          %add3A_215 = arith.constant 2 : i32
          %add3A_216 = arith.addi %mul3A_113, %add3A_215 : i32
          %get3A_217 = arith.index_cast %add3A_216 : i32 to index
          %get3A_218 = arith.constant 16 : index
          %get3A_219 = tpu.vector_load %arg11[%get3A_217, %get3A_218] {strides = array<i32>} : memref<280x128xf32, #tpu.memory_space<vmem>>, vector<1x16xf32>,
          %get3A_220 = vector.shape_cast %get3A_219 : vector<1x16xf32> to vector<16xf32>
          %mul3A_221 = vector.broadcast %squeeze3A_214 : f32 to vector<16xf32>
          %mul3A_222 = arith.mulf %mul3A_221, %get3A_220 : vector<16xf32>
          %add3A_223 = arith.addf %add3A_212, %mul3A_222 : vector<16xf32>
          %slice3A_224 = vector.extract_strided_slice %get3A_117 {offsets = [3], sizes = [1], strides = [1]} : vector<16xf32> to vector<1xf32>
          %squeeze3A_225 = vector.extract %slice3A_224[0] : f32 from vector<1xf32>
          %add3A_226 = arith.constant 3 : i32
          %add3A_227 = arith.addi %mul3A_113, %add3A_226 : i32
          %get3A_228 = arith.index_cast %add3A_227 : i32 to index
          %get3A_229 = arith.constant 16 : index
          %get3A_230 = tpu.vector_load %arg11[%get3A_228, %get3A_229] {strides = array<i32>} : memref<280x128xf32, #tpu.memory_space<vmem>>, vector<1x16xf32>,
          %get3A_231 = vector.shape_cast %get3A_230 : vector<1x16xf32> to vector<16xf32>
          %mul3A_232 = vector.broadcast %squeeze3A_225 : f32 to vector<16xf32>
          %mul3A_233 = arith.mulf %mul3A_232, %get3A_231 : vector<16xf32>
          %add3A_234 = arith.addf %add3A_223, %mul3A_233 : vector<16xf32>
          %slice3A_235 = vector.extract_strided_slice %get3A_117 {offsets = [4], sizes = [1], strides = [1]} : vector<16xf32> to vector<1xf32>
          %squeeze3A_236 = vector.extract %slice3A_235[0] : f32 from vector<1xf32>
          %add3A_237 = arith.constant 4 : i32
          %add3A_238 = arith.addi %mul3A_113, %add3A_237 : i32
          %get3A_239 = arith.index_cast %add3A_238 : i32 to index
          %get3A_240 = arith.constant 16 : index
          %get3A_241 = tpu.vector_load %arg11[%get3A_239, %get3A_240] {strides = array<i32>} : memref<280x128xf32, #tpu.memory_space<vmem>>, vector<1x16xf32>,
          %get3A_242 = vector.shape_cast %get3A_241 : vector<1x16xf32> to vector<16xf32>
          %mul3A_243 = vector.broadcast %squeeze3A_236 : f32 to vector<16xf32>
          %mul3A_244 = arith.mulf %mul3A_243, %get3A_242 : vector<16xf32>
          %add3A_245 = arith.addf %add3A_234, %mul3A_244 : vector<16xf32>
          %slice3A_246 = vector.extract_strided_slice %get3A_117 {offsets = [5], sizes = [1], strides = [1]} : vector<16xf32> to vector<1xf32>
          %squeeze3A_247 = vector.extract %slice3A_246[0] : f32 from vector<1xf32>
          %add3A_248 = arith.constant 5 : i32
          %add3A_249 = arith.addi %mul3A_113, %add3A_248 : i32
          %get3A_250 = arith.index_cast %add3A_249 : i32 to index
          %get3A_251 = arith.constant 16 : index
          %get3A_252 = tpu.vector_load %arg11[%get3A_250, %get3A_251] {strides = array<i32>} : memref<280x128xf32, #tpu.memory_space<vmem>>, vector<1x16xf32>,
          %get3A_253 = vector.shape_cast %get3A_252 : vector<1x16xf32> to vector<16xf32>
          %mul3A_254 = vector.broadcast %squeeze3A_247 : f32 to vector<16xf32>
          %mul3A_255 = arith.mulf %mul3A_254, %get3A_253 : vector<16xf32>
          %add3A_256 = arith.addf %add3A_245, %mul3A_255 : vector<16xf32>
          %slice3A_257 = vector.extract_strided_slice %get3A_117 {offsets = [6], sizes = [1], strides = [1]} : vector<16xf32> to vector<1xf32>
          %squeeze3A_258 = vector.extract %slice3A_257[0] : f32 from vector<1xf32>
          %add3A_259 = arith.constant 6 : i32
          %add3A_260 = arith.addi %mul3A_113, %add3A_259 : i32
          %get3A_261 = arith.index_cast %add3A_260 : i32 to index
          %get3A_262 = arith.constant 16 : index
          %get3A_263 = tpu.vector_load %arg11[%get3A_261, %get3A_262] {strides = array<i32>} : memref<280x128xf32, #tpu.memory_space<vmem>>, vector<1x16xf32>,
          %get3A_264 = vector.shape_cast %get3A_263 : vector<1x16xf32> to vector<16xf32>
          %mul3A_265 = vector.broadcast %squeeze3A_258 : f32 to vector<16xf32>
          %mul3A_266 = arith.mulf %mul3A_265, %get3A_264 : vector<16xf32>
          %add3A_267 = arith.addf %add3A_256, %mul3A_266 : vector<16xf32>
          %swap3A_268 = arith.index_cast %add3A_111 : i32 to index
          %swap3A_269 = arith.constant 16 : index
          %swap3A_270 = tpu.vector_load %arg15[%swap3A_268, %swap3A_269] {strides = array<i32>} : memref<40x128xf32, #tpu.memory_space<vmem>>, vector<1x16xf32>,
          %swap3A_271 = vector.shape_cast %swap3A_270 : vector<1x16xf32> to vector<16xf32>
          %swap3A_272 = vector.shape_cast %add3A_267 : vector<16xf32> to vector<1x16xf32>
          tpu.vector_store %arg15[%swap3A_268, %swap3A_269], %swap3A_272 {strides = array<i32>} : memref<40x128xf32, #tpu.memory_space<vmem>>, vector<1x16xf32>,
          %slice3A_273 = vector.extract_strided_slice %get3A_117 {offsets = [0], sizes = [1], strides = [1]} : vector<16xf32> to vector<1xf32>
          %squeeze3A_274 = vector.extract %slice3A_273[0] : f32 from vector<1xf32>
          %get3A_275 = arith.index_cast %mul3A_113 : i32 to index
          %get3A_276 = arith.constant 32 : index
          %get3A_277 = tpu.vector_load %arg11[%get3A_275, %get3A_276] {strides = array<i32>} : memref<280x128xf32, #tpu.memory_space<vmem>>, vector<1x16xf32>,
          %get3A_278 = vector.shape_cast %get3A_277 : vector<1x16xf32> to vector<16xf32>
          %mul3A_279 = vector.broadcast %squeeze3A_274 : f32 to vector<16xf32>
          %mul3A_280 = arith.mulf %mul3A_279, %get3A_278 : vector<16xf32>
          %slice3A_281 = vector.extract_strided_slice %get3A_117 {offsets = [1], sizes = [1], strides = [1]} : vector<16xf32> to vector<1xf32>
          %squeeze3A_282 = vector.extract %slice3A_281[0] : f32 from vector<1xf32>
          %add3A_283 = arith.constant 1 : i32
          %add3A_284 = arith.addi %mul3A_113, %add3A_283 : i32
          %get3A_285 = arith.index_cast %add3A_284 : i32 to index
          %get3A_286 = arith.constant 32 : index
          %get3A_287 = tpu.vector_load %arg11[%get3A_285, %get3A_286] {strides = array<i32>} : memref<280x128xf32, #tpu.memory_space<vmem>>, vector<1x16xf32>,
          %get3A_288 = vector.shape_cast %get3A_287 : vector<1x16xf32> to vector<16xf32>
          %mul3A_289 = vector.broadcast %squeeze3A_282 : f32 to vector<16xf32>
          %mul3A_290 = arith.mulf %mul3A_289, %get3A_288 : vector<16xf32>
          %add3A_291 = arith.addf %mul3A_280, %mul3A_290 : vector<16xf32>
          %slice3A_292 = vector.extract_strided_slice %get3A_117 {offsets = [2], sizes = [1], strides = [1]} : vector<16xf32> to vector<1xf32>
          %squeeze3A_293 = vector.extract %slice3A_292[0] : f32 from vector<1xf32>
          %add3A_294 = arith.constant 2 : i32
          %add3A_295 = arith.addi %mul3A_113, %add3A_294 : i32
          %get3A_296 = arith.index_cast %add3A_295 : i32 to index
          %get3A_297 = arith.constant 32 : index
          %get3A_298 = tpu.vector_load %arg11[%get3A_296, %get3A_297] {strides = array<i32>} : memref<280x128xf32, #tpu.memory_space<vmem>>, vector<1x16xf32>,
          %get3A_299 = vector.shape_cast %get3A_298 : vector<1x16xf32> to vector<16xf32>
          %mul3A_300 = vector.broadcast %squeeze3A_293 : f32 to vector<16xf32>
          %mul3A_301 = arith.mulf %mul3A_300, %get3A_299 : vector<16xf32>
          %add3A_302 = arith.addf %add3A_291, %mul3A_301 : vector<16xf32>
          %slice3A_303 = vector.extract_strided_slice %get3A_117 {offsets = [3], sizes = [1], strides = [1]} : vector<16xf32> to vector<1xf32>
          %squeeze3A_304 = vector.extract %slice3A_303[0] : f32 from vector<1xf32>
          %add3A_305 = arith.constant 3 : i32
          %add3A_306 = arith.addi %mul3A_113, %add3A_305 : i32
          %get3A_307 = arith.index_cast %add3A_306 : i32 to index
          %get3A_308 = arith.constant 32 : index
          %get3A_309 = tpu.vector_load %arg11[%get3A_307, %get3A_308] {strides = array<i32>} : memref<280x128xf32, #tpu.memory_space<vmem>>, vector<1x16xf32>,
          %get3A_310 = vector.shape_cast %get3A_309 : vector<1x16xf32> to vector<16xf32>
          %mul3A_311 = vector.broadcast %squeeze3A_304 : f32 to vector<16xf32>
          %mul3A_312 = arith.mulf %mul3A_311, %get3A_310 : vector<16xf32>
          %add3A_313 = arith.addf %add3A_302, %mul3A_312 : vector<16xf32>
          %slice3A_314 = vector.extract_strided_slice %get3A_117 {offsets = [4], sizes = [1], strides = [1]} : vector<16xf32> to vector<1xf32>
          %squeeze3A_315 = vector.extract %slice3A_314[0] : f32 from vector<1xf32>
          %add3A_316 = arith.constant 4 : i32
          %add3A_317 = arith.addi %mul3A_113, %add3A_316 : i32
          %get3A_318 = arith.index_cast %add3A_317 : i32 to index
          %get3A_319 = arith.constant 32 : index
          %get3A_320 = tpu.vector_load %arg11[%get3A_318, %get3A_319] {strides = array<i32>} : memref<280x128xf32, #tpu.memory_space<vmem>>, vector<1x16xf32>,
          %get3A_321 = vector.shape_cast %get3A_320 : vector<1x16xf32> to vector<16xf32>
          %mul3A_322 = vector.broadcast %squeeze3A_315 : f32 to vector<16xf32>
          %mul3A_323 = arith.mulf %mul3A_322, %get3A_321 : vector<16xf32>
          %add3A_324 = arith.addf %add3A_313, %mul3A_323 : vector<16xf32>
          %slice3A_325 = vector.extract_strided_slice %get3A_117 {offsets = [5], sizes = [1], strides = [1]} : vector<16xf32> to vector<1xf32>
          %squeeze3A_326 = vector.extract %slice3A_325[0] : f32 from vector<1xf32>
          %add3A_327 = arith.constant 5 : i32
          %add3A_328 = arith.addi %mul3A_113, %add3A_327 : i32
          %get3A_329 = arith.index_cast %add3A_328 : i32 to index
          %get3A_330 = arith.constant 32 : index
          %get3A_331 = tpu.vector_load %arg11[%get3A_329, %get3A_330] {strides = array<i32>} : memref<280x128xf32, #tpu.memory_space<vmem>>, vector<1x16xf32>,
          %get3A_332 = vector.shape_cast %get3A_331 : vector<1x16xf32> to vector<16xf32>
          %mul3A_333 = vector.broadcast %squeeze3A_326 : f32 to vector<16xf32>
          %mul3A_334 = arith.mulf %mul3A_333, %get3A_332 : vector<16xf32>
          %add3A_335 = arith.addf %add3A_324, %mul3A_334 : vector<16xf32>
          %slice3A_336 = vector.extract_strided_slice %get3A_117 {offsets = [6], sizes = [1], strides = [1]} : vector<16xf32> to vector<1xf32>
          %squeeze3A_337 = vector.extract %slice3A_336[0] : f32 from vector<1xf32>
          %add3A_338 = arith.constant 6 : i32
          %add3A_339 = arith.addi %mul3A_113, %add3A_338 : i32
          %get3A_340 = arith.index_cast %add3A_339 : i32 to index
          %get3A_341 = arith.constant 32 : index
          %get3A_342 = tpu.vector_load %arg11[%get3A_340, %get3A_341] {strides = array<i32>} : memref<280x128xf32, #tpu.memory_space<vmem>>, vector<1x16xf32>,
          %get3A_343 = vector.shape_cast %get3A_342 : vector<1x16xf32> to vector<16xf32>
          %mul3A_344 = vector.broadcast %squeeze3A_337 : f32 to vector<16xf32>
          %mul3A_345 = arith.mulf %mul3A_344, %get3A_343 : vector<16xf32>
          %add3A_346 = arith.addf %add3A_335, %mul3A_345 : vector<16xf32>
          %swap3A_347 = arith.index_cast %add3A_111 : i32 to index
          %swap3A_348 = arith.constant 32 : index
          %swap3A_349 = tpu.vector_load %arg15[%swap3A_347, %swap3A_348] {strides = array<i32>} : memref<40x128xf32, #tpu.memory_space<vmem>>, vector<1x16xf32>,
          %swap3A_350 = vector.shape_cast %swap3A_349 : vector<1x16xf32> to vector<16xf32>
          %swap3A_351 = vector.shape_cast %add3A_346 : vector<16xf32> to vector<1x16xf32>
          tpu.vector_store %arg15[%swap3A_347, %swap3A_348], %swap3A_351 {strides = array<i32>} : memref<40x128xf32, #tpu.memory_space<vmem>>, vector<1x16xf32>,
          %slice3A_352 = vector.extract_strided_slice %get3A_117 {offsets = [0], sizes = [1], strides = [1]} : vector<16xf32> to vector<1xf32>
          %squeeze3A_353 = vector.extract %slice3A_352[0] : f32 from vector<1xf32>
          %get3A_354 = arith.index_cast %mul3A_113 : i32 to index
          %get3A_355 = arith.constant 48 : index
          %get3A_356 = tpu.vector_load %arg11[%get3A_354, %get3A_355] {strides = array<i32>} : memref<280x128xf32, #tpu.memory_space<vmem>>, vector<1x16xf32>,
          %get3A_357 = vector.shape_cast %get3A_356 : vector<1x16xf32> to vector<16xf32>
          %mul3A_358 = vector.broadcast %squeeze3A_353 : f32 to vector<16xf32>
          %mul3A_359 = arith.mulf %mul3A_358, %get3A_357 : vector<16xf32>
          %slice3A_360 = vector.extract_strided_slice %get3A_117 {offsets = [1], sizes = [1], strides = [1]} : vector<16xf32> to vector<1xf32>
          %squeeze3A_361 = vector.extract %slice3A_360[0] : f32 from vector<1xf32>
          %add3A_362 = arith.constant 1 : i32
          %add3A_363 = arith.addi %mul3A_113, %add3A_362 : i32
          %get3A_364 = arith.index_cast %add3A_363 : i32 to index
          %get3A_365 = arith.constant 48 : index
          %get3A_366 = tpu.vector_load %arg11[%get3A_364, %get3A_365] {strides = array<i32>} : memref<280x128xf32, #tpu.memory_space<vmem>>, vector<1x16xf32>,
          %get3A_367 = vector.shape_cast %get3A_366 : vector<1x16xf32> to vector<16xf32>
          %mul3A_368 = vector.broadcast %squeeze3A_361 : f32 to vector<16xf32>
          %mul3A_369 = arith.mulf %mul3A_368, %get3A_367 : vector<16xf32>
          %add3A_370 = arith.addf %mul3A_359, %mul3A_369 : vector<16xf32>
          %slice3A_371 = vector.extract_strided_slice %get3A_117 {offsets = [2], sizes = [1], strides = [1]} : vector<16xf32> to vector<1xf32>
          %squeeze3A_372 = vector.extract %slice3A_371[0] : f32 from vector<1xf32>
          %add3A_373 = arith.constant 2 : i32
          %add3A_374 = arith.addi %mul3A_113, %add3A_373 : i32
          %get3A_375 = arith.index_cast %add3A_374 : i32 to index
          %get3A_376 = arith.constant 48 : index
          %get3A_377 = tpu.vector_load %arg11[%get3A_375, %get3A_376] {strides = array<i32>} : memref<280x128xf32, #tpu.memory_space<vmem>>, vector<1x16xf32>,
          %get3A_378 = vector.shape_cast %get3A_377 : vector<1x16xf32> to vector<16xf32>
          %mul3A_379 = vector.broadcast %squeeze3A_372 : f32 to vector<16xf32>
          %mul3A_380 = arith.mulf %mul3A_379, %get3A_378 : vector<16xf32>
          %add3A_381 = arith.addf %add3A_370, %mul3A_380 : vector<16xf32>
          %slice3A_382 = vector.extract_strided_slice %get3A_117 {offsets = [3], sizes = [1], strides = [1]} : vector<16xf32> to vector<1xf32>
          %squeeze3A_383 = vector.extract %slice3A_382[0] : f32 from vector<1xf32>
          %add3A_384 = arith.constant 3 : i32
          %add3A_385 = arith.addi %mul3A_113, %add3A_384 : i32
          %get3A_386 = arith.index_cast %add3A_385 : i32 to index
          %get3A_387 = arith.constant 48 : index
          %get3A_388 = tpu.vector_load %arg11[%get3A_386, %get3A_387] {strides = array<i32>} : memref<280x128xf32, #tpu.memory_space<vmem>>, vector<1x16xf32>,
          %get3A_389 = vector.shape_cast %get3A_388 : vector<1x16xf32> to vector<16xf32>
          %mul3A_390 = vector.broadcast %squeeze3A_383 : f32 to vector<16xf32>
          %mul3A_391 = arith.mulf %mul3A_390, %get3A_389 : vector<16xf32>
          %add3A_392 = arith.addf %add3A_381, %mul3A_391 : vector<16xf32>
          %slice3A_393 = vector.extract_strided_slice %get3A_117 {offsets = [4], sizes = [1], strides = [1]} : vector<16xf32> to vector<1xf32>
          %squeeze3A_394 = vector.extract %slice3A_393[0] : f32 from vector<1xf32>
          %add3A_395 = arith.constant 4 : i32
          %add3A_396 = arith.addi %mul3A_113, %add3A_395 : i32
          %get3A_397 = arith.index_cast %add3A_396 : i32 to index
          %get3A_398 = arith.constant 48 : index
          %get3A_399 = tpu.vector_load %arg11[%get3A_397, %get3A_398] {strides = array<i32>} : memref<280x128xf32, #tpu.memory_space<vmem>>, vector<1x16xf32>,
          %get3A_400 = vector.shape_cast %get3A_399 : vector<1x16xf32> to vector<16xf32>
          %mul3A_401 = vector.broadcast %squeeze3A_394 : f32 to vector<16xf32>
          %mul3A_402 = arith.mulf %mul3A_401, %get3A_400 : vector<16xf32>
          %add3A_403 = arith.addf %add3A_392, %mul3A_402 : vector<16xf32>
          %slice3A_404 = vector.extract_strided_slice %get3A_117 {offsets = [5], sizes = [1], strides = [1]} : vector<16xf32> to vector<1xf32>
          %squeeze3A_405 = vector.extract %slice3A_404[0] : f32 from vector<1xf32>
          %add3A_406 = arith.constant 5 : i32
          %add3A_407 = arith.addi %mul3A_113, %add3A_406 : i32
          %get3A_408 = arith.index_cast %add3A_407 : i32 to index
          %get3A_409 = arith.constant 48 : index
          %get3A_410 = tpu.vector_load %arg11[%get3A_408, %get3A_409] {strides = array<i32>} : memref<280x128xf32, #tpu.memory_space<vmem>>, vector<1x16xf32>,
          %get3A_411 = vector.shape_cast %get3A_410 : vector<1x16xf32> to vector<16xf32>
          %mul3A_412 = vector.broadcast %squeeze3A_405 : f32 to vector<16xf32>
          %mul3A_413 = arith.mulf %mul3A_412, %get3A_411 : vector<16xf32>
          %add3A_414 = arith.addf %add3A_403, %mul3A_413 : vector<16xf32>
          %slice3A_415 = vector.extract_strided_slice %get3A_117 {offsets = [6], sizes = [1], strides = [1]} : vector<16xf32> to vector<1xf32>
          %squeeze3A_416 = vector.extract %slice3A_415[0] : f32 from vector<1xf32>
          %add3A_417 = arith.constant 6 : i32
          %add3A_418 = arith.addi %mul3A_113, %add3A_417 : i32
          %get3A_419 = arith.index_cast %add3A_418 : i32 to index
          %get3A_420 = arith.constant 48 : index
          %get3A_421 = tpu.vector_load %arg11[%get3A_419, %get3A_420] {strides = array<i32>} : memref<280x128xf32, #tpu.memory_space<vmem>>, vector<1x16xf32>,
          %get3A_422 = vector.shape_cast %get3A_421 : vector<1x16xf32> to vector<16xf32>
          %mul3A_423 = vector.broadcast %squeeze3A_416 : f32 to vector<16xf32>
          %mul3A_424 = arith.mulf %mul3A_423, %get3A_422 : vector<16xf32>
          %add3A_425 = arith.addf %add3A_414, %mul3A_424 : vector<16xf32>
          %swap3A_426 = arith.index_cast %add3A_111 : i32 to index
          %swap3A_427 = arith.constant 48 : index
          %swap3A_428 = tpu.vector_load %arg15[%swap3A_426, %swap3A_427] {strides = array<i32>} : memref<40x128xf32, #tpu.memory_space<vmem>>, vector<1x16xf32>,
          %swap3A_429 = vector.shape_cast %swap3A_428 : vector<1x16xf32> to vector<16xf32>
          %swap3A_430 = vector.shape_cast %add3A_425 : vector<16xf32> to vector<1x16xf32>
          tpu.vector_store %arg15[%swap3A_426, %swap3A_427], %swap3A_430 {strides = array<i32>} : memref<40x128xf32, #tpu.memory_space<vmem>>, vector<1x16xf32>,
          %slice3A_431 = vector.extract_strided_slice %get3A_117 {offsets = [0], sizes = [1], strides = [1]} : vector<16xf32> to vector<1xf32>
          %squeeze3A_432 = vector.extract %slice3A_431[0] : f32 from vector<1xf32>
          %get3A_433 = arith.index_cast %mul3A_113 : i32 to index
          %get3A_434 = arith.constant 64 : index
          %get3A_435 = tpu.vector_load %arg11[%get3A_433, %get3A_434] {strides = array<i32>} : memref<280x128xf32, #tpu.memory_space<vmem>>, vector<1x16xf32>,
          %get3A_436 = vector.shape_cast %get3A_435 : vector<1x16xf32> to vector<16xf32>
          %mul3A_437 = vector.broadcast %squeeze3A_432 : f32 to vector<16xf32>
          %mul3A_438 = arith.mulf %mul3A_437, %get3A_436 : vector<16xf32>
          %slice3A_439 = vector.extract_strided_slice %get3A_117 {offsets = [1], sizes = [1], strides = [1]} : vector<16xf32> to vector<1xf32>
          %squeeze3A_440 = vector.extract %slice3A_439[0] : f32 from vector<1xf32>
          %add3A_441 = arith.constant 1 : i32
          %add3A_442 = arith.addi %mul3A_113, %add3A_441 : i32
          %get3A_443 = arith.index_cast %add3A_442 : i32 to index
          %get3A_444 = arith.constant 64 : index
          %get3A_445 = tpu.vector_load %arg11[%get3A_443, %get3A_444] {strides = array<i32>} : memref<280x128xf32, #tpu.memory_space<vmem>>, vector<1x16xf32>,
          %get3A_446 = vector.shape_cast %get3A_445 : vector<1x16xf32> to vector<16xf32>
          %mul3A_447 = vector.broadcast %squeeze3A_440 : f32 to vector<16xf32>
          %mul3A_448 = arith.mulf %mul3A_447, %get3A_446 : vector<16xf32>
          %add3A_449 = arith.addf %mul3A_438, %mul3A_448 : vector<16xf32>
          %slice3A_450 = vector.extract_strided_slice %get3A_117 {offsets = [2], sizes = [1], strides = [1]} : vector<16xf32> to vector<1xf32>
          %squeeze3A_451 = vector.extract %slice3A_450[0] : f32 from vector<1xf32>
          %add3A_452 = arith.constant 2 : i32
          %add3A_453 = arith.addi %mul3A_113, %add3A_452 : i32
          %get3A_454 = arith.index_cast %add3A_453 : i32 to index
          %get3A_455 = arith.constant 64 : index
          %get3A_456 = tpu.vector_load %arg11[%get3A_454, %get3A_455] {strides = array<i32>} : memref<280x128xf32, #tpu.memory_space<vmem>>, vector<1x16xf32>,
          %get3A_457 = vector.shape_cast %get3A_456 : vector<1x16xf32> to vector<16xf32>
          %mul3A_458 = vector.broadcast %squeeze3A_451 : f32 to vector<16xf32>
          %mul3A_459 = arith.mulf %mul3A_458, %get3A_457 : vector<16xf32>
          %add3A_460 = arith.addf %add3A_449, %mul3A_459 : vector<16xf32>
          %slice3A_461 = vector.extract_strided_slice %get3A_117 {offsets = [3], sizes = [1], strides = [1]} : vector<16xf32> to vector<1xf32>
          %squeeze3A_462 = vector.extract %slice3A_461[0] : f32 from vector<1xf32>
          %add3A_463 = arith.constant 3 : i32
          %add3A_464 = arith.addi %mul3A_113, %add3A_463 : i32
          %get3A_465 = arith.index_cast %add3A_464 : i32 to index
          %get3A_466 = arith.constant 64 : index
          %get3A_467 = tpu.vector_load %arg11[%get3A_465, %get3A_466] {strides = array<i32>} : memref<280x128xf32, #tpu.memory_space<vmem>>, vector<1x16xf32>,
          %get3A_468 = vector.shape_cast %get3A_467 : vector<1x16xf32> to vector<16xf32>
          %mul3A_469 = vector.broadcast %squeeze3A_462 : f32 to vector<16xf32>
          %mul3A_470 = arith.mulf %mul3A_469, %get3A_468 : vector<16xf32>
          %add3A_471 = arith.addf %add3A_460, %mul3A_470 : vector<16xf32>
          %slice3A_472 = vector.extract_strided_slice %get3A_117 {offsets = [4], sizes = [1], strides = [1]} : vector<16xf32> to vector<1xf32>
          %squeeze3A_473 = vector.extract %slice3A_472[0] : f32 from vector<1xf32>
          %add3A_474 = arith.constant 4 : i32
          %add3A_475 = arith.addi %mul3A_113, %add3A_474 : i32
          %get3A_476 = arith.index_cast %add3A_475 : i32 to index
          %get3A_477 = arith.constant 64 : index
          %get3A_478 = tpu.vector_load %arg11[%get3A_476, %get3A_477] {strides = array<i32>} : memref<280x128xf32, #tpu.memory_space<vmem>>, vector<1x16xf32>,
          %get3A_479 = vector.shape_cast %get3A_478 : vector<1x16xf32> to vector<16xf32>
          %mul3A_480 = vector.broadcast %squeeze3A_473 : f32 to vector<16xf32>
          %mul3A_481 = arith.mulf %mul3A_480, %get3A_479 : vector<16xf32>
          %add3A_482 = arith.addf %add3A_471, %mul3A_481 : vector<16xf32>
          %slice3A_483 = vector.extract_strided_slice %get3A_117 {offsets = [5], sizes = [1], strides = [1]} : vector<16xf32> to vector<1xf32>
          %squeeze3A_484 = vector.extract %slice3A_483[0] : f32 from vector<1xf32>
          %add3A_485 = arith.constant 5 : i32
          %add3A_486 = arith.addi %mul3A_113, %add3A_485 : i32
          %get3A_487 = arith.index_cast %add3A_486 : i32 to index
          %get3A_488 = arith.constant 64 : index
          %get3A_489 = tpu.vector_load %arg11[%get3A_487, %get3A_488] {strides = array<i32>} : memref<280x128xf32, #tpu.memory_space<vmem>>, vector<1x16xf32>,
          %get3A_490 = vector.shape_cast %get3A_489 : vector<1x16xf32> to vector<16xf32>
          %mul3A_491 = vector.broadcast %squeeze3A_484 : f32 to vector<16xf32>
          %mul3A_492 = arith.mulf %mul3A_491, %get3A_490 : vector<16xf32>
          %add3A_493 = arith.addf %add3A_482, %mul3A_492 : vector<16xf32>
          %slice3A_494 = vector.extract_strided_slice %get3A_117 {offsets = [6], sizes = [1], strides = [1]} : vector<16xf32> to vector<1xf32>
          %squeeze3A_495 = vector.extract %slice3A_494[0] : f32 from vector<1xf32>
          %add3A_496 = arith.constant 6 : i32
          %add3A_497 = arith.addi %mul3A_113, %add3A_496 : i32
          %get3A_498 = arith.index_cast %add3A_497 : i32 to index
          %get3A_499 = arith.constant 64 : index
          %get3A_500 = tpu.vector_load %arg11[%get3A_498, %get3A_499] {strides = array<i32>} : memref<280x128xf32, #tpu.memory_space<vmem>>, vector<1x16xf32>,
          %get3A_501 = vector.shape_cast %get3A_500 : vector<1x16xf32> to vector<16xf32>
          %mul3A_502 = vector.broadcast %squeeze3A_495 : f32 to vector<16xf32>
          %mul3A_503 = arith.mulf %mul3A_502, %get3A_501 : vector<16xf32>
          %add3A_504 = arith.addf %add3A_493, %mul3A_503 : vector<16xf32>
          %swap3A_505 = arith.index_cast %add3A_111 : i32 to index
          %swap3A_506 = arith.constant 64 : index
          %swap3A_507 = tpu.vector_load %arg15[%swap3A_505, %swap3A_506] {strides = array<i32>} : memref<40x128xf32, #tpu.memory_space<vmem>>, vector<1x16xf32>,
          %swap3A_508 = vector.shape_cast %swap3A_507 : vector<1x16xf32> to vector<16xf32>
          %swap3A_509 = vector.shape_cast %add3A_504 : vector<16xf32> to vector<1x16xf32>
          tpu.vector_store %arg15[%swap3A_505, %swap3A_506], %swap3A_509 {strides = array<i32>} : memref<40x128xf32, #tpu.memory_space<vmem>>, vector<1x16xf32>,
          %slice3A_510 = vector.extract_strided_slice %get3A_117 {offsets = [0], sizes = [1], strides = [1]} : vector<16xf32> to vector<1xf32>
          %squeeze3A_511 = vector.extract %slice3A_510[0] : f32 from vector<1xf32>
          %get3A_512 = arith.index_cast %mul3A_113 : i32 to index
          %get3A_513 = arith.constant 80 : index
          %get3A_514 = tpu.vector_load %arg11[%get3A_512, %get3A_513] {strides = array<i32>} : memref<280x128xf32, #tpu.memory_space<vmem>>, vector<1x16xf32>,
          %get3A_515 = vector.shape_cast %get3A_514 : vector<1x16xf32> to vector<16xf32>
          %mul3A_516 = vector.broadcast %squeeze3A_511 : f32 to vector<16xf32>
          %mul3A_517 = arith.mulf %mul3A_516, %get3A_515 : vector<16xf32>
          %slice3A_518 = vector.extract_strided_slice %get3A_117 {offsets = [1], sizes = [1], strides = [1]} : vector<16xf32> to vector<1xf32>
          %squeeze3A_519 = vector.extract %slice3A_518[0] : f32 from vector<1xf32>
          %add3A_520 = arith.constant 1 : i32
          %add3A_521 = arith.addi %mul3A_113, %add3A_520 : i32
          %get3A_522 = arith.index_cast %add3A_521 : i32 to index
          %get3A_523 = arith.constant 80 : index
          %get3A_524 = tpu.vector_load %arg11[%get3A_522, %get3A_523] {strides = array<i32>} : memref<280x128xf32, #tpu.memory_space<vmem>>, vector<1x16xf32>,
          %get3A_525 = vector.shape_cast %get3A_524 : vector<1x16xf32> to vector<16xf32>
          %mul3A_526 = vector.broadcast %squeeze3A_519 : f32 to vector<16xf32>
          %mul3A_527 = arith.mulf %mul3A_526, %get3A_525 : vector<16xf32>
          %add3A_528 = arith.addf %mul3A_517, %mul3A_527 : vector<16xf32>
          %slice3A_529 = vector.extract_strided_slice %get3A_117 {offsets = [2], sizes = [1], strides = [1]} : vector<16xf32> to vector<1xf32>
          %squeeze3A_530 = vector.extract %slice3A_529[0] : f32 from vector<1xf32>
          %add3A_531 = arith.constant 2 : i32
          %add3A_532 = arith.addi %mul3A_113, %add3A_531 : i32
          %get3A_533 = arith.index_cast %add3A_532 : i32 to index
          %get3A_534 = arith.constant 80 : index
          %get3A_535 = tpu.vector_load %arg11[%get3A_533, %get3A_534] {strides = array<i32>} : memref<280x128xf32, #tpu.memory_space<vmem>>, vector<1x16xf32>,
          %get3A_536 = vector.shape_cast %get3A_535 : vector<1x16xf32> to vector<16xf32>
          %mul3A_537 = vector.broadcast %squeeze3A_530 : f32 to vector<16xf32>
          %mul3A_538 = arith.mulf %mul3A_537, %get3A_536 : vector<16xf32>
          %add3A_539 = arith.addf %add3A_528, %mul3A_538 : vector<16xf32>
          %slice3A_540 = vector.extract_strided_slice %get3A_117 {offsets = [3], sizes = [1], strides = [1]} : vector<16xf32> to vector<1xf32>
          %squeeze3A_541 = vector.extract %slice3A_540[0] : f32 from vector<1xf32>
          %add3A_542 = arith.constant 3 : i32
          %add3A_543 = arith.addi %mul3A_113, %add3A_542 : i32
          %get3A_544 = arith.index_cast %add3A_543 : i32 to index
          %get3A_545 = arith.constant 80 : index
          %get3A_546 = tpu.vector_load %arg11[%get3A_544, %get3A_545] {strides = array<i32>} : memref<280x128xf32, #tpu.memory_space<vmem>>, vector<1x16xf32>,
          %get3A_547 = vector.shape_cast %get3A_546 : vector<1x16xf32> to vector<16xf32>
          %mul3A_548 = vector.broadcast %squeeze3A_541 : f32 to vector<16xf32>
          %mul3A_549 = arith.mulf %mul3A_548, %get3A_547 : vector<16xf32>
          %add3A_550 = arith.addf %add3A_539, %mul3A_549 : vector<16xf32>
          %slice3A_551 = vector.extract_strided_slice %get3A_117 {offsets = [4], sizes = [1], strides = [1]} : vector<16xf32> to vector<1xf32>
          %squeeze3A_552 = vector.extract %slice3A_551[0] : f32 from vector<1xf32>
          %add3A_553 = arith.constant 4 : i32
          %add3A_554 = arith.addi %mul3A_113, %add3A_553 : i32
          %get3A_555 = arith.index_cast %add3A_554 : i32 to index
          %get3A_556 = arith.constant 80 : index
          %get3A_557 = tpu.vector_load %arg11[%get3A_555, %get3A_556] {strides = array<i32>} : memref<280x128xf32, #tpu.memory_space<vmem>>, vector<1x16xf32>,
          %get3A_558 = vector.shape_cast %get3A_557 : vector<1x16xf32> to vector<16xf32>
          %mul3A_559 = vector.broadcast %squeeze3A_552 : f32 to vector<16xf32>
          %mul3A_560 = arith.mulf %mul3A_559, %get3A_558 : vector<16xf32>
          %add3A_561 = arith.addf %add3A_550, %mul3A_560 : vector<16xf32>
          %slice3A_562 = vector.extract_strided_slice %get3A_117 {offsets = [5], sizes = [1], strides = [1]} : vector<16xf32> to vector<1xf32>
          %squeeze3A_563 = vector.extract %slice3A_562[0] : f32 from vector<1xf32>
          %add3A_564 = arith.constant 5 : i32
          %add3A_565 = arith.addi %mul3A_113, %add3A_564 : i32
          %get3A_566 = arith.index_cast %add3A_565 : i32 to index
          %get3A_567 = arith.constant 80 : index
          %get3A_568 = tpu.vector_load %arg11[%get3A_566, %get3A_567] {strides = array<i32>} : memref<280x128xf32, #tpu.memory_space<vmem>>, vector<1x16xf32>,
          %get3A_569 = vector.shape_cast %get3A_568 : vector<1x16xf32> to vector<16xf32>
          %mul3A_570 = vector.broadcast %squeeze3A_563 : f32 to vector<16xf32>
          %mul3A_571 = arith.mulf %mul3A_570, %get3A_569 : vector<16xf32>
          %add3A_572 = arith.addf %add3A_561, %mul3A_571 : vector<16xf32>
          %slice3A_573 = vector.extract_strided_slice %get3A_117 {offsets = [6], sizes = [1], strides = [1]} : vector<16xf32> to vector<1xf32>
          %squeeze3A_574 = vector.extract %slice3A_573[0] : f32 from vector<1xf32>
          %add3A_575 = arith.constant 6 : i32
          %add3A_576 = arith.addi %mul3A_113, %add3A_575 : i32
          %get3A_577 = arith.index_cast %add3A_576 : i32 to index
          %get3A_578 = arith.constant 80 : index
          %get3A_579 = tpu.vector_load %arg11[%get3A_577, %get3A_578] {strides = array<i32>} : memref<280x128xf32, #tpu.memory_space<vmem>>, vector<1x16xf32>,
          %get3A_580 = vector.shape_cast %get3A_579 : vector<1x16xf32> to vector<16xf32>
          %mul3A_581 = vector.broadcast %squeeze3A_574 : f32 to vector<16xf32>
          %mul3A_582 = arith.mulf %mul3A_581, %get3A_580 : vector<16xf32>
          %add3A_583 = arith.addf %add3A_572, %mul3A_582 : vector<16xf32>
          %swap3A_584 = arith.index_cast %add3A_111 : i32 to index
          %swap3A_585 = arith.constant 80 : index
          %swap3A_586 = tpu.vector_load %arg15[%swap3A_584, %swap3A_585] {strides = array<i32>} : memref<40x128xf32, #tpu.memory_space<vmem>>, vector<1x16xf32>,
          %swap3A_587 = vector.shape_cast %swap3A_586 : vector<1x16xf32> to vector<16xf32>
          %swap3A_588 = vector.shape_cast %add3A_583 : vector<16xf32> to vector<1x16xf32>
          tpu.vector_store %arg15[%swap3A_584, %swap3A_585], %swap3A_588 {strides = array<i32>} : memref<40x128xf32, #tpu.memory_space<vmem>>, vector<1x16xf32>,
          %slice3A_589 = vector.extract_strided_slice %get3A_117 {offsets = [0], sizes = [1], strides = [1]} : vector<16xf32> to vector<1xf32>
          %squeeze3A_590 = vector.extract %slice3A_589[0] : f32 from vector<1xf32>
          %get3A_591 = arith.index_cast %mul3A_113 : i32 to index
          %get3A_592 = arith.constant 96 : index
          %get3A_593 = tpu.vector_load %arg11[%get3A_591, %get3A_592] {strides = array<i32>} : memref<280x128xf32, #tpu.memory_space<vmem>>, vector<1x16xf32>,
          %get3A_594 = vector.shape_cast %get3A_593 : vector<1x16xf32> to vector<16xf32>
          %mul3A_595 = vector.broadcast %squeeze3A_590 : f32 to vector<16xf32>
          %mul3A_596 = arith.mulf %mul3A_595, %get3A_594 : vector<16xf32>
          %slice3A_597 = vector.extract_strided_slice %get3A_117 {offsets = [1], sizes = [1], strides = [1]} : vector<16xf32> to vector<1xf32>
          %squeeze3A_598 = vector.extract %slice3A_597[0] : f32 from vector<1xf32>
          %add3A_599 = arith.constant 1 : i32
          %add3A_600 = arith.addi %mul3A_113, %add3A_599 : i32
          %get3A_601 = arith.index_cast %add3A_600 : i32 to index
          %get3A_602 = arith.constant 96 : index
          %get3A_603 = tpu.vector_load %arg11[%get3A_601, %get3A_602] {strides = array<i32>} : memref<280x128xf32, #tpu.memory_space<vmem>>, vector<1x16xf32>,
          %get3A_604 = vector.shape_cast %get3A_603 : vector<1x16xf32> to vector<16xf32>
          %mul3A_605 = vector.broadcast %squeeze3A_598 : f32 to vector<16xf32>
          %mul3A_606 = arith.mulf %mul3A_605, %get3A_604 : vector<16xf32>
          %add3A_607 = arith.addf %mul3A_596, %mul3A_606 : vector<16xf32>
          %slice3A_608 = vector.extract_strided_slice %get3A_117 {offsets = [2], sizes = [1], strides = [1]} : vector<16xf32> to vector<1xf32>
          %squeeze3A_609 = vector.extract %slice3A_608[0] : f32 from vector<1xf32>
          %add3A_610 = arith.constant 2 : i32
          %add3A_611 = arith.addi %mul3A_113, %add3A_610 : i32
          %get3A_612 = arith.index_cast %add3A_611 : i32 to index
          %get3A_613 = arith.constant 96 : index
          %get3A_614 = tpu.vector_load %arg11[%get3A_612, %get3A_613] {strides = array<i32>} : memref<280x128xf32, #tpu.memory_space<vmem>>, vector<1x16xf32>,
          %get3A_615 = vector.shape_cast %get3A_614 : vector<1x16xf32> to vector<16xf32>
          %mul3A_616 = vector.broadcast %squeeze3A_609 : f32 to vector<16xf32>
          %mul3A_617 = arith.mulf %mul3A_616, %get3A_615 : vector<16xf32>
          %add3A_618 = arith.addf %add3A_607, %mul3A_617 : vector<16xf32>
          %slice3A_619 = vector.extract_strided_slice %get3A_117 {offsets = [3], sizes = [1], strides = [1]} : vector<16xf32> to vector<1xf32>
          %squeeze3A_620 = vector.extract %slice3A_619[0] : f32 from vector<1xf32>
          %add3A_621 = arith.constant 3 : i32
          %add3A_622 = arith.addi %mul3A_113, %add3A_621 : i32
          %get3A_623 = arith.index_cast %add3A_622 : i32 to index
          %get3A_624 = arith.constant 96 : index
          %get3A_625 = tpu.vector_load %arg11[%get3A_623, %get3A_624] {strides = array<i32>} : memref<280x128xf32, #tpu.memory_space<vmem>>, vector<1x16xf32>,
          %get3A_626 = vector.shape_cast %get3A_625 : vector<1x16xf32> to vector<16xf32>
          %mul3A_627 = vector.broadcast %squeeze3A_620 : f32 to vector<16xf32>
          %mul3A_628 = arith.mulf %mul3A_627, %get3A_626 : vector<16xf32>
          %add3A_629 = arith.addf %add3A_618, %mul3A_628 : vector<16xf32>
          %slice3A_630 = vector.extract_strided_slice %get3A_117 {offsets = [4], sizes = [1], strides = [1]} : vector<16xf32> to vector<1xf32>
          %squeeze3A_631 = vector.extract %slice3A_630[0] : f32 from vector<1xf32>
          %add3A_632 = arith.constant 4 : i32
          %add3A_633 = arith.addi %mul3A_113, %add3A_632 : i32
          %get3A_634 = arith.index_cast %add3A_633 : i32 to index
          %get3A_635 = arith.constant 96 : index
          %get3A_636 = tpu.vector_load %arg11[%get3A_634, %get3A_635] {strides = array<i32>} : memref<280x128xf32, #tpu.memory_space<vmem>>, vector<1x16xf32>,
          %get3A_637 = vector.shape_cast %get3A_636 : vector<1x16xf32> to vector<16xf32>
          %mul3A_638 = vector.broadcast %squeeze3A_631 : f32 to vector<16xf32>
          %mul3A_639 = arith.mulf %mul3A_638, %get3A_637 : vector<16xf32>
          %add3A_640 = arith.addf %add3A_629, %mul3A_639 : vector<16xf32>
          %slice3A_641 = vector.extract_strided_slice %get3A_117 {offsets = [5], sizes = [1], strides = [1]} : vector<16xf32> to vector<1xf32>
          %squeeze3A_642 = vector.extract %slice3A_641[0] : f32 from vector<1xf32>
          %add3A_643 = arith.constant 5 : i32
          %add3A_644 = arith.addi %mul3A_113, %add3A_643 : i32
          %get3A_645 = arith.index_cast %add3A_644 : i32 to index
          %get3A_646 = arith.constant 96 : index
          %get3A_647 = tpu.vector_load %arg11[%get3A_645, %get3A_646] {strides = array<i32>} : memref<280x128xf32, #tpu.memory_space<vmem>>, vector<1x16xf32>,
          %get3A_648 = vector.shape_cast %get3A_647 : vector<1x16xf32> to vector<16xf32>
          %mul3A_649 = vector.broadcast %squeeze3A_642 : f32 to vector<16xf32>
          %mul3A_650 = arith.mulf %mul3A_649, %get3A_648 : vector<16xf32>
          %add3A_651 = arith.addf %add3A_640, %mul3A_650 : vector<16xf32>
          %slice3A_652 = vector.extract_strided_slice %get3A_117 {offsets = [6], sizes = [1], strides = [1]} : vector<16xf32> to vector<1xf32>
          %squeeze3A_653 = vector.extract %slice3A_652[0] : f32 from vector<1xf32>
          %add3A_654 = arith.constant 6 : i32
          %add3A_655 = arith.addi %mul3A_113, %add3A_654 : i32
          %get3A_656 = arith.index_cast %add3A_655 : i32 to index
          %get3A_657 = arith.constant 96 : index
          %get3A_658 = tpu.vector_load %arg11[%get3A_656, %get3A_657] {strides = array<i32>} : memref<280x128xf32, #tpu.memory_space<vmem>>, vector<1x16xf32>,
          %get3A_659 = vector.shape_cast %get3A_658 : vector<1x16xf32> to vector<16xf32>
          %mul3A_660 = vector.broadcast %squeeze3A_653 : f32 to vector<16xf32>
          %mul3A_661 = arith.mulf %mul3A_660, %get3A_659 : vector<16xf32>
          %add3A_662 = arith.addf %add3A_651, %mul3A_661 : vector<16xf32>
          %swap3A_663 = arith.index_cast %add3A_111 : i32 to index
          %swap3A_664 = arith.constant 96 : index
          %swap3A_665 = tpu.vector_load %arg15[%swap3A_663, %swap3A_664] {strides = array<i32>} : memref<40x128xf32, #tpu.memory_space<vmem>>, vector<1x16xf32>,
          %swap3A_666 = vector.shape_cast %swap3A_665 : vector<1x16xf32> to vector<16xf32>
          %swap3A_667 = vector.shape_cast %add3A_662 : vector<16xf32> to vector<1x16xf32>
          tpu.vector_store %arg15[%swap3A_663, %swap3A_664], %swap3A_667 {strides = array<i32>} : memref<40x128xf32, #tpu.memory_space<vmem>>, vector<1x16xf32>,
          %slice3A_668 = vector.extract_strided_slice %get3A_117 {offsets = [0], sizes = [1], strides = [1]} : vector<16xf32> to vector<1xf32>
          %squeeze3A_669 = vector.extract %slice3A_668[0] : f32 from vector<1xf32>
          %get3A_670 = arith.index_cast %mul3A_113 : i32 to index
          %get3A_671 = arith.constant 112 : index
          %get3A_672 = tpu.vector_load %arg11[%get3A_670, %get3A_671] {strides = array<i32>} : memref<280x128xf32, #tpu.memory_space<vmem>>, vector<1x16xf32>,
          %get3A_673 = vector.shape_cast %get3A_672 : vector<1x16xf32> to vector<16xf32>
          %mul3A_674 = vector.broadcast %squeeze3A_669 : f32 to vector<16xf32>
          %mul3A_675 = arith.mulf %mul3A_674, %get3A_673 : vector<16xf32>
          %slice3A_676 = vector.extract_strided_slice %get3A_117 {offsets = [1], sizes = [1], strides = [1]} : vector<16xf32> to vector<1xf32>
          %squeeze3A_677 = vector.extract %slice3A_676[0] : f32 from vector<1xf32>
          %add3A_678 = arith.constant 1 : i32
          %add3A_679 = arith.addi %mul3A_113, %add3A_678 : i32
          %get3A_680 = arith.index_cast %add3A_679 : i32 to index
          %get3A_681 = arith.constant 112 : index
          %get3A_682 = tpu.vector_load %arg11[%get3A_680, %get3A_681] {strides = array<i32>} : memref<280x128xf32, #tpu.memory_space<vmem>>, vector<1x16xf32>,
          %get3A_683 = vector.shape_cast %get3A_682 : vector<1x16xf32> to vector<16xf32>
          %mul3A_684 = vector.broadcast %squeeze3A_677 : f32 to vector<16xf32>
          %mul3A_685 = arith.mulf %mul3A_684, %get3A_683 : vector<16xf32>
          %add3A_686 = arith.addf %mul3A_675, %mul3A_685 : vector<16xf32>
          %slice3A_687 = vector.extract_strided_slice %get3A_117 {offsets = [2], sizes = [1], strides = [1]} : vector<16xf32> to vector<1xf32>
          %squeeze3A_688 = vector.extract %slice3A_687[0] : f32 from vector<1xf32>
          %add3A_689 = arith.constant 2 : i32
          %add3A_690 = arith.addi %mul3A_113, %add3A_689 : i32
          %get3A_691 = arith.index_cast %add3A_690 : i32 to index
          %get3A_692 = arith.constant 112 : index
          %get3A_693 = tpu.vector_load %arg11[%get3A_691, %get3A_692] {strides = array<i32>} : memref<280x128xf32, #tpu.memory_space<vmem>>, vector<1x16xf32>,
          %get3A_694 = vector.shape_cast %get3A_693 : vector<1x16xf32> to vector<16xf32>
          %mul3A_695 = vector.broadcast %squeeze3A_688 : f32 to vector<16xf32>
          %mul3A_696 = arith.mulf %mul3A_695, %get3A_694 : vector<16xf32>
          %add3A_697 = arith.addf %add3A_686, %mul3A_696 : vector<16xf32>
          %slice3A_698 = vector.extract_strided_slice %get3A_117 {offsets = [3], sizes = [1], strides = [1]} : vector<16xf32> to vector<1xf32>
          %squeeze3A_699 = vector.extract %slice3A_698[0] : f32 from vector<1xf32>
          %add3A_700 = arith.constant 3 : i32
          %add3A_701 = arith.addi %mul3A_113, %add3A_700 : i32
          %get3A_702 = arith.index_cast %add3A_701 : i32 to index
          %get3A_703 = arith.constant 112 : index
          %get3A_704 = tpu.vector_load %arg11[%get3A_702, %get3A_703] {strides = array<i32>} : memref<280x128xf32, #tpu.memory_space<vmem>>, vector<1x16xf32>,
          %get3A_705 = vector.shape_cast %get3A_704 : vector<1x16xf32> to vector<16xf32>
          %mul3A_706 = vector.broadcast %squeeze3A_699 : f32 to vector<16xf32>
          %mul3A_707 = arith.mulf %mul3A_706, %get3A_705 : vector<16xf32>
          %add3A_708 = arith.addf %add3A_697, %mul3A_707 : vector<16xf32>
          %slice3A_709 = vector.extract_strided_slice %get3A_117 {offsets = [4], sizes = [1], strides = [1]} : vector<16xf32> to vector<1xf32>
          %squeeze3A_710 = vector.extract %slice3A_709[0] : f32 from vector<1xf32>
          %add3A_711 = arith.constant 4 : i32
          %add3A_712 = arith.addi %mul3A_113, %add3A_711 : i32
          %get3A_713 = arith.index_cast %add3A_712 : i32 to index
          %get3A_714 = arith.constant 112 : index
          %get3A_715 = tpu.vector_load %arg11[%get3A_713, %get3A_714] {strides = array<i32>} : memref<280x128xf32, #tpu.memory_space<vmem>>, vector<1x16xf32>,
          %get3A_716 = vector.shape_cast %get3A_715 : vector<1x16xf32> to vector<16xf32>
          %mul3A_717 = vector.broadcast %squeeze3A_710 : f32 to vector<16xf32>
          %mul3A_718 = arith.mulf %mul3A_717, %get3A_716 : vector<16xf32>
          %add3A_719 = arith.addf %add3A_708, %mul3A_718 : vector<16xf32>
          %slice3A_720 = vector.extract_strided_slice %get3A_117 {offsets = [5], sizes = [1], strides = [1]} : vector<16xf32> to vector<1xf32>
          %squeeze3A_721 = vector.extract %slice3A_720[0] : f32 from vector<1xf32>
          %add3A_722 = arith.constant 5 : i32
          %add3A_723 = arith.addi %mul3A_113, %add3A_722 : i32
          %get3A_724 = arith.index_cast %add3A_723 : i32 to index
          %get3A_725 = arith.constant 112 : index
          %get3A_726 = tpu.vector_load %arg11[%get3A_724, %get3A_725] {strides = array<i32>} : memref<280x128xf32, #tpu.memory_space<vmem>>, vector<1x16xf32>,
          %get3A_727 = vector.shape_cast %get3A_726 : vector<1x16xf32> to vector<16xf32>
          %mul3A_728 = vector.broadcast %squeeze3A_721 : f32 to vector<16xf32>
          %mul3A_729 = arith.mulf %mul3A_728, %get3A_727 : vector<16xf32>
          %add3A_730 = arith.addf %add3A_719, %mul3A_729 : vector<16xf32>
          %slice3A_731 = vector.extract_strided_slice %get3A_117 {offsets = [6], sizes = [1], strides = [1]} : vector<16xf32> to vector<1xf32>
          %squeeze3A_732 = vector.extract %slice3A_731[0] : f32 from vector<1xf32>
          %add3A_733 = arith.constant 6 : i32
          %add3A_734 = arith.addi %mul3A_113, %add3A_733 : i32
          %get3A_735 = arith.index_cast %add3A_734 : i32 to index
          %get3A_736 = arith.constant 112 : index
          %get3A_737 = tpu.vector_load %arg11[%get3A_735, %get3A_736] {strides = array<i32>} : memref<280x128xf32, #tpu.memory_space<vmem>>, vector<1x16xf32>,
          %get3A_738 = vector.shape_cast %get3A_737 : vector<1x16xf32> to vector<16xf32>
          %mul3A_739 = vector.broadcast %squeeze3A_732 : f32 to vector<16xf32>
          %mul3A_740 = arith.mulf %mul3A_739, %get3A_738 : vector<16xf32>
          %add3A_741 = arith.addf %add3A_730, %mul3A_740 : vector<16xf32>
          %swap3A_742 = arith.index_cast %add3A_111 : i32 to index
          %swap3A_743 = arith.constant 112 : index
          %swap3A_744 = tpu.vector_load %arg15[%swap3A_742, %swap3A_743] {strides = array<i32>} : memref<40x128xf32, #tpu.memory_space<vmem>>, vector<1x16xf32>,
          %swap3A_745 = vector.shape_cast %swap3A_744 : vector<1x16xf32> to vector<16xf32>
          %swap3A_746 = vector.shape_cast %add3A_741 : vector<16xf32> to vector<1x16xf32>
          tpu.vector_store %arg15[%swap3A_742, %swap3A_743], %swap3A_746 {strides = array<i32>} : memref<40x128xf32, #tpu.memory_space<vmem>>, vector<1x16xf32>,
        }
        %scan3A_101 = arith.constant 40 : i32
        %add3A_102 = arith.constant 40000 : i32
        %add3A_103 = arith.addi %add3A_102, %mul3A_84 : i32
        %dma_start3A = arith.constant 0 : i32
        %dma_start3A_104 = tpu.memref_slice %arg7[%add3A_103, %dma_start3A] : memref<50000x128xf32, #tpu.memory_space<hbm>> -> memref<40x128xf32, #tpu.memory_space<hbm>>
        %dma_start3A_105 = arith.constant 0 : i32
        %dma_start3A_106 = tpu.memref_slice %arg7[%add3A_103, %dma_start3A_105] : memref<50000x128xf32, #tpu.memory_space<hbm>> -> memref<40x128xf32, #tpu.memory_space<hbm>>
        tpu.enqueue_dma source(%arg15 : memref<40x128xf32, #tpu.memory_space<vmem>>) target(%dma_start3A_106 : memref<40x128xf32, #tpu.memory_space<hbm>>) target_semaphore(%arg19 : memref<!tpu.dma_semaphore, #tpu.memory_space<semaphore_mem>>)
      } else {
      }
    }
    %scan3A_14 = arith.constant 20 : i32
    %dma_wait3A = arith.constant 0 : i32
    %dma_wait3A_15 = arith.constant 0 : i32
    %dma_wait3A_16 = tpu.memref_slice %arg7[%dma_wait3A, %dma_wait3A_15] : memref<50000x128xf32, #tpu.memory_space<hbm>> -> memref<40x128xf32, #tpu.memory_space<hbm>>
    %dma_wait3A_17 = arith.constant 0 : i32
    %dma_wait3A_18 = arith.constant 0 : i32
    %dma_wait3A_19 = tpu.memref_slice %arg7[%dma_wait3A_17, %dma_wait3A_18] : memref<50000x128xf32, #tpu.memory_space<hbm>> -> memref<40x128xf32, #tpu.memory_space<hbm>>
    tpu.wait_dma2 semaphore(%arg18 : memref<!tpu.dma_semaphore, #tpu.memory_space<semaphore_mem>>) src(%arg14 : memref<40x128xf32, #tpu.memory_space<vmem>>) dst(%dma_wait3A_19 : memref<40x128xf32, #tpu.memory_space<hbm>>)
    %add3A_20 = arith.constant 1248 : i32
    %add3A_21 = arith.addi %add3A, %add3A_20 : i32
    %lt3A_22 = arith.constant 1250 : i32
    %lt3A_23 = arith.cmpi slt, %add3A_21, %lt3A_22 : i32
    %convert_element_type3A_24 = arith.extui %lt3A_23 : i1 to i32
    %cond3A_25 = arith.constant 0 : i32
    %cond3A_26 = arith.cmpi ne, %convert_element_type3A_24, %cond3A_25 : i32
    scf.if %cond3A_26 {
      %dma_wait3A_27 = arith.constant 0 : i32
      %dma_wait3A_28 = arith.constant 0 : i32
      %dma_wait3A_29 = tpu.memref_slice %arg7[%dma_wait3A_27, %dma_wait3A_28] : memref<50000x128xf32, #tpu.memory_space<hbm>> -> memref<40x128xf32, #tpu.memory_space<hbm>>
      %dma_wait3A_30 = arith.constant 0 : i32
      %dma_wait3A_31 = arith.constant 0 : i32
      %dma_wait3A_32 = tpu.memref_slice %arg7[%dma_wait3A_30, %dma_wait3A_31] : memref<50000x128xf32, #tpu.memory_space<hbm>> -> memref<40x128xf32, #tpu.memory_space<hbm>>
      tpu.wait_dma2 semaphore(%arg19 : memref<!tpu.dma_semaphore, #tpu.memory_space<semaphore_mem>>) src(%arg15 : memref<40x128xf32, #tpu.memory_space<vmem>>) dst(%dma_wait3A_32 : memref<40x128xf32, #tpu.memory_space<hbm>>)
    } else {
    }
    return
  }
}

</mosaic_0001>

<sc_bundles>
// kernel: kernel.4.cloned.1.call-start
scs
__scs_entry_jumppad:
0x0: {  	(pc) =	sbr.rel $0x88, $3  }
0x1: {  	(tag) =	ssettag $0x0;
	lr =	simm.s32 $0x1  }
0x2: {  	[smem:$0x3F9B] =	sst lr;
	_ =	strace $0xD0000000  }
0x3: {  	_ = 	snop  }
0x4: {  	_ = 	snop  }
0x5: {  	_ = 	snop  }
0x6: {  	_ = 	snop  }
0x7: {  	_ = 	snop  }
__scs_overlays_trampoline_lowered:
0x8: {  	[smem:$0x3FAA] =	sst s0  }
0x9: {  	[smem:$0x3FAB] =	sst s1  }
0xa: {  	[smem:$0x3FAC] =	sst s2  }
0xb: {  	[smem:$0x3FAD] =	sst s3  }
0xc: {  	[smem:$0x3FAE] =	sst s4  }
0xd: {  	[smem:$0x3FAF] =	sst s5  }
0xe: {  	[smem:$0x3FB0] =	sst s6  }
0xf: {  	[smem:$0x3FB1] =	sst s7  }
0x10: {  	[smem:$0x3FB2] =	sst s8  }
0x11: {  	[smem:$0x3FB3] =	sst s9;
	s0 =	simm.s32 @!p0 $0x0  }
0x12: {  	s1 =	sld [smem:$0x3F99];
	s0 =	simm.s32 @p0 $0x1  }
0x13: {  	[smem:$0x3FB4] =	sst s0;
	s0 =	simm.s32 @!p1 $0x0  }
0x14: {  	s2 =	sld [smem:$0x3F98];
	s0 =	simm.s32 @p1 $0x1  }
0x15: {  	[smem:$0x3FB5] =	sst s0;
	s0 =	simm.s32 @!p2 $0x0  }
0x16: {  	s3 =	sld [smem:$0x3FDB];
	s0 =	simm.s32 @p2 $0x1  }
0x17: {  	s4 =	simm.s32 $0x1BF5;
	[smem:$0x3FB7] =	sst s0  }
0x18: {  	s0 =	sld [smem:$0x3F9A];
	_ =	swait.ge [sflag:s4], $0x0  }
0x19: {  	s7 =	sld [smem:$0x3F9B]  }
0x1a: {  	s8 =	sadd.s32 $0xFFFFE003, lr  }
0x1b: {  	s9 =	sadd.s32 $0xFFFFFEF7, lr;
	s5 =	simm.s32 $0xFFFFFFFF;
	p2 =	slt.u32 s8, $0xFFFFF086  }
0x1c: {  	p1 =	slt.u32 s9, $0xF7A;
	s5 =	simm.s32 @!p2 $0x0  }
0x1d: {  	s5 =	simm.s32 @p1 $0x1;
	p0 =	seq.s32 s7, s2  }
0x1e: {  	s7 =	smul.u32 @!p0 $0xF7A, s2;
	p2 =	seq.s32 @!p0 s5, $0x0  }
0x1f: {  	s9 =	smul.u32 $0xF7A, s1;
	s8 =	simm.s32 @!p0 $0x1BF5;
	p2 =	por !p2, p0  }
0x20: {  	[sflag:s8] =	ssyncset.s32 @!p0 $0xFFFFF086;
	s6 =	sadd.s32 @!p0 s3, s7;
	s7 =	simm.s32 @!p0 $0x108  }
0x21: {  	s3 =	sadd.s32 s3, s9;
	s6 =	sadd.s32 @!p0 $0x88, s6;
	s7 =	simm.s32 @p2 $0x1082  }
0x22: {  	[simem:s7], [sflag:s8] =	dma.local @!p0 [hbm:s6], $0xF7A  }
0x23: {  	s9 =	sor.u32 $0xD0000000, s2;
	s6 =	simm.s32 $0x108;
	_ =	swait.ge @!p0 [sflag:s8], $0x0  }
0x24: {  	s3 =	sadd.s32 $0x88, s3;
	s6 =	simm.s32 @!p1 $0x1082;
	[sflag:s4] =	ssyncset.s32 $0xFFFFF086  }
0x25: {  	[simem:s6], [sflag:s4] =	dma.local [hbm:s3], $0xF7A  }
0x26: {  	[smem:$0x3F9B] =	sst s1;
	(tag) =	ssettag s2;
	_ =	strace s9  }
0x27: {  	s1 =	sld [smem:$0x3FAB]  }
0x28: {  	s2 =	sld [smem:$0x3FAC]  }
0x29: {  	s4 =	sld [smem:$0x3FAE]  }
0x2a: {  	p0 =	seq.s32 s5, $0x0;
	s5 =	sld [smem:$0x3FAF]  }
0x2b: {  	s6 =	sld [smem:$0x3FB0]  }
0x2c: {  	s7 =	sld [smem:$0x3FB1]  }
0x2d: {  	s3 =	simm.s32 $0x108;
	s8 =	sld [smem:$0x3FB2]  }
0x2e: {  	s3 =	simm.s32 @!p0 $0x1082;
	s9 =	sld [smem:$0x3FB3]  }
0x2f: {  	lr =	sadd.s32 s0, s3;
	s0 =	sld [smem:$0x3FAA]  }
0x30: {  	s3 =	sld [smem:$0x3FAD]  }
0x31: {  	[smem:$0x3FB6] =	sst s10  }
0x32: {  	s10 =	sld [smem:$0x3FB4];
	_ =	sdelay $0x3  }
0x33: {  	p0 =	seq.s32 s10, $0x1;
	s10 =	sld [smem:$0x3FB6];
	_ =	sdelay $0x3  }
0x34: {  	[smem:$0x3FB6] =	sst s10  }
0x35: {  	s10 =	sld [smem:$0x3FB5];
	_ =	sdelay $0x3  }
0x36: {  	p1 =	seq.s32 s10, $0x1;
	s10 =	sld [smem:$0x3FB6];
	_ =	sdelay $0x3  }
0x37: {  	[smem:$0x3FB6] =	sst s10  }
0x38: {  	s10 =	sld [smem:$0x3FB7]  }
0x39: {  	_ = 	snop;
	(pc) =	sbr.ind lr, $3  }
0x3a: {  	_ = 	snop  }
0x3b: {  	_ = 	snop  }
0x3c: {  	p2 =	seq.s32 s10, $0x1;
	s10 =	sld [smem:$0x3FB6]  }
0x3d: {  	_ =	shalt  }
0x3e: {  	_ =	shalt  }
0x3f: {  	_ =	shalt  }
0x40: {  	_ =	shalt  }
0x41: {  	_ =	shalt  }
0x42: {  	_ =	shalt  }
0x43: {  	_ =	shalt  }
0x44: {  	_ =	shalt  }
0x45: {  	_ =	shalt  }
0x46: {  	_ =	shalt  }
0x47: {  	_ =	shalt  }
0x48: {  	_ =	shalt  }
0x49: {  	_ =	shalt  }
0x4a: {  	_ =	shalt  }
0x4b: {  	_ =	shalt  }
0x4c: {  	_ =	shalt  }
0x4d: {  	_ =	shalt  }
0x4e: {  	_ =	shalt  }
0x4f: {  	_ =	shalt  }
0x50: {  	_ =	shalt  }
0x51: {  	_ =	shalt  }
0x52: {  	_ =	shalt  }
0x53: {  	_ =	shalt  }
0x54: {  	_ =	shalt  }
0x55: {  	_ =	shalt  }
0x56: {  	_ =	shalt  }
0x57: {  	_ =	shalt  }
0x58: {  	_ =	shalt  }
0x59: {  	_ =	shalt  }
0x5a: {  	_ =	shalt  }
0x5b: {  	_ =	shalt  }
0x5c: {  	_ =	shalt  }
0x5d: {  	_ =	shalt  }
0x5e: {  	_ =	shalt  }
0x5f: {  	_ =	shalt  }
0x60: {  	_ =	shalt  }
0x61: {  	_ =	shalt  }
0x62: {  	_ =	shalt  }
0x63: {  	_ =	shalt  }
0x64: {  	_ =	shalt  }
0x65: {  	_ =	shalt  }
0x66: {  	_ =	shalt  }
0x67: {  	_ =	shalt  }
0x68: {  	_ =	shalt  }
0x69: {  	_ =	shalt  }
0x6a: {  	_ =	shalt  }
0x6b: {  	_ =	shalt  }
0x6c: {  	_ =	shalt  }
0x6d: {  	_ =	shalt  }
0x6e: {  	_ =	shalt  }
0x6f: {  	_ =	shalt  }
0x70: {  	_ =	shalt  }
0x71: {  	_ =	shalt  }
0x72: {  	_ =	shalt  }
0x73: {  	_ =	shalt  }
0x74: {  	_ =	shalt  }
0x75: {  	_ =	shalt  }
0x76: {  	_ =	shalt  }
0x77: {  	_ =	shalt  }
0x78: {  	_ =	shalt  }
0x79: {  	_ =	shalt  }
0x7a: {  	_ =	shalt  }
0x7b: {  	_ =	shalt  }
0x7c: {  	_ =	shalt  }
0x7d: {  	_ =	shalt  }
0x7e: {  	_ =	shalt  }
0x7f: {  	_ =	shalt  }
0x80: {  	_ =	shalt  }
0x81: {  	_ =	shalt  }
0x82: {  	_ =	shalt  }
0x83: {  	_ =	shalt  }
0x84: {  	_ =	shalt  }
0x85: {  	_ =	shalt  }
0x86: {  	_ =	shalt  }
0x87: {  	_ =	shalt  }
.Lfunc_end0:
.L_simem_size_0:
called_computation_lowered:
.L_overlay_start_0:
0x88: {  	s2 =	sld [smem:$0x3FD9]  }
0x89: {  	s3 =	sld [smem:$0x3FFE];
	_ =	sdelay $0x1  }
0x8a: {  	s1 =	srdreg.scid  }
0x8b: {  	s0 =	sand.u32 $0x1, s1  }
0x8c: {  	s17 =	sshll.u32 s0, $0xA;
	s2 =	sadd.s32 s3, s2  }
0x8d: {  	s2 =	sadd.s32 s2, s17  }
0x8e: {  	[smem:$0x3FC2] =	sst s2  }
0x8f: {  	_ = 	snop  }
0x90: {  	s2 =	sld [smem:$0x3FC9]  }
0x91: {  	s18 =	sld [smem:$0x3FC6]  }
0x92: {  	s4 =	sld [smem:$0x3FC5];
	(tm) =	ssettm $0x1  }
0x93: {  	s5 =	sld [smem:$0x3FFB];
	_ =	sdelay $0x3  }
0x94: {  	_ =	strace s5  }
0x95: {  	s5 =	sld [smem:$0x3FFC];
	_ =	sdelay $0x3  }
0x96: {  	_ =	strace s5  }
0x97: {  	s5 =	sld [smem:$0x3FFD];
	_ =	sdelay $0x3  }
0x98: {  	_ =	strace s5  }
0x99: {  	_ =	strace $0x8FFFFFFF  }
0x9a: {  	s19 =	sld [smem:$0x3FDB];
	_ =	sdelay $0x1  }
0x9b: {  	s6 =	simm.s32 $_scs_section_size  }
0x9c: {  	s7 =	simm.s32 $_size__tile_overlayer_lowered;
	s8 =	simm.s32 $_tile_overlayer_lowered  }
0x9d: {  	s22 =	simm.s32 $0x1BFF;
	s21 =	sshll.u32 s8, $0x1;
	s5 =	sadd.s32 s6, s19  }
0x9e: {  	s9 =	simm.s32 $0x0;
	s20 =	sshll.u32 s7, $0x1;
	s7 =	sadd.s32 s21, s5  }
0x9f: {  	[timem:s9], [sflag:s22] =	dma.local [hbm:s7], s20  }
0xa0: {  	_ =	swait.ge [sflag:s22], s20  }
0xa1: {  	s6 =	ssub.s32 $0x0, s20;
	[sflag:s22] =	ssyncset.done $0x0  }
0xa2: {  	[sflag:s22] =	ssyncadd.s32 s6;
	_ =	sdelay $0x1  }
0xa3: {  	s23 =	simm.s32 $0x1B8B  }
0xa4: {  	_ =	swait.ge [sflag:s23], $0x1  }
0xa5: {  	[sflag:s23] =	ssyncset.done $0x0  }
0xa6: {  	s25 =	simm.s32 $0x1B8E;
	s24 =	sld [smem:$0x3FFE];
	[sflag:s23] =	ssyncadd.s32 $0xFFFFFFFF  }
0xa7: {  	s26 =	simm.s32 $execute0_lowered;
	[smem:$0x3FD2] =	sst s25  }
0xa8: {  	s7 =	sshll.u32 s26, $0x1;
	_ =	strace $0x80000046;
	[dreg:$0x1] =	wrdreg $0xFFFFFFFF  }
0xa9: {  	s28 =	simm.s32 $_size_execute0_lowered;
	s5 =	sadd.s32 s5, s7;
	[dreg:$0x0] =	wrdreg $0x0  }
0xaa: {  	s7 =	sshll.u32 s28, $0x1;
	[dreg:$0x2] =	wrdreg s5  }
0xab: {  	[dreg:$0x3] =	wrdreg s7  }
0xac: {  	[dreg:$0x4] =	wrdreg $0xC0  }
0xad: {  	_ =	task [dreg:s9], $0x5FFFF  }
0xae: {  	[dreg:$0x1] =	wrdreg $0xFFFFFFFF  }
0xaf: {  	[dreg:$0x0] =	wrdreg $0x60  }
0xb0: {  	[dreg:$0x2] =	wrdreg s2  }
0xb1: {  	[dreg:$0x3] =	wrdreg s24  }
0xb2: {  	[dreg:$0x4] =	wrdreg s18  }
0xb3: {  	[dreg:$0x5] =	wrdreg s4  }
0xb4: {  	[dreg:$0x6] =	wrdreg $0x9  }
0xb5: {  	_ =	task.clear_ibuf [dreg:s9], $0x7FFFF;
	_ =	strace $0x90000046  }
0xb6: {  	s29 =	simm.s32 $0x9;
	_ =	strace $0x80000048  }
0xb7: {  	_ =	swait.ge [sflag:s29], $0x1  }
0xb8: {  	[sflag:s29] =	ssyncadd.s32 $0xFFFFFFFF  }
0xb9: {  	_ =	strace $0x90000048  }
0xba: {  	_ =	sfence  }
0xbb: {  	s30 =	sld [smem:$0x0];
	_ =	sdelay $0x2  }
0xbc: {  	s31 =	sshll.u32 s1, $0xD;
	s1 =	sshrl.u32 s1, $0x2  }
0xbd: {  	s3 =	sand.u32 $0x4000, s31;
	s1 =	sadd.s32 s1, s30  }
0xbe: {  	s0 =	sor.u32 s3, s0;
	s1 =	sshll.u32 s1, $0x11  }
0xbf: {  	s0 =	sor.u32 s1, s0  }
0xc0: {  	s0 =	sadd.s32 $0x8F2B, s0  }
0xc1: {  	[sflag:s0] =	ssyncadd.remote.s32 $0x1  }
0xc2: {  	_ =	sfence.sel $0xFFFF  }
0xc3: {  	[dreg:$0x0] =	wrdreg $0xFFFFFFFF;
	(pc) =	sbr.abs _section_cstart, $3  }
0xc4: {  	[dreg:$0x1] =	wrdreg $0xFFFFFFFF  }
0xc5: {  	_ =	task.clear_ibuf [dreg:s9], $0x2FFFF;
	_ =	strace $0x9FFFFFFF  }
0xc6: {  	(tm) =	ssettm $0x7FFFFFFF  }
0xc7: {  	_ =	shalt  }
tec
execute0_lowered:
.L_overlay_start_1:
0x0: {  	(tag) =	ssettag $0x1  }
0x1: {  	s1 =	rddreg [dreg:$0x0]  }
0x2: {  	s2 =	rddreg [dreg:$0x1]  }
0x3: {  	s3 =	rddreg [dreg:$0x2]  }
0x4: {  	s4 =	rddreg [dreg:$0x3]  }
0x5: {  	s0 =	srdreg.scid;
	s15 =	stileid.u32;
	s5 =	simm.s32 $0x0  }
0x6: {  	s14 =	simm.s32 $0x5;
	s17 =	simm.s32 $0x300;
	s18 =	simm.s32 $0x1  }
0x7: {  	s19 =	simm.s32 $0x12000;
	s20 =	simm.s32 $0x2;
	s21 =	simm.s32 $0x13400  }
0x8: {  	s22 =	simm.s32 $0x3;
	s23 =	simm.s32 $0x0;
	s0 =	sand.u32 $0x1, s0  }
0x9: {  	s6 =	sshll.u32 s15, $0x1;
	[smem:$0x7FF] =	sst s5;
	s7 =	sadd.s32 $0x5000, s2  }
.Ltmp0:
0xa: {  	s8 =	sadd.s32 $0x18A00, s2;
	s6 =	sor.u32 s0, s6;
	(pc) =	sbr.rel .LBB2_1-.Ltmp0, $4  }
0xb: {  	p0 =	sne.s32 s15, $0x0;
	s0 =	ssub.s32 $0x2, s0;
	s9 =	smul.u32 $0x1E, s6  }
0xc: {  	_ =	strace $0x80000047;
	s10 =	sshrl.u32 s0, $0x1;
	s11 =	smul.u32 $0x50, s6  }
0xd: {  	s12 =	sor.u32 $0x40, s6;
	s0 =	ssub.s32 s0, s10;
	s9 =	sadd.s32 s3, s9  }
0xe: {  	s10 =	sadd.s32 s7, s11;
	s11 =	sor.u32 $0x20, s6;
	s13 =	smax.u32 s0, $0x1  }
.LBB2_20:
0xf: {  	s23 =	sadd.s32 $0x1, s23  }
0x10: {  	_ =	swait.ge [sflag:s22], $0x1400;
	p1 =	sne.s32 s23, s13  }
.Ltmp1:
0x11: {  	[sflag:s22] =	ssyncset.done $0x0;
	(pc) =	sbr.rel @!p1 .LBB2_21-.Ltmp1, $4  }
0x12: {  	s0 =	simm.s32 @!p0 $0x4;
	[sflag:s22] =	ssyncadd.s32 $0xFFFFEC00  }
0x13: {  	_ =	swait.ge @!p0 [sflag:s0], $0x1400  }
0x14: {  	[sflag:s0] =	ssyncset.done @!p0 $0x0  }
0x15: {  	[sflag:s0] =	ssyncadd.s32 @!p0 $0xFFFFEC00  }
.LBB2_1:
0x16: {  	[tilespmem:s5], [sflag:$0x5] =	stream.linear.gather [hbm4b:s9+s5], $0xF0, $0x38;
	[tilespmem:$0x14800] =	vst v63  }
0x17: {  	_ =	swait.ge [sflag:s14], $0xF0  }
0x18: {  	[sflag:s14] =	ssyncset.done $0x0  }
0x19: {  	s0 =	simm.s32 $0x11B00;
	[sflag:s14] =	ssyncadd.s32 $0xFFFFFF10  }
0x1a: {  	[tilespmem:s0], [sflag:$0x5] =	stream.linear.gather [hbm4b:s10+s5], $0x280, $0x38;
	[tilespmem:$0x14800] =	vst v63  }
.Ltmp2:
0x1b: {  	_ = 	snop;
	(pc) =	sbr.rel .LBB2_2-.Ltmp2, $4  }
0x1c: {  	_ =	swait.ge [sflag:s14], $0x280  }
0x1d: {  	[sflag:s14] =	ssyncset.done $0x0  }
0x1e: {  	s31 =	simm.s32 $0xF0;
	s24 =	simm.s32 $0x0;
	[sflag:s14] =	ssyncadd.s32 $0xFFFFFD80  }
0x1f: {  	[tilespmem:s17], [sflag:$0x1] =	stream.indirect.gather [hbm4b:s1+s31], $0x80, s5, s31, $0xb8;
	[tilespmem:$0x14800] =	vst v63  }
.LBB2_18:
0x20: {  	[tilespmem:s28+$0x20] =	vst v7  }
0x21: {  	v7 =	vld [tilespmem:s29+$0xFFFFFEB0]  }
0x22: {  	v8 =	vld [tilespmem:s29+$0xFFFFFF30];
	_ =	sdelay $0x1  }
0x23: {  	v9 =	vld [tilespmem:s29+$0xFFFFFFB0];
	_ =	sdelay $0x1  }
0x24: {  	v10 =	vld [tilespmem:s29+$0x30]  }
0x25: {  	v5 =	vmul.f32 v7, v5;
	v2 =	vmul.f32 v8, v2  }
0x26: {  	v60 =	vld [tilespmem:s29+$0xB0]  }
0x27: {  	v0 =	vmul.f32 v9, v0;
	v2 =	vadd.f32 v2, v5  }
0x28: {  	v61 =	vld [tilespmem:s29+$0x130]  }
0x29: {  	v6 =	vmul.f32 v10, v6;
	v0 =	vadd.f32 v0, v2  }
0x2a: {  	v62 =	vld [tilespmem:s29+$0x1B0]  }
0x2b: {  	v1 =	vmul.f32 v60, v1;
	v0 =	vadd.f32 v6, v0;
	_ =	sdelay $0x1  }
0x2c: {  	v3 =	vmul.f32 v61, v3;
	v0 =	vadd.f32 v1, v0;
	_ =	sdelay $0x1  }
0x2d: {  	v63 =	vmul.f32 v62, v4;
	v0 =	vadd.f32 v3, v0;
	_ =	sdelay $0x1  }
0x2e: {  	s0 =	smul.u32 $0x280, s25;
	v0 =	vadd.f32 v63, v0;
	_ =	sdelay $0x1  }
0x2f: {  	s0 =	sadd.s32 s8, s0;
	[tilespmem:s28+$0x30] =	vst v0  }
0x30: {  	[hbm4b:s0+s5] =	stream.linear.scatter [tilespmem:s21], [sflag:$0x4], $0x1400, $0x38;
	[tilespmem:$0x14800] =	vst v63  }
.LBB2_19:
0x31: {  	s24 =	sadd.s32 $0x1, s24  }
0x32: {  	p1 =	sne.s32 s24, $0x14  }
.Ltmp3:
0x33: {  	_ = 	snop;
	(pc) =	sbr.rel @!p1 .LBB2_20-.Ltmp3, $1  }
0x34: {  	_ =	sdelay $0x3  }
.LBB2_2:
0x35: {  	s26 =	sshll.u32 s24, $0x6  }
0x36: {  	s25 =	sor.u32 s11, s26  }
0x37: {  	p1 =	sgt.u32 s25, $0x3E7  }
0x38: {  	p4 =	seq.s32 s24, $0x0;
	s0 =	sadd.s32 @p1 $0xFFFFFC18, s25  }
0x39: {  	s15 =	simm.s32 @!p4 $0x4;
	p2 =	sgt.u32 @p1 s0, $0xF9  }
0x3a: {  	_ =	swait.ge @!p4 [sflag:s15], $0x1400;
	p3 =	por p2, !p1  }
0x3b: {  	[sflag:s15] =	ssyncset.done @!p4 $0x0;
	s28 =	smul.u32 @!p3 $0x23, s0  }
0x3c: {  	[sflag:s15] =	ssyncadd.s32 @!p4 $0xFFFFEC00  }
0x3d: {  	s29 =	simm.s32 @!p3 $0x180;
	s15 =	sadd.s32 @!p3 s4, s28;
	s28 =	simm.s32 @!p3 $0x0  }
0x3e: {  	[tilespmem:s29], [sflag:$0x5] =	stream.linear.gather @!p3 [hbm4b:s15+s28], $0x118, $0x38;
	[tilespmem:$0x14800] =	vst v63  }
0x3f: {  	s15 =	simm.s32 @!p3 $0x5  }
0x40: {  	s0 =	smul.u32 @!p3 $0x50, s0;
	_ =	swait.ge @!p3 [sflag:s15], $0x118  }
0x41: {  	[sflag:s15] =	ssyncset.done @!p3 $0x0  }
0x42: {  	s30 =	simm.s32 @!p3 $0x11D80;
	s0 =	sadd.s32 @!p3 s2, s0;
	[sflag:s15] =	ssyncadd.s32 @!p3 $0xFFFFFEE8  }
0x43: {  	[tilespmem:s30], [sflag:$0x5] =	stream.linear.gather @!p3 [hbm4b:s0+s28], $0x280, $0x38;
	[tilespmem:$0x14800] =	vst v63  }
0x44: {  	_ =	swait.ge @!p3 [sflag:s15], $0x280  }
0x45: {  	s0 =	simm.s32 @!p3 $0x118;
	[sflag:s15] =	ssyncset.done @!p3 $0x0  }
0x46: {  	s28 =	smul.u32 @!p1 $0x1E, s25;
	[sflag:s15] =	ssyncadd.s32 @!p3 $0xFFFFFD80;
	s15 =	simm.s32 @!p3 $0x8F00  }
0x47: {  	[tilespmem:s15], [sflag:$0x2] =	stream.indirect.gather @!p3 [hbm4b:s1+s0], $0x80, s29, s0, $0xb8;
	[tilespmem:$0x14800] =	vst v63  }
0x48: {  	s0 =	sadd.s32 @!p1 s3, s28;
	s15 =	simm.s32 @!p1 $0x0;
	s28 =	simm.s32 @!p1 $0x180  }
0x49: {  	[tilespmem:s28], [sflag:$0x5] =	stream.linear.gather @!p1 [hbm4b:s0+s15], $0xF0, $0x38;
	[tilespmem:$0x14800] =	vst v63  }
0x4a: {  	s0 =	simm.s32 @!p1 $0x5  }
0x4b: {  	s29 =	smul.u32 @!p1 $0x50, s25;
	_ =	swait.ge @!p1 [sflag:s0], $0xF0  }
0x4c: {  	[sflag:s0] =	ssyncset.done @!p1 $0x0  }
0x4d: {  	s30 =	simm.s32 @!p1 $0x11D80;
	s29 =	sadd.s32 @!p1 s7, s29;
	[sflag:s0] =	ssyncadd.s32 @!p1 $0xFFFFFF10  }
0x4e: {  	[tilespmem:s30], [sflag:$0x5] =	stream.linear.gather @!p1 [hbm4b:s29+s15], $0x280, $0x38;
	[tilespmem:$0x14800] =	vst v63  }
0x4f: {  	_ =	swait.ge @!p1 [sflag:s0], $0x280  }
0x50: {  	[sflag:s0] =	ssyncset.done @!p1 $0x0  }
0x51: {  	s15 =	simm.s32 @!p1 $0x8F00;
	[sflag:s0] =	ssyncadd.s32 @!p1 $0xFFFFFD80;
	s0 =	simm.s32 @!p1 $0xF0  }
0x52: {  	[tilespmem:s15], [sflag:$0x2] =	stream.indirect.gather @!p1 [hbm4b:s1+s0], $0x80, s28, s0, $0xb8;
	[tilespmem:$0x14800] =	vst v63  }
0x53: {  	s28 =	sor.u32 s6, s26  }
0x54: {  	p4 =	sgt.u32 s28, $0x3E7  }
.Ltmp4:
0x55: {  	_ = 	snop;
	(pc) =	sbr.rel @p4 .LBB2_6-.Ltmp4, $1  }
0x56: {  	_ =	sdelay $0x3  }
0x57: {  	_ =	swait.ge [sflag:s18], $0x7800  }
0x58: {  	[sflag:s18] =	ssyncset.done $0x0  }
0x59: {  	s0 =	simm.s32 $0x0;
	[sflag:s18] =	ssyncadd.s32 $0xFFFF8800  }
0x5a: {  	s29 =	simm.s32 $0x480;
	v3 =	vld [tilespmem:s0+$0x11B00]  }
0x5b: {  	v0 =	vld [tilespmem:s29+$0xFFFFFE80]  }
0x5c: {  	v5 =	vld [tilespmem:s29+$0xFFFFFF00];
	_ =	sdelay $0x1  }
0x5d: {  	v6 =	vld [tilespmem:s29+$0xFFFFFF80]  }
0x5e: {  	v4 =	vbroadcast v3, $0x0;
	v2 =	vbroadcast v3, $0x1  }
0x5f: {  	v7 =	vld [tilespmem:s29+$0x0];
	v1 =	vbroadcast v3, $0x2  }
0x60: {  	v0 =	vmul.f32 v0, v4;
	v5 =	vmul.f32 v5, v2  }
0x61: {  	v8 =	vld [tilespmem:s29+$0x80]  }
0x62: {  	v6 =	vmul.f32 v6, v1;
	v9 =	vadd.f32 v5, v0;
	v5 =	vbroadcast v3, $0x3  }
0x63: {  	v10 =	vld [tilespmem:s29+$0x100]  }
0x64: {  	v0 =	vbroadcast v3, $0x4;
	v6 =	vadd.f32 v6, v9;
	v7 =	vmul.f32 v7, v5;
	_ =	sdelay $0x1  }
0x65: {  	v3 =	vbroadcast v3, $0x5;
	v6 =	vadd.f32 v7, v6;
	v7 =	vmul.f32 v8, v0;
	_ =	sdelay $0x1  }
0x66: {  	v6 =	vadd.f32 v7, v6;
	v7 =	vmul.f32 v10, v3;
	_ =	sdelay $0x1  }
0x67: {  	v6 =	vadd.f32 v7, v6  }
0x68: {  	s30 =	simm.s32 $0x12040  }
0x69: {  	[tilespmem:s30+$0xFFFFFFC0] =	vst v6  }
0x6a: {  	v6 =	vld [tilespmem:s29+$0xFFFFFE90]  }
0x6b: {  	v7 =	vld [tilespmem:s29+$0xFFFFFF10];
	_ =	sdelay $0x1  }
0x6c: {  	v8 =	vld [tilespmem:s29+$0xFFFFFF90];
	_ =	sdelay $0x1  }
0x6d: {  	v9 =	vld [tilespmem:s29+$0x10]  }
0x6e: {  	v6 =	vmul.f32 v6, v4;
	v7 =	vmul.f32 v7, v2  }
0x6f: {  	v10 =	vld [tilespmem:s29+$0x90]  }
0x70: {  	v6 =	vadd.f32 v7, v6;
	v7 =	vmul.f32 v8, v1  }
0x71: {  	v8 =	vld [tilespmem:s29+$0x110]  }
0x72: {  	v6 =	vadd.f32 v7, v6;
	v7 =	vmul.f32 v9, v5;
	_ =	sdelay $0x1  }
0x73: {  	v6 =	vadd.f32 v7, v6;
	v7 =	vmul.f32 v10, v0;
	_ =	sdelay $0x1  }
0x74: {  	v6 =	vadd.f32 v7, v6;
	v7 =	vmul.f32 v8, v3;
	_ =	sdelay $0x1  }
0x75: {  	v6 =	vadd.f32 v7, v6;
	_ =	sdelay $0x1  }
0x76: {  	[tilespmem:s30+$0xFFFFFFD0] =	vst v6  }
0x77: {  	v6 =	vld [tilespmem:s29+$0xFFFFFEA0]  }
0x78: {  	v7 =	vld [tilespmem:s29+$0xFFFFFF20];
	_ =	sdelay $0x1  }
0x79: {  	v8 =	vld [tilespmem:s29+$0xFFFFFFA0];
	_ =	sdelay $0x1  }
0x7a: {  	v9 =	vld [tilespmem:s29+$0x20]  }
0x7b: {  	v6 =	vmul.f32 v6, v4;
	v7 =	vmul.f32 v7, v2  }
0x7c: {  	v10 =	vld [tilespmem:s29+$0xA0]  }
0x7d: {  	v6 =	vadd.f32 v7, v6;
	v7 =	vmul.f32 v8, v1  }
0x7e: {  	v8 =	vld [tilespmem:s29+$0x120]  }
0x7f: {  	v6 =	vadd.f32 v7, v6;
	v7 =	vmul.f32 v9, v5;
	_ =	sdelay $0x1  }
0x80: {  	v6 =	vadd.f32 v7, v6;
	v7 =	vmul.f32 v10, v0;
	_ =	sdelay $0x1  }
0x81: {  	v6 =	vadd.f32 v7, v6;
	v7 =	vmul.f32 v8, v3;
	_ =	sdelay $0x1  }
0x82: {  	v6 =	vadd.f32 v7, v6;
	_ =	sdelay $0x1  }
0x83: {  	[tilespmem:s30+$0xFFFFFFE0] =	vst v6  }
0x84: {  	v6 =	vld [tilespmem:s29+$0xFFFFFEB0]  }
0x85: {  	v7 =	vld [tilespmem:s29+$0xFFFFFF30];
	_ =	sdelay $0x1  }
0x86: {  	v8 =	vld [tilespmem:s29+$0xFFFFFFB0];
	_ =	sdelay $0x1  }
0x87: {  	v9 =	vld [tilespmem:s29+$0x30]  }
0x88: {  	v6 =	vmul.f32 v6, v4;
	v7 =	vmul.f32 v7, v2  }
0x89: {  	v10 =	vld [tilespmem:s29+$0xB0]  }
0x8a: {  	v6 =	vadd.f32 v7, v6;
	v7 =	vmul.f32 v8, v1  }
0x8b: {  	v8 =	vld [tilespmem:s29+$0x130]  }
0x8c: {  	v6 =	vadd.f32 v7, v6;
	v7 =	vmul.f32 v9, v5;
	_ =	sdelay $0x1  }
0x8d: {  	v6 =	vadd.f32 v7, v6;
	v7 =	vmul.f32 v10, v0;
	_ =	sdelay $0x1  }
0x8e: {  	v6 =	vadd.f32 v7, v6;
	v7 =	vmul.f32 v8, v3;
	_ =	sdelay $0x1  }
0x8f: {  	v6 =	vadd.f32 v7, v6;
	_ =	sdelay $0x1  }
0x90: {  	[tilespmem:s30+$0xFFFFFFF0] =	vst v6  }
0x91: {  	v6 =	vld [tilespmem:s29+$0xFFFFFEC0]  }
0x92: {  	v7 =	vld [tilespmem:s29+$0xFFFFFF40];
	_ =	sdelay $0x1  }
0x93: {  	v8 =	vld [tilespmem:s29+$0xFFFFFFC0];
	_ =	sdelay $0x1  }
0x94: {  	v9 =	vld [tilespmem:s29+$0x40]  }
0x95: {  	v6 =	vmul.f32 v6, v4;
	v7 =	vmul.f32 v7, v2  }
0x96: {  	v10 =	vld [tilespmem:s29+$0xC0]  }
0x97: {  	v6 =	vadd.f32 v7, v6;
	v7 =	vmul.f32 v8, v1  }
0x98: {  	v8 =	vld [tilespmem:s29+$0x140]  }
0x99: {  	v6 =	vadd.f32 v7, v6;
	v7 =	vmul.f32 v9, v5;
	_ =	sdelay $0x1  }
0x9a: {  	v6 =	vadd.f32 v7, v6;
	v7 =	vmul.f32 v10, v0;
	_ =	sdelay $0x1  }
0x9b: {  	v6 =	vadd.f32 v7, v6;
	v7 =	vmul.f32 v8, v3;
	_ =	sdelay $0x1  }
0x9c: {  	v6 =	vadd.f32 v7, v6;
	_ =	sdelay $0x1  }
0x9d: {  	[tilespmem:s30+$0x0] =	vst v6  }
0x9e: {  	v6 =	vld [tilespmem:s29+$0xFFFFFF50]  }
0x9f: {  	v7 =	vld [tilespmem:s29+$0xFFFFFED0];
	_ =	sdelay $0x1  }
0xa0: {  	v8 =	vld [tilespmem:s29+$0xFFFFFFD0];
	_ =	sdelay $0x1  }
0xa1: {  	v9 =	vld [tilespmem:s29+$0x50]  }
0xa2: {  	v6 =	vmul.f32 v6, v2;
	v7 =	vmul.f32 v7, v4  }
0xa3: {  	v10 =	vld [tilespmem:s29+$0xD0]  }
0xa4: {  	v8 =	vmul.f32 v8, v1;
	v6 =	vadd.f32 v6, v7  }
0xa5: {  	v7 =	vld [tilespmem:s29+$0x150]  }
0xa6: {  	v9 =	vmul.f32 v9, v5;
	v6 =	vadd.f32 v8, v6;
	_ =	sdelay $0x1  }
0xa7: {  	v8 =	vmul.f32 v10, v0;
	v6 =	vadd.f32 v9, v6;
	_ =	sdelay $0x1  }
0xa8: {  	v7 =	vmul.f32 v7, v3;
	v6 =	vadd.f32 v8, v6;
	_ =	sdelay $0x1  }
0xa9: {  	v6 =	vadd.f32 v7, v6;
	_ =	sdelay $0x1  }
0xaa: {  	[tilespmem:s30+$0x10] =	vst v6  }
0xab: {  	v6 =	vld [tilespmem:s29+$0xFFFFFEE0]  }
0xac: {  	v7 =	vld [tilespmem:s29+$0xFFFFFF60];
	_ =	sdelay $0x1  }
0xad: {  	v8 =	vld [tilespmem:s29+$0xFFFFFFE0];
	_ =	sdelay $0x1  }
0xae: {  	v9 =	vld [tilespmem:s29+$0x60]  }
0xaf: {  	v6 =	vmul.f32 v6, v4;
	v7 =	vmul.f32 v7, v2  }
0xb0: {  	v10 =	vld [tilespmem:s29+$0xE0]  }
0xb1: {  	v8 =	vmul.f32 v8, v1;
	v6 =	vadd.f32 v7, v6  }
0xb2: {  	v7 =	vld [tilespmem:s29+$0x160]  }
0xb3: {  	v9 =	vmul.f32 v9, v5;
	v6 =	vadd.f32 v8, v6;
	_ =	sdelay $0x1  }
0xb4: {  	v8 =	vmul.f32 v10, v0;
	v6 =	vadd.f32 v9, v6;
	_ =	sdelay $0x1  }
0xb5: {  	v7 =	vmul.f32 v7, v3;
	v6 =	vadd.f32 v8, v6;
	_ =	sdelay $0x1  }
0xb6: {  	v6 =	vadd.f32 v7, v6;
	_ =	sdelay $0x1  }
0xb7: {  	[tilespmem:s30+$0x20] =	vst v6  }
0xb8: {  	v10 =	vld [tilespmem:s29+$0xFFFFFEF0]  }
0xb9: {  	v9 =	vld [tilespmem:s29+$0xFFFFFF70]  }
0xba: {  	v8 =	vld [tilespmem:s29+$0xFFFFFFF0]  }
0xbb: {  	v6 =	vld [tilespmem:s29+$0x70]  }
0xbc: {  	s15 =	simm.s32 $0x40;
	s0 =	simm.s32 $0x12040;
	v7 =	vld [tilespmem:s29+$0xF0]  }
.LBB2_4:
0xbd: {  	p4 =	seq.s32 s15, $0x9C0;
	v4 =	vmul.f32 v10, v4;
	v10 =	vld [tilespmem:s29+$0x170];
	s30 =	sadd.s32 $0x80, s30;
	s29 =	sadd.s32 $0x300, s29  }
0xbe: {  	s31 =	smov.u32 s15;
	s15 =	sadd.s32 $0x40, s15;
	v2 =	vmul.f32 v9, v2  }
0xbf: {  	v1 =	vmul.f32 v8, v1  }
0xc0: {  	v2 =	vadd.f32 v2, v4;
	v4 =	vmul.f32 v6, v5  }
0xc1: {  	v0 =	vmul.f32 v7, v0  }
0xc2: {  	v1 =	vadd.f32 v1, v2;
	v2 =	vmul.f32 v10, v3;
	_ =	sdelay $0x1  }
0xc3: {  	s31 =	sshra.s32 s31, $0x2;
	v1 =	vadd.f32 v4, v1;
	_ =	sdelay $0x1  }
0xc4: {  	v0 =	vadd.f32 v0, v1;
	_ =	sdelay $0x1  }
0xc5: {  	v0 =	vadd.f32 v2, v0;
	_ =	sdelay $0x1  }
0xc6: {  	[tilespmem:s0+$0x30] =	vst v0;
	s0 =	smov.u32 s30  }
0xc7: {  	v5 =	vld [tilespmem:s31+$0x11B00]  }
0xc8: {  	v3 =	vld [tilespmem:s29+$0xFFFFFE80]  }
0xc9: {  	v6 =	vld [tilespmem:s29+$0xFFFFFF00]  }
0xca: {  	v7 =	vld [tilespmem:s29+$0x0]  }
0xcb: {  	v8 =	vld [tilespmem:s29+$0xFFFFFF80]  }
0xcc: {  	v4 =	vbroadcast v5, $0x0;
	v2 =	vbroadcast v5, $0x1  }
0xcd: {  	v1 =	vbroadcast v5, $0x2;
	v0 =	vbroadcast v5, $0x4  }
0xce: {  	v9 =	vmul.f32 v3, v4;
	v6 =	vmul.f32 v6, v2  }
0xcf: {  	v3 =	vbroadcast v5, $0x5;
	v10 =	vld [tilespmem:s29+$0x80]  }
0xd0: {  	v5 =	vbroadcast v5, $0x3;
	v6 =	vadd.f32 v6, v9;
	v8 =	vmul.f32 v8, v1  }
0xd1: {  	v9 =	vld [tilespmem:s29+$0x100]  }
0xd2: {  	v7 =	vmul.f32 v7, v5;
	v6 =	vadd.f32 v8, v6;
	_ =	sdelay $0x1  }
0xd3: {  	v6 =	vadd.f32 v7, v6;
	v7 =	vmul.f32 v10, v0;
	_ =	sdelay $0x1  }
0xd4: {  	v6 =	vadd.f32 v7, v6;
	v7 =	vmul.f32 v9, v3;
	_ =	sdelay $0x1  }
0xd5: {  	v6 =	vadd.f32 v7, v6;
	_ =	sdelay $0x1  }
0xd6: {  	[tilespmem:s30+$0xFFFFFFC0] =	vst v6  }
0xd7: {  	v6 =	vld [tilespmem:s29+$0xFFFFFE90]  }
0xd8: {  	v7 =	vld [tilespmem:s29+$0xFFFFFF10];
	_ =	sdelay $0x1  }
0xd9: {  	v8 =	vld [tilespmem:s29+$0xFFFFFF90];
	_ =	sdelay $0x1  }
0xda: {  	v6 =	vmul.f32 v6, v4;
	v9 =	vld [tilespmem:s29+$0x10]  }
0xdb: {  	v7 =	vmul.f32 v7, v2  }
0xdc: {  	v10 =	vld [tilespmem:s29+$0x90]  }
0xdd: {  	v6 =	vadd.f32 v7, v6;
	v7 =	vmul.f32 v8, v1  }
0xde: {  	v8 =	vld [tilespmem:s29+$0x110]  }
0xdf: {  	v6 =	vadd.f32 v7, v6;
	v7 =	vmul.f32 v9, v5;
	_ =	sdelay $0x1  }
0xe0: {  	v6 =	vadd.f32 v7, v6;
	v7 =	vmul.f32 v10, v0;
	_ =	sdelay $0x1  }
0xe1: {  	v6 =	vadd.f32 v7, v6;
	v7 =	vmul.f32 v8, v3;
	_ =	sdelay $0x1  }
0xe2: {  	v6 =	vadd.f32 v7, v6;
	_ =	sdelay $0x1  }
0xe3: {  	[tilespmem:s30+$0xFFFFFFD0] =	vst v6  }
0xe4: {  	v6 =	vld [tilespmem:s29+$0xFFFFFEA0]  }
0xe5: {  	v7 =	vld [tilespmem:s29+$0xFFFFFF20];
	_ =	sdelay $0x1  }
0xe6: {  	v8 =	vld [tilespmem:s29+$0xFFFFFFA0];
	_ =	sdelay $0x1  }
0xe7: {  	v6 =	vmul.f32 v6, v4;
	v9 =	vld [tilespmem:s29+$0x20]  }
0xe8: {  	v7 =	vmul.f32 v7, v2  }
0xe9: {  	v10 =	vld [tilespmem:s29+$0xA0]  }
0xea: {  	v6 =	vadd.f32 v7, v6;
	v7 =	vmul.f32 v8, v1  }
0xeb: {  	v8 =	vld [tilespmem:s29+$0x120]  }
0xec: {  	v6 =	vadd.f32 v7, v6;
	v7 =	vmul.f32 v9, v5;
	_ =	sdelay $0x1  }
0xed: {  	v6 =	vadd.f32 v7, v6;
	v7 =	vmul.f32 v10, v0;
	_ =	sdelay $0x1  }
0xee: {  	v6 =	vadd.f32 v7, v6;
	v7 =	vmul.f32 v8, v3;
	_ =	sdelay $0x1  }
0xef: {  	v6 =	vadd.f32 v7, v6;
	_ =	sdelay $0x1  }
0xf0: {  	[tilespmem:s30+$0xFFFFFFE0] =	vst v6  }
0xf1: {  	v6 =	vld [tilespmem:s29+$0xFFFFFEB0]  }
0xf2: {  	v7 =	vld [tilespmem:s29+$0xFFFFFF30];
	_ =	sdelay $0x1  }
0xf3: {  	v8 =	vld [tilespmem:s29+$0xFFFFFFB0];
	_ =	sdelay $0x1  }
0xf4: {  	v6 =	vmul.f32 v6, v4;
	v9 =	vld [tilespmem:s29+$0x30]  }
0xf5: {  	v7 =	vmul.f32 v7, v2  }
0xf6: {  	v10 =	vld [tilespmem:s29+$0xB0]  }
0xf7: {  	v6 =	vadd.f32 v7, v6;
	v7 =	vmul.f32 v8, v1  }
0xf8: {  	v8 =	vld [tilespmem:s29+$0x130]  }
0xf9: {  	v6 =	vadd.f32 v7, v6;
	v7 =	vmul.f32 v9, v5;
	_ =	sdelay $0x1  }
0xfa: {  	v6 =	vadd.f32 v7, v6;
	v7 =	vmul.f32 v10, v0;
	_ =	sdelay $0x1  }
0xfb: {  	v6 =	vadd.f32 v7, v6;
	v7 =	vmul.f32 v8, v3;
	_ =	sdelay $0x1  }
0xfc: {  	v6 =	vadd.f32 v7, v6;
	_ =	sdelay $0x1  }
0xfd: {  	[tilespmem:s30+$0xFFFFFFF0] =	vst v6  }
0xfe: {  	v6 =	vld [tilespmem:s29+$0xFFFFFEC0]  }
0xff: {  	v7 =	vld [tilespmem:s29+$0xFFFFFF40];
	_ =	sdelay $0x1  }
0x100: {  	v8 =	vld [tilespmem:s29+$0xFFFFFFC0];
	_ =	sdelay $0x1  }
0x101: {  	v6 =	vmul.f32 v6, v4;
	v9 =	vld [tilespmem:s29+$0x40]  }
0x102: {  	v7 =	vmul.f32 v7, v2  }
0x103: {  	v10 =	vld [tilespmem:s29+$0xC0]  }
0x104: {  	v6 =	vadd.f32 v7, v6;
	v7 =	vmul.f32 v8, v1  }
0x105: {  	v8 =	vld [tilespmem:s29+$0x140]  }
0x106: {  	v6 =	vadd.f32 v7, v6;
	v7 =	vmul.f32 v9, v5;
	_ =	sdelay $0x1  }
0x107: {  	v6 =	vadd.f32 v7, v6;
	v7 =	vmul.f32 v10, v0;
	_ =	sdelay $0x1  }
0x108: {  	v6 =	vadd.f32 v7, v6;
	v7 =	vmul.f32 v8, v3;
	_ =	sdelay $0x1  }
0x109: {  	v6 =	vadd.f32 v7, v6;
	_ =	sdelay $0x1  }
0x10a: {  	[tilespmem:s30+$0x0] =	vst v6  }
0x10b: {  	v6 =	vld [tilespmem:s29+$0xFFFFFF50]  }
0x10c: {  	v7 =	vld [tilespmem:s29+$0xFFFFFED0]  }
0x10d: {  	v8 =	vld [tilespmem:s29+$0xFFFFFFD0]  }
0x10e: {  	v9 =	vld [tilespmem:s29+$0x50]  }
0x10f: {  	v10 =	vld [tilespmem:s29+$0xD0]  }
0x110: {  	v6 =	vmul.f32 v6, v2;
	v11 =	vld [tilespmem:s29+$0x150]  }
0x111: {  	v7 =	vmul.f32 v7, v4  }
0x112: {  	v8 =	vmul.f32 v8, v1  }
0x113: {  	v6 =	vadd.f32 v6, v7;
	v7 =	vmul.f32 v9, v5  }
0x114: {  	v9 =	vmul.f32 v10, v0  }
0x115: {  	v6 =	vadd.f32 v8, v6;
	v8 =	vmul.f32 v11, v3;
	_ =	sdelay $0x1  }
0x116: {  	v6 =	vadd.f32 v7, v6;
	_ =	sdelay $0x1  }
0x117: {  	v6 =	vadd.f32 v9, v6;
	_ =	sdelay $0x1  }
0x118: {  	v6 =	vadd.f32 v8, v6;
	_ =	sdelay $0x1  }
0x119: {  	[tilespmem:s30+$0x10] =	vst v6  }
0x11a: {  	v6 =	vld [tilespmem:s29+$0xFFFFFEE0]  }
0x11b: {  	v7 =	vld [tilespmem:s29+$0xFFFFFF60]  }
0x11c: {  	v8 =	vld [tilespmem:s29+$0xFFFFFFE0]  }
0x11d: {  	v9 =	vld [tilespmem:s29+$0x60]  }
0x11e: {  	v10 =	vld [tilespmem:s29+$0xE0]  }
0x11f: {  	v6 =	vmul.f32 v6, v4;
	v11 =	vld [tilespmem:s29+$0x160]  }
0x120: {  	v7 =	vmul.f32 v7, v2  }
0x121: {  	v8 =	vmul.f32 v8, v1  }
0x122: {  	v6 =	vadd.f32 v7, v6;
	v7 =	vmul.f32 v9, v5  }
0x123: {  	v9 =	vmul.f32 v10, v0  }
0x124: {  	v6 =	vadd.f32 v8, v6;
	v8 =	vmul.f32 v11, v3;
	_ =	sdelay $0x1  }
0x125: {  	v6 =	vadd.f32 v7, v6;
	_ =	sdelay $0x1  }
0x126: {  	v6 =	vadd.f32 v9, v6;
	_ =	sdelay $0x1  }
0x127: {  	v6 =	vadd.f32 v8, v6;
	_ =	sdelay $0x1  }
0x128: {  	[tilespmem:s30+$0x20] =	vst v6  }
.Ltmp5:
0x129: {  	v10 =	vld [tilespmem:s29+$0xFFFFFEF0];
	(pc) =	sbr.rel @!p4 .LBB2_4-.Ltmp5, $4  }
0x12a: {  	v9 =	vld [tilespmem:s29+$0xFFFFFF70]  }
0x12b: {  	v8 =	vld [tilespmem:s29+$0xFFFFFFF0]  }
0x12c: {  	v6 =	vld [tilespmem:s29+$0x70]  }
0x12d: {  	v7 =	vld [tilespmem:s29+$0xF0]  }
0x12e: {  	_ = 	snop  }
0x12f: {  	v4 =	vmul.f32 v10, v4;
	v2 =	vmul.f32 v9, v2;
	_ =	sdelay $0x1  }
0x130: {  	v1 =	vmul.f32 v8, v1;
	v2 =	vadd.f32 v2, v4  }
0x131: {  	v62 =	vld [tilespmem:s29+$0x170]  }
0x132: {  	v5 =	vmul.f32 v6, v5;
	v1 =	vadd.f32 v1, v2;
	_ =	sdelay $0x1  }
0x133: {  	v0 =	vmul.f32 v7, v0;
	v1 =	vadd.f32 v5, v1;
	_ =	sdelay $0x1  }
.Ltmp6:
0x134: {  	v63 =	vmul.f32 v62, v3;
	v0 =	vadd.f32 v0, v1;
	(pc) =	sbr.rel .LBB2_10-.Ltmp6, $3  }
0x135: {  	_ = 	snop  }
0x136: {  	v0 =	vadd.f32 v63, v0;
	_ =	sdelay $0x1  }
0x137: {  	[tilespmem:s0+$0x30] =	vst v0  }
.LBB2_6:
0x138: {  	s0 =	sadd.s32 $0xFFFFFC18, s28  }
0x139: {  	p4 =	sgt.u32 s0, $0xF9  }
.Ltmp7:
0x13a: {  	_ = 	snop;
	(pc) =	sbr.rel @p4 .LBB2_11-.Ltmp7, $1  }
0x13b: {  	_ =	sdelay $0x3  }
0x13c: {  	_ =	swait.ge [sflag:s18], $0x8C00  }
0x13d: {  	[sflag:s18] =	ssyncset.done $0x0  }
0x13e: {  	s0 =	simm.s32 $0x0;
	[sflag:s18] =	ssyncadd.s32 $0xFFFF7400  }
0x13f: {  	s29 =	simm.s32 $0x4C0;
	v4 =	vld [tilespmem:s0+$0x11B00]  }
0x140: {  	v1 =	vld [tilespmem:s29+$0xFFFFFEC0]  }
0x141: {  	v3 =	vld [tilespmem:s29+$0xFFFFFE40];
	_ =	sdelay $0x1  }
0x142: {  	v6 =	vld [tilespmem:s29+$0xFFFFFF40]  }
0x143: {  	v5 =	vbroadcast v4, $0x0;
	v2 =	vbroadcast v4, $0x1  }
0x144: {  	v7 =	vld [tilespmem:s29+$0xFFFFFFC0];
	v0 =	vbroadcast v4, $0x2  }
0x145: {  	v3 =	vmul.f32 v3, v5;
	v1 =	vmul.f32 v1, v2  }
0x146: {  	v8 =	vld [tilespmem:s29+$0x40]  }
0x147: {  	v9 =	vmul.f32 v6, v0;
	v6 =	vbroadcast v4, $0x3;
	v3 =	vadd.f32 v1, v3  }
0x148: {  	v10 =	vld [tilespmem:s29+$0xC0]  }
0x149: {  	v1 =	vbroadcast v4, $0x4;
	v7 =	vmul.f32 v7, v6;
	v9 =	vadd.f32 v9, v3  }
0x14a: {  	v11 =	vld [tilespmem:s29+$0x140]  }
0x14b: {  	v3 =	vbroadcast v4, $0x5;
	v8 =	vmul.f32 v8, v1;
	v7 =	vadd.f32 v7, v9;
	_ =	sdelay $0x1  }
0x14c: {  	v4 =	vbroadcast v4, $0x6;
	v7 =	vadd.f32 v8, v7;
	v8 =	vmul.f32 v10, v3;
	_ =	sdelay $0x1  }
0x14d: {  	v7 =	vadd.f32 v8, v7;
	v8 =	vmul.f32 v11, v4;
	_ =	sdelay $0x1  }
0x14e: {  	v7 =	vadd.f32 v8, v7  }
0x14f: {  	s30 =	simm.s32 $0x12040  }
0x150: {  	[tilespmem:s30+$0xFFFFFFC0] =	vst v7  }
0x151: {  	v7 =	vld [tilespmem:s29+$0xFFFFFE50]  }
0x152: {  	v8 =	vld [tilespmem:s29+$0xFFFFFED0];
	_ =	sdelay $0x1  }
0x153: {  	v36 =	vld [tilespmem:s29+$0xFFFFFF50];
	_ =	sdelay $0x1  }
0x154: {  	v37 =	vld [tilespmem:s29+$0xFFFFFFD0]  }
0x155: {  	v7 =	vmul.f32 v7, v5;
	v8 =	vmul.f32 v8, v2  }
0x156: {  	v38 =	vld [tilespmem:s29+$0x50]  }
0x157: {  	v7 =	vadd.f32 v8, v7;
	v8 =	vmul.f32 v36, v0  }
0x158: {  	v39 =	vld [tilespmem:s29+$0xD0]  }
0x159: {  	v7 =	vadd.f32 v8, v7;
	v8 =	vmul.f32 v37, v6  }
0x15a: {  	v40 =	vld [tilespmem:s29+$0x150]  }
0x15b: {  	v7 =	vadd.f32 v8, v7;
	v8 =	vmul.f32 v38, v1;
	_ =	sdelay $0x1  }
0x15c: {  	v7 =	vadd.f32 v8, v7;
	v8 =	vmul.f32 v39, v3;
	_ =	sdelay $0x1  }
0x15d: {  	v7 =	vadd.f32 v8, v7;
	v8 =	vmul.f32 v40, v4;
	_ =	sdelay $0x1  }
0x15e: {  	v7 =	vadd.f32 v8, v7;
	_ =	sdelay $0x1  }
0x15f: {  	[tilespmem:s30+$0xFFFFFFD0] =	vst v7  }
0x160: {  	v7 =	vld [tilespmem:s29+$0xFFFFFE60]  }
0x161: {  	v8 =	vld [tilespmem:s29+$0xFFFFFEE0];
	_ =	sdelay $0x1  }
0x162: {  	v41 =	vld [tilespmem:s29+$0xFFFFFF60];
	_ =	sdelay $0x1  }
0x163: {  	v42 =	vld [tilespmem:s29+$0xFFFFFFE0]  }
0x164: {  	v7 =	vmul.f32 v7, v5;
	v8 =	vmul.f32 v8, v2  }
0x165: {  	v43 =	vld [tilespmem:s29+$0x60]  }
0x166: {  	v7 =	vadd.f32 v8, v7;
	v8 =	vmul.f32 v41, v0  }
0x167: {  	v44 =	vld [tilespmem:s29+$0xE0]  }
0x168: {  	v7 =	vadd.f32 v8, v7;
	v8 =	vmul.f32 v42, v6  }
0x169: {  	v45 =	vld [tilespmem:s29+$0x160]  }
0x16a: {  	v7 =	vadd.f32 v8, v7;
	v8 =	vmul.f32 v43, v1;
	_ =	sdelay $0x1  }
0x16b: {  	v7 =	vadd.f32 v8, v7;
	v8 =	vmul.f32 v44, v3;
	_ =	sdelay $0x1  }
0x16c: {  	v7 =	vadd.f32 v8, v7;
	v8 =	vmul.f32 v45, v4;
	_ =	sdelay $0x1  }
0x16d: {  	v7 =	vadd.f32 v8, v7;
	_ =	sdelay $0x1  }
0x16e: {  	[tilespmem:s30+$0xFFFFFFE0] =	vst v7  }
0x16f: {  	v7 =	vld [tilespmem:s29+$0xFFFFFE70]  }
0x170: {  	v8 =	vld [tilespmem:s29+$0xFFFFFEF0];
	_ =	sdelay $0x1  }
0x171: {  	v46 =	vld [tilespmem:s29+$0xFFFFFF70];
	_ =	sdelay $0x1  }
0x172: {  	v47 =	vld [tilespmem:s29+$0xFFFFFFF0]  }
0x173: {  	v7 =	vmul.f32 v7, v5;
	v8 =	vmul.f32 v8, v2  }
0x174: {  	v48 =	vld [tilespmem:s29+$0x70]  }
0x175: {  	v7 =	vadd.f32 v8, v7;
	v8 =	vmul.f32 v46, v0  }
0x176: {  	v49 =	vld [tilespmem:s29+$0xF0]  }
0x177: {  	v7 =	vadd.f32 v8, v7;
	v8 =	vmul.f32 v47, v6  }
0x178: {  	v50 =	vld [tilespmem:s29+$0x170]  }
0x179: {  	v7 =	vadd.f32 v8, v7;
	v8 =	vmul.f32 v48, v1;
	_ =	sdelay $0x1  }
0x17a: {  	v7 =	vadd.f32 v8, v7;
	v8 =	vmul.f32 v49, v3;
	_ =	sdelay $0x1  }
0x17b: {  	v7 =	vadd.f32 v8, v7;
	v8 =	vmul.f32 v50, v4;
	_ =	sdelay $0x1  }
0x17c: {  	v7 =	vadd.f32 v8, v7;
	_ =	sdelay $0x1  }
0x17d: {  	[tilespmem:s30+$0xFFFFFFF0] =	vst v7  }
0x17e: {  	v7 =	vld [tilespmem:s29+$0xFFFFFE80]  }
0x17f: {  	v8 =	vld [tilespmem:s29+$0xFFFFFF00];
	_ =	sdelay $0x1  }
0x180: {  	v51 =	vld [tilespmem:s29+$0xFFFFFF80];
	_ =	sdelay $0x1  }
0x181: {  	v52 =	vld [tilespmem:s29+$0x0]  }
0x182: {  	v7 =	vmul.f32 v7, v5;
	v8 =	vmul.f32 v8, v2  }
0x183: {  	v53 =	vld [tilespmem:s29+$0x80]  }
0x184: {  	v7 =	vadd.f32 v8, v7;
	v8 =	vmul.f32 v51, v0  }
0x185: {  	v54 =	vld [tilespmem:s29+$0x100]  }
0x186: {  	v7 =	vadd.f32 v8, v7;
	v8 =	vmul.f32 v52, v6  }
0x187: {  	v55 =	vld [tilespmem:s29+$0x180]  }
0x188: {  	v7 =	vadd.f32 v8, v7;
	v8 =	vmul.f32 v53, v1;
	_ =	sdelay $0x1  }
0x189: {  	v7 =	vadd.f32 v8, v7;
	v8 =	vmul.f32 v54, v3;
	_ =	sdelay $0x1  }
0x18a: {  	v7 =	vadd.f32 v8, v7;
	v8 =	vmul.f32 v55, v4;
	_ =	sdelay $0x1  }
0x18b: {  	v7 =	vadd.f32 v8, v7;
	_ =	sdelay $0x1  }
0x18c: {  	[tilespmem:s30+$0x0] =	vst v7  }
0x18d: {  	v7 =	vld [tilespmem:s29+$0xFFFFFE90]  }
0x18e: {  	v8 =	vld [tilespmem:s29+$0xFFFFFF10];
	_ =	sdelay $0x1  }
0x18f: {  	v56 =	vld [tilespmem:s29+$0xFFFFFF90];
	_ =	sdelay $0x1  }
0x190: {  	v57 =	vld [tilespmem:s29+$0x10]  }
0x191: {  	v7 =	vmul.f32 v7, v5;
	v8 =	vmul.f32 v8, v2  }
0x192: {  	v58 =	vld [tilespmem:s29+$0x90]  }
0x193: {  	v9 =	vmul.f32 v56, v0;
	v7 =	vadd.f32 v8, v7  }
0x194: {  	v8 =	vld [tilespmem:s29+$0x110]  }
0x195: {  	v10 =	vmul.f32 v57, v6;
	v7 =	vadd.f32 v9, v7  }
0x196: {  	v59 =	vld [tilespmem:s29+$0x190]  }
0x197: {  	v11 =	vmul.f32 v58, v1;
	v7 =	vadd.f32 v10, v7;
	_ =	sdelay $0x1  }
0x198: {  	v8 =	vmul.f32 v8, v3;
	v7 =	vadd.f32 v11, v7;
	_ =	sdelay $0x1  }
0x199: {  	v9 =	vmul.f32 v59, v4;
	v7 =	vadd.f32 v8, v7;
	_ =	sdelay $0x1  }
0x19a: {  	v7 =	vadd.f32 v9, v7;
	_ =	sdelay $0x1  }
0x19b: {  	[tilespmem:s30+$0x10] =	vst v7  }
0x19c: {  	v7 =	vld [tilespmem:s29+$0xFFFFFEA0]  }
0x19d: {  	v8 =	vld [tilespmem:s29+$0xFFFFFF20];
	_ =	sdelay $0x1  }
0x19e: {  	v60 =	vld [tilespmem:s29+$0xFFFFFFA0];
	_ =	sdelay $0x1  }
0x19f: {  	v61 =	vld [tilespmem:s29+$0x20]  }
0x1a0: {  	v7 =	vmul.f32 v7, v5;
	v8 =	vmul.f32 v8, v2  }
0x1a1: {  	v62 =	vld [tilespmem:s29+$0xA0]  }
0x1a2: {  	v9 =	vmul.f32 v60, v0;
	v7 =	vadd.f32 v8, v7  }
0x1a3: {  	v8 =	vld [tilespmem:s29+$0x120]  }
0x1a4: {  	v10 =	vmul.f32 v61, v6;
	v7 =	vadd.f32 v9, v7  }
0x1a5: {  	v63 =	vld [tilespmem:s29+$0x1A0]  }
0x1a6: {  	v11 =	vmul.f32 v62, v1;
	v7 =	vadd.f32 v10, v7;
	_ =	sdelay $0x1  }
0x1a7: {  	v8 =	vmul.f32 v8, v3;
	v7 =	vadd.f32 v11, v7;
	_ =	sdelay $0x1  }
0x1a8: {  	v9 =	vmul.f32 v63, v4;
	v7 =	vadd.f32 v8, v7;
	_ =	sdelay $0x1  }
0x1a9: {  	s15 =	simm.s32 $0x12040;
	s31 =	simm.s32 $0x4C0;
	s0 =	simm.s32 $0x40;
	v7 =	vadd.f32 v9, v7  }
.LBB2_8:
0x1aa: {  	_ = 	snop  }
0x1ab: {  	p4 =	sne.s32 s0, $0x9C0;
	s15 =	sadd.s32 $0x80, s15;
	s29 =	sadd.s32 $0x380, s29;
	[tilespmem:s30+$0x20] =	vst v7  }
0x1ac: {  	s16 =	smov.u32 s0;
	s0 =	sadd.s32 $0x40, s0;
	v7 =	vld [tilespmem:s31+$0xFFFFFEB0]  }
0x1ad: {  	v8 =	vld [tilespmem:s31+$0xFFFFFF30]  }
0x1ae: {  	v9 =	vld [tilespmem:s31+$0xFFFFFFB0]  }
0x1af: {  	v10 =	vld [tilespmem:s31+$0x30]  }
0x1b0: {  	v11 =	vld [tilespmem:s31+$0xB0]  }
0x1b1: {  	v5 =	vmul.f32 v7, v5;
	v7 =	vld [tilespmem:s31+$0x130]  }
0x1b2: {  	s16 =	sshra.s32 s16, $0x2;
	v2 =	vmul.f32 v8, v2;
	v8 =	vld [tilespmem:s31+$0x1B0];
	s31 =	smov.u32 s29  }
0x1b3: {  	v0 =	vmul.f32 v9, v0  }
0x1b4: {  	v2 =	vadd.f32 v2, v5;
	v5 =	vmul.f32 v10, v6  }
0x1b5: {  	v1 =	vmul.f32 v11, v1  }
0x1b6: {  	v0 =	vadd.f32 v0, v2;
	v2 =	vmul.f32 v7, v3  }
0x1b7: {  	v3 =	vmul.f32 v8, v4  }
0x1b8: {  	v0 =	vadd.f32 v5, v0;
	_ =	sdelay $0x1  }
0x1b9: {  	v0 =	vadd.f32 v1, v0;
	_ =	sdelay $0x1  }
0x1ba: {  	v0 =	vadd.f32 v2, v0;
	_ =	sdelay $0x1  }
0x1bb: {  	v0 =	vadd.f32 v3, v0;
	_ =	sdelay $0x1  }
0x1bc: {  	[tilespmem:s30+$0x30] =	vst v0;
	s30 =	smov.u32 s15  }
0x1bd: {  	v6 =	vld [tilespmem:s16+$0x11B00]  }
0x1be: {  	v3 =	vld [tilespmem:s29+$0xFFFFFEC0]  }
0x1bf: {  	v4 =	vld [tilespmem:s29+$0xFFFFFE40];
	_ =	sdelay $0x1  }
0x1c0: {  	v7 =	vld [tilespmem:s29+$0xFFFFFF40]  }
0x1c1: {  	v5 =	vbroadcast v6, $0x0;
	v2 =	vbroadcast v6, $0x1  }
0x1c2: {  	v0 =	vbroadcast v6, $0x2;
	v1 =	vbroadcast v6, $0x4;
	v8 =	vld [tilespmem:s29+$0xFFFFFFC0]  }
0x1c3: {  	v9 =	vmul.f32 v4, v5;
	v10 =	vmul.f32 v3, v2  }
0x1c4: {  	v3 =	vbroadcast v6, $0x5;
	v4 =	vbroadcast v6, $0x6;
	v11 =	vld [tilespmem:s29+$0x40]  }
0x1c5: {  	v6 =	vbroadcast v6, $0x3;
	v9 =	vadd.f32 v10, v9;
	v7 =	vmul.f32 v7, v0  }
0x1c6: {  	v10 =	vld [tilespmem:s29+$0xC0]  }
0x1c7: {  	v7 =	vadd.f32 v7, v9;
	v8 =	vmul.f32 v8, v6  }
0x1c8: {  	v9 =	vld [tilespmem:s29+$0x140]  }
0x1c9: {  	v7 =	vadd.f32 v8, v7;
	v8 =	vmul.f32 v11, v1;
	_ =	sdelay $0x1  }
0x1ca: {  	v7 =	vadd.f32 v8, v7;
	v8 =	vmul.f32 v10, v3;
	_ =	sdelay $0x1  }
0x1cb: {  	v7 =	vadd.f32 v8, v7;
	v8 =	vmul.f32 v9, v4;
	_ =	sdelay $0x1  }
0x1cc: {  	v7 =	vadd.f32 v8, v7;
	_ =	sdelay $0x1  }
0x1cd: {  	[tilespmem:s15+$0xFFFFFFC0] =	vst v7  }
0x1ce: {  	v7 =	vld [tilespmem:s29+$0xFFFFFE50]  }
0x1cf: {  	v8 =	vld [tilespmem:s29+$0xFFFFFED0];
	_ =	sdelay $0x1  }
0x1d0: {  	v9 =	vld [tilespmem:s29+$0xFFFFFF50];
	_ =	sdelay $0x1  }
0x1d1: {  	v7 =	vmul.f32 v7, v5;
	v10 =	vld [tilespmem:s29+$0xFFFFFFD0]  }
0x1d2: {  	v8 =	vmul.f32 v8, v2  }
0x1d3: {  	v11 =	vld [tilespmem:s29+$0x50]  }
0x1d4: {  	v7 =	vadd.f32 v8, v7;
	v8 =	vmul.f32 v9, v0  }
0x1d5: {  	v9 =	vld [tilespmem:s29+$0xD0]  }
0x1d6: {  	v7 =	vadd.f32 v8, v7;
	v8 =	vmul.f32 v10, v6  }
0x1d7: {  	v10 =	vld [tilespmem:s29+$0x150]  }
0x1d8: {  	v7 =	vadd.f32 v8, v7;
	v8 =	vmul.f32 v11, v1;
	_ =	sdelay $0x1  }
0x1d9: {  	v7 =	vadd.f32 v8, v7;
	v8 =	vmul.f32 v9, v3;
	_ =	sdelay $0x1  }
0x1da: {  	v7 =	vadd.f32 v8, v7;
	v8 =	vmul.f32 v10, v4;
	_ =	sdelay $0x1  }
0x1db: {  	v7 =	vadd.f32 v8, v7;
	_ =	sdelay $0x1  }
0x1dc: {  	[tilespmem:s15+$0xFFFFFFD0] =	vst v7  }
0x1dd: {  	v7 =	vld [tilespmem:s29+$0xFFFFFE60]  }
0x1de: {  	v8 =	vld [tilespmem:s29+$0xFFFFFEE0];
	_ =	sdelay $0x1  }
0x1df: {  	v9 =	vld [tilespmem:s29+$0xFFFFFF60];
	_ =	sdelay $0x1  }
0x1e0: {  	v7 =	vmul.f32 v7, v5;
	v10 =	vld [tilespmem:s29+$0xFFFFFFE0]  }
0x1e1: {  	v8 =	vmul.f32 v8, v2  }
0x1e2: {  	v11 =	vld [tilespmem:s29+$0x60]  }
0x1e3: {  	v7 =	vadd.f32 v8, v7;
	v8 =	vmul.f32 v9, v0  }
0x1e4: {  	v9 =	vld [tilespmem:s29+$0xE0]  }
0x1e5: {  	v7 =	vadd.f32 v8, v7;
	v8 =	vmul.f32 v10, v6  }
0x1e6: {  	v10 =	vld [tilespmem:s29+$0x160]  }
0x1e7: {  	v7 =	vadd.f32 v8, v7;
	v8 =	vmul.f32 v11, v1;
	_ =	sdelay $0x1  }
0x1e8: {  	v7 =	vadd.f32 v8, v7;
	v8 =	vmul.f32 v9, v3;
	_ =	sdelay $0x1  }
0x1e9: {  	v7 =	vadd.f32 v8, v7;
	v8 =	vmul.f32 v10, v4;
	_ =	sdelay $0x1  }
0x1ea: {  	v7 =	vadd.f32 v8, v7;
	_ =	sdelay $0x1  }
0x1eb: {  	[tilespmem:s15+$0xFFFFFFE0] =	vst v7  }
0x1ec: {  	v7 =	vld [tilespmem:s29+$0xFFFFFE70]  }
0x1ed: {  	v8 =	vld [tilespmem:s29+$0xFFFFFEF0];
	_ =	sdelay $0x1  }
0x1ee: {  	v9 =	vld [tilespmem:s29+$0xFFFFFF70];
	_ =	sdelay $0x1  }
0x1ef: {  	v7 =	vmul.f32 v7, v5;
	v10 =	vld [tilespmem:s29+$0xFFFFFFF0]  }
0x1f0: {  	v8 =	vmul.f32 v8, v2  }
0x1f1: {  	v11 =	vld [tilespmem:s29+$0x70]  }
0x1f2: {  	v7 =	vadd.f32 v8, v7;
	v8 =	vmul.f32 v9, v0  }
0x1f3: {  	v9 =	vld [tilespmem:s29+$0xF0]  }
0x1f4: {  	v7 =	vadd.f32 v8, v7;
	v8 =	vmul.f32 v10, v6  }
0x1f5: {  	v10 =	vld [tilespmem:s29+$0x170]  }
0x1f6: {  	v7 =	vadd.f32 v8, v7;
	v8 =	vmul.f32 v11, v1;
	_ =	sdelay $0x1  }
0x1f7: {  	v7 =	vadd.f32 v8, v7;
	v8 =	vmul.f32 v9, v3;
	_ =	sdelay $0x1  }
0x1f8: {  	v7 =	vadd.f32 v8, v7;
	v8 =	vmul.f32 v10, v4;
	_ =	sdelay $0x1  }
0x1f9: {  	v7 =	vadd.f32 v8, v7;
	_ =	sdelay $0x1  }
0x1fa: {  	[tilespmem:s15+$0xFFFFFFF0] =	vst v7  }
0x1fb: {  	v7 =	vld [tilespmem:s29+$0xFFFFFE80]  }
0x1fc: {  	v8 =	vld [tilespmem:s29+$0xFFFFFF00];
	_ =	sdelay $0x1  }
0x1fd: {  	v9 =	vld [tilespmem:s29+$0xFFFFFF80];
	_ =	sdelay $0x1  }
0x1fe: {  	v7 =	vmul.f32 v7, v5;
	v10 =	vld [tilespmem:s29+$0x0]  }
0x1ff: {  	v8 =	vmul.f32 v8, v2  }
0x200: {  	v11 =	vld [tilespmem:s29+$0x80]  }
0x201: {  	v7 =	vadd.f32 v8, v7;
	v8 =	vmul.f32 v9, v0  }
0x202: {  	v9 =	vld [tilespmem:s29+$0x100]  }
0x203: {  	v7 =	vadd.f32 v8, v7;
	v8 =	vmul.f32 v10, v6  }
0x204: {  	v10 =	vld [tilespmem:s29+$0x180]  }
0x205: {  	v7 =	vadd.f32 v8, v7;
	v8 =	vmul.f32 v11, v1;
	_ =	sdelay $0x1  }
0x206: {  	v7 =	vadd.f32 v8, v7;
	v8 =	vmul.f32 v9, v3;
	_ =	sdelay $0x1  }
0x207: {  	v7 =	vadd.f32 v8, v7;
	v8 =	vmul.f32 v10, v4;
	_ =	sdelay $0x1  }
0x208: {  	v7 =	vadd.f32 v8, v7;
	_ =	sdelay $0x1  }
0x209: {  	[tilespmem:s15+$0x0] =	vst v7  }
0x20a: {  	v7 =	vld [tilespmem:s29+$0xFFFFFE90]  }
0x20b: {  	v8 =	vld [tilespmem:s29+$0xFFFFFF10]  }
0x20c: {  	v9 =	vld [tilespmem:s29+$0xFFFFFF90]  }
0x20d: {  	v10 =	vld [tilespmem:s29+$0x10]  }
0x20e: {  	v11 =	vld [tilespmem:s29+$0x90]  }
0x20f: {  	v7 =	vmul.f32 v7, v5;
	v12 =	vld [tilespmem:s29+$0x110]  }
0x210: {  	v8 =	vmul.f32 v8, v2;
	v13 =	vld [tilespmem:s29+$0x190]  }
0x211: {  	v9 =	vmul.f32 v9, v0  }
0x212: {  	v7 =	vadd.f32 v8, v7;
	v8 =	vmul.f32 v10, v6  }
0x213: {  	v10 =	vmul.f32 v11, v1  }
0x214: {  	v7 =	vadd.f32 v9, v7;
	v9 =	vmul.f32 v12, v3  }
0x215: {  	v11 =	vmul.f32 v13, v4  }
0x216: {  	v7 =	vadd.f32 v8, v7;
	_ =	sdelay $0x1  }
0x217: {  	v7 =	vadd.f32 v10, v7;
	_ =	sdelay $0x1  }
0x218: {  	v7 =	vadd.f32 v9, v7;
	_ =	sdelay $0x1  }
0x219: {  	v7 =	vadd.f32 v11, v7;
	_ =	sdelay $0x1  }
0x21a: {  	[tilespmem:s15+$0x10] =	vst v7  }
0x21b: {  	v7 =	vld [tilespmem:s29+$0xFFFFFEA0]  }
0x21c: {  	v8 =	vld [tilespmem:s29+$0xFFFFFF20]  }
0x21d: {  	v9 =	vld [tilespmem:s29+$0xFFFFFFA0]  }
0x21e: {  	v10 =	vld [tilespmem:s29+$0x20]  }
0x21f: {  	v11 =	vld [tilespmem:s29+$0xA0]  }
0x220: {  	v7 =	vmul.f32 v7, v5;
	v12 =	vld [tilespmem:s29+$0x120]  }
0x221: {  	v8 =	vmul.f32 v8, v2;
	v13 =	vld [tilespmem:s29+$0x1A0]  }
0x222: {  	v9 =	vmul.f32 v9, v0  }
0x223: {  	v7 =	vadd.f32 v8, v7;
	v8 =	vmul.f32 v10, v6  }
0x224: {  	v10 =	vmul.f32 v11, v1  }
0x225: {  	v7 =	vadd.f32 v9, v7;
	v9 =	vmul.f32 v12, v3  }
0x226: {  	v11 =	vmul.f32 v13, v4  }
0x227: {  	v7 =	vadd.f32 v8, v7;
	_ =	sdelay $0x1  }
.Ltmp8:
0x228: {  	v7 =	vadd.f32 v10, v7;
	(pc) =	sbr.rel @p4 .LBB2_8-.Ltmp8, $3  }
0x229: {  	_ = 	snop  }
0x22a: {  	v7 =	vadd.f32 v9, v7;
	_ =	sdelay $0x1  }
0x22b: {  	v7 =	vadd.f32 v11, v7  }
0x22c: {  	_ = 	snop  }
0x22d: {  	[tilespmem:s30+$0x20] =	vst v7  }
0x22e: {  	v7 =	vld [tilespmem:s31+$0xFFFFFEB0]  }
0x22f: {  	v8 =	vld [tilespmem:s31+$0xFFFFFF30];
	_ =	sdelay $0x1  }
0x230: {  	v9 =	vld [tilespmem:s31+$0xFFFFFFB0];
	_ =	sdelay $0x1  }
0x231: {  	v10 =	vld [tilespmem:s31+$0x30]  }
0x232: {  	v5 =	vmul.f32 v7, v5;
	v2 =	vmul.f32 v8, v2  }
0x233: {  	v60 =	vld [tilespmem:s31+$0xB0]  }
0x234: {  	v0 =	vmul.f32 v9, v0;
	v2 =	vadd.f32 v2, v5  }
0x235: {  	v61 =	vld [tilespmem:s31+$0x130]  }
0x236: {  	v6 =	vmul.f32 v10, v6;
	v0 =	vadd.f32 v0, v2  }
0x237: {  	v62 =	vld [tilespmem:s31+$0x1B0]  }
0x238: {  	v1 =	vmul.f32 v60, v1;
	v0 =	vadd.f32 v6, v0;
	_ =	sdelay $0x1  }
0x239: {  	v3 =	vmul.f32 v61, v3;
	v0 =	vadd.f32 v1, v0;
	_ =	sdelay $0x1  }
0x23a: {  	v63 =	vmul.f32 v62, v4;
	v0 =	vadd.f32 v3, v0;
	_ =	sdelay $0x1  }
0x23b: {  	v0 =	vadd.f32 v63, v0;
	_ =	sdelay $0x1  }
0x23c: {  	[tilespmem:s30+$0x30] =	vst v0  }
.LBB2_10:
0x23d: {  	s0 =	smul.u32 $0x280, s28;
	_ =	sdelay $0x1  }
0x23e: {  	s0 =	sadd.s32 s8, s0  }
0x23f: {  	[hbm4b:s0+s5] =	stream.linear.scatter [tilespmem:s19], [sflag:$0x3], $0x1400, $0x38;
	[tilespmem:$0x14800] =	vst v63  }
.LBB2_11:
0x240: {  	p4 =	seq.s32 s24, $0x13  }
0x241: {  	s0 =	sadd.s32 @!p4 s12, s26  }
0x242: {  	p5 =	sgt.u32 @!p4 s0, $0x3E7  }
0x243: {  	p6 =	por !p5, p4  }
0x244: {  	s15 =	sadd.s32 @!p6 $0xFFFFFC18, s0  }
0x245: {  	p6 =	sgt.u32 @!p6 s15, $0xF9  }
0x246: {  	p6 =	por @!p4 p6, !p5  }
0x247: {  	s16 =	simm.s32 @!p4 $0x3;
	p6 =	por p6, p4  }
0x248: {  	_ =	swait.ge @!p4 [sflag:s16], $0x1400;
	s26 =	smul.u32 @!p6 $0x23, s15  }
0x249: {  	[sflag:s16] =	ssyncset.done @!p4 $0x0  }
0x24a: {  	[sflag:s16] =	ssyncadd.s32 @!p4 $0xFFFFEC00;
	s16 =	sadd.s32 @!p6 s4, s26;
	s26 =	simm.s32 @!p6 $0x0  }
0x24b: {  	[tilespmem:s26], [sflag:$0x5] =	stream.linear.gather @!p6 [hbm4b:s16+s26], $0x118, $0x38;
	[tilespmem:$0x14800] =	vst v63  }
0x24c: {  	s16 =	simm.s32 @!p6 $0x5  }
0x24d: {  	s15 =	smul.u32 @!p6 $0x50, s15;
	_ =	swait.ge @!p6 [sflag:s16], $0x118  }
0x24e: {  	[sflag:s16] =	ssyncset.done @!p6 $0x0  }
0x24f: {  	s28 =	simm.s32 @!p6 $0x11B00;
	s15 =	sadd.s32 @!p6 s2, s15;
	[sflag:s16] =	ssyncadd.s32 @!p6 $0xFFFFFEE8  }
0x250: {  	[tilespmem:s28], [sflag:$0x5] =	stream.linear.gather @!p6 [hbm4b:s15+s26], $0x280, $0x38;
	[tilespmem:$0x14800] =	vst v63  }
0x251: {  	_ =	swait.ge @!p6 [sflag:s16], $0x280  }
0x252: {  	p4 =	por p5, p4;
	s15 =	simm.s32 @!p6 $0x118;
	[sflag:s16] =	ssyncset.done @!p6 $0x0  }
0x253: {  	s28 =	smul.u32 @!p4 $0x1E, s0;
	[sflag:s16] =	ssyncadd.s32 @!p6 $0xFFFFFD80;
	s16 =	simm.s32 @!p6 $0x300  }
0x254: {  	[tilespmem:s16], [sflag:$0x1] =	stream.indirect.gather @!p6 [hbm4b:s1+s15], $0x80, s26, s15, $0xb8;
	[tilespmem:$0x14800] =	vst v63  }
0x255: {  	s15 =	sadd.s32 @!p4 s3, s28;
	s16 =	simm.s32 @!p4 $0x0  }
0x256: {  	[tilespmem:s16], [sflag:$0x5] =	stream.linear.gather @!p4 [hbm4b:s15+s16], $0xF0, $0x38;
	[tilespmem:$0x14800] =	vst v63  }
0x257: {  	s15 =	simm.s32 @!p4 $0x5  }
0x258: {  	s0 =	smul.u32 @!p4 $0x50, s0;
	_ =	swait.ge @!p4 [sflag:s15], $0xF0  }
0x259: {  	[sflag:s15] =	ssyncset.done @!p4 $0x0  }
0x25a: {  	s0 =	sadd.s32 @!p4 s7, s0;
	s26 =	simm.s32 @!p4 $0x11B00;
	[sflag:s15] =	ssyncadd.s32 @!p4 $0xFFFFFF10  }
0x25b: {  	[tilespmem:s26], [sflag:$0x5] =	stream.linear.gather @!p4 [hbm4b:s0+s16], $0x280, $0x38;
	[tilespmem:$0x14800] =	vst v63  }
.Ltmp9:
0x25c: {  	_ = 	snop;
	(pc) =	sbr.rel @p1 .LBB2_15-.Ltmp9, $4  }
0x25d: {  	_ =	swait.ge @!p4 [sflag:s15], $0x280  }
0x25e: {  	[sflag:s15] =	ssyncset.done @!p4 $0x0  }
0x25f: {  	s0 =	simm.s32 @!p4 $0xF0;
	[sflag:s15] =	ssyncadd.s32 @!p4 $0xFFFFFD80;
	s15 =	simm.s32 @!p4 $0x300  }
0x260: {  	[tilespmem:s15], [sflag:$0x1] =	stream.indirect.gather @!p4 [hbm4b:s1+s0], $0x80, s16, s0, $0xb8;
	[tilespmem:$0x14800] =	vst v63  }
0x261: {  	_ =	swait.ge [sflag:s20], $0x7800  }
0x262: {  	[sflag:s20] =	ssyncset.done $0x0  }
0x263: {  	s0 =	simm.s32 $0x0;
	[sflag:s20] =	ssyncadd.s32 $0xFFFF8800  }
0x264: {  	s26 =	simm.s32 $0x9080;
	v3 =	vld [tilespmem:s0+$0x11D80]  }
0x265: {  	v0 =	vld [tilespmem:s26+$0xFFFFFE80]  }
0x266: {  	v5 =	vld [tilespmem:s26+$0xFFFFFF00];
	_ =	sdelay $0x1  }
0x267: {  	v6 =	vld [tilespmem:s26+$0xFFFFFF80]  }
0x268: {  	v4 =	vbroadcast v3, $0x0;
	v2 =	vbroadcast v3, $0x1  }
0x269: {  	v7 =	vld [tilespmem:s26+$0x0];
	v1 =	vbroadcast v3, $0x2  }
0x26a: {  	v0 =	vmul.f32 v0, v4;
	v5 =	vmul.f32 v5, v2  }
0x26b: {  	v8 =	vld [tilespmem:s26+$0x80]  }
0x26c: {  	v6 =	vmul.f32 v6, v1;
	v9 =	vadd.f32 v5, v0;
	v5 =	vbroadcast v3, $0x3  }
0x26d: {  	v10 =	vld [tilespmem:s26+$0x100]  }
0x26e: {  	v0 =	vbroadcast v3, $0x4;
	v6 =	vadd.f32 v6, v9;
	v7 =	vmul.f32 v7, v5;
	_ =	sdelay $0x1  }
0x26f: {  	v3 =	vbroadcast v3, $0x5;
	v6 =	vadd.f32 v7, v6;
	v7 =	vmul.f32 v8, v0;
	_ =	sdelay $0x1  }
0x270: {  	v6 =	vadd.f32 v7, v6;
	v7 =	vmul.f32 v10, v3;
	_ =	sdelay $0x1  }
0x271: {  	v6 =	vadd.f32 v7, v6  }
0x272: {  	s28 =	simm.s32 $0x13440  }
0x273: {  	[tilespmem:s28+$0xFFFFFFC0] =	vst v6  }
0x274: {  	v6 =	vld [tilespmem:s26+$0xFFFFFE90]  }
0x275: {  	v7 =	vld [tilespmem:s26+$0xFFFFFF10];
	_ =	sdelay $0x1  }
0x276: {  	v8 =	vld [tilespmem:s26+$0xFFFFFF90];
	_ =	sdelay $0x1  }
0x277: {  	v9 =	vld [tilespmem:s26+$0x10]  }
0x278: {  	v6 =	vmul.f32 v6, v4;
	v7 =	vmul.f32 v7, v2  }
0x279: {  	v10 =	vld [tilespmem:s26+$0x90]  }
0x27a: {  	v6 =	vadd.f32 v7, v6;
	v7 =	vmul.f32 v8, v1  }
0x27b: {  	v8 =	vld [tilespmem:s26+$0x110]  }
0x27c: {  	v6 =	vadd.f32 v7, v6;
	v7 =	vmul.f32 v9, v5;
	_ =	sdelay $0x1  }
0x27d: {  	v6 =	vadd.f32 v7, v6;
	v7 =	vmul.f32 v10, v0;
	_ =	sdelay $0x1  }
0x27e: {  	v6 =	vadd.f32 v7, v6;
	v7 =	vmul.f32 v8, v3;
	_ =	sdelay $0x1  }
0x27f: {  	v6 =	vadd.f32 v7, v6;
	_ =	sdelay $0x1  }
0x280: {  	[tilespmem:s28+$0xFFFFFFD0] =	vst v6  }
0x281: {  	v6 =	vld [tilespmem:s26+$0xFFFFFEA0]  }
0x282: {  	v7 =	vld [tilespmem:s26+$0xFFFFFF20];
	_ =	sdelay $0x1  }
0x283: {  	v8 =	vld [tilespmem:s26+$0xFFFFFFA0];
	_ =	sdelay $0x1  }
0x284: {  	v9 =	vld [tilespmem:s26+$0x20]  }
0x285: {  	v6 =	vmul.f32 v6, v4;
	v7 =	vmul.f32 v7, v2  }
0x286: {  	v10 =	vld [tilespmem:s26+$0xA0]  }
0x287: {  	v6 =	vadd.f32 v7, v6;
	v7 =	vmul.f32 v8, v1  }
0x288: {  	v8 =	vld [tilespmem:s26+$0x120]  }
0x289: {  	v6 =	vadd.f32 v7, v6;
	v7 =	vmul.f32 v9, v5;
	_ =	sdelay $0x1  }
0x28a: {  	v6 =	vadd.f32 v7, v6;
	v7 =	vmul.f32 v10, v0;
	_ =	sdelay $0x1  }
0x28b: {  	v6 =	vadd.f32 v7, v6;
	v7 =	vmul.f32 v8, v3;
	_ =	sdelay $0x1  }
0x28c: {  	v6 =	vadd.f32 v7, v6;
	_ =	sdelay $0x1  }
0x28d: {  	[tilespmem:s28+$0xFFFFFFE0] =	vst v6  }
0x28e: {  	v6 =	vld [tilespmem:s26+$0xFFFFFEB0]  }
0x28f: {  	v7 =	vld [tilespmem:s26+$0xFFFFFF30];
	_ =	sdelay $0x1  }
0x290: {  	v8 =	vld [tilespmem:s26+$0xFFFFFFB0];
	_ =	sdelay $0x1  }
0x291: {  	v9 =	vld [tilespmem:s26+$0x30]  }
0x292: {  	v6 =	vmul.f32 v6, v4;
	v7 =	vmul.f32 v7, v2  }
0x293: {  	v10 =	vld [tilespmem:s26+$0xB0]  }
0x294: {  	v6 =	vadd.f32 v7, v6;
	v7 =	vmul.f32 v8, v1  }
0x295: {  	v8 =	vld [tilespmem:s26+$0x130]  }
0x296: {  	v6 =	vadd.f32 v7, v6;
	v7 =	vmul.f32 v9, v5;
	_ =	sdelay $0x1  }
0x297: {  	v6 =	vadd.f32 v7, v6;
	v7 =	vmul.f32 v10, v0;
	_ =	sdelay $0x1  }
0x298: {  	v6 =	vadd.f32 v7, v6;
	v7 =	vmul.f32 v8, v3;
	_ =	sdelay $0x1  }
0x299: {  	v6 =	vadd.f32 v7, v6;
	_ =	sdelay $0x1  }
0x29a: {  	[tilespmem:s28+$0xFFFFFFF0] =	vst v6  }
0x29b: {  	v6 =	vld [tilespmem:s26+$0xFFFFFEC0]  }
0x29c: {  	v7 =	vld [tilespmem:s26+$0xFFFFFF40];
	_ =	sdelay $0x1  }
0x29d: {  	v8 =	vld [tilespmem:s26+$0xFFFFFFC0];
	_ =	sdelay $0x1  }
0x29e: {  	v9 =	vld [tilespmem:s26+$0x40]  }
0x29f: {  	v6 =	vmul.f32 v6, v4;
	v7 =	vmul.f32 v7, v2  }
0x2a0: {  	v10 =	vld [tilespmem:s26+$0xC0]  }
0x2a1: {  	v6 =	vadd.f32 v7, v6;
	v7 =	vmul.f32 v8, v1  }
0x2a2: {  	v8 =	vld [tilespmem:s26+$0x140]  }
0x2a3: {  	v6 =	vadd.f32 v7, v6;
	v7 =	vmul.f32 v9, v5;
	_ =	sdelay $0x1  }
0x2a4: {  	v6 =	vadd.f32 v7, v6;
	v7 =	vmul.f32 v10, v0;
	_ =	sdelay $0x1  }
0x2a5: {  	v6 =	vadd.f32 v7, v6;
	v7 =	vmul.f32 v8, v3;
	_ =	sdelay $0x1  }
0x2a6: {  	v6 =	vadd.f32 v7, v6;
	_ =	sdelay $0x1  }
0x2a7: {  	[tilespmem:s28+$0x0] =	vst v6  }
0x2a8: {  	v6 =	vld [tilespmem:s26+$0xFFFFFF50]  }
0x2a9: {  	v7 =	vld [tilespmem:s26+$0xFFFFFED0];
	_ =	sdelay $0x1  }
0x2aa: {  	v8 =	vld [tilespmem:s26+$0xFFFFFFD0];
	_ =	sdelay $0x1  }
0x2ab: {  	v9 =	vld [tilespmem:s26+$0x50]  }
0x2ac: {  	v6 =	vmul.f32 v6, v2;
	v7 =	vmul.f32 v7, v4  }
0x2ad: {  	v10 =	vld [tilespmem:s26+$0xD0]  }
0x2ae: {  	v8 =	vmul.f32 v8, v1;
	v6 =	vadd.f32 v6, v7  }
0x2af: {  	v7 =	vld [tilespmem:s26+$0x150]  }
0x2b0: {  	v9 =	vmul.f32 v9, v5;
	v6 =	vadd.f32 v8, v6;
	_ =	sdelay $0x1  }
0x2b1: {  	v8 =	vmul.f32 v10, v0;
	v6 =	vadd.f32 v9, v6;
	_ =	sdelay $0x1  }
0x2b2: {  	v7 =	vmul.f32 v7, v3;
	v6 =	vadd.f32 v8, v6;
	_ =	sdelay $0x1  }
0x2b3: {  	v6 =	vadd.f32 v7, v6;
	_ =	sdelay $0x1  }
0x2b4: {  	[tilespmem:s28+$0x10] =	vst v6  }
0x2b5: {  	v6 =	vld [tilespmem:s26+$0xFFFFFEE0]  }
0x2b6: {  	v7 =	vld [tilespmem:s26+$0xFFFFFF60];
	_ =	sdelay $0x1  }
0x2b7: {  	v8 =	vld [tilespmem:s26+$0xFFFFFFE0];
	_ =	sdelay $0x1  }
0x2b8: {  	v9 =	vld [tilespmem:s26+$0x60]  }
0x2b9: {  	v6 =	vmul.f32 v6, v4;
	v7 =	vmul.f32 v7, v2  }
0x2ba: {  	v10 =	vld [tilespmem:s26+$0xE0]  }
0x2bb: {  	v8 =	vmul.f32 v8, v1;
	v6 =	vadd.f32 v7, v6  }
0x2bc: {  	v7 =	vld [tilespmem:s26+$0x160]  }
0x2bd: {  	v9 =	vmul.f32 v9, v5;
	v6 =	vadd.f32 v8, v6;
	_ =	sdelay $0x1  }
0x2be: {  	v8 =	vmul.f32 v10, v0;
	v6 =	vadd.f32 v9, v6;
	_ =	sdelay $0x1  }
0x2bf: {  	v7 =	vmul.f32 v7, v3;
	v6 =	vadd.f32 v8, v6;
	_ =	sdelay $0x1  }
0x2c0: {  	v6 =	vadd.f32 v7, v6;
	_ =	sdelay $0x1  }
0x2c1: {  	[tilespmem:s28+$0x20] =	vst v6  }
0x2c2: {  	v10 =	vld [tilespmem:s26+$0xFFFFFEF0]  }
0x2c3: {  	v9 =	vld [tilespmem:s26+$0xFFFFFF70]  }
0x2c4: {  	v8 =	vld [tilespmem:s26+$0xFFFFFFF0]  }
0x2c5: {  	v6 =	vld [tilespmem:s26+$0x70]  }
0x2c6: {  	s15 =	simm.s32 $0x40;
	s0 =	simm.s32 $0x13440;
	v7 =	vld [tilespmem:s26+$0xF0]  }
.LBB2_13:
0x2c7: {  	p4 =	sne.s32 s15, $0x9C0;
	v4 =	vmul.f32 v10, v4;
	v10 =	vld [tilespmem:s26+$0x170];
	s28 =	sadd.s32 $0x80, s28;
	s26 =	sadd.s32 $0x300, s26  }
0x2c8: {  	s16 =	smov.u32 s15;
	s15 =	sadd.s32 $0x40, s15;
	v2 =	vmul.f32 v9, v2  }
0x2c9: {  	v1 =	vmul.f32 v8, v1  }
0x2ca: {  	v2 =	vadd.f32 v2, v4;
	v4 =	vmul.f32 v6, v5  }
0x2cb: {  	v0 =	vmul.f32 v7, v0  }
0x2cc: {  	v1 =	vadd.f32 v1, v2;
	v2 =	vmul.f32 v10, v3;
	_ =	sdelay $0x1  }
0x2cd: {  	s16 =	sshra.s32 s16, $0x2;
	v1 =	vadd.f32 v4, v1;
	_ =	sdelay $0x1  }
0x2ce: {  	v0 =	vadd.f32 v0, v1;
	_ =	sdelay $0x1  }
0x2cf: {  	v0 =	vadd.f32 v2, v0;
	_ =	sdelay $0x1  }
0x2d0: {  	[tilespmem:s0+$0x30] =	vst v0;
	s0 =	smov.u32 s28  }
0x2d1: {  	v5 =	vld [tilespmem:s16+$0x11D80]  }
0x2d2: {  	v3 =	vld [tilespmem:s26+$0xFFFFFE80]  }
0x2d3: {  	v6 =	vld [tilespmem:s26+$0xFFFFFF00]  }
0x2d4: {  	v7 =	vld [tilespmem:s26+$0x0]  }
0x2d5: {  	v8 =	vld [tilespmem:s26+$0xFFFFFF80]  }
0x2d6: {  	v4 =	vbroadcast v5, $0x0;
	v2 =	vbroadcast v5, $0x1  }
0x2d7: {  	v1 =	vbroadcast v5, $0x2;
	v0 =	vbroadcast v5, $0x4  }
0x2d8: {  	v9 =	vmul.f32 v3, v4;
	v6 =	vmul.f32 v6, v2  }
0x2d9: {  	v3 =	vbroadcast v5, $0x5;
	v10 =	vld [tilespmem:s26+$0x80]  }
0x2da: {  	v5 =	vbroadcast v5, $0x3;
	v6 =	vadd.f32 v6, v9;
	v8 =	vmul.f32 v8, v1  }
0x2db: {  	v9 =	vld [tilespmem:s26+$0x100]  }
0x2dc: {  	v7 =	vmul.f32 v7, v5;
	v6 =	vadd.f32 v8, v6;
	_ =	sdelay $0x1  }
0x2dd: {  	v6 =	vadd.f32 v7, v6;
	v7 =	vmul.f32 v10, v0;
	_ =	sdelay $0x1  }
0x2de: {  	v6 =	vadd.f32 v7, v6;
	v7 =	vmul.f32 v9, v3;
	_ =	sdelay $0x1  }
0x2df: {  	v6 =	vadd.f32 v7, v6;
	_ =	sdelay $0x1  }
0x2e0: {  	[tilespmem:s28+$0xFFFFFFC0] =	vst v6  }
0x2e1: {  	v6 =	vld [tilespmem:s26+$0xFFFFFE90]  }
0x2e2: {  	v7 =	vld [tilespmem:s26+$0xFFFFFF10];
	_ =	sdelay $0x1  }
0x2e3: {  	v8 =	vld [tilespmem:s26+$0xFFFFFF90];
	_ =	sdelay $0x1  }
0x2e4: {  	v6 =	vmul.f32 v6, v4;
	v9 =	vld [tilespmem:s26+$0x10]  }
0x2e5: {  	v7 =	vmul.f32 v7, v2  }
0x2e6: {  	v10 =	vld [tilespmem:s26+$0x90]  }
0x2e7: {  	v6 =	vadd.f32 v7, v6;
	v7 =	vmul.f32 v8, v1  }
0x2e8: {  	v8 =	vld [tilespmem:s26+$0x110]  }
0x2e9: {  	v6 =	vadd.f32 v7, v6;
	v7 =	vmul.f32 v9, v5;
	_ =	sdelay $0x1  }
0x2ea: {  	v6 =	vadd.f32 v7, v6;
	v7 =	vmul.f32 v10, v0;
	_ =	sdelay $0x1  }
0x2eb: {  	v6 =	vadd.f32 v7, v6;
	v7 =	vmul.f32 v8, v3;
	_ =	sdelay $0x1  }
0x2ec: {  	v6 =	vadd.f32 v7, v6;
	_ =	sdelay $0x1  }
0x2ed: {  	[tilespmem:s28+$0xFFFFFFD0] =	vst v6  }
0x2ee: {  	v6 =	vld [tilespmem:s26+$0xFFFFFEA0]  }
0x2ef: {  	v7 =	vld [tilespmem:s26+$0xFFFFFF20];
	_ =	sdelay $0x1  }
0x2f0: {  	v8 =	vld [tilespmem:s26+$0xFFFFFFA0];
	_ =	sdelay $0x1  }
0x2f1: {  	v6 =	vmul.f32 v6, v4;
	v9 =	vld [tilespmem:s26+$0x20]  }
0x2f2: {  	v7 =	vmul.f32 v7, v2  }
0x2f3: {  	v10 =	vld [tilespmem:s26+$0xA0]  }
0x2f4: {  	v6 =	vadd.f32 v7, v6;
	v7 =	vmul.f32 v8, v1  }
0x2f5: {  	v8 =	vld [tilespmem:s26+$0x120]  }
0x2f6: {  	v6 =	vadd.f32 v7, v6;
	v7 =	vmul.f32 v9, v5;
	_ =	sdelay $0x1  }
0x2f7: {  	v6 =	vadd.f32 v7, v6;
	v7 =	vmul.f32 v10, v0;
	_ =	sdelay $0x1  }
0x2f8: {  	v6 =	vadd.f32 v7, v6;
	v7 =	vmul.f32 v8, v3;
	_ =	sdelay $0x1  }
0x2f9: {  	v6 =	vadd.f32 v7, v6;
	_ =	sdelay $0x1  }
0x2fa: {  	[tilespmem:s28+$0xFFFFFFE0] =	vst v6  }
0x2fb: {  	v6 =	vld [tilespmem:s26+$0xFFFFFEB0]  }
0x2fc: {  	v7 =	vld [tilespmem:s26+$0xFFFFFF30];
	_ =	sdelay $0x1  }
0x2fd: {  	v8 =	vld [tilespmem:s26+$0xFFFFFFB0];
	_ =	sdelay $0x1  }
0x2fe: {  	v6 =	vmul.f32 v6, v4;
	v9 =	vld [tilespmem:s26+$0x30]  }
0x2ff: {  	v7 =	vmul.f32 v7, v2  }
0x300: {  	v10 =	vld [tilespmem:s26+$0xB0]  }
0x301: {  	v6 =	vadd.f32 v7, v6;
	v7 =	vmul.f32 v8, v1  }
0x302: {  	v8 =	vld [tilespmem:s26+$0x130]  }
0x303: {  	v6 =	vadd.f32 v7, v6;
	v7 =	vmul.f32 v9, v5;
	_ =	sdelay $0x1  }
0x304: {  	v6 =	vadd.f32 v7, v6;
	v7 =	vmul.f32 v10, v0;
	_ =	sdelay $0x1  }
0x305: {  	v6 =	vadd.f32 v7, v6;
	v7 =	vmul.f32 v8, v3;
	_ =	sdelay $0x1  }
0x306: {  	v6 =	vadd.f32 v7, v6;
	_ =	sdelay $0x1  }
0x307: {  	[tilespmem:s28+$0xFFFFFFF0] =	vst v6  }
0x308: {  	v6 =	vld [tilespmem:s26+$0xFFFFFEC0]  }
0x309: {  	v7 =	vld [tilespmem:s26+$0xFFFFFF40];
	_ =	sdelay $0x1  }
0x30a: {  	v8 =	vld [tilespmem:s26+$0xFFFFFFC0];
	_ =	sdelay $0x1  }
0x30b: {  	v6 =	vmul.f32 v6, v4;
	v9 =	vld [tilespmem:s26+$0x40]  }
0x30c: {  	v7 =	vmul.f32 v7, v2  }
0x30d: {  	v10 =	vld [tilespmem:s26+$0xC0]  }
0x30e: {  	v6 =	vadd.f32 v7, v6;
	v7 =	vmul.f32 v8, v1  }
0x30f: {  	v8 =	vld [tilespmem:s26+$0x140]  }
0x310: {  	v6 =	vadd.f32 v7, v6;
	v7 =	vmul.f32 v9, v5;
	_ =	sdelay $0x1  }
0x311: {  	v6 =	vadd.f32 v7, v6;
	v7 =	vmul.f32 v10, v0;
	_ =	sdelay $0x1  }
0x312: {  	v6 =	vadd.f32 v7, v6;
	v7 =	vmul.f32 v8, v3;
	_ =	sdelay $0x1  }
0x313: {  	v6 =	vadd.f32 v7, v6;
	_ =	sdelay $0x1  }
0x314: {  	[tilespmem:s28+$0x0] =	vst v6  }
0x315: {  	v6 =	vld [tilespmem:s26+$0xFFFFFF50]  }
0x316: {  	v7 =	vld [tilespmem:s26+$0xFFFFFED0]  }
0x317: {  	v8 =	vld [tilespmem:s26+$0xFFFFFFD0]  }
0x318: {  	v9 =	vld [tilespmem:s26+$0x50]  }
0x319: {  	v10 =	vld [tilespmem:s26+$0xD0]  }
0x31a: {  	v6 =	vmul.f32 v6, v2;
	v11 =	vld [tilespmem:s26+$0x150]  }
0x31b: {  	v7 =	vmul.f32 v7, v4  }
0x31c: {  	v8 =	vmul.f32 v8, v1  }
0x31d: {  	v6 =	vadd.f32 v6, v7;
	v7 =	vmul.f32 v9, v5  }
0x31e: {  	v9 =	vmul.f32 v10, v0  }
0x31f: {  	v6 =	vadd.f32 v8, v6;
	v8 =	vmul.f32 v11, v3;
	_ =	sdelay $0x1  }
0x320: {  	v6 =	vadd.f32 v7, v6;
	_ =	sdelay $0x1  }
0x321: {  	v6 =	vadd.f32 v9, v6;
	_ =	sdelay $0x1  }
0x322: {  	v6 =	vadd.f32 v8, v6;
	_ =	sdelay $0x1  }
0x323: {  	[tilespmem:s28+$0x10] =	vst v6  }
0x324: {  	v6 =	vld [tilespmem:s26+$0xFFFFFEE0]  }
0x325: {  	v7 =	vld [tilespmem:s26+$0xFFFFFF60]  }
0x326: {  	v8 =	vld [tilespmem:s26+$0xFFFFFFE0]  }
0x327: {  	v9 =	vld [tilespmem:s26+$0x60]  }
0x328: {  	v10 =	vld [tilespmem:s26+$0xE0]  }
0x329: {  	v6 =	vmul.f32 v6, v4;
	v11 =	vld [tilespmem:s26+$0x160]  }
0x32a: {  	v7 =	vmul.f32 v7, v2  }
0x32b: {  	v8 =	vmul.f32 v8, v1  }
0x32c: {  	v6 =	vadd.f32 v7, v6;
	v7 =	vmul.f32 v9, v5  }
0x32d: {  	v9 =	vmul.f32 v10, v0  }
0x32e: {  	v6 =	vadd.f32 v8, v6;
	v8 =	vmul.f32 v11, v3;
	_ =	sdelay $0x1  }
0x32f: {  	v6 =	vadd.f32 v7, v6;
	_ =	sdelay $0x1  }
0x330: {  	v6 =	vadd.f32 v9, v6;
	_ =	sdelay $0x1  }
0x331: {  	v6 =	vadd.f32 v8, v6;
	_ =	sdelay $0x1  }
0x332: {  	[tilespmem:s28+$0x20] =	vst v6  }
.Ltmp10:
0x333: {  	v10 =	vld [tilespmem:s26+$0xFFFFFEF0];
	(pc) =	sbr.rel @p4 .LBB2_13-.Ltmp10, $4  }
0x334: {  	v9 =	vld [tilespmem:s26+$0xFFFFFF70]  }
0x335: {  	v8 =	vld [tilespmem:s26+$0xFFFFFFF0]  }
0x336: {  	v6 =	vld [tilespmem:s26+$0x70]  }
0x337: {  	v7 =	vld [tilespmem:s26+$0xF0]  }
0x338: {  	_ = 	snop  }
0x339: {  	v4 =	vmul.f32 v10, v4;
	v2 =	vmul.f32 v9, v2;
	_ =	sdelay $0x1  }
0x33a: {  	v1 =	vmul.f32 v8, v1;
	v2 =	vadd.f32 v2, v4  }
0x33b: {  	v62 =	vld [tilespmem:s26+$0x170]  }
0x33c: {  	v5 =	vmul.f32 v6, v5;
	v1 =	vadd.f32 v1, v2;
	_ =	sdelay $0x1  }
0x33d: {  	v0 =	vmul.f32 v7, v0;
	v1 =	vadd.f32 v5, v1;
	_ =	sdelay $0x1  }
0x33e: {  	v63 =	vmul.f32 v62, v3;
	v0 =	vadd.f32 v0, v1;
	_ =	sdelay $0x1  }
0x33f: {  	s15 =	smul.u32 $0x280, s25;
	v0 =	vadd.f32 v63, v0;
	_ =	sdelay $0x1  }
0x340: {  	s31 =	sadd.s32 s8, s15;
	[tilespmem:s0+$0x30] =	vst v0  }
0x341: {  	[hbm4b:s31+s5] =	stream.linear.scatter [tilespmem:s21], [sflag:$0x4], $0x1400, $0x38;
	[tilespmem:$0x14800] =	vst v63  }
.LBB2_15:
0x342: {  	p4 =	por @p1 $0x0, $0x0;
	p3 =	por @!p3 $0x1, $0x1;
	p2 =	por !p2, !p1  }
0x343: {  	p3 =	por @!p2 p4, p4;
	p2 =	por @!p1 $0x0, $0x0  }
0x344: {  	p3 =	por @!p1 p2, p2  }
.Ltmp11:
0x345: {  	_ = 	snop;
	(pc) =	sbr.rel @!p3 .LBB2_19-.Ltmp11, $1  }
0x346: {  	_ =	sdelay $0x3  }
0x347: {  	_ =	swait.ge [sflag:s20], $0x8C00  }
0x348: {  	[sflag:s20] =	ssyncset.done $0x0  }
0x349: {  	s0 =	simm.s32 $0x0;
	[sflag:s20] =	ssyncadd.s32 $0xFFFF7400  }
0x34a: {  	s26 =	simm.s32 $0x90C0;
	v4 =	vld [tilespmem:s0+$0x11D80]  }
0x34b: {  	v1 =	vld [tilespmem:s26+$0xFFFFFEC0]  }
0x34c: {  	v3 =	vld [tilespmem:s26+$0xFFFFFE40];
	_ =	sdelay $0x1  }
0x34d: {  	v6 =	vld [tilespmem:s26+$0xFFFFFF40]  }
0x34e: {  	v5 =	vbroadcast v4, $0x0;
	v2 =	vbroadcast v4, $0x1  }
0x34f: {  	v7 =	vld [tilespmem:s26+$0xFFFFFFC0];
	v0 =	vbroadcast v4, $0x2  }
0x350: {  	v3 =	vmul.f32 v3, v5;
	v1 =	vmul.f32 v1, v2  }
0x351: {  	v8 =	vld [tilespmem:s26+$0x40]  }
0x352: {  	v9 =	vmul.f32 v6, v0;
	v6 =	vbroadcast v4, $0x3;
	v3 =	vadd.f32 v1, v3  }
0x353: {  	v10 =	vld [tilespmem:s26+$0xC0]  }
0x354: {  	v1 =	vbroadcast v4, $0x4;
	v7 =	vmul.f32 v7, v6;
	v9 =	vadd.f32 v9, v3  }
0x355: {  	v11 =	vld [tilespmem:s26+$0x140]  }
0x356: {  	v3 =	vbroadcast v4, $0x5;
	v8 =	vmul.f32 v8, v1;
	v7 =	vadd.f32 v7, v9;
	_ =	sdelay $0x1  }
0x357: {  	v4 =	vbroadcast v4, $0x6;
	v7 =	vadd.f32 v8, v7;
	v8 =	vmul.f32 v10, v3;
	_ =	sdelay $0x1  }
0x358: {  	v7 =	vadd.f32 v8, v7;
	v8 =	vmul.f32 v11, v4;
	_ =	sdelay $0x1  }
0x359: {  	v7 =	vadd.f32 v8, v7  }
0x35a: {  	s28 =	simm.s32 $0x13440  }
0x35b: {  	[tilespmem:s28+$0xFFFFFFC0] =	vst v7  }
0x35c: {  	v7 =	vld [tilespmem:s26+$0xFFFFFE50]  }
0x35d: {  	v8 =	vld [tilespmem:s26+$0xFFFFFED0];
	_ =	sdelay $0x1  }
0x35e: {  	v36 =	vld [tilespmem:s26+$0xFFFFFF50];
	_ =	sdelay $0x1  }
0x35f: {  	v37 =	vld [tilespmem:s26+$0xFFFFFFD0]  }
0x360: {  	v7 =	vmul.f32 v7, v5;
	v8 =	vmul.f32 v8, v2  }
0x361: {  	v38 =	vld [tilespmem:s26+$0x50]  }
0x362: {  	v7 =	vadd.f32 v8, v7;
	v8 =	vmul.f32 v36, v0  }
0x363: {  	v39 =	vld [tilespmem:s26+$0xD0]  }
0x364: {  	v7 =	vadd.f32 v8, v7;
	v8 =	vmul.f32 v37, v6  }
0x365: {  	v40 =	vld [tilespmem:s26+$0x150]  }
0x366: {  	v7 =	vadd.f32 v8, v7;
	v8 =	vmul.f32 v38, v1;
	_ =	sdelay $0x1  }
0x367: {  	v7 =	vadd.f32 v8, v7;
	v8 =	vmul.f32 v39, v3;
	_ =	sdelay $0x1  }
0x368: {  	v7 =	vadd.f32 v8, v7;
	v8 =	vmul.f32 v40, v4;
	_ =	sdelay $0x1  }
0x369: {  	v7 =	vadd.f32 v8, v7;
	_ =	sdelay $0x1  }
0x36a: {  	[tilespmem:s28+$0xFFFFFFD0] =	vst v7  }
0x36b: {  	v7 =	vld [tilespmem:s26+$0xFFFFFE60]  }
0x36c: {  	v8 =	vld [tilespmem:s26+$0xFFFFFEE0];
	_ =	sdelay $0x1  }
0x36d: {  	v41 =	vld [tilespmem:s26+$0xFFFFFF60];
	_ =	sdelay $0x1  }
0x36e: {  	v42 =	vld [tilespmem:s26+$0xFFFFFFE0]  }
0x36f: {  	v7 =	vmul.f32 v7, v5;
	v8 =	vmul.f32 v8, v2  }
0x370: {  	v43 =	vld [tilespmem:s26+$0x60]  }
0x371: {  	v7 =	vadd.f32 v8, v7;
	v8 =	vmul.f32 v41, v0  }
0x372: {  	v44 =	vld [tilespmem:s26+$0xE0]  }
0x373: {  	v7 =	vadd.f32 v8, v7;
	v8 =	vmul.f32 v42, v6  }
0x374: {  	v45 =	vld [tilespmem:s26+$0x160]  }
0x375: {  	v7 =	vadd.f32 v8, v7;
	v8 =	vmul.f32 v43, v1;
	_ =	sdelay $0x1  }
0x376: {  	v7 =	vadd.f32 v8, v7;
	v8 =	vmul.f32 v44, v3;
	_ =	sdelay $0x1  }
0x377: {  	v7 =	vadd.f32 v8, v7;
	v8 =	vmul.f32 v45, v4;
	_ =	sdelay $0x1  }
0x378: {  	v7 =	vadd.f32 v8, v7;
	_ =	sdelay $0x1  }
0x379: {  	[tilespmem:s28+$0xFFFFFFE0] =	vst v7  }
0x37a: {  	v7 =	vld [tilespmem:s26+$0xFFFFFE70]  }
0x37b: {  	v8 =	vld [tilespmem:s26+$0xFFFFFEF0];
	_ =	sdelay $0x1  }
0x37c: {  	v46 =	vld [tilespmem:s26+$0xFFFFFF70];
	_ =	sdelay $0x1  }
0x37d: {  	v47 =	vld [tilespmem:s26+$0xFFFFFFF0]  }
0x37e: {  	v7 =	vmul.f32 v7, v5;
	v8 =	vmul.f32 v8, v2  }
0x37f: {  	v48 =	vld [tilespmem:s26+$0x70]  }
0x380: {  	v7 =	vadd.f32 v8, v7;
	v8 =	vmul.f32 v46, v0  }
0x381: {  	v49 =	vld [tilespmem:s26+$0xF0]  }
0x382: {  	v7 =	vadd.f32 v8, v7;
	v8 =	vmul.f32 v47, v6  }
0x383: {  	v50 =	vld [tilespmem:s26+$0x170]  }
0x384: {  	v7 =	vadd.f32 v8, v7;
	v8 =	vmul.f32 v48, v1;
	_ =	sdelay $0x1  }
0x385: {  	v7 =	vadd.f32 v8, v7;
	v8 =	vmul.f32 v49, v3;
	_ =	sdelay $0x1  }
0x386: {  	v7 =	vadd.f32 v8, v7;
	v8 =	vmul.f32 v50, v4;
	_ =	sdelay $0x1  }
0x387: {  	v7 =	vadd.f32 v8, v7;
	_ =	sdelay $0x1  }
0x388: {  	[tilespmem:s28+$0xFFFFFFF0] =	vst v7  }
0x389: {  	v7 =	vld [tilespmem:s26+$0xFFFFFE80]  }
0x38a: {  	v8 =	vld [tilespmem:s26+$0xFFFFFF00];
	_ =	sdelay $0x1  }
0x38b: {  	v51 =	vld [tilespmem:s26+$0xFFFFFF80];
	_ =	sdelay $0x1  }
0x38c: {  	v52 =	vld [tilespmem:s26+$0x0]  }
0x38d: {  	v7 =	vmul.f32 v7, v5;
	v8 =	vmul.f32 v8, v2  }
0x38e: {  	v53 =	vld [tilespmem:s26+$0x80]  }
0x38f: {  	v7 =	vadd.f32 v8, v7;
	v8 =	vmul.f32 v51, v0  }
0x390: {  	v54 =	vld [tilespmem:s26+$0x100]  }
0x391: {  	v7 =	vadd.f32 v8, v7;
	v8 =	vmul.f32 v52, v6  }
0x392: {  	v55 =	vld [tilespmem:s26+$0x180]  }
0x393: {  	v7 =	vadd.f32 v8, v7;
	v8 =	vmul.f32 v53, v1;
	_ =	sdelay $0x1  }
0x394: {  	v7 =	vadd.f32 v8, v7;
	v8 =	vmul.f32 v54, v3;
	_ =	sdelay $0x1  }
0x395: {  	v7 =	vadd.f32 v8, v7;
	v8 =	vmul.f32 v55, v4;
	_ =	sdelay $0x1  }
0x396: {  	v7 =	vadd.f32 v8, v7;
	_ =	sdelay $0x1  }
0x397: {  	[tilespmem:s28+$0x0] =	vst v7  }
0x398: {  	v7 =	vld [tilespmem:s26+$0xFFFFFE90]  }
0x399: {  	v8 =	vld [tilespmem:s26+$0xFFFFFF10];
	_ =	sdelay $0x1  }
0x39a: {  	v56 =	vld [tilespmem:s26+$0xFFFFFF90];
	_ =	sdelay $0x1  }
0x39b: {  	v57 =	vld [tilespmem:s26+$0x10]  }
0x39c: {  	v7 =	vmul.f32 v7, v5;
	v8 =	vmul.f32 v8, v2  }
0x39d: {  	v58 =	vld [tilespmem:s26+$0x90]  }
0x39e: {  	v9 =	vmul.f32 v56, v0;
	v7 =	vadd.f32 v8, v7  }
0x39f: {  	v8 =	vld [tilespmem:s26+$0x110]  }
0x3a0: {  	v10 =	vmul.f32 v57, v6;
	v7 =	vadd.f32 v9, v7  }
0x3a1: {  	v59 =	vld [tilespmem:s26+$0x190]  }
0x3a2: {  	v11 =	vmul.f32 v58, v1;
	v7 =	vadd.f32 v10, v7;
	_ =	sdelay $0x1  }
0x3a3: {  	v8 =	vmul.f32 v8, v3;
	v7 =	vadd.f32 v11, v7;
	_ =	sdelay $0x1  }
0x3a4: {  	v9 =	vmul.f32 v59, v4;
	v7 =	vadd.f32 v8, v7;
	_ =	sdelay $0x1  }
0x3a5: {  	v7 =	vadd.f32 v9, v7;
	_ =	sdelay $0x1  }
0x3a6: {  	[tilespmem:s28+$0x10] =	vst v7  }
0x3a7: {  	v7 =	vld [tilespmem:s26+$0xFFFFFEA0]  }
0x3a8: {  	v8 =	vld [tilespmem:s26+$0xFFFFFF20];
	_ =	sdelay $0x1  }
0x3a9: {  	v60 =	vld [tilespmem:s26+$0xFFFFFFA0];
	_ =	sdelay $0x1  }
0x3aa: {  	v61 =	vld [tilespmem:s26+$0x20]  }
0x3ab: {  	v7 =	vmul.f32 v7, v5;
	v8 =	vmul.f32 v8, v2  }
0x3ac: {  	v62 =	vld [tilespmem:s26+$0xA0]  }
0x3ad: {  	v9 =	vmul.f32 v60, v0;
	v7 =	vadd.f32 v8, v7  }
0x3ae: {  	v8 =	vld [tilespmem:s26+$0x120]  }
0x3af: {  	v10 =	vmul.f32 v61, v6;
	v7 =	vadd.f32 v9, v7  }
0x3b0: {  	v63 =	vld [tilespmem:s26+$0x1A0]  }
0x3b1: {  	v11 =	vmul.f32 v62, v1;
	v7 =	vadd.f32 v10, v7;
	_ =	sdelay $0x1  }
0x3b2: {  	v8 =	vmul.f32 v8, v3;
	v7 =	vadd.f32 v11, v7;
	_ =	sdelay $0x1  }
0x3b3: {  	v9 =	vmul.f32 v63, v4;
	v7 =	vadd.f32 v8, v7;
	_ =	sdelay $0x1  }
0x3b4: {  	v7 =	vadd.f32 v9, v7  }
0x3b5: {  	s15 =	simm.s32 $0x13440;
	s29 =	simm.s32 $0x90C0;
	s0 =	simm.s32 $0x40  }
.LBB2_17:
0x3b6: {  	p1 =	sne.s32 s0, $0x9C0;
	[tilespmem:s28+$0x20] =	vst v7;
	s15 =	sadd.s32 $0x80, s15;
	s26 =	sadd.s32 $0x380, s26  }
0x3b7: {  	s16 =	smov.u32 s0;
	s0 =	sadd.s32 $0x40, s0;
	v7 =	vld [tilespmem:s29+$0xFFFFFEB0]  }
0x3b8: {  	v8 =	vld [tilespmem:s29+$0xFFFFFF30]  }
0x3b9: {  	v9 =	vld [tilespmem:s29+$0xFFFFFFB0]  }
0x3ba: {  	v10 =	vld [tilespmem:s29+$0x30]  }
0x3bb: {  	v11 =	vld [tilespmem:s29+$0xB0]  }
0x3bc: {  	v5 =	vmul.f32 v7, v5;
	v7 =	vld [tilespmem:s29+$0x130]  }
0x3bd: {  	s16 =	sshra.s32 s16, $0x2;
	v2 =	vmul.f32 v8, v2;
	v8 =	vld [tilespmem:s29+$0x1B0];
	s29 =	smov.u32 s26  }
0x3be: {  	v0 =	vmul.f32 v9, v0  }
0x3bf: {  	v2 =	vadd.f32 v2, v5;
	v5 =	vmul.f32 v10, v6  }
0x3c0: {  	v1 =	vmul.f32 v11, v1  }
0x3c1: {  	v0 =	vadd.f32 v0, v2;
	v2 =	vmul.f32 v7, v3  }
0x3c2: {  	v3 =	vmul.f32 v8, v4  }
0x3c3: {  	v0 =	vadd.f32 v5, v0;
	_ =	sdelay $0x1  }
0x3c4: {  	v0 =	vadd.f32 v1, v0;
	_ =	sdelay $0x1  }
0x3c5: {  	v0 =	vadd.f32 v2, v0;
	_ =	sdelay $0x1  }
0x3c6: {  	v0 =	vadd.f32 v3, v0;
	_ =	sdelay $0x1  }
0x3c7: {  	[tilespmem:s28+$0x30] =	vst v0;
	s28 =	smov.u32 s15  }
0x3c8: {  	v6 =	vld [tilespmem:s16+$0x11D80]  }
0x3c9: {  	v3 =	vld [tilespmem:s26+$0xFFFFFEC0]  }
0x3ca: {  	v4 =	vld [tilespmem:s26+$0xFFFFFE40];
	_ =	sdelay $0x1  }
0x3cb: {  	v7 =	vld [tilespmem:s26+$0xFFFFFF40]  }
0x3cc: {  	v5 =	vbroadcast v6, $0x0;
	v2 =	vbroadcast v6, $0x1  }
0x3cd: {  	v0 =	vbroadcast v6, $0x2;
	v1 =	vbroadcast v6, $0x4;
	v8 =	vld [tilespmem:s26+$0xFFFFFFC0]  }
0x3ce: {  	v9 =	vmul.f32 v4, v5;
	v10 =	vmul.f32 v3, v2  }
0x3cf: {  	v3 =	vbroadcast v6, $0x5;
	v4 =	vbroadcast v6, $0x6;
	v11 =	vld [tilespmem:s26+$0x40]  }
0x3d0: {  	v6 =	vbroadcast v6, $0x3;
	v9 =	vadd.f32 v10, v9;
	v7 =	vmul.f32 v7, v0  }
0x3d1: {  	v10 =	vld [tilespmem:s26+$0xC0]  }
0x3d2: {  	v7 =	vadd.f32 v7, v9;
	v8 =	vmul.f32 v8, v6  }
0x3d3: {  	v9 =	vld [tilespmem:s26+$0x140]  }
0x3d4: {  	v7 =	vadd.f32 v8, v7;
	v8 =	vmul.f32 v11, v1;
	_ =	sdelay $0x1  }
0x3d5: {  	v7 =	vadd.f32 v8, v7;
	v8 =	vmul.f32 v10, v3;
	_ =	sdelay $0x1  }
0x3d6: {  	v7 =	vadd.f32 v8, v7;
	v8 =	vmul.f32 v9, v4;
	_ =	sdelay $0x1  }
0x3d7: {  	v7 =	vadd.f32 v8, v7;
	_ =	sdelay $0x1  }
0x3d8: {  	[tilespmem:s15+$0xFFFFFFC0] =	vst v7  }
0x3d9: {  	v7 =	vld [tilespmem:s26+$0xFFFFFE50]  }
0x3da: {  	v8 =	vld [tilespmem:s26+$0xFFFFFED0];
	_ =	sdelay $0x1  }
0x3db: {  	v9 =	vld [tilespmem:s26+$0xFFFFFF50];
	_ =	sdelay $0x1  }
0x3dc: {  	v7 =	vmul.f32 v7, v5;
	v10 =	vld [tilespmem:s26+$0xFFFFFFD0]  }
0x3dd: {  	v8 =	vmul.f32 v8, v2  }
0x3de: {  	v11 =	vld [tilespmem:s26+$0x50]  }
0x3df: {  	v7 =	vadd.f32 v8, v7;
	v8 =	vmul.f32 v9, v0  }
0x3e0: {  	v9 =	vld [tilespmem:s26+$0xD0]  }
0x3e1: {  	v7 =	vadd.f32 v8, v7;
	v8 =	vmul.f32 v10, v6  }
0x3e2: {  	v10 =	vld [tilespmem:s26+$0x150]  }
0x3e3: {  	v7 =	vadd.f32 v8, v7;
	v8 =	vmul.f32 v11, v1;
	_ =	sdelay $0x1  }
0x3e4: {  	v7 =	vadd.f32 v8, v7;
	v8 =	vmul.f32 v9, v3;
	_ =	sdelay $0x1  }
0x3e5: {  	v7 =	vadd.f32 v8, v7;
	v8 =	vmul.f32 v10, v4;
	_ =	sdelay $0x1  }
0x3e6: {  	v7 =	vadd.f32 v8, v7;
	_ =	sdelay $0x1  }
0x3e7: {  	[tilespmem:s15+$0xFFFFFFD0] =	vst v7  }
0x3e8: {  	v7 =	vld [tilespmem:s26+$0xFFFFFE60]  }
0x3e9: {  	v8 =	vld [tilespmem:s26+$0xFFFFFEE0];
	_ =	sdelay $0x1  }
0x3ea: {  	v9 =	vld [tilespmem:s26+$0xFFFFFF60];
	_ =	sdelay $0x1  }
0x3eb: {  	v7 =	vmul.f32 v7, v5;
	v10 =	vld [tilespmem:s26+$0xFFFFFFE0]  }
0x3ec: {  	v8 =	vmul.f32 v8, v2  }
0x3ed: {  	v11 =	vld [tilespmem:s26+$0x60]  }
0x3ee: {  	v7 =	vadd.f32 v8, v7;
	v8 =	vmul.f32 v9, v0  }
0x3ef: {  	v9 =	vld [tilespmem:s26+$0xE0]  }
0x3f0: {  	v7 =	vadd.f32 v8, v7;
	v8 =	vmul.f32 v10, v6  }
0x3f1: {  	v10 =	vld [tilespmem:s26+$0x160]  }
0x3f2: {  	v7 =	vadd.f32 v8, v7;
	v8 =	vmul.f32 v11, v1;
	_ =	sdelay $0x1  }
0x3f3: {  	v7 =	vadd.f32 v8, v7;
	v8 =	vmul.f32 v9, v3;
	_ =	sdelay $0x1  }
0x3f4: {  	v7 =	vadd.f32 v8, v7;
	v8 =	vmul.f32 v10, v4;
	_ =	sdelay $0x1  }
0x3f5: {  	v7 =	vadd.f32 v8, v7;
	_ =	sdelay $0x1  }
0x3f6: {  	[tilespmem:s15+$0xFFFFFFE0] =	vst v7  }
0x3f7: {  	v7 =	vld [tilespmem:s26+$0xFFFFFE70]  }
0x3f8: {  	v8 =	vld [tilespmem:s26+$0xFFFFFEF0];
	_ =	sdelay $0x1  }
0x3f9: {  	v9 =	vld [tilespmem:s26+$0xFFFFFF70];
	_ =	sdelay $0x1  }
0x3fa: {  	v7 =	vmul.f32 v7, v5;
	v10 =	vld [tilespmem:s26+$0xFFFFFFF0]  }
0x3fb: {  	v8 =	vmul.f32 v8, v2  }
0x3fc: {  	v11 =	vld [tilespmem:s26+$0x70]  }
0x3fd: {  	v7 =	vadd.f32 v8, v7;
	v8 =	vmul.f32 v9, v0  }
0x3fe: {  	v9 =	vld [tilespmem:s26+$0xF0]  }
0x3ff: {  	v7 =	vadd.f32 v8, v7;
	v8 =	vmul.f32 v10, v6  }
0x400: {  	v10 =	vld [tilespmem:s26+$0x170]  }
0x401: {  	v7 =	vadd.f32 v8, v7;
	v8 =	vmul.f32 v11, v1;
	_ =	sdelay $0x1  }
0x402: {  	v7 =	vadd.f32 v8, v7;
	v8 =	vmul.f32 v9, v3;
	_ =	sdelay $0x1  }
0x403: {  	v7 =	vadd.f32 v8, v7;
	v8 =	vmul.f32 v10, v4;
	_ =	sdelay $0x1  }
0x404: {  	v7 =	vadd.f32 v8, v7;
	_ =	sdelay $0x1  }
0x405: {  	[tilespmem:s15+$0xFFFFFFF0] =	vst v7  }
0x406: {  	v7 =	vld [tilespmem:s26+$0xFFFFFE80]  }
0x407: {  	v8 =	vld [tilespmem:s26+$0xFFFFFF00];
	_ =	sdelay $0x1  }
0x408: {  	v9 =	vld [tilespmem:s26+$0xFFFFFF80];
	_ =	sdelay $0x1  }
0x409: {  	v7 =	vmul.f32 v7, v5;
	v10 =	vld [tilespmem:s26+$0x0]  }
0x40a: {  	v8 =	vmul.f32 v8, v2  }
0x40b: {  	v11 =	vld [tilespmem:s26+$0x80]  }
0x40c: {  	v7 =	vadd.f32 v8, v7;
	v8 =	vmul.f32 v9, v0  }
0x40d: {  	v9 =	vld [tilespmem:s26+$0x100]  }
0x40e: {  	v7 =	vadd.f32 v8, v7;
	v8 =	vmul.f32 v10, v6  }
0x40f: {  	v10 =	vld [tilespmem:s26+$0x180]  }
0x410: {  	v7 =	vadd.f32 v8, v7;
	v8 =	vmul.f32 v11, v1;
	_ =	sdelay $0x1  }
0x411: {  	v7 =	vadd.f32 v8, v7;
	v8 =	vmul.f32 v9, v3;
	_ =	sdelay $0x1  }
0x412: {  	v7 =	vadd.f32 v8, v7;
	v8 =	vmul.f32 v10, v4;
	_ =	sdelay $0x1  }
0x413: {  	v7 =	vadd.f32 v8, v7;
	_ =	sdelay $0x1  }
0x414: {  	[tilespmem:s15+$0x0] =	vst v7  }
0x415: {  	v7 =	vld [tilespmem:s26+$0xFFFFFE90]  }
0x416: {  	v8 =	vld [tilespmem:s26+$0xFFFFFF10]  }
0x417: {  	v9 =	vld [tilespmem:s26+$0xFFFFFF90]  }
0x418: {  	v10 =	vld [tilespmem:s26+$0x10]  }
0x419: {  	v11 =	vld [tilespmem:s26+$0x90]  }
0x41a: {  	v7 =	vmul.f32 v7, v5;
	v12 =	vld [tilespmem:s26+$0x110]  }
0x41b: {  	v8 =	vmul.f32 v8, v2;
	v13 =	vld [tilespmem:s26+$0x190]  }
0x41c: {  	v9 =	vmul.f32 v9, v0  }
0x41d: {  	v7 =	vadd.f32 v8, v7;
	v8 =	vmul.f32 v10, v6  }
0x41e: {  	v10 =	vmul.f32 v11, v1  }
0x41f: {  	v7 =	vadd.f32 v9, v7;
	v9 =	vmul.f32 v12, v3  }
0x420: {  	v11 =	vmul.f32 v13, v4  }
0x421: {  	v7 =	vadd.f32 v8, v7;
	_ =	sdelay $0x1  }
0x422: {  	v7 =	vadd.f32 v10, v7;
	_ =	sdelay $0x1  }
0x423: {  	v7 =	vadd.f32 v9, v7;
	_ =	sdelay $0x1  }
0x424: {  	v7 =	vadd.f32 v11, v7;
	_ =	sdelay $0x1  }
0x425: {  	[tilespmem:s15+$0x10] =	vst v7  }
0x426: {  	v7 =	vld [tilespmem:s26+$0xFFFFFEA0]  }
0x427: {  	v8 =	vld [tilespmem:s26+$0xFFFFFF20]  }
0x428: {  	v9 =	vld [tilespmem:s26+$0xFFFFFFA0]  }
0x429: {  	v10 =	vld [tilespmem:s26+$0x20]  }
0x42a: {  	v11 =	vld [tilespmem:s26+$0xA0]  }
0x42b: {  	v7 =	vmul.f32 v7, v5;
	v12 =	vld [tilespmem:s26+$0x120]  }
0x42c: {  	v8 =	vmul.f32 v8, v2;
	v13 =	vld [tilespmem:s26+$0x1A0]  }
0x42d: {  	v9 =	vmul.f32 v9, v0  }
0x42e: {  	v7 =	vadd.f32 v8, v7;
	v8 =	vmul.f32 v10, v6  }
0x42f: {  	v10 =	vmul.f32 v11, v1  }
0x430: {  	v7 =	vadd.f32 v9, v7;
	v9 =	vmul.f32 v12, v3  }
0x431: {  	v11 =	vmul.f32 v13, v4  }
0x432: {  	v7 =	vadd.f32 v8, v7;
	_ =	sdelay $0x1  }
.Ltmp12:
0x433: {  	v7 =	vadd.f32 v10, v7;
	(pc) =	sbr.rel @p1 .LBB2_17-.Ltmp12, $3  }
0x434: {  	_ = 	snop  }
0x435: {  	v7 =	vadd.f32 v9, v7;
	_ =	sdelay $0x1  }
0x436: {  	v7 =	vadd.f32 v11, v7  }
.Ltmp13:
0x437: {  	_ = 	snop;
	(pc) =	sbr.rel .LBB2_18-.Ltmp13, $1  }
0x438: {  	_ =	sdelay $0x3  }
.LBB2_21:
0x439: {  	_ =	sfence.sel $0x180000  }
0x43a: {  	[bflag:$0x0] =	sbarrier.arrive $0xFFFF  }
0x43b: {  	_ =	strace $0x90000047  }
0x43c: {  	[bflag:$0x2] =	sbarrier.arrive $0xFFFF  }
0x43d: {  	s0 =	rddreg [dreg:$0x4]  }
0x43e: {  	s0 =	sadd.s32 @!p0 $0x100000, s0  }
0x43f: {  	[sflag:s0] =	ssyncadd.tile.s32 @!p0 $0x1;
	_ =	shalt  }
.Lfunc_end2:
_tile_overlayer_lowered:
.L_overlay_start_2:
0x440: {  	(tag) =	ssettag $0x2  }
0x441: {  	s0 =	rddreg [dreg:$0x0];
	s2 =	stileid.u32  }
0x442: {  	s1 =	rddreg [dreg:$0x1];
	p0 =	sne.s32 s2, $0x0  }
0x443: {  	s3 =	rddreg [dreg:$0x2];
	[bflag:$0x3] =	sbarrier.arrive $0xFFFF;
	s2 =	simm.s32 @!p0 $0x1C05  }
0x444: {  	[timem:s3], [sflag:s2] =	dma.local @!p0 [hbm:s0], s1  }
0x445: {  	s0 =	simm.s32 @!p0 $0x5  }
0x446: {  	_ =	swait.ge @!p0 [sflag:s0], s1  }
0x447: {  	s1 =	ssub.s32 @!p0 $0x0, s1;
	[sflag:s0] =	ssyncset.done @!p0 $0x0  }
0x448: {  	[sflag:s0] =	ssyncadd.s32 @!p0 s1  }
0x449: {  	[bflag:$0x3] =	sbarrier.arrive $0xFFFF  }
0x44a: {  	_ =	shalt  }

// kernel: kernel.7.cloned.1.call-start
scs
__scs_entry_jumppad:
0x0: {  	(pc) =	sbr.rel $0x88, $3  }
0x1: {  	(tag) =	ssettag $0x0;
	lr =	simm.s32 $0x1  }
0x2: {  	[smem:$0x3F9B] =	sst lr;
	_ =	strace $0xD0000000  }
0x3: {  	_ = 	snop  }
0x4: {  	_ = 	snop  }
0x5: {  	_ = 	snop  }
0x6: {  	_ = 	snop  }
0x7: {  	_ = 	snop  }
__scs_overlays_trampoline_lowered:
0x8: {  	[smem:$0x3FAA] =	sst s0  }
0x9: {  	[smem:$0x3FAB] =	sst s1  }
0xa: {  	[smem:$0x3FAC] =	sst s2  }
0xb: {  	[smem:$0x3FAD] =	sst s3  }
0xc: {  	[smem:$0x3FAE] =	sst s4  }
0xd: {  	[smem:$0x3FAF] =	sst s5  }
0xe: {  	[smem:$0x3FB0] =	sst s6  }
0xf: {  	[smem:$0x3FB1] =	sst s7  }
0x10: {  	[smem:$0x3FB2] =	sst s8  }
0x11: {  	[smem:$0x3FB3] =	sst s9;
	s0 =	simm.s32 @!p0 $0x0  }
0x12: {  	s1 =	sld [smem:$0x3F99];
	s0 =	simm.s32 @p0 $0x1  }
0x13: {  	[smem:$0x3FB4] =	sst s0;
	s0 =	simm.s32 @!p1 $0x0  }
0x14: {  	s2 =	sld [smem:$0x3F98];
	s0 =	simm.s32 @p1 $0x1  }
0x15: {  	[smem:$0x3FB5] =	sst s0;
	s0 =	simm.s32 @!p2 $0x0  }
0x16: {  	s3 =	sld [smem:$0x3FDB];
	s0 =	simm.s32 @p2 $0x1  }
0x17: {  	s4 =	simm.s32 $0x1BF5;
	[smem:$0x3FB7] =	sst s0  }
0x18: {  	s0 =	sld [smem:$0x3F9A];
	_ =	swait.ge [sflag:s4], $0x0  }
0x19: {  	s7 =	sld [smem:$0x3F9B]  }
0x1a: {  	s8 =	sadd.s32 $0xFFFFE003, lr  }
0x1b: {  	s9 =	sadd.s32 $0xFFFFFEF7, lr;
	s5 =	simm.s32 $0xFFFFFFFF;
	p2 =	slt.u32 s8, $0xFFFFF086  }
0x1c: {  	p1 =	slt.u32 s9, $0xF7A;
	s5 =	simm.s32 @!p2 $0x0  }
0x1d: {  	s5 =	simm.s32 @p1 $0x1;
	p0 =	seq.s32 s7, s2  }
0x1e: {  	s7 =	smul.u32 @!p0 $0xF7A, s2;
	p2 =	seq.s32 @!p0 s5, $0x0  }
0x1f: {  	s9 =	smul.u32 $0xF7A, s1;
	s8 =	simm.s32 @!p0 $0x1BF5;
	p2 =	por !p2, p0  }
0x20: {  	[sflag:s8] =	ssyncset.s32 @!p0 $0xFFFFF086;
	s6 =	sadd.s32 @!p0 s3, s7;
	s7 =	simm.s32 @!p0 $0x108  }
0x21: {  	s3 =	sadd.s32 s3, s9;
	s6 =	sadd.s32 @!p0 $0x88, s6;
	s7 =	simm.s32 @p2 $0x1082  }
0x22: {  	[simem:s7], [sflag:s8] =	dma.local @!p0 [hbm:s6], $0xF7A  }
0x23: {  	s9 =	sor.u32 $0xD0000000, s2;
	s6 =	simm.s32 $0x108;
	_ =	swait.ge @!p0 [sflag:s8], $0x0  }
0x24: {  	s3 =	sadd.s32 $0x88, s3;
	s6 =	simm.s32 @!p1 $0x1082;
	[sflag:s4] =	ssyncset.s32 $0xFFFFF086  }
0x25: {  	[simem:s6], [sflag:s4] =	dma.local [hbm:s3], $0xF7A  }
0x26: {  	[smem:$0x3F9B] =	sst s1;
	(tag) =	ssettag s2;
	_ =	strace s9  }
0x27: {  	s1 =	sld [smem:$0x3FAB]  }
0x28: {  	s2 =	sld [smem:$0x3FAC]  }
0x29: {  	s4 =	sld [smem:$0x3FAE]  }
0x2a: {  	p0 =	seq.s32 s5, $0x0;
	s5 =	sld [smem:$0x3FAF]  }
0x2b: {  	s6 =	sld [smem:$0x3FB0]  }
0x2c: {  	s7 =	sld [smem:$0x3FB1]  }
0x2d: {  	s3 =	simm.s32 $0x108;
	s8 =	sld [smem:$0x3FB2]  }
0x2e: {  	s3 =	simm.s32 @!p0 $0x1082;
	s9 =	sld [smem:$0x3FB3]  }
0x2f: {  	lr =	sadd.s32 s0, s3;
	s0 =	sld [smem:$0x3FAA]  }
0x30: {  	s3 =	sld [smem:$0x3FAD]  }
0x31: {  	[smem:$0x3FB6] =	sst s10  }
0x32: {  	s10 =	sld [smem:$0x3FB4];
	_ =	sdelay $0x3  }
0x33: {  	p0 =	seq.s32 s10, $0x1;
	s10 =	sld [smem:$0x3FB6];
	_ =	sdelay $0x3  }
0x34: {  	[smem:$0x3FB6] =	sst s10  }
0x35: {  	s10 =	sld [smem:$0x3FB5];
	_ =	sdelay $0x3  }
0x36: {  	p1 =	seq.s32 s10, $0x1;
	s10 =	sld [smem:$0x3FB6];
	_ =	sdelay $0x3  }
0x37: {  	[smem:$0x3FB6] =	sst s10  }
0x38: {  	s10 =	sld [smem:$0x3FB7]  }
0x39: {  	_ = 	snop;
	(pc) =	sbr.ind lr, $3  }
0x3a: {  	_ = 	snop  }
0x3b: {  	_ = 	snop  }
0x3c: {  	p2 =	seq.s32 s10, $0x1;
	s10 =	sld [smem:$0x3FB6]  }
0x3d: {  	_ =	shalt  }
0x3e: {  	_ =	shalt  }
0x3f: {  	_ =	shalt  }
0x40: {  	_ =	shalt  }
0x41: {  	_ =	shalt  }
0x42: {  	_ =	shalt  }
0x43: {  	_ =	shalt  }
0x44: {  	_ =	shalt  }
0x45: {  	_ =	shalt  }
0x46: {  	_ =	shalt  }
0x47: {  	_ =	shalt  }
0x48: {  	_ =	shalt  }
0x49: {  	_ =	shalt  }
0x4a: {  	_ =	shalt  }
0x4b: {  	_ =	shalt  }
0x4c: {  	_ =	shalt  }
0x4d: {  	_ =	shalt  }
0x4e: {  	_ =	shalt  }
0x4f: {  	_ =	shalt  }
0x50: {  	_ =	shalt  }
0x51: {  	_ =	shalt  }
0x52: {  	_ =	shalt  }
0x53: {  	_ =	shalt  }
0x54: {  	_ =	shalt  }
0x55: {  	_ =	shalt  }
0x56: {  	_ =	shalt  }
0x57: {  	_ =	shalt  }
0x58: {  	_ =	shalt  }
0x59: {  	_ =	shalt  }
0x5a: {  	_ =	shalt  }
0x5b: {  	_ =	shalt  }
0x5c: {  	_ =	shalt  }
0x5d: {  	_ =	shalt  }
0x5e: {  	_ =	shalt  }
0x5f: {  	_ =	shalt  }
0x60: {  	_ =	shalt  }
0x61: {  	_ =	shalt  }
0x62: {  	_ =	shalt  }
0x63: {  	_ =	shalt  }
0x64: {  	_ =	shalt  }
0x65: {  	_ =	shalt  }
0x66: {  	_ =	shalt  }
0x67: {  	_ =	shalt  }
0x68: {  	_ =	shalt  }
0x69: {  	_ =	shalt  }
0x6a: {  	_ =	shalt  }
0x6b: {  	_ =	shalt  }
0x6c: {  	_ =	shalt  }
0x6d: {  	_ =	shalt  }
0x6e: {  	_ =	shalt  }
0x6f: {  	_ =	shalt  }
0x70: {  	_ =	shalt  }
0x71: {  	_ =	shalt  }
0x72: {  	_ =	shalt  }
0x73: {  	_ =	shalt  }
0x74: {  	_ =	shalt  }
0x75: {  	_ =	shalt  }
0x76: {  	_ =	shalt  }
0x77: {  	_ =	shalt  }
0x78: {  	_ =	shalt  }
0x79: {  	_ =	shalt  }
0x7a: {  	_ =	shalt  }
0x7b: {  	_ =	shalt  }
0x7c: {  	_ =	shalt  }
0x7d: {  	_ =	shalt  }
0x7e: {  	_ =	shalt  }
0x7f: {  	_ =	shalt  }
0x80: {  	_ =	shalt  }
0x81: {  	_ =	shalt  }
0x82: {  	_ =	shalt  }
0x83: {  	_ =	shalt  }
0x84: {  	_ =	shalt  }
0x85: {  	_ =	shalt  }
0x86: {  	_ =	shalt  }
0x87: {  	_ =	shalt  }
.Lfunc_end0:
.L_simem_size_0:
called_computation.1_lowered:
.L_overlay_start_0:
0x88: {  	s2 =	sld [smem:$0x3FD9]  }
0x89: {  	s3 =	sld [smem:$0x3FFE];
	_ =	sdelay $0x1  }
0x8a: {  	s1 =	srdreg.scid  }
0x8b: {  	s0 =	sand.u32 $0x1, s1  }
0x8c: {  	s17 =	sshll.u32 s0, $0xA;
	s2 =	sadd.s32 s3, s2  }
0x8d: {  	s2 =	sadd.s32 s2, s17  }
0x8e: {  	[smem:$0x3FC2] =	sst s2  }
0x8f: {  	_ = 	snop  }
0x90: {  	s2 =	sld [smem:$0x3FC4]  }
0x91: {  	s18 =	sld [smem:$0x3FD0];
	(tm) =	ssettm $0x1  }
0x92: {  	s4 =	sld [smem:$0x3FFB];
	_ =	sdelay $0x3  }
0x93: {  	_ =	strace s4  }
0x94: {  	s4 =	sld [smem:$0x3FFC];
	_ =	sdelay $0x3  }
0x95: {  	_ =	strace s4  }
0x96: {  	s4 =	sld [smem:$0x3FFD];
	_ =	sdelay $0x3  }
0x97: {  	_ =	strace s4  }
0x98: {  	_ =	strace $0x8FFFFFFF  }
0x99: {  	s19 =	sld [smem:$0x3FDB];
	_ =	sdelay $0x1  }
0x9a: {  	s5 =	simm.s32 $_scs_section_size  }
0x9b: {  	s6 =	simm.s32 $_size__tile_overlayer_lowered;
	s7 =	simm.s32 $_tile_overlayer_lowered  }
0x9c: {  	s22 =	simm.s32 $0x1BFF;
	s21 =	sshll.u32 s7, $0x1;
	s4 =	sadd.s32 s5, s19  }
0x9d: {  	s8 =	simm.s32 $0x0;
	s20 =	sshll.u32 s6, $0x1;
	s6 =	sadd.s32 s21, s4  }
0x9e: {  	[timem:s8], [sflag:s22] =	dma.local [hbm:s6], s20  }
0x9f: {  	_ =	swait.ge [sflag:s22], s20  }
0xa0: {  	s5 =	ssub.s32 $0x0, s20;
	[sflag:s22] =	ssyncset.done $0x0  }
0xa1: {  	[sflag:s22] =	ssyncadd.s32 s5;
	_ =	sdelay $0x1  }
0xa2: {  	s23 =	simm.s32 $0x1B8B  }
0xa3: {  	_ =	swait.ge [sflag:s23], $0x1  }
0xa4: {  	[sflag:s23] =	ssyncset.done $0x0  }
0xa5: {  	s25 =	simm.s32 $0x1B8E;
	s24 =	sld [smem:$0x3FFE];
	[sflag:s23] =	ssyncadd.s32 $0xFFFFFFFF  }
0xa6: {  	s26 =	simm.s32 $execute0_lowered;
	[smem:$0x3FD2] =	sst s25  }
0xa7: {  	s6 =	sshll.u32 s26, $0x1;
	_ =	strace $0x80000049;
	[dreg:$0x1] =	wrdreg $0xFFFFFFFF  }
0xa8: {  	s28 =	simm.s32 $_size_execute0_lowered;
	s4 =	sadd.s32 s4, s6;
	[dreg:$0x0] =	wrdreg $0x0  }
0xa9: {  	s6 =	sshll.u32 s28, $0x1;
	[dreg:$0x2] =	wrdreg s4  }
0xaa: {  	[dreg:$0x3] =	wrdreg s6  }
0xab: {  	[dreg:$0x4] =	wrdreg $0xC0  }
0xac: {  	_ =	task [dreg:s8], $0x5FFFF  }
0xad: {  	[dreg:$0x1] =	wrdreg $0xFFFFFFFF  }
0xae: {  	[dreg:$0x0] =	wrdreg $0x60  }
0xaf: {  	[dreg:$0x2] =	wrdreg s24  }
0xb0: {  	[dreg:$0x3] =	wrdreg s2  }
0xb1: {  	[dreg:$0x4] =	wrdreg s18  }
0xb2: {  	[dreg:$0x5] =	wrdreg $0x9  }
0xb3: {  	_ =	task.clear_ibuf [dreg:s8], $0x6FFFF;
	_ =	strace $0x90000049  }
0xb4: {  	s29 =	simm.s32 $0x9;
	_ =	strace $0x8000004B  }
0xb5: {  	_ =	swait.ge [sflag:s29], $0x1  }
0xb6: {  	[sflag:s29] =	ssyncadd.s32 $0xFFFFFFFF  }
0xb7: {  	_ =	strace $0x9000004B  }
0xb8: {  	_ =	sfence  }
0xb9: {  	s30 =	sld [smem:$0x0];
	_ =	sdelay $0x2  }
0xba: {  	s31 =	sshll.u32 s1, $0xD;
	s1 =	sshrl.u32 s1, $0x2  }
0xbb: {  	s3 =	sand.u32 $0x4000, s31;
	s1 =	sadd.s32 s1, s30  }
0xbc: {  	s0 =	sor.u32 s3, s0;
	s1 =	sshll.u32 s1, $0x11  }
0xbd: {  	s0 =	sor.u32 s1, s0  }
0xbe: {  	s0 =	sadd.s32 $0x8F2B, s0  }
0xbf: {  	[sflag:s0] =	ssyncadd.remote.s32 $0x1  }
0xc0: {  	_ =	sfence.sel $0xFFFF  }
0xc1: {  	[dreg:$0x0] =	wrdreg $0xFFFFFFFF;
	(pc) =	sbr.abs _section_cstart, $3  }
0xc2: {  	[dreg:$0x1] =	wrdreg $0xFFFFFFFF  }
0xc3: {  	_ =	task.clear_ibuf [dreg:s8], $0x2FFFF;
	_ =	strace $0x9FFFFFFF  }
0xc4: {  	(tm) =	ssettm $0x7FFFFFFF  }
0xc5: {  	_ =	shalt  }
tec
execute0_lowered:
.L_overlay_start_1:
0x0: {  	(tag) =	ssettag $0x1  }
0x1: {  	s6 =	rddreg [dreg:$0x0]  }
0x2: {  	s2 =	srdreg.scid;
	s21 =	stileid.u32  }
0x3: {  	s1 =	rddreg [dreg:$0x1];
	s20 =	sand.u32 $0x1, s2;
	s9 =	sshll.u32 s21, $0x1  }
0x4: {  	s26 =	rddreg [dreg:$0x2];
	s18 =	sor.u32 s20, s9  }
0x5: {  	s2 =	simm.s32 $0x0;
	s3 =	smul.u32 $0x19, s18;
	s4 =	sor.u32 $0x20, s18  }
0x6: {  	[smem:$0x7FF] =	sst s2;
	s5 =	smul.u32 $0x19, s4  }
0x7: {  	_ =	strace $0x8000004A;
	s7 =	sor.u32 $0x60, s18;
	s9 =	smul.u32 $0xC80, s18  }
0x8: {  	s4 =	smul.u32 $0xC80, s4;
	s3 =	sadd.s32 s1, s3;
	s5 =	sadd.s32 s1, s5  }
0x9: {  	[tilespmem:s2], [sflag:$0x5] =	stream.linear.gather [hbm4b:s3+s2], $0xC8, $0x38;
	[tilespmem:$0xCA00] =	vst v63  }
0xa: {  	s8 =	smul.u32 $0x19, s7;
	s10 =	sadd.s32 $0x640, s3;
	[dreg:$0x4] =	wrdreg s5  }
0xb: {  	s17 =	sor.u32 $0xA0, s18;
	s4 =	sadd.s32 s26, s4;
	[dreg:$0x5] =	wrdreg s10  }
0xc: {  	s7 =	smul.u32 $0xC80, s7;
	s11 =	sadd.s32 s1, s8;
	[dreg:$0x6] =	wrdreg s4  }
0xd: {  	s14 =	smul.u32 $0x19, s17;
	s13 =	sadd.s32 $0xC80, s3;
	[dreg:$0x7] =	wrdreg s11  }
0xe: {  	s15 =	sadd.s32 s26, s7;
	[dreg:$0x9] =	wrdreg s13  }
0xf: {  	s16 =	sadd.s32 s1, s14;
	s4 =	sadd.s32 s26, s9;
	[dreg:$0xa] =	wrdreg s15  }
0x10: {  	[dreg:$0xb] =	wrdreg s16;
	s12 =	sadd.s32 $0x32000, s4  }
0x11: {  	s5 =	simm.s32 $0x5;
	[dreg:$0x8] =	wrdreg s12  }
0x12: {  	_ =	swait.ge [sflag:s5], $0xC8  }
0x13: {  	s6 =	sadd.s32 $0x18A00, s6;
	[sflag:s5] =	ssyncset.done $0x0  }
0x14: {  	s7 =	simm.s32 $0xC8;
	s8 =	simm.s32 $0x200;
	[sflag:s5] =	ssyncadd.s32 $0xFFFFFF38  }
0x15: {  	[tilespmem:s8], [sflag:$0x1] =	stream.indirect.gather [hbm4b:s6+s7], $0x80, s2, s7, $0xb8;
	[tilespmem:$0xCA00] =	vst v63  }
0x16: {  	s9 =	simm.s32 $0x100;
	s10 =	rddreg [dreg:$0x4]  }
0x17: {  	[tilespmem:s9], [sflag:$0x5] =	stream.linear.gather [hbm4b:s10+s2], $0xC8, $0x38;
	[tilespmem:$0xCA00] =	vst v63  }
0x18: {  	_ =	swait.ge [sflag:s5], $0xC8  }
0x19: {  	[sflag:s5] =	ssyncset.done $0x0  }
0x1a: {  	s11 =	simm.s32 $0x1;
	s10 =	simm.s32 $0x6600;
	[sflag:s5] =	ssyncadd.s32 $0xFFFFFF38  }
0x1b: {  	[tilespmem:s10], [sflag:$0x2] =	stream.indirect.gather [hbm4b:s6+s7], $0x80, s9, s7, $0xb8;
	[tilespmem:$0xCA00] =	vst v63  }
0x1c: {  	_ =	swait.ge [sflag:s11], $0x6400  }
0x1d: {  	[sflag:s11] =	ssyncset.done $0x0  }
0x1e: {  	s12 =	simm.s32 $0x3;
	[sflag:s11] =	ssyncadd.s32 $0xFFFF9C00  }
0x1f: {  	[hbm4b:s4+s2] =	stream.linear.scatter [tilespmem:s8], [sflag:$0x3], $0x6400, $0x38;
	[tilespmem:$0xCA00] =	vst v63  }
0x20: {  	_ =	swait.ge [sflag:s12], $0x6400  }
0x21: {  	[sflag:s12] =	ssyncset.done $0x0  }
0x22: {  	s13 =	rddreg [dreg:$0x5];
	[sflag:s12] =	ssyncadd.s32 $0xFFFF9C00  }
0x23: {  	[tilespmem:s2], [sflag:$0x5] =	stream.linear.gather [hbm4b:s13+s2], $0xC8, $0x38;
	[tilespmem:$0xCA00] =	vst v63  }
0x24: {  	_ =	swait.ge [sflag:s5], $0xC8  }
0x25: {  	[sflag:s5] =	ssyncset.done $0x0  }
0x26: {  	s13 =	simm.s32 $0x2;
	[sflag:s5] =	ssyncadd.s32 $0xFFFFFF38  }
0x27: {  	[tilespmem:s8], [sflag:$0x1] =	stream.indirect.gather [hbm4b:s6+s7], $0x80, s2, s7, $0xb8;
	[tilespmem:$0xCA00] =	vst v63  }
0x28: {  	_ =	swait.ge [sflag:s13], $0x6400  }
0x29: {  	[sflag:s13] =	ssyncset.done $0x0  }
0x2a: {  	s14 =	simm.s32 $0x4;
	s15 =	rddreg [dreg:$0x6];
	[sflag:s13] =	ssyncadd.s32 $0xFFFF9C00  }
0x2b: {  	[hbm4b:s15+s2] =	stream.linear.scatter [tilespmem:s10], [sflag:$0x4], $0x6400, $0x38;
	[tilespmem:$0xCA00] =	vst v63  }
0x2c: {  	_ =	swait.ge [sflag:s14], $0x6400  }
0x2d: {  	[sflag:s14] =	ssyncset.done $0x0  }
0x2e: {  	s19 =	rddreg [dreg:$0x7];
	[sflag:s14] =	ssyncadd.s32 $0xFFFF9C00  }
0x2f: {  	[tilespmem:s9], [sflag:$0x5] =	stream.linear.gather [hbm4b:s19+s2], $0xC8, $0x38;
	[tilespmem:$0xCA00] =	vst v63  }
0x30: {  	_ =	swait.ge [sflag:s5], $0xC8  }
0x31: {  	[sflag:s5] =	ssyncset.done $0x0  }
0x32: {  	[sflag:s5] =	ssyncadd.s32 $0xFFFFFF38  }
0x33: {  	[tilespmem:s10], [sflag:$0x2] =	stream.indirect.gather [hbm4b:s6+s7], $0x80, s9, s7, $0xb8;
	[tilespmem:$0xCA00] =	vst v63  }
0x34: {  	_ =	swait.ge [sflag:s11], $0x6400  }
0x35: {  	[sflag:s11] =	ssyncset.done $0x0  }
0x36: {  	s22 =	rddreg [dreg:$0x8];
	[sflag:s11] =	ssyncadd.s32 $0xFFFF9C00  }
0x37: {  	[hbm4b:s22+s2] =	stream.linear.scatter [tilespmem:s8], [sflag:$0x3], $0x6400, $0x38;
	[tilespmem:$0xCA00] =	vst v63  }
0x38: {  	_ =	swait.ge [sflag:s12], $0x6400  }
0x39: {  	[sflag:s12] =	ssyncset.done $0x0  }
0x3a: {  	s23 =	rddreg [dreg:$0x9];
	[sflag:s12] =	ssyncadd.s32 $0xFFFF9C00  }
0x3b: {  	[tilespmem:s2], [sflag:$0x5] =	stream.linear.gather [hbm4b:s23+s2], $0xC8, $0x38;
	[tilespmem:$0xCA00] =	vst v63  }
0x3c: {  	_ =	swait.ge [sflag:s5], $0xC8  }
0x3d: {  	[sflag:s5] =	ssyncset.done $0x0  }
0x3e: {  	[sflag:s5] =	ssyncadd.s32 $0xFFFFFF38  }
0x3f: {  	[tilespmem:s8], [sflag:$0x1] =	stream.indirect.gather [hbm4b:s6+s7], $0x80, s2, s7, $0xb8;
	[tilespmem:$0xCA00] =	vst v63  }
0x40: {  	_ =	swait.ge [sflag:s13], $0x6400  }
0x41: {  	[sflag:s13] =	ssyncset.done $0x0  }
0x42: {  	s24 =	rddreg [dreg:$0xa];
	[sflag:s13] =	ssyncadd.s32 $0xFFFF9C00  }
0x43: {  	[hbm4b:s24+s2] =	stream.linear.scatter [tilespmem:s10], [sflag:$0x4], $0x6400, $0x38;
	[tilespmem:$0xCA00] =	vst v63  }
0x44: {  	_ =	swait.ge [sflag:s14], $0x6400  }
0x45: {  	[sflag:s14] =	ssyncset.done $0x0  }
0x46: {  	s25 =	rddreg [dreg:$0xb];
	[sflag:s14] =	ssyncadd.s32 $0xFFFF9C00  }
0x47: {  	[tilespmem:s9], [sflag:$0x5] =	stream.linear.gather [hbm4b:s25+s2], $0xC8, $0x38;
	[tilespmem:$0xCA00] =	vst v63  }
0x48: {  	_ =	swait.ge [sflag:s5], $0xC8  }
0x49: {  	[sflag:s5] =	ssyncset.done $0x0  }
0x4a: {  	[sflag:s5] =	ssyncadd.s32 $0xFFFFFF38  }
0x4b: {  	[tilespmem:s10], [sflag:$0x2] =	stream.indirect.gather [hbm4b:s6+s7], $0x80, s9, s7, $0xb8;
	[tilespmem:$0xCA00] =	vst v63  }
0x4c: {  	_ =	swait.ge [sflag:s11], $0x6400  }
0x4d: {  	[sflag:s11] =	ssyncset.done $0x0  }
0x4e: {  	s15 =	sadd.s32 $0x64000, s4;
	[sflag:s11] =	ssyncadd.s32 $0xFFFF9C00  }
0x4f: {  	[hbm4b:s15+s2] =	stream.linear.scatter [tilespmem:s8], [sflag:$0x3], $0x6400, $0x38;
	[tilespmem:$0xCA00] =	vst v63  }
0x50: {  	_ =	swait.ge [sflag:s12], $0x6400  }
0x51: {  	[sflag:s12] =	ssyncset.done $0x0  }
0x52: {  	s16 =	sadd.s32 $0x12C0, s3;
	[sflag:s12] =	ssyncadd.s32 $0xFFFF9C00  }
0x53: {  	[tilespmem:s2], [sflag:$0x5] =	stream.linear.gather [hbm4b:s16+s2], $0xC8, $0x38;
	[tilespmem:$0xCA00] =	vst v63  }
0x54: {  	_ =	swait.ge [sflag:s5], $0xC8  }
0x55: {  	[sflag:s5] =	ssyncset.done $0x0  }
0x56: {  	[sflag:s5] =	ssyncadd.s32 $0xFFFFFF38  }
0x57: {  	[tilespmem:s8], [sflag:$0x1] =	stream.indirect.gather [hbm4b:s6+s7], $0x80, s2, s7, $0xb8;
	[tilespmem:$0xCA00] =	vst v63  }
0x58: {  	s17 =	smul.u32 $0xC80, s17;
	_ =	swait.ge [sflag:s13], $0x6400  }
0x59: {  	[sflag:s13] =	ssyncset.done $0x0  }
0x5a: {  	s17 =	sadd.s32 s26, s17;
	[sflag:s13] =	ssyncadd.s32 $0xFFFF9C00  }
0x5b: {  	[hbm4b:s17+s2] =	stream.linear.scatter [tilespmem:s10], [sflag:$0x4], $0x6400, $0x38;
	[tilespmem:$0xCA00] =	vst v63  }
0x5c: {  	s0 =	sor.u32 $0xE0, s18;
	_ =	swait.ge [sflag:s14], $0x6400  }
0x5d: {  	p0 =	sgt.u32 s0, $0xF9;
	[sflag:s14] =	ssyncset.done $0x0  }
0x5e: {  	s18 =	simm.s32 @p0 $0x1;
	s22 =	smul.u32 $0x19, s0;
	[sflag:s14] =	ssyncadd.s32 $0xFFFF9C00  }
0x5f: {  	_ =	swait.ge @p0 [sflag:s18], $0x6400  }
0x60: {  	s19 =	sadd.s32 $0x96000, s4;
	s22 =	sadd.s32 s1, s22;
	[sflag:s18] =	ssyncset.done @p0 $0x0  }
0x61: {  	s23 =	simm.s32 @p0 $0x0;
	s24 =	simm.s32 @p0 $0x200;
	[sflag:s18] =	ssyncadd.s32 @p0 $0xFFFF9C00  }
0x62: {  	[hbm4b:s19+s23] =	stream.linear.scatter @p0 [tilespmem:s24], [sflag:$0x3], $0x6400, $0x38;
	[tilespmem:$0xCA00] =	vst v63  }
0x63: {  	s25 =	simm.s32 @!p0 $0x5;
	s23 =	simm.s32 @!p0 $0x0;
	s24 =	simm.s32 @!p0 $0x100  }
0x64: {  	[tilespmem:s24], [sflag:$0x5] =	stream.linear.gather @!p0 [hbm4b:s22+s23], $0xC8, $0x38;
	[tilespmem:$0xCA00] =	vst v63  }
0x65: {  	_ =	swait.ge @!p0 [sflag:s25], $0xC8  }
0x66: {  	s28 =	simm.s32 @!p0 $0x6600;
	s29 =	simm.s32 @!p0 $0x1;
	[sflag:s25] =	ssyncset.done @!p0 $0x0  }
0x67: {  	s0 =	smul.u32 $0xC80, s0;
	s1 =	simm.s32 @!p0 $0xC8;
	[sflag:s25] =	ssyncadd.s32 @!p0 $0xFFFFFF38  }
0x68: {  	[tilespmem:s28], [sflag:$0x2] =	stream.indirect.gather @!p0 [hbm4b:s6+s1], $0x80, s24, s1, $0xb8;
	[tilespmem:$0xCA00] =	vst v63  }
0x69: {  	s1 =	sadd.s32 s26, s0;
	s26 =	ssub.s32 $0x2, s20;
	_ =	swait.ge @!p0 [sflag:s29], $0x6400  }
0x6a: {  	s30 =	simm.s32 @!p0 $0x200;
	s20 =	sshrl.u32 s26, $0x1;
	[sflag:s29] =	ssyncset.done @!p0 $0x0  }
0x6b: {  	s31 =	simm.s32 @!p0 $0x2;
	s0 =	ssub.s32 s26, s20;
	[sflag:s29] =	ssyncadd.s32 @!p0 $0xFFFF9C00  }
0x6c: {  	[hbm4b:s19+s23] =	stream.linear.scatter @!p0 [tilespmem:s30], [sflag:$0x3], $0x6400, $0x38;
	[tilespmem:$0xCA00] =	vst v63  }
0x6d: {  	s0 =	smax.u32 s0, $0x1;
	_ =	swait.ge @!p0 [sflag:s31], $0x6400  }
0x6e: {  	s20 =	sadd.s32 $0xFFFFFFFF, s0;
	[sflag:s31] =	ssyncset.done @!p0 $0x0  }
0x6f: {  	p2 =	sne.s32 s20, $0x0;
	[sflag:s31] =	ssyncadd.s32 @!p0 $0xFFFF9C00  }
0x70: {  	[hbm4b:s1+s23] =	stream.linear.scatter @!p0 [tilespmem:s28], [sflag:$0x4], $0x6400, $0x38;
	[tilespmem:$0xCA00] =	vst v63  }
.Ltmp0:
0x71: {  	_ =	swait.ge [sflag:s12], $0x6400;
	(pc) =	sbr.rel @!p2 .LBB2_2-.Ltmp0, $4  }
0x72: {  	p1 =	sgt.u32 s21, $0xC;
	[sflag:s12] =	ssyncset.done $0x0  }
0x73: {  	s0 =	simm.s32 @!p1 $0x4;
	[sflag:s12] =	ssyncadd.s32 $0xFFFF9C00  }
0x74: {  	_ =	swait.ge @!p1 [sflag:s0], $0x6400  }
0x75: {  	[sflag:s0] =	ssyncset.done @!p1 $0x0  }
.LBB2_1:
0x76: {  	[sflag:s0] =	ssyncadd.s32 @!p1 $0xFFFF9C00  }
0x77: {  	[tilespmem:s2], [sflag:$0x5] =	stream.linear.gather [hbm4b:s3+s2], $0xC8, $0x38;
	[tilespmem:$0xCA00] =	vst v63  }
0x78: {  	_ =	swait.ge [sflag:s5], $0xC8  }
0x79: {  	[sflag:s5] =	ssyncset.done $0x0  }
0x7a: {  	[sflag:s5] =	ssyncadd.s32 $0xFFFFFF38  }
0x7b: {  	[tilespmem:s8], [sflag:$0x1] =	stream.indirect.gather [hbm4b:s6+s7], $0x80, s2, s7, $0xb8;
	[tilespmem:$0xCA00] =	vst v63  }
0x7c: {  	s21 =	rddreg [dreg:$0x4]  }
0x7d: {  	[tilespmem:s9], [sflag:$0x5] =	stream.linear.gather [hbm4b:s21+s2], $0xC8, $0x38;
	[tilespmem:$0xCA00] =	vst v63  }
0x7e: {  	_ =	swait.ge [sflag:s5], $0xC8  }
0x7f: {  	[sflag:s5] =	ssyncset.done $0x0  }
0x80: {  	[sflag:s5] =	ssyncadd.s32 $0xFFFFFF38  }
0x81: {  	[tilespmem:s10], [sflag:$0x2] =	stream.indirect.gather [hbm4b:s6+s7], $0x80, s9, s7, $0xb8;
	[tilespmem:$0xCA00] =	vst v63  }
0x82: {  	_ =	swait.ge [sflag:s11], $0x6400  }
0x83: {  	[sflag:s11] =	ssyncset.done $0x0  }
0x84: {  	[sflag:s11] =	ssyncadd.s32 $0xFFFF9C00  }
0x85: {  	[hbm4b:s4+s2] =	stream.linear.scatter [tilespmem:s8], [sflag:$0x3], $0x6400, $0x38;
	[tilespmem:$0xCA00] =	vst v63  }
0x86: {  	_ =	swait.ge [sflag:s12], $0x6400  }
0x87: {  	[sflag:s12] =	ssyncset.done $0x0  }
0x88: {  	s26 =	rddreg [dreg:$0x5];
	[sflag:s12] =	ssyncadd.s32 $0xFFFF9C00  }
0x89: {  	[tilespmem:s2], [sflag:$0x5] =	stream.linear.gather [hbm4b:s26+s2], $0xC8, $0x38;
	[tilespmem:$0xCA00] =	vst v63  }
0x8a: {  	_ =	swait.ge [sflag:s5], $0xC8  }
0x8b: {  	[sflag:s5] =	ssyncset.done $0x0  }
0x8c: {  	[sflag:s5] =	ssyncadd.s32 $0xFFFFFF38  }
0x8d: {  	[tilespmem:s8], [sflag:$0x1] =	stream.indirect.gather [hbm4b:s6+s7], $0x80, s2, s7, $0xb8;
	[tilespmem:$0xCA00] =	vst v63  }
0x8e: {  	_ =	swait.ge [sflag:s13], $0x6400  }
0x8f: {  	[sflag:s13] =	ssyncset.done $0x0  }
0x90: {  	s26 =	rddreg [dreg:$0x6];
	[sflag:s13] =	ssyncadd.s32 $0xFFFF9C00  }
0x91: {  	[hbm4b:s26+s2] =	stream.linear.scatter [tilespmem:s10], [sflag:$0x4], $0x6400, $0x38;
	[tilespmem:$0xCA00] =	vst v63  }
0x92: {  	_ =	swait.ge [sflag:s14], $0x6400  }
0x93: {  	[sflag:s14] =	ssyncset.done $0x0  }
0x94: {  	s26 =	rddreg [dreg:$0x7];
	[sflag:s14] =	ssyncadd.s32 $0xFFFF9C00  }
0x95: {  	[tilespmem:s9], [sflag:$0x5] =	stream.linear.gather [hbm4b:s26+s2], $0xC8, $0x38;
	[tilespmem:$0xCA00] =	vst v63  }
0x96: {  	_ =	swait.ge [sflag:s5], $0xC8  }
0x97: {  	[sflag:s5] =	ssyncset.done $0x0  }
0x98: {  	[sflag:s5] =	ssyncadd.s32 $0xFFFFFF38  }
0x99: {  	[tilespmem:s10], [sflag:$0x2] =	stream.indirect.gather [hbm4b:s6+s7], $0x80, s9, s7, $0xb8;
	[tilespmem:$0xCA00] =	vst v63  }
0x9a: {  	_ =	swait.ge [sflag:s11], $0x6400  }
0x9b: {  	[sflag:s11] =	ssyncset.done $0x0  }
0x9c: {  	s26 =	rddreg [dreg:$0x8];
	[sflag:s11] =	ssyncadd.s32 $0xFFFF9C00  }
0x9d: {  	[hbm4b:s26+s2] =	stream.linear.scatter [tilespmem:s8], [sflag:$0x3], $0x6400, $0x38;
	[tilespmem:$0xCA00] =	vst v63  }
0x9e: {  	_ =	swait.ge [sflag:s12], $0x6400  }
0x9f: {  	[sflag:s12] =	ssyncset.done $0x0  }
0xa0: {  	s26 =	rddreg [dreg:$0x9];
	[sflag:s12] =	ssyncadd.s32 $0xFFFF9C00  }
0xa1: {  	[tilespmem:s2], [sflag:$0x5] =	stream.linear.gather [hbm4b:s26+s2], $0xC8, $0x38;
	[tilespmem:$0xCA00] =	vst v63  }
0xa2: {  	_ =	swait.ge [sflag:s5], $0xC8  }
0xa3: {  	[sflag:s5] =	ssyncset.done $0x0  }
0xa4: {  	[sflag:s5] =	ssyncadd.s32 $0xFFFFFF38  }
0xa5: {  	[tilespmem:s8], [sflag:$0x1] =	stream.indirect.gather [hbm4b:s6+s7], $0x80, s2, s7, $0xb8;
	[tilespmem:$0xCA00] =	vst v63  }
0xa6: {  	_ =	swait.ge [sflag:s13], $0x6400  }
0xa7: {  	[sflag:s13] =	ssyncset.done $0x0  }
0xa8: {  	s26 =	rddreg [dreg:$0xa];
	[sflag:s13] =	ssyncadd.s32 $0xFFFF9C00  }
0xa9: {  	[hbm4b:s26+s2] =	stream.linear.scatter [tilespmem:s10], [sflag:$0x4], $0x6400, $0x38;
	[tilespmem:$0xCA00] =	vst v63  }
0xaa: {  	_ =	swait.ge [sflag:s14], $0x6400  }
0xab: {  	[sflag:s14] =	ssyncset.done $0x0  }
0xac: {  	s26 =	rddreg [dreg:$0xb];
	[sflag:s14] =	ssyncadd.s32 $0xFFFF9C00  }
0xad: {  	[tilespmem:s9], [sflag:$0x5] =	stream.linear.gather [hbm4b:s26+s2], $0xC8, $0x38;
	[tilespmem:$0xCA00] =	vst v63  }
0xae: {  	_ =	swait.ge [sflag:s5], $0xC8  }
0xaf: {  	[sflag:s5] =	ssyncset.done $0x0  }
0xb0: {  	[sflag:s5] =	ssyncadd.s32 $0xFFFFFF38  }
0xb1: {  	[tilespmem:s10], [sflag:$0x2] =	stream.indirect.gather [hbm4b:s6+s7], $0x80, s9, s7, $0xb8;
	[tilespmem:$0xCA00] =	vst v63  }
0xb2: {  	_ =	swait.ge [sflag:s11], $0x6400  }
0xb3: {  	[sflag:s11] =	ssyncset.done $0x0  }
0xb4: {  	[sflag:s11] =	ssyncadd.s32 $0xFFFF9C00  }
0xb5: {  	[hbm4b:s15+s2] =	stream.linear.scatter [tilespmem:s8], [sflag:$0x3], $0x6400, $0x38;
	[tilespmem:$0xCA00] =	vst v63  }
0xb6: {  	_ =	swait.ge [sflag:s12], $0x6400  }
0xb7: {  	[sflag:s12] =	ssyncset.done $0x0  }
0xb8: {  	[sflag:s12] =	ssyncadd.s32 $0xFFFF9C00  }
0xb9: {  	[tilespmem:s2], [sflag:$0x5] =	stream.linear.gather [hbm4b:s16+s2], $0xC8, $0x38;
	[tilespmem:$0xCA00] =	vst v63  }
0xba: {  	_ =	swait.ge [sflag:s5], $0xC8  }
0xbb: {  	[sflag:s5] =	ssyncset.done $0x0  }
0xbc: {  	[sflag:s5] =	ssyncadd.s32 $0xFFFFFF38  }
0xbd: {  	[tilespmem:s8], [sflag:$0x1] =	stream.indirect.gather [hbm4b:s6+s7], $0x80, s2, s7, $0xb8;
	[tilespmem:$0xCA00] =	vst v63  }
0xbe: {  	_ =	swait.ge [sflag:s13], $0x6400  }
0xbf: {  	[sflag:s13] =	ssyncset.done $0x0  }
0xc0: {  	[sflag:s13] =	ssyncadd.s32 $0xFFFF9C00  }
0xc1: {  	[hbm4b:s17+s2] =	stream.linear.scatter [tilespmem:s10], [sflag:$0x4], $0x6400, $0x38;
	[tilespmem:$0xCA00] =	vst v63  }
0xc2: {  	_ =	swait.ge [sflag:s14], $0x6400  }
0xc3: {  	[sflag:s14] =	ssyncset.done $0x0  }
0xc4: {  	[sflag:s14] =	ssyncadd.s32 $0xFFFF9C00  }
0xc5: {  	_ =	swait.ge @p0 [sflag:s18], $0x6400  }
0xc6: {  	[sflag:s18] =	ssyncset.done @p0 $0x0  }
0xc7: {  	s21 =	simm.s32 @p0 $0x0;
	s26 =	simm.s32 @p0 $0x200;
	[sflag:s18] =	ssyncadd.s32 @p0 $0xFFFF9C00  }
0xc8: {  	[hbm4b:s19+s21] =	stream.linear.scatter @p0 [tilespmem:s26], [sflag:$0x3], $0x6400, $0x38;
	[tilespmem:$0xCA00] =	vst v63  }
0xc9: {  	_ = 	snop  }
0xca: {  	[tilespmem:s24], [sflag:$0x5] =	stream.linear.gather @!p0 [hbm4b:s22+s23], $0xC8, $0x38;
	[tilespmem:$0xCA00] =	vst v63  }
0xcb: {  	_ =	swait.ge @!p0 [sflag:s25], $0xC8  }
0xcc: {  	[sflag:s25] =	ssyncset.done @!p0 $0x0  }
0xcd: {  	s21 =	simm.s32 @!p0 $0xC8;
	[sflag:s25] =	ssyncadd.s32 @!p0 $0xFFFFFF38  }
0xce: {  	[tilespmem:s28], [sflag:$0x2] =	stream.indirect.gather @!p0 [hbm4b:s6+s21], $0x80, s24, s21, $0xb8;
	[tilespmem:$0xCA00] =	vst v63  }
0xcf: {  	_ =	swait.ge @!p0 [sflag:s29], $0x6400  }
0xd0: {  	[sflag:s29] =	ssyncset.done @!p0 $0x0  }
0xd1: {  	[sflag:s29] =	ssyncadd.s32 @!p0 $0xFFFF9C00  }
0xd2: {  	[hbm4b:s19+s23] =	stream.linear.scatter @!p0 [tilespmem:s30], [sflag:$0x3], $0x6400, $0x38;
	[tilespmem:$0xCA00] =	vst v63  }
0xd3: {  	_ =	swait.ge @!p0 [sflag:s31], $0x6400  }
0xd4: {  	s20 =	sadd.s32 $0xFFFFFFFF, s20;
	[sflag:s31] =	ssyncset.done @!p0 $0x0  }
0xd5: {  	p2 =	sne.s32 s20, $0x0;
	[sflag:s31] =	ssyncadd.s32 @!p0 $0xFFFF9C00  }
0xd6: {  	[hbm4b:s1+s23] =	stream.linear.scatter @!p0 [tilespmem:s28], [sflag:$0x4], $0x6400, $0x38;
	[tilespmem:$0xCA00] =	vst v63  }
.Ltmp1:
0xd7: {  	_ =	swait.ge [sflag:s12], $0x6400;
	(pc) =	sbr.rel @p2 .LBB2_1-.Ltmp1, $4  }
0xd8: {  	[sflag:s12] =	ssyncset.done $0x0  }
0xd9: {  	[sflag:s12] =	ssyncadd.s32 $0xFFFF9C00  }
0xda: {  	_ =	swait.ge @!p1 [sflag:s0], $0x6400  }
0xdb: {  	[sflag:s0] =	ssyncset.done @!p1 $0x0  }
.LBB2_2:
0xdc: {  	[sflag:s0] =	ssyncadd.s32 @!p1 $0xFFFF9C00  }
0xdd: {  	_ =	sfence.sel $0x180000  }
0xde: {  	[bflag:$0x0] =	sbarrier.arrive $0xFFFF  }
0xdf: {  	_ =	strace $0x9000004A  }
0xe0: {  	s31 =	stileid.u32;
	[bflag:$0x2] =	sbarrier.arrive $0xFFFF  }
0xe1: {  	p0 =	sne.s32 s31, $0x0;
	s0 =	rddreg [dreg:$0x3]  }
0xe2: {  	s0 =	sadd.s32 @!p0 $0x100000, s0  }
0xe3: {  	[sflag:s0] =	ssyncadd.tile.s32 @!p0 $0x1;
	_ =	shalt  }
.Lfunc_end2:
_tile_overlayer_lowered:
.L_overlay_start_2:
0xe4: {  	(tag) =	ssettag $0x2  }
0xe5: {  	s0 =	rddreg [dreg:$0x0];
	s2 =	stileid.u32  }
0xe6: {  	s1 =	rddreg [dreg:$0x1];
	p0 =	sne.s32 s2, $0x0  }
0xe7: {  	s3 =	rddreg [dreg:$0x2];
	[bflag:$0x3] =	sbarrier.arrive $0xFFFF;
	s2 =	simm.s32 @!p0 $0x1C05  }
0xe8: {  	[timem:s3], [sflag:s2] =	dma.local @!p0 [hbm:s0], s1  }
0xe9: {  	s0 =	simm.s32 @!p0 $0x5  }
0xea: {  	_ =	swait.ge @!p0 [sflag:s0], s1  }
0xeb: {  	s1 =	ssub.s32 @!p0 $0x0, s1;
	[sflag:s0] =	ssyncset.done @!p0 $0x0  }
0xec: {  	[sflag:s0] =	ssyncadd.s32 @!p0 s1  }
0xed: {  	[bflag:$0x3] =	sbarrier.arrive $0xFFFF  }
0xee: {  	_ =	shalt  }

</sc_bundles>
